<compile_context>
chip_gen: v7x
topology: tpu7x:2x2x1
jax: 0.10.2.dev20260603
libtpu: 0.0.44.dev20260713+nightly
codegen_flags: <defaults>
</compile_context>

<pallas_src>
import functools

import jax
import jax.numpy as jnp
from jax import lax
from jax.experimental import pallas as pl
from jax.experimental.pallas import tpu as pltpu
from jax.experimental.pallas import tpu_sc as plsc

N_NODES = 10000
N_EDGES = 320000
IN_C = 128
OUT_C = 10
D = 16
NPAD = 10240
SLAB = NPAD // 16
CHUNK = 128
CT = N_EDGES // CHUNK
NTILES = 32
CPT_BASE = CT // NTILES
CPT_MAX = CPT_BASE + 1
K_OUT = 8
NBUF = 6

_mesh = plsc.VectorSubcoreMesh(core_axis_name="c", subcore_axis_name="s")
_sc_params = pltpu.CompilerParams(use_tc_tiling_on_sc=False)


def _tile_range(w):
    start = w * CPT_BASE + jnp.minimum(w, CT % NTILES)
    trips = CPT_BASE + (w < CT % NTILES).astype(jnp.int32)
    return start, trips


def _load_chunks(edges_hbm, row, start, w, idx_v):
    pltpu.sync_copy(edges_hbm.at[row, pl.ds(start * CHUNK, CPT_BASE * CHUNK)],
                    idx_v.at[pl.ds(0, CPT_BASE * CHUNK)])

    @pl.when(w < CT % NTILES)
    def _():
        pltpu.sync_copy(
            edges_hbm.at[row, pl.ds((start + CPT_BASE) * CHUNK, CHUNK)],
            idx_v.at[pl.ds(CPT_BASE * CHUNK, CHUNK)])


@functools.partial(
    pl.kernel,
    mesh=_mesh,
    out_type=jax.ShapeDtypeStruct((2 * NPAD,), jnp.float32),
    compiler_params=_sc_params,
    scratch_types=[
        pltpu.VMEM((CPT_MAX * CHUNK,), jnp.int32),
        pltpu.VMEM((CHUNK,), jnp.float32),
        pltpu.VMEM((SLAB,), jnp.float32),
        pltpu.VMEM_SHARED((NPAD,), jnp.float32),
        pltpu.SemaphoreType.DMA,
    ],
)
def _sc_degree(edges_hbm, out_hbm, idx_v, ones_v, stage_v, hist_s, sem):
    c = lax.axis_index("c")
    s = lax.axis_index("s")
    w = c * 16 + s
    start, trips = _tile_range(w)

    for i in range(CHUNK // 16):
        ones_v[pl.ds(i * 16, 16)] = jnp.ones((16,), jnp.float32)
    for i in range(SLAB // 16):
        stage_v[pl.ds(i * 16, 16)] = jnp.zeros((16,), jnp.float32)

    pltpu.sync_copy(stage_v, hist_s.at[pl.ds(s * SLAB, SLAB)])
    plsc.subcore_barrier()

    _load_chunks(edges_hbm, 1, start, w, idx_v)

    def body(j, carry):
        @pl.when(j >= K_OUT)
        def _():
            pltpu.make_async_copy(
                ones_v, hist_s.at[pl.ds(0, CHUNK)], sem).wait()
        pltpu.async_copy(
            ones_v, hist_s.at[idx_v.at[pl.ds(j * CHUNK, CHUNK)]],
            sem, add=True)
        return carry

    lax.fori_loop(0, trips, body, 0)
    for _ in range(K_OUT):
        pltpu.make_async_copy(ones_v, hist_s.at[pl.ds(0, CHUNK)], sem).wait()
    plsc.subcore_barrier()

    pltpu.sync_copy(hist_s.at[pl.ds(s * SLAB, SLAB)], stage_v)
    pltpu.sync_copy(stage_v, out_hbm.at[pl.ds(c * NPAD + s * SLAB, SLAB)])


@functools.partial(
    pl.kernel,
    mesh=_mesh,
    out_type=jax.ShapeDtypeStruct((2 * NPAD, D), jnp.float32),
    compiler_params=_sc_params,
    scratch_types=[
        pltpu.VMEM((CPT_MAX * CHUNK,), jnp.int32),
        pltpu.VMEM((CPT_MAX * CHUNK,), jnp.int32),
        pltpu.VMEM((NBUF, CHUNK, D), jnp.float32),
        pltpu.VMEM((CHUNK, D), jnp.float32),
        pltpu.VMEM_SHARED((NPAD, D), jnp.float32),
        pltpu.SemaphoreType.DMA,
        pltpu.SemaphoreType.DMA,
        pltpu.SemaphoreType.DMA,
        pltpu.SemaphoreType.DMA,
        pltpu.SemaphoreType.DMA,
        pltpu.SemaphoreType.DMA,
        pltpu.SemaphoreType.DMA,
        pltpu.SemaphoreType.DMA,
        pltpu.SemaphoreType.DMA,
        pltpu.SemaphoreType.DMA,
        pltpu.SemaphoreType.DMA,
        pltpu.SemaphoreType.DMA,
    ],
)
def _sc_aggregate(y_hbm, edges_hbm, out_hbm,
                  isrc, idst, ring, stage, agg_s,
                  g0, g1, g2, g3, g4, g5, t0, t1, t2, t3, t4, t5):
    c = lax.axis_index("c")
    s = lax.axis_index("s")
    w = c * 16 + s
    start, trips = _tile_range(w)
    gsem = (g0, g1, g2, g3, g4, g5)
    tsem = (t0, t1, t2, t3, t4, t5)

    for i in range(CHUNK):
        stage[i] = jnp.zeros((16,), jnp.float32)
    for k in range(SLAB // CHUNK):
        pltpu.sync_copy(stage, agg_s.at[pl.ds(s * SLAB + k * CHUNK, CHUNK)])
    plsc.subcore_barrier()

    _load_chunks(edges_hbm, 0, start, w, isrc)
    _load_chunks(edges_hbm, 1, start, w, idst)

    def src_at(j):
        return isrc.at[pl.ds(j * CHUNK, CHUNK)]

    def dst_at(j):
        return idst.at[pl.ds(j * CHUNK, CHUNK)]

    def wait_gather(b):
        pltpu.make_async_copy(y_hbm.at[src_at(0)], ring.at[b], gsem[b]).wait()

    def wait_scatter(b):
        pltpu.make_async_copy(
            ring.at[b], agg_s.at[pl.ds(0, CHUNK)], tsem[b]).wait()

    for b in range(NBUF):
        pltpu.async_copy(y_hbm.at[src_at(b)], ring.at[b], gsem[b])

    def group(g, carry):
        for b in range(NBUF):
            j = g * NBUF + b

            @pl.when(j < trips)
            def _(b=b, j=j):
                wait_gather(b)
                pltpu.async_copy(
                    ring.at[b], agg_s.at[dst_at(j)], tsem[b], add=True)
        for b in range(NBUF):
            j = g * NBUF + b

            @pl.when(j + NBUF < trips)
            def _(b=b, j=j):
                wait_scatter(b)
                pltpu.async_copy(
                    y_hbm.at[src_at(j + NBUF)], ring.at[b], gsem[b])
        return carry

    lax.fori_loop(0, (trips + NBUF - 1) // NBUF, group, 0)
    for b in range(NBUF):
        wait_scatter(b)
    plsc.subcore_barrier()

    for k in range(SLAB // CHUNK):
        pltpu.sync_copy(agg_s.at[pl.ds(s * SLAB + k * CHUNK, CHUNK)], stage)
        pltpu.sync_copy(
            stage, out_hbm.at[pl.ds(c * NPAD + s * SLAB + k * CHUNK, CHUNK)])


PACK = N_NODES * D // 128


def _tc_matmul_body(x8_ref, w_ref, xw_ref):
    pieces = [
        jnp.dot(x8_ref[:, 128 * a:128 * (a + 1)], w_ref[...],
                preferred_element_type=jnp.float32)
        for a in range(8)
    ]
    xw_ref[...] = jnp.concatenate(pieces, axis=1)


def _tc_matmul(x8, w_pad):
    return pl.pallas_call(
        _tc_matmul_body,
        out_shape=jax.ShapeDtypeStruct((PACK, 128), jnp.float32),
    )(x8, w_pad)


def _tc_scale_body(xw_ref, drep_ref, y_ref):
    y_ref[...] = xw_ref[...] * lax.rsqrt(drep_ref[...] + 1.0)


def _tc_scale(xw128, drep):
    return pl.pallas_call(
        _tc_scale_body,
        out_shape=jax.ShapeDtypeStruct((PACK, 128), jnp.float32),
    )(xw128, drep)


def _tc_combine_body(agg_ref, y_ref, drep_ref, b_ref, o_ref):
    half = NPAD * D // 128
    a0 = agg_ref[:PACK, :]
    a1 = agg_ref[half:half + PACK, :]
    o_ref[...] = ((a0 + a1 + y_ref[...]) * lax.rsqrt(drep_ref[...] + 1.0)
                  + b_ref[...])


def _tc_combine(agg128, y128, drep, b_rep):
    return pl.pallas_call(
        _tc_combine_body,
        out_shape=jax.ShapeDtypeStruct((PACK, 128), jnp.float32),
    )(agg128, y128, drep, b_rep)


def kernel(x, edge_index, W, b):
    edges = edge_index.astype(jnp.int32)

    w_pad = jnp.pad(W, ((0, 0), (0, D - W.shape[1])))
    deg_flat = _sc_degree(edges)

    dsum = deg_flat[:N_NODES] + deg_flat[NPAD:NPAD + N_NODES]
    drep = jnp.broadcast_to(dsum[:, None], (N_NODES, D)).reshape(PACK, 128)
    x8 = x.reshape(PACK, 8 * IN_C)
    xw128 = _tc_matmul(x8, w_pad)
    y128 = _tc_scale(xw128, drep)

    agg_flat = _sc_aggregate(y128.reshape(N_NODES, D), edges)

    b_rep = jnp.tile(jnp.pad(b, (0, D - b.shape[0])), 128 // D).reshape(1, 128)
    o128 = _tc_combine(agg_flat.reshape(2 * NPAD * D // 128, 128), y128,
                       drep, b_rep)
    return o128.reshape(N_NODES, D)[:, :OUT_C]

# --- scband reference (transcript-rebuilt; emitter-appended) ---
"""Pipeline reference for scband-linear-encoder-85907935854600 (READ-ONLY COPY).

The authoritative reference and input builder live on the scoring server;
editing this copy changes nothing except your own understanding.
"""

import jax, jax.numpy as jnp
import numpy as np

N = 10000
E = 320000
IN_C = 128
OUT_C = 10


def setup_inputs(seed: int = 0) -> dict:
    key = jax.random.key(seed)
    k1, k2, k3 = jax.random.split(key, 3)
    x = jax.random.normal(k1, (N, IN_C), dtype=jnp.float32)
    edge_index = jax.random.randint(k2, (2, E), 0, N)
    glorot = (6.0 / (IN_C + OUT_C)) ** 0.5
    W = jax.random.uniform(k3, (IN_C, OUT_C), minval=-glorot, maxval=glorot, dtype=jnp.float32)
    b = jnp.zeros((OUT_C,), dtype=jnp.float32)
    return {"x": x, "edge_index": edge_index, "W": W, "b": b}


def reference(x, edge_index, W, b):
    # Faithful GCNConv (PyG defaults): add self-loops, symmetric normalization,
    # linear transform, scatter-add aggregation, bias.
    n = x.shape[0]
    loop = jnp.arange(n, dtype=edge_index.dtype)
    src = jnp.concatenate([edge_index[0], loop])
    dst = jnp.concatenate([edge_index[1], loop])
    xw = x @ W
    deg = jnp.zeros((n,), dtype=x.dtype).at[dst].add(1.0)
    dinv = jnp.where(deg > 0, jax.lax.rsqrt(jnp.maximum(deg, 1e-12)), 0.0)
    norm = dinv[src] * dinv[dst]
    msg = jnp.take(xw, src, axis=0) * norm[:, None]
    out = jnp.zeros((n, xw.shape[1]), dtype=x.dtype).at[dst].add(msg)
    return out + b

if __name__ == "__main__":
    import jax
    _d = setup_inputs()
    print(jax.jit(kernel)(*tuple(_d.values())))

</pallas_src>

<mosaic_0001>
#map = affine_map<(d0, d1) -> (0, 0)>
#map1 = affine_map<(d0, d1) -> (0)>
module attributes {stable_mosaic.version = 14 : i64} {
  func.func @_sc_degree(%arg0: i32, %arg1: i32, %arg2: memref<2x320000xi32, #tpu.memory_space<hbm>>, %arg3: memref<20480xf32, #tpu.memory_space<hbm>>, %arg4: memref<10112xi32, #tpu.memory_space<vmem>>, %arg5: memref<128xf32, #tpu.memory_space<vmem>>, %arg6: memref<640xf32, #tpu.memory_space<vmem>>, %arg7: memref<10240xf32, #tpu.memory_space<vmem_shared>>, %arg8: memref<!tpu.dma_semaphore, #tpu.memory_space<semaphore_mem>>) attributes {dimension_semantics = [#tpu.dimension_semantics<core_parallel>, #tpu.dimension_semantics<subcore_parallel>], iteration_bounds = array<i64: 2, 16>, scalar_prefetch = 0 : i64, scratch_operands = 5 : i64, tpu.core_type = #tpu.core_type<sc_vector_subcore>, window_params = [{transform_indices = #map}, {transform_indices = #map1}]} {
    %mul3A = arith.constant 16 : i32
    %mul3A_0 = arith.muli %arg0, %mul3A : i32
    %add3A = arith.addi %mul3A_0, %arg1 : i32
    %mul3A_1 = arith.constant 78 : i32
    %mul3A_2 = arith.muli %add3A, %mul3A_1 : i32
    %min3A = arith.constant 4 : i32
    %min3A_3 = arith.minsi %add3A, %min3A : i32
    %add3A_4 = arith.addi %mul3A_2, %min3A_3 : i32
    %lt3A = arith.constant 4 : i32
    %lt3A_5 = arith.cmpi slt, %add3A, %lt3A : i32
    %convert_element_type3A = arith.extui %lt3A_5 : i1 to i32
    %add3A_6 = arith.constant 78 : i32
    %add3A_7 = arith.addi %add3A_6, %convert_element_type3A : i32
    %broadcast_in_dim3A = arith.constant 1.000000e+00 : f32
    %broadcast_in_dim3A_8 = vector.broadcast %broadcast_in_dim3A : f32 to vector<16xf32>
    %swap3A = arith.constant 0 : index
    %swap3A_9 = tpu.vector_load %arg5[%swap3A] {strides = array<i32>} : memref<128xf32, #tpu.memory_space<vmem>>, vector<16xf32>,
    %swap3A_10 = vector.shape_cast %swap3A_9 : vector<16xf32> to vector<16xf32>
    %swap3A_11 = vector.shape_cast %broadcast_in_dim3A_8 : vector<16xf32> to vector<16xf32>
    tpu.vector_store %arg5[%swap3A], %swap3A_11 {strides = array<i32>} : memref<128xf32, #tpu.memory_space<vmem>>, vector<16xf32>,
    %broadcast_in_dim3A_12 = arith.constant 1.000000e+00 : f32
    %broadcast_in_dim3A_13 = vector.broadcast %broadcast_in_dim3A_12 : f32 to vector<16xf32>
    %swap3A_14 = arith.constant 16 : index
    %swap3A_15 = tpu.vector_load %arg5[%swap3A_14] {strides = array<i32>} : memref<128xf32, #tpu.memory_space<vmem>>, vector<16xf32>,
    %swap3A_16 = vector.shape_cast %swap3A_15 : vector<16xf32> to vector<16xf32>
    %swap3A_17 = vector.shape_cast %broadcast_in_dim3A_13 : vector<16xf32> to vector<16xf32>
    tpu.vector_store %arg5[%swap3A_14], %swap3A_17 {strides = array<i32>} : memref<128xf32, #tpu.memory_space<vmem>>, vector<16xf32>,
    %broadcast_in_dim3A_18 = arith.constant 1.000000e+00 : f32
    %broadcast_in_dim3A_19 = vector.broadcast %broadcast_in_dim3A_18 : f32 to vector<16xf32>
    %swap3A_20 = arith.constant 32 : index
    %swap3A_21 = tpu.vector_load %arg5[%swap3A_20] {strides = array<i32>} : memref<128xf32, #tpu.memory_space<vmem>>, vector<16xf32>,
    %swap3A_22 = vector.shape_cast %swap3A_21 : vector<16xf32> to vector<16xf32>
    %swap3A_23 = vector.shape_cast %broadcast_in_dim3A_19 : vector<16xf32> to vector<16xf32>
    tpu.vector_store %arg5[%swap3A_20], %swap3A_23 {strides = array<i32>} : memref<128xf32, #tpu.memory_space<vmem>>, vector<16xf32>,
    %broadcast_in_dim3A_24 = arith.constant 1.000000e+00 : f32
    %broadcast_in_dim3A_25 = vector.broadcast %broadcast_in_dim3A_24 : f32 to vector<16xf32>
    %swap3A_26 = arith.constant 48 : index
    %swap3A_27 = tpu.vector_load %arg5[%swap3A_26] {strides = array<i32>} : memref<128xf32, #tpu.memory_space<vmem>>, vector<16xf32>,
    %swap3A_28 = vector.shape_cast %swap3A_27 : vector<16xf32> to vector<16xf32>
    %swap3A_29 = vector.shape_cast %broadcast_in_dim3A_25 : vector<16xf32> to vector<16xf32>
    tpu.vector_store %arg5[%swap3A_26], %swap3A_29 {strides = array<i32>} : memref<128xf32, #tpu.memory_space<vmem>>, vector<16xf32>,
    %broadcast_in_dim3A_30 = arith.constant 1.000000e+00 : f32
    %broadcast_in_dim3A_31 = vector.broadcast %broadcast_in_dim3A_30 : f32 to vector<16xf32>
    %swap3A_32 = arith.constant 64 : index
    %swap3A_33 = tpu.vector_load %arg5[%swap3A_32] {strides = array<i32>} : memref<128xf32, #tpu.memory_space<vmem>>, vector<16xf32>,
    %swap3A_34 = vector.shape_cast %swap3A_33 : vector<16xf32> to vector<16xf32>
    %swap3A_35 = vector.shape_cast %broadcast_in_dim3A_31 : vector<16xf32> to vector<16xf32>
    tpu.vector_store %arg5[%swap3A_32], %swap3A_35 {strides = array<i32>} : memref<128xf32, #tpu.memory_space<vmem>>, vector<16xf32>,
    %broadcast_in_dim3A_36 = arith.constant 1.000000e+00 : f32
    %broadcast_in_dim3A_37 = vector.broadcast %broadcast_in_dim3A_36 : f32 to vector<16xf32>
    %swap3A_38 = arith.constant 80 : index
    %swap3A_39 = tpu.vector_load %arg5[%swap3A_38] {strides = array<i32>} : memref<128xf32, #tpu.memory_space<vmem>>, vector<16xf32>,
    %swap3A_40 = vector.shape_cast %swap3A_39 : vector<16xf32> to vector<16xf32>
    %swap3A_41 = vector.shape_cast %broadcast_in_dim3A_37 : vector<16xf32> to vector<16xf32>
    tpu.vector_store %arg5[%swap3A_38], %swap3A_41 {strides = array<i32>} : memref<128xf32, #tpu.memory_space<vmem>>, vector<16xf32>,
    %broadcast_in_dim3A_42 = arith.constant 1.000000e+00 : f32
    %broadcast_in_dim3A_43 = vector.broadcast %broadcast_in_dim3A_42 : f32 to vector<16xf32>
    %swap3A_44 = arith.constant 96 : index
    %swap3A_45 = tpu.vector_load %arg5[%swap3A_44] {strides = array<i32>} : memref<128xf32, #tpu.memory_space<vmem>>, vector<16xf32>,
    %swap3A_46 = vector.shape_cast %swap3A_45 : vector<16xf32> to vector<16xf32>
    %swap3A_47 = vector.shape_cast %broadcast_in_dim3A_43 : vector<16xf32> to vector<16xf32>
    tpu.vector_store %arg5[%swap3A_44], %swap3A_47 {strides = array<i32>} : memref<128xf32, #tpu.memory_space<vmem>>, vector<16xf32>,
    %broadcast_in_dim3A_48 = arith.constant 1.000000e+00 : f32
    %broadcast_in_dim3A_49 = vector.broadcast %broadcast_in_dim3A_48 : f32 to vector<16xf32>
    %swap3A_50 = arith.constant 112 : index
    %swap3A_51 = tpu.vector_load %arg5[%swap3A_50] {strides = array<i32>} : memref<128xf32, #tpu.memory_space<vmem>>, vector<16xf32>,
    %swap3A_52 = vector.shape_cast %swap3A_51 : vector<16xf32> to vector<16xf32>
    %swap3A_53 = vector.shape_cast %broadcast_in_dim3A_49 : vector<16xf32> to vector<16xf32>
    tpu.vector_store %arg5[%swap3A_50], %swap3A_53 {strides = array<i32>} : memref<128xf32, #tpu.memory_space<vmem>>, vector<16xf32>,
    %broadcast_in_dim3A_54 = arith.constant 0.000000e+00 : f32
    %broadcast_in_dim3A_55 = vector.broadcast %broadcast_in_dim3A_54 : f32 to vector<16xf32>
    %swap3A_56 = arith.constant 0 : index
    %swap3A_57 = tpu.vector_load %arg6[%swap3A_56] {strides = array<i32>} : memref<640xf32, #tpu.memory_space<vmem>>, vector<16xf32>,
    %swap3A_58 = vector.shape_cast %swap3A_57 : vector<16xf32> to vector<16xf32>
    %swap3A_59 = vector.shape_cast %broadcast_in_dim3A_55 : vector<16xf32> to vector<16xf32>
    tpu.vector_store %arg6[%swap3A_56], %swap3A_59 {strides = array<i32>} : memref<640xf32, #tpu.memory_space<vmem>>, vector<16xf32>,
    %broadcast_in_dim3A_60 = arith.constant 0.000000e+00 : f32
    %broadcast_in_dim3A_61 = vector.broadcast %broadcast_in_dim3A_60 : f32 to vector<16xf32>
    %swap3A_62 = arith.constant 16 : index
    %swap3A_63 = tpu.vector_load %arg6[%swap3A_62] {strides = array<i32>} : memref<640xf32, #tpu.memory_space<vmem>>, vector<16xf32>,
    %swap3A_64 = vector.shape_cast %swap3A_63 : vector<16xf32> to vector<16xf32>
    %swap3A_65 = vector.shape_cast %broadcast_in_dim3A_61 : vector<16xf32> to vector<16xf32>
    tpu.vector_store %arg6[%swap3A_62], %swap3A_65 {strides = array<i32>} : memref<640xf32, #tpu.memory_space<vmem>>, vector<16xf32>,
    %broadcast_in_dim3A_66 = arith.constant 0.000000e+00 : f32
    %broadcast_in_dim3A_67 = vector.broadcast %broadcast_in_dim3A_66 : f32 to vector<16xf32>
    %swap3A_68 = arith.constant 32 : index
    %swap3A_69 = tpu.vector_load %arg6[%swap3A_68] {strides = array<i32>} : memref<640xf32, #tpu.memory_space<vmem>>, vector<16xf32>,
    %swap3A_70 = vector.shape_cast %swap3A_69 : vector<16xf32> to vector<16xf32>
    %swap3A_71 = vector.shape_cast %broadcast_in_dim3A_67 : vector<16xf32> to vector<16xf32>
    tpu.vector_store %arg6[%swap3A_68], %swap3A_71 {strides = array<i32>} : memref<640xf32, #tpu.memory_space<vmem>>, vector<16xf32>,
    %broadcast_in_dim3A_72 = arith.constant 0.000000e+00 : f32
    %broadcast_in_dim3A_73 = vector.broadcast %broadcast_in_dim3A_72 : f32 to vector<16xf32>
    %swap3A_74 = arith.constant 48 : index
    %swap3A_75 = tpu.vector_load %arg6[%swap3A_74] {strides = array<i32>} : memref<640xf32, #tpu.memory_space<vmem>>, vector<16xf32>,
    %swap3A_76 = vector.shape_cast %swap3A_75 : vector<16xf32> to vector<16xf32>
    %swap3A_77 = vector.shape_cast %broadcast_in_dim3A_73 : vector<16xf32> to vector<16xf32>
    tpu.vector_store %arg6[%swap3A_74], %swap3A_77 {strides = array<i32>} : memref<640xf32, #tpu.memory_space<vmem>>, vector<16xf32>,
    %broadcast_in_dim3A_78 = arith.constant 0.000000e+00 : f32
    %broadcast_in_dim3A_79 = vector.broadcast %broadcast_in_dim3A_78 : f32 to vector<16xf32>
    %swap3A_80 = arith.constant 64 : index
    %swap3A_81 = tpu.vector_load %arg6[%swap3A_80] {strides = array<i32>} : memref<640xf32, #tpu.memory_space<vmem>>, vector<16xf32>,
    %swap3A_82 = vector.shape_cast %swap3A_81 : vector<16xf32> to vector<16xf32>
    %swap3A_83 = vector.shape_cast %broadcast_in_dim3A_79 : vector<16xf32> to vector<16xf32>
    tpu.vector_store %arg6[%swap3A_80], %swap3A_83 {strides = array<i32>} : memref<640xf32, #tpu.memory_space<vmem>>, vector<16xf32>,
    %broadcast_in_dim3A_84 = arith.constant 0.000000e+00 : f32
    %broadcast_in_dim3A_85 = vector.broadcast %broadcast_in_dim3A_84 : f32 to vector<16xf32>
    %swap3A_86 = arith.constant 80 : index
    %swap3A_87 = tpu.vector_load %arg6[%swap3A_86] {strides = array<i32>} : memref<640xf32, #tpu.memory_space<vmem>>, vector<16xf32>,
    %swap3A_88 = vector.shape_cast %swap3A_87 : vector<16xf32> to vector<16xf32>
    %swap3A_89 = vector.shape_cast %broadcast_in_dim3A_85 : vector<16xf32> to vector<16xf32>
    tpu.vector_store %arg6[%swap3A_86], %swap3A_89 {strides = array<i32>} : memref<640xf32, #tpu.memory_space<vmem>>, vector<16xf32>,
    %broadcast_in_dim3A_90 = arith.constant 0.000000e+00 : f32
    %broadcast_in_dim3A_91 = vector.broadcast %broadcast_in_dim3A_90 : f32 to vector<16xf32>
    %swap3A_92 = arith.constant 96 : index
    %swap3A_93 = tpu.vector_load %arg6[%swap3A_92] {strides = array<i32>} : memref<640xf32, #tpu.memory_space<vmem>>, vector<16xf32>,
    %swap3A_94 = vector.shape_cast %swap3A_93 : vector<16xf32> to vector<16xf32>
    %swap3A_95 = vector.shape_cast %broadcast_in_dim3A_91 : vector<16xf32> to vector<16xf32>
    tpu.vector_store %arg6[%swap3A_92], %swap3A_95 {strides = array<i32>} : memref<640xf32, #tpu.memory_space<vmem>>, vector<16xf32>,
    %broadcast_in_dim3A_96 = arith.constant 0.000000e+00 : f32
    %broadcast_in_dim3A_97 = vector.broadcast %broadcast_in_dim3A_96 : f32 to vector<16xf32>
    %swap3A_98 = arith.constant 112 : index
    %swap3A_99 = tpu.vector_load %arg6[%swap3A_98] {strides = array<i32>} : memref<640xf32, #tpu.memory_space<vmem>>, vector<16xf32>,
    %swap3A_100 = vector.shape_cast %swap3A_99 : vector<16xf32> to vector<16xf32>
    %swap3A_101 = vector.shape_cast %broadcast_in_dim3A_97 : vector<16xf32> to vector<16xf32>
    tpu.vector_store %arg6[%swap3A_98], %swap3A_101 {strides = array<i32>} : memref<640xf32, #tpu.memory_space<vmem>>, vector<16xf32>,
    %broadcast_in_dim3A_102 = arith.constant 0.000000e+00 : f32
    %broadcast_in_dim3A_103 = vector.broadcast %broadcast_in_dim3A_102 : f32 to vector<16xf32>
    %swap3A_104 = arith.constant 128 : index
    %swap3A_105 = tpu.vector_load %arg6[%swap3A_104] {strides = array<i32>} : memref<640xf32, #tpu.memory_space<vmem>>, vector<16xf32>,
    %swap3A_106 = vector.shape_cast %swap3A_105 : vector<16xf32> to vector<16xf32>
    %swap3A_107 = vector.shape_cast %broadcast_in_dim3A_103 : vector<16xf32> to vector<16xf32>
    tpu.vector_store %arg6[%swap3A_104], %swap3A_107 {strides = array<i32>} : memref<640xf32, #tpu.memory_space<vmem>>, vector<16xf32>,
    %broadcast_in_dim3A_108 = arith.constant 0.000000e+00 : f32
    %broadcast_in_dim3A_109 = vector.broadcast %broadcast_in_dim3A_108 : f32 to vector<16xf32>
    %swap3A_110 = arith.constant 144 : index
    %swap3A_111 = tpu.vector_load %arg6[%swap3A_110] {strides = array<i32>} : memref<640xf32, #tpu.memory_space<vmem>>, vector<16xf32>,
    %swap3A_112 = vector.shape_cast %swap3A_111 : vector<16xf32> to vector<16xf32>
    %swap3A_113 = vector.shape_cast %broadcast_in_dim3A_109 : vector<16xf32> to vector<16xf32>
    tpu.vector_store %arg6[%swap3A_110], %swap3A_113 {strides = array<i32>} : memref<640xf32, #tpu.memory_space<vmem>>, vector<16xf32>,
    %broadcast_in_dim3A_114 = arith.constant 0.000000e+00 : f32
    %broadcast_in_dim3A_115 = vector.broadcast %broadcast_in_dim3A_114 : f32 to vector<16xf32>
    %swap3A_116 = arith.constant 160 : index
    %swap3A_117 = tpu.vector_load %arg6[%swap3A_116] {strides = array<i32>} : memref<640xf32, #tpu.memory_space<vmem>>, vector<16xf32>,
    %swap3A_118 = vector.shape_cast %swap3A_117 : vector<16xf32> to vector<16xf32>
    %swap3A_119 = vector.shape_cast %broadcast_in_dim3A_115 : vector<16xf32> to vector<16xf32>
    tpu.vector_store %arg6[%swap3A_116], %swap3A_119 {strides = array<i32>} : memref<640xf32, #tpu.memory_space<vmem>>, vector<16xf32>,
    %broadcast_in_dim3A_120 = arith.constant 0.000000e+00 : f32
    %broadcast_in_dim3A_121 = vector.broadcast %broadcast_in_dim3A_120 : f32 to vector<16xf32>
    %swap3A_122 = arith.constant 176 : index
    %swap3A_123 = tpu.vector_load %arg6[%swap3A_122] {strides = array<i32>} : memref<640xf32, #tpu.memory_space<vmem>>, vector<16xf32>,
    %swap3A_124 = vector.shape_cast %swap3A_123 : vector<16xf32> to vector<16xf32>
    %swap3A_125 = vector.shape_cast %broadcast_in_dim3A_121 : vector<16xf32> to vector<16xf32>
    tpu.vector_store %arg6[%swap3A_122], %swap3A_125 {strides = array<i32>} : memref<640xf32, #tpu.memory_space<vmem>>, vector<16xf32>,
    %broadcast_in_dim3A_126 = arith.constant 0.000000e+00 : f32
    %broadcast_in_dim3A_127 = vector.broadcast %broadcast_in_dim3A_126 : f32 to vector<16xf32>
    %swap3A_128 = arith.constant 192 : index
    %swap3A_129 = tpu.vector_load %arg6[%swap3A_128] {strides = array<i32>} : memref<640xf32, #tpu.memory_space<vmem>>, vector<16xf32>,
    %swap3A_130 = vector.shape_cast %swap3A_129 : vector<16xf32> to vector<16xf32>
    %swap3A_131 = vector.shape_cast %broadcast_in_dim3A_127 : vector<16xf32> to vector<16xf32>
    tpu.vector_store %arg6[%swap3A_128], %swap3A_131 {strides = array<i32>} : memref<640xf32, #tpu.memory_space<vmem>>, vector<16xf32>,
    %broadcast_in_dim3A_132 = arith.constant 0.000000e+00 : f32
    %broadcast_in_dim3A_133 = vector.broadcast %broadcast_in_dim3A_132 : f32 to vector<16xf32>
    %swap3A_134 = arith.constant 208 : index
    %swap3A_135 = tpu.vector_load %arg6[%swap3A_134] {strides = array<i32>} : memref<640xf32, #tpu.memory_space<vmem>>, vector<16xf32>,
    %swap3A_136 = vector.shape_cast %swap3A_135 : vector<16xf32> to vector<16xf32>
    %swap3A_137 = vector.shape_cast %broadcast_in_dim3A_133 : vector<16xf32> to vector<16xf32>
    tpu.vector_store %arg6[%swap3A_134], %swap3A_137 {strides = array<i32>} : memref<640xf32, #tpu.memory_space<vmem>>, vector<16xf32>,
    %broadcast_in_dim3A_138 = arith.constant 0.000000e+00 : f32
    %broadcast_in_dim3A_139 = vector.broadcast %broadcast_in_dim3A_138 : f32 to vector<16xf32>
    %swap3A_140 = arith.constant 224 : index
    %swap3A_141 = tpu.vector_load %arg6[%swap3A_140] {strides = array<i32>} : memref<640xf32, #tpu.memory_space<vmem>>, vector<16xf32>,
    %swap3A_142 = vector.shape_cast %swap3A_141 : vector<16xf32> to vector<16xf32>
    %swap3A_143 = vector.shape_cast %broadcast_in_dim3A_139 : vector<16xf32> to vector<16xf32>
    tpu.vector_store %arg6[%swap3A_140], %swap3A_143 {strides = array<i32>} : memref<640xf32, #tpu.memory_space<vmem>>, vector<16xf32>,
    %broadcast_in_dim3A_144 = arith.constant 0.000000e+00 : f32
    %broadcast_in_dim3A_145 = vector.broadcast %broadcast_in_dim3A_144 : f32 to vector<16xf32>
    %swap3A_146 = arith.constant 240 : index
    %swap3A_147 = tpu.vector_load %arg6[%swap3A_146] {strides = array<i32>} : memref<640xf32, #tpu.memory_space<vmem>>, vector<16xf32>,
    %swap3A_148 = vector.shape_cast %swap3A_147 : vector<16xf32> to vector<16xf32>
    %swap3A_149 = vector.shape_cast %broadcast_in_dim3A_145 : vector<16xf32> to vector<16xf32>
    tpu.vector_store %arg6[%swap3A_146], %swap3A_149 {strides = array<i32>} : memref<640xf32, #tpu.memory_space<vmem>>, vector<16xf32>,
    %broadcast_in_dim3A_150 = arith.constant 0.000000e+00 : f32
    %broadcast_in_dim3A_151 = vector.broadcast %broadcast_in_dim3A_150 : f32 to vector<16xf32>
    %swap3A_152 = arith.constant 256 : index
    %swap3A_153 = tpu.vector_load %arg6[%swap3A_152] {strides = array<i32>} : memref<640xf32, #tpu.memory_space<vmem>>, vector<16xf32>,
    %swap3A_154 = vector.shape_cast %swap3A_153 : vector<16xf32> to vector<16xf32>
    %swap3A_155 = vector.shape_cast %broadcast_in_dim3A_151 : vector<16xf32> to vector<16xf32>
    tpu.vector_store %arg6[%swap3A_152], %swap3A_155 {strides = array<i32>} : memref<640xf32, #tpu.memory_space<vmem>>, vector<16xf32>,
    %broadcast_in_dim3A_156 = arith.constant 0.000000e+00 : f32
    %broadcast_in_dim3A_157 = vector.broadcast %broadcast_in_dim3A_156 : f32 to vector<16xf32>
    %swap3A_158 = arith.constant 272 : index
    %swap3A_159 = tpu.vector_load %arg6[%swap3A_158] {strides = array<i32>} : memref<640xf32, #tpu.memory_space<vmem>>, vector<16xf32>,
    %swap3A_160 = vector.shape_cast %swap3A_159 : vector<16xf32> to vector<16xf32>
    %swap3A_161 = vector.shape_cast %broadcast_in_dim3A_157 : vector<16xf32> to vector<16xf32>
    tpu.vector_store %arg6[%swap3A_158], %swap3A_161 {strides = array<i32>} : memref<640xf32, #tpu.memory_space<vmem>>, vector<16xf32>,
    %broadcast_in_dim3A_162 = arith.constant 0.000000e+00 : f32
    %broadcast_in_dim3A_163 = vector.broadcast %broadcast_in_dim3A_162 : f32 to vector<16xf32>
    %swap3A_164 = arith.constant 288 : index
    %swap3A_165 = tpu.vector_load %arg6[%swap3A_164] {strides = array<i32>} : memref<640xf32, #tpu.memory_space<vmem>>, vector<16xf32>,
    %swap3A_166 = vector.shape_cast %swap3A_165 : vector<16xf32> to vector<16xf32>
    %swap3A_167 = vector.shape_cast %broadcast_in_dim3A_163 : vector<16xf32> to vector<16xf32>
    tpu.vector_store %arg6[%swap3A_164], %swap3A_167 {strides = array<i32>} : memref<640xf32, #tpu.memory_space<vmem>>, vector<16xf32>,
    %broadcast_in_dim3A_168 = arith.constant 0.000000e+00 : f32
    %broadcast_in_dim3A_169 = vector.broadcast %broadcast_in_dim3A_168 : f32 to vector<16xf32>
    %swap3A_170 = arith.constant 304 : index
    %swap3A_171 = tpu.vector_load %arg6[%swap3A_170] {strides = array<i32>} : memref<640xf32, #tpu.memory_space<vmem>>, vector<16xf32>,
    %swap3A_172 = vector.shape_cast %swap3A_171 : vector<16xf32> to vector<16xf32>
    %swap3A_173 = vector.shape_cast %broadcast_in_dim3A_169 : vector<16xf32> to vector<16xf32>
    tpu.vector_store %arg6[%swap3A_170], %swap3A_173 {strides = array<i32>} : memref<640xf32, #tpu.memory_space<vmem>>, vector<16xf32>,
    %broadcast_in_dim3A_174 = arith.constant 0.000000e+00 : f32
    %broadcast_in_dim3A_175 = vector.broadcast %broadcast_in_dim3A_174 : f32 to vector<16xf32>
    %swap3A_176 = arith.constant 320 : index
    %swap3A_177 = tpu.vector_load %arg6[%swap3A_176] {strides = array<i32>} : memref<640xf32, #tpu.memory_space<vmem>>, vector<16xf32>,
    %swap3A_178 = vector.shape_cast %swap3A_177 : vector<16xf32> to vector<16xf32>
    %swap3A_179 = vector.shape_cast %broadcast_in_dim3A_175 : vector<16xf32> to vector<16xf32>
    tpu.vector_store %arg6[%swap3A_176], %swap3A_179 {strides = array<i32>} : memref<640xf32, #tpu.memory_space<vmem>>, vector<16xf32>,
    %broadcast_in_dim3A_180 = arith.constant 0.000000e+00 : f32
    %broadcast_in_dim3A_181 = vector.broadcast %broadcast_in_dim3A_180 : f32 to vector<16xf32>
    %swap3A_182 = arith.constant 336 : index
    %swap3A_183 = tpu.vector_load %arg6[%swap3A_182] {strides = array<i32>} : memref<640xf32, #tpu.memory_space<vmem>>, vector<16xf32>,
    %swap3A_184 = vector.shape_cast %swap3A_183 : vector<16xf32> to vector<16xf32>
    %swap3A_185 = vector.shape_cast %broadcast_in_dim3A_181 : vector<16xf32> to vector<16xf32>
    tpu.vector_store %arg6[%swap3A_182], %swap3A_185 {strides = array<i32>} : memref<640xf32, #tpu.memory_space<vmem>>, vector<16xf32>,
    %broadcast_in_dim3A_186 = arith.constant 0.000000e+00 : f32
    %broadcast_in_dim3A_187 = vector.broadcast %broadcast_in_dim3A_186 : f32 to vector<16xf32>
    %swap3A_188 = arith.constant 352 : index
    %swap3A_189 = tpu.vector_load %arg6[%swap3A_188] {strides = array<i32>} : memref<640xf32, #tpu.memory_space<vmem>>, vector<16xf32>,
    %swap3A_190 = vector.shape_cast %swap3A_189 : vector<16xf32> to vector<16xf32>
    %swap3A_191 = vector.shape_cast %broadcast_in_dim3A_187 : vector<16xf32> to vector<16xf32>
    tpu.vector_store %arg6[%swap3A_188], %swap3A_191 {strides = array<i32>} : memref<640xf32, #tpu.memory_space<vmem>>, vector<16xf32>,
    %broadcast_in_dim3A_192 = arith.constant 0.000000e+00 : f32
    %broadcast_in_dim3A_193 = vector.broadcast %broadcast_in_dim3A_192 : f32 to vector<16xf32>
    %swap3A_194 = arith.constant 368 : index
    %swap3A_195 = tpu.vector_load %arg6[%swap3A_194] {strides = array<i32>} : memref<640xf32, #tpu.memory_space<vmem>>, vector<16xf32>,
    %swap3A_196 = vector.shape_cast %swap3A_195 : vector<16xf32> to vector<16xf32>
    %swap3A_197 = vector.shape_cast %broadcast_in_dim3A_193 : vector<16xf32> to vector<16xf32>
    tpu.vector_store %arg6[%swap3A_194], %swap3A_197 {strides = array<i32>} : memref<640xf32, #tpu.memory_space<vmem>>, vector<16xf32>,
    %broadcast_in_dim3A_198 = arith.constant 0.000000e+00 : f32
    %broadcast_in_dim3A_199 = vector.broadcast %broadcast_in_dim3A_198 : f32 to vector<16xf32>
    %swap3A_200 = arith.constant 384 : index
    %swap3A_201 = tpu.vector_load %arg6[%swap3A_200] {strides = array<i32>} : memref<640xf32, #tpu.memory_space<vmem>>, vector<16xf32>,
    %swap3A_202 = vector.shape_cast %swap3A_201 : vector<16xf32> to vector<16xf32>
    %swap3A_203 = vector.shape_cast %broadcast_in_dim3A_199 : vector<16xf32> to vector<16xf32>
    tpu.vector_store %arg6[%swap3A_200], %swap3A_203 {strides = array<i32>} : memref<640xf32, #tpu.memory_space<vmem>>, vector<16xf32>,
    %broadcast_in_dim3A_204 = arith.constant 0.000000e+00 : f32
    %broadcast_in_dim3A_205 = vector.broadcast %broadcast_in_dim3A_204 : f32 to vector<16xf32>
    %swap3A_206 = arith.constant 400 : index
    %swap3A_207 = tpu.vector_load %arg6[%swap3A_206] {strides = array<i32>} : memref<640xf32, #tpu.memory_space<vmem>>, vector<16xf32>,
    %swap3A_208 = vector.shape_cast %swap3A_207 : vector<16xf32> to vector<16xf32>
    %swap3A_209 = vector.shape_cast %broadcast_in_dim3A_205 : vector<16xf32> to vector<16xf32>
    tpu.vector_store %arg6[%swap3A_206], %swap3A_209 {strides = array<i32>} : memref<640xf32, #tpu.memory_space<vmem>>, vector<16xf32>,
    %broadcast_in_dim3A_210 = arith.constant 0.000000e+00 : f32
    %broadcast_in_dim3A_211 = vector.broadcast %broadcast_in_dim3A_210 : f32 to vector<16xf32>
    %swap3A_212 = arith.constant 416 : index
    %swap3A_213 = tpu.vector_load %arg6[%swap3A_212] {strides = array<i32>} : memref<640xf32, #tpu.memory_space<vmem>>, vector<16xf32>,
    %swap3A_214 = vector.shape_cast %swap3A_213 : vector<16xf32> to vector<16xf32>
    %swap3A_215 = vector.shape_cast %broadcast_in_dim3A_211 : vector<16xf32> to vector<16xf32>
    tpu.vector_store %arg6[%swap3A_212], %swap3A_215 {strides = array<i32>} : memref<640xf32, #tpu.memory_space<vmem>>, vector<16xf32>,
    %broadcast_in_dim3A_216 = arith.constant 0.000000e+00 : f32
    %broadcast_in_dim3A_217 = vector.broadcast %broadcast_in_dim3A_216 : f32 to vector<16xf32>
    %swap3A_218 = arith.constant 432 : index
    %swap3A_219 = tpu.vector_load %arg6[%swap3A_218] {strides = array<i32>} : memref<640xf32, #tpu.memory_space<vmem>>, vector<16xf32>,
    %swap3A_220 = vector.shape_cast %swap3A_219 : vector<16xf32> to vector<16xf32>
    %swap3A_221 = vector.shape_cast %broadcast_in_dim3A_217 : vector<16xf32> to vector<16xf32>
    tpu.vector_store %arg6[%swap3A_218], %swap3A_221 {strides = array<i32>} : memref<640xf32, #tpu.memory_space<vmem>>, vector<16xf32>,
    %broadcast_in_dim3A_222 = arith.constant 0.000000e+00 : f32
    %broadcast_in_dim3A_223 = vector.broadcast %broadcast_in_dim3A_222 : f32 to vector<16xf32>
    %swap3A_224 = arith.constant 448 : index
    %swap3A_225 = tpu.vector_load %arg6[%swap3A_224] {strides = array<i32>} : memref<640xf32, #tpu.memory_space<vmem>>, vector<16xf32>,
    %swap3A_226 = vector.shape_cast %swap3A_225 : vector<16xf32> to vector<16xf32>
    %swap3A_227 = vector.shape_cast %broadcast_in_dim3A_223 : vector<16xf32> to vector<16xf32>
    tpu.vector_store %arg6[%swap3A_224], %swap3A_227 {strides = array<i32>} : memref<640xf32, #tpu.memory_space<vmem>>, vector<16xf32>,
    %broadcast_in_dim3A_228 = arith.constant 0.000000e+00 : f32
    %broadcast_in_dim3A_229 = vector.broadcast %broadcast_in_dim3A_228 : f32 to vector<16xf32>
    %swap3A_230 = arith.constant 464 : index
    %swap3A_231 = tpu.vector_load %arg6[%swap3A_230] {strides = array<i32>} : memref<640xf32, #tpu.memory_space<vmem>>, vector<16xf32>,
    %swap3A_232 = vector.shape_cast %swap3A_231 : vector<16xf32> to vector<16xf32>
    %swap3A_233 = vector.shape_cast %broadcast_in_dim3A_229 : vector<16xf32> to vector<16xf32>
    tpu.vector_store %arg6[%swap3A_230], %swap3A_233 {strides = array<i32>} : memref<640xf32, #tpu.memory_space<vmem>>, vector<16xf32>,
    %broadcast_in_dim3A_234 = arith.constant 0.000000e+00 : f32
    %broadcast_in_dim3A_235 = vector.broadcast %broadcast_in_dim3A_234 : f32 to vector<16xf32>
    %swap3A_236 = arith.constant 480 : index
    %swap3A_237 = tpu.vector_load %arg6[%swap3A_236] {strides = array<i32>} : memref<640xf32, #tpu.memory_space<vmem>>, vector<16xf32>,
    %swap3A_238 = vector.shape_cast %swap3A_237 : vector<16xf32> to vector<16xf32>
    %swap3A_239 = vector.shape_cast %broadcast_in_dim3A_235 : vector<16xf32> to vector<16xf32>
    tpu.vector_store %arg6[%swap3A_236], %swap3A_239 {strides = array<i32>} : memref<640xf32, #tpu.memory_space<vmem>>, vector<16xf32>,
    %broadcast_in_dim3A_240 = arith.constant 0.000000e+00 : f32
    %broadcast_in_dim3A_241 = vector.broadcast %broadcast_in_dim3A_240 : f32 to vector<16xf32>
    %swap3A_242 = arith.constant 496 : index
    %swap3A_243 = tpu.vector_load %arg6[%swap3A_242] {strides = array<i32>} : memref<640xf32, #tpu.memory_space<vmem>>, vector<16xf32>,
    %swap3A_244 = vector.shape_cast %swap3A_243 : vector<16xf32> to vector<16xf32>
    %swap3A_245 = vector.shape_cast %broadcast_in_dim3A_241 : vector<16xf32> to vector<16xf32>
    tpu.vector_store %arg6[%swap3A_242], %swap3A_245 {strides = array<i32>} : memref<640xf32, #tpu.memory_space<vmem>>, vector<16xf32>,
    %broadcast_in_dim3A_246 = arith.constant 0.000000e+00 : f32
    %broadcast_in_dim3A_247 = vector.broadcast %broadcast_in_dim3A_246 : f32 to vector<16xf32>
    %swap3A_248 = arith.constant 512 : index
    %swap3A_249 = tpu.vector_load %arg6[%swap3A_248] {strides = array<i32>} : memref<640xf32, #tpu.memory_space<vmem>>, vector<16xf32>,
    %swap3A_250 = vector.shape_cast %swap3A_249 : vector<16xf32> to vector<16xf32>
    %swap3A_251 = vector.shape_cast %broadcast_in_dim3A_247 : vector<16xf32> to vector<16xf32>
    tpu.vector_store %arg6[%swap3A_248], %swap3A_251 {strides = array<i32>} : memref<640xf32, #tpu.memory_space<vmem>>, vector<16xf32>,
    %broadcast_in_dim3A_252 = arith.constant 0.000000e+00 : f32
    %broadcast_in_dim3A_253 = vector.broadcast %broadcast_in_dim3A_252 : f32 to vector<16xf32>
    %swap3A_254 = arith.constant 528 : index
    %swap3A_255 = tpu.vector_load %arg6[%swap3A_254] {strides = array<i32>} : memref<640xf32, #tpu.memory_space<vmem>>, vector<16xf32>,
    %swap3A_256 = vector.shape_cast %swap3A_255 : vector<16xf32> to vector<16xf32>
    %swap3A_257 = vector.shape_cast %broadcast_in_dim3A_253 : vector<16xf32> to vector<16xf32>
    tpu.vector_store %arg6[%swap3A_254], %swap3A_257 {strides = array<i32>} : memref<640xf32, #tpu.memory_space<vmem>>, vector<16xf32>,
    %broadcast_in_dim3A_258 = arith.constant 0.000000e+00 : f32
    %broadcast_in_dim3A_259 = vector.broadcast %broadcast_in_dim3A_258 : f32 to vector<16xf32>
    %swap3A_260 = arith.constant 544 : index
    %swap3A_261 = tpu.vector_load %arg6[%swap3A_260] {strides = array<i32>} : memref<640xf32, #tpu.memory_space<vmem>>, vector<16xf32>,
    %swap3A_262 = vector.shape_cast %swap3A_261 : vector<16xf32> to vector<16xf32>
    %swap3A_263 = vector.shape_cast %broadcast_in_dim3A_259 : vector<16xf32> to vector<16xf32>
    tpu.vector_store %arg6[%swap3A_260], %swap3A_263 {strides = array<i32>} : memref<640xf32, #tpu.memory_space<vmem>>, vector<16xf32>,
    %broadcast_in_dim3A_264 = arith.constant 0.000000e+00 : f32
    %broadcast_in_dim3A_265 = vector.broadcast %broadcast_in_dim3A_264 : f32 to vector<16xf32>
    %swap3A_266 = arith.constant 560 : index
    %swap3A_267 = tpu.vector_load %arg6[%swap3A_266] {strides = array<i32>} : memref<640xf32, #tpu.memory_space<vmem>>, vector<16xf32>,
    %swap3A_268 = vector.shape_cast %swap3A_267 : vector<16xf32> to vector<16xf32>
    %swap3A_269 = vector.shape_cast %broadcast_in_dim3A_265 : vector<16xf32> to vector<16xf32>
    tpu.vector_store %arg6[%swap3A_266], %swap3A_269 {strides = array<i32>} : memref<640xf32, #tpu.memory_space<vmem>>, vector<16xf32>,
    %broadcast_in_dim3A_270 = arith.constant 0.000000e+00 : f32
    %broadcast_in_dim3A_271 = vector.broadcast %broadcast_in_dim3A_270 : f32 to vector<16xf32>
    %swap3A_272 = arith.constant 576 : index
    %swap3A_273 = tpu.vector_load %arg6[%swap3A_272] {strides = array<i32>} : memref<640xf32, #tpu.memory_space<vmem>>, vector<16xf32>,
    %swap3A_274 = vector.shape_cast %swap3A_273 : vector<16xf32> to vector<16xf32>
    %swap3A_275 = vector.shape_cast %broadcast_in_dim3A_271 : vector<16xf32> to vector<16xf32>
    tpu.vector_store %arg6[%swap3A_272], %swap3A_275 {strides = array<i32>} : memref<640xf32, #tpu.memory_space<vmem>>, vector<16xf32>,
    %broadcast_in_dim3A_276 = arith.constant 0.000000e+00 : f32
    %broadcast_in_dim3A_277 = vector.broadcast %broadcast_in_dim3A_276 : f32 to vector<16xf32>
    %swap3A_278 = arith.constant 592 : index
    %swap3A_279 = tpu.vector_load %arg6[%swap3A_278] {strides = array<i32>} : memref<640xf32, #tpu.memory_space<vmem>>, vector<16xf32>,
    %swap3A_280 = vector.shape_cast %swap3A_279 : vector<16xf32> to vector<16xf32>
    %swap3A_281 = vector.shape_cast %broadcast_in_dim3A_277 : vector<16xf32> to vector<16xf32>
    tpu.vector_store %arg6[%swap3A_278], %swap3A_281 {strides = array<i32>} : memref<640xf32, #tpu.memory_space<vmem>>, vector<16xf32>,
    %broadcast_in_dim3A_282 = arith.constant 0.000000e+00 : f32
    %broadcast_in_dim3A_283 = vector.broadcast %broadcast_in_dim3A_282 : f32 to vector<16xf32>
    %swap3A_284 = arith.constant 608 : index
    %swap3A_285 = tpu.vector_load %arg6[%swap3A_284] {strides = array<i32>} : memref<640xf32, #tpu.memory_space<vmem>>, vector<16xf32>,
    %swap3A_286 = vector.shape_cast %swap3A_285 : vector<16xf32> to vector<16xf32>
    %swap3A_287 = vector.shape_cast %broadcast_in_dim3A_283 : vector<16xf32> to vector<16xf32>
    tpu.vector_store %arg6[%swap3A_284], %swap3A_287 {strides = array<i32>} : memref<640xf32, #tpu.memory_space<vmem>>, vector<16xf32>,
    %broadcast_in_dim3A_288 = arith.constant 0.000000e+00 : f32
    %broadcast_in_dim3A_289 = vector.broadcast %broadcast_in_dim3A_288 : f32 to vector<16xf32>
    %swap3A_290 = arith.constant 624 : index
    %swap3A_291 = tpu.vector_load %arg6[%swap3A_290] {strides = array<i32>} : memref<640xf32, #tpu.memory_space<vmem>>, vector<16xf32>,
    %swap3A_292 = vector.shape_cast %swap3A_291 : vector<16xf32> to vector<16xf32>
    %swap3A_293 = vector.shape_cast %broadcast_in_dim3A_289 : vector<16xf32> to vector<16xf32>
    tpu.vector_store %arg6[%swap3A_290], %swap3A_293 {strides = array<i32>} : memref<640xf32, #tpu.memory_space<vmem>>, vector<16xf32>,
    %mul3A_294 = arith.constant 640 : i32
    %mul3A_295 = arith.muli %arg1, %mul3A_294 : i32
    "tpu.region"() ({
      %run_scoped3A_350 = tpu.sem_alloc : memref<!tpu.dma_semaphore, #tpu.memory_space<semaphore_mem>>
      %dma_start3A = tpu.memref_slice %arg7[%mul3A_295] : memref<10240xf32, #tpu.memory_space<vmem_shared>> -> memref<640xf32, #tpu.memory_space<vmem_shared>>
      %dma_start3A_351 = tpu.memref_slice %arg7[%mul3A_295] : memref<10240xf32, #tpu.memory_space<vmem_shared>> -> memref<640xf32, #tpu.memory_space<vmem_shared>>
      tpu.enqueue_dma source(%arg6 : memref<640xf32, #tpu.memory_space<vmem>>) target(%dma_start3A_351 : memref<640xf32, #tpu.memory_space<vmem_shared>>) target_semaphore(%run_scoped3A_350 : memref<!tpu.dma_semaphore, #tpu.memory_space<semaphore_mem>>)
      %dma_wait3A_352 = tpu.memref_slice %arg7[%mul3A_295] : memref<10240xf32, #tpu.memory_space<vmem_shared>> -> memref<640xf32, #tpu.memory_space<vmem_shared>>
      %dma_wait3A_353 = tpu.memref_slice %arg7[%mul3A_295] : memref<10240xf32, #tpu.memory_space<vmem_shared>> -> memref<640xf32, #tpu.memory_space<vmem_shared>>
      tpu.wait_dma2 semaphore(%run_scoped3A_350 : memref<!tpu.dma_semaphore, #tpu.memory_space<semaphore_mem>>) src(%arg6 : memref<640xf32, #tpu.memory_space<vmem>>) dst(%dma_wait3A_353 : memref<640xf32, #tpu.memory_space<vmem_shared>>)
      tpu.yield
    }) : () -> ()
    %barrier3A = arith.constant 0 : index
    tpu.barrier barrier_id(%barrier3A)
    %mul3A_296 = arith.constant 128 : i32
    %mul3A_297 = arith.muli %add3A_4, %mul3A_296 : i32
    %run_scoped3A = arith.constant 1 : i32
    "tpu.region"() ({
      %run_scoped3A_350 = tpu.sem_alloc : memref<!tpu.dma_semaphore, #tpu.memory_space<semaphore_mem>>
      %dma_start3A = arith.constant 0 : i32
      %dma_start3A_351 = tpu.memref_slice %arg4[%dma_start3A] : memref<10112xi32, #tpu.memory_space<vmem>> -> memref<9984xi32, #tpu.memory_space<vmem>>
      %dma_start3A_352 = tpu.memref_slice %arg2[%run_scoped3A, %mul3A_297] : memref<2x320000xi32, #tpu.memory_space<hbm>> -> memref<1x9984xi32, #tpu.memory_space<hbm>>
      %dma_start3A_353 = tpu.memref_squeeze %dma_start3A_352 : memref<1x9984xi32, #tpu.memory_space<hbm>> -> memref<9984xi32, #tpu.memory_space<hbm>>
      %dma_start3A_354 = arith.constant 0 : i32
      %dma_start3A_355 = tpu.memref_slice %arg4[%dma_start3A_354] : memref<10112xi32, #tpu.memory_space<vmem>> -> memref<9984xi32, #tpu.memory_space<vmem>>
      %dma_start3A_356 = tpu.memref_slice %arg2[%run_scoped3A, %mul3A_297] : memref<2x320000xi32, #tpu.memory_space<hbm>> -> memref<1x9984xi32, #tpu.memory_space<hbm>>
      %dma_start3A_357 = tpu.memref_squeeze %dma_start3A_356 : memref<1x9984xi32, #tpu.memory_space<hbm>> -> memref<9984xi32, #tpu.memory_space<hbm>>
      tpu.enqueue_dma source(%dma_start3A_357 : memref<9984xi32, #tpu.memory_space<hbm>>) target(%dma_start3A_355 : memref<9984xi32, #tpu.memory_space<vmem>>) target_semaphore(%run_scoped3A_350 : memref<!tpu.dma_semaphore, #tpu.memory_space<semaphore_mem>>)
      %dma_wait3A_358 = arith.constant 0 : i32
      %dma_wait3A_359 = tpu.memref_slice %arg4[%dma_wait3A_358] : memref<10112xi32, #tpu.memory_space<vmem>> -> memref<9984xi32, #tpu.memory_space<vmem>>
      %dma_wait3A_360 = tpu.memref_slice %arg2[%run_scoped3A, %mul3A_297] : memref<2x320000xi32, #tpu.memory_space<hbm>> -> memref<1x9984xi32, #tpu.memory_space<hbm>>
      %dma_wait3A_361 = tpu.memref_squeeze %dma_wait3A_360 : memref<1x9984xi32, #tpu.memory_space<hbm>> -> memref<9984xi32, #tpu.memory_space<hbm>>
      %dma_wait3A_362 = arith.constant 0 : i32
      %dma_wait3A_363 = tpu.memref_slice %arg4[%dma_wait3A_362] : memref<10112xi32, #tpu.memory_space<vmem>> -> memref<9984xi32, #tpu.memory_space<vmem>>
      %dma_wait3A_364 = tpu.memref_slice %arg2[%run_scoped3A, %mul3A_297] : memref<2x320000xi32, #tpu.memory_space<hbm>> -> memref<1x9984xi32, #tpu.memory_space<hbm>>
      %dma_wait3A_365 = tpu.memref_squeeze %dma_wait3A_364 : memref<1x9984xi32, #tpu.memory_space<hbm>> -> memref<9984xi32, #tpu.memory_space<hbm>>
      tpu.wait_dma2 semaphore(%run_scoped3A_350 : memref<!tpu.dma_semaphore, #tpu.memory_space<semaphore_mem>>) src(%dma_wait3A_365 : memref<9984xi32, #tpu.memory_space<hbm>>) dst(%dma_wait3A_363 : memref<9984xi32, #tpu.memory_space<vmem>>)
      tpu.yield
    }) : () -> ()
    %lt3A_298 = arith.constant 4 : i32
    %lt3A_299 = arith.cmpi slt, %add3A, %lt3A_298 : i32
    %convert_element_type3A_300 = arith.extui %lt3A_299 : i1 to i32
    %cond3A = arith.constant 0 : i32
    %cond3A_301 = arith.cmpi ne, %convert_element_type3A_300, %cond3A : i32
    scf.if %cond3A_301 {
      %add3A_350 = arith.constant 78 : i32
      %add3A_351 = arith.addi %add3A_4, %add3A_350 : i32
      %mul3A_352 = arith.constant 128 : i32
      %mul3A_353 = arith.muli %add3A_351, %mul3A_352 : i32
      %run_scoped3A_354 = arith.constant 1 : i32
      "tpu.region"() ({
        %run_scoped3A_355 = tpu.sem_alloc : memref<!tpu.dma_semaphore, #tpu.memory_space<semaphore_mem>>
        %dma_start3A = arith.constant 9984 : i32
        %dma_start3A_356 = tpu.memref_slice %arg4[%dma_start3A] : memref<10112xi32, #tpu.memory_space<vmem>> -> memref<128xi32, #tpu.memory_space<vmem>>
        %dma_start3A_357 = tpu.memref_slice %arg2[%run_scoped3A_354, %mul3A_353] : memref<2x320000xi32, #tpu.memory_space<hbm>> -> memref<1x128xi32, #tpu.memory_space<hbm>>
        %dma_start3A_358 = tpu.memref_squeeze %dma_start3A_357 : memref<1x128xi32, #tpu.memory_space<hbm>> -> memref<128xi32, #tpu.memory_space<hbm>>
        %dma_start3A_359 = arith.constant 9984 : i32
        %dma_start3A_360 = tpu.memref_slice %arg4[%dma_start3A_359] : memref<10112xi32, #tpu.memory_space<vmem>> -> memref<128xi32, #tpu.memory_space<vmem>>
        %dma_start3A_361 = tpu.memref_slice %arg2[%run_scoped3A_354, %mul3A_353] : memref<2x320000xi32, #tpu.memory_space<hbm>> -> memref<1x128xi32, #tpu.memory_space<hbm>>
        %dma_start3A_362 = tpu.memref_squeeze %dma_start3A_361 : memref<1x128xi32, #tpu.memory_space<hbm>> -> memref<128xi32, #tpu.memory_space<hbm>>
        tpu.enqueue_dma source(%dma_start3A_362 : memref<128xi32, #tpu.memory_space<hbm>>) target(%dma_start3A_360 : memref<128xi32, #tpu.memory_space<vmem>>) target_semaphore(%run_scoped3A_355 : memref<!tpu.dma_semaphore, #tpu.memory_space<semaphore_mem>>)
        %dma_wait3A_363 = arith.constant 9984 : i32
        %dma_wait3A_364 = tpu.memref_slice %arg4[%dma_wait3A_363] : memref<10112xi32, #tpu.memory_space<vmem>> -> memref<128xi32, #tpu.memory_space<vmem>>
        %dma_wait3A_365 = tpu.memref_slice %arg2[%run_scoped3A_354, %mul3A_353] : memref<2x320000xi32, #tpu.memory_space<hbm>> -> memref<1x128xi32, #tpu.memory_space<hbm>>
        %dma_wait3A_366 = tpu.memref_squeeze %dma_wait3A_365 : memref<1x128xi32, #tpu.memory_space<hbm>> -> memref<128xi32, #tpu.memory_space<hbm>>
        %dma_wait3A_367 = arith.constant 9984 : i32
        %dma_wait3A_368 = tpu.memref_slice %arg4[%dma_wait3A_367] : memref<10112xi32, #tpu.memory_space<vmem>> -> memref<128xi32, #tpu.memory_space<vmem>>
        %dma_wait3A_369 = tpu.memref_slice %arg2[%run_scoped3A_354, %mul3A_353] : memref<2x320000xi32, #tpu.memory_space<hbm>> -> memref<1x128xi32, #tpu.memory_space<hbm>>
        %dma_wait3A_370 = tpu.memref_squeeze %dma_wait3A_369 : memref<1x128xi32, #tpu.memory_space<hbm>> -> memref<128xi32, #tpu.memory_space<hbm>>
        tpu.wait_dma2 semaphore(%run_scoped3A_355 : memref<!tpu.dma_semaphore, #tpu.memory_space<semaphore_mem>>) src(%dma_wait3A_370 : memref<128xi32, #tpu.memory_space<hbm>>) dst(%dma_wait3A_368 : memref<128xi32, #tpu.memory_space<vmem>>)
        tpu.yield
      }) : () -> ()
    } else {
    }
    %while3A = arith.constant 0 : i32
    %while3A_302 = arith.constant 0 : i32
    %while3A_303 = arith.subi %add3A_7, %while3A_302 : i32
    %while3A_304 = arith.addi %while3A_302, %while3A_303 : i32
    %while3A_305 = arith.constant 1 : i32
    %while3A_306 = arith.divsi %while3A_303, %while3A_305 : i32
    %while3A_307 = arith.muli %while3A_306, %while3A_305 : i32
    %while3A_308 = arith.addi %while3A_302, %while3A_307 : i32
    %while3A_309 = arith.constant 1 : i32
    scf.for %while3A_350 = %while3A_302 to %while3A_308 step %while3A_309  : i32 {
      %ge3A = arith.constant 8 : i32
      %ge3A_351 = arith.cmpi sge, %while3A_350, %ge3A : i32
      %convert_element_type3A_352 = arith.extui %ge3A_351 : i1 to i32
      %cond3A_353 = arith.constant 0 : i32
      %cond3A_354 = arith.cmpi ne, %convert_element_type3A_352, %cond3A_353 : i32
      scf.if %cond3A_354 {
        %dma_wait3A_359 = arith.constant 0 : i32
        %dma_wait3A_360 = tpu.memref_slice %arg7[%dma_wait3A_359] : memref<10240xf32, #tpu.memory_space<vmem_shared>> -> memref<128xf32, #tpu.memory_space<vmem_shared>>
        %dma_wait3A_361 = arith.constant 0 : i32
        %dma_wait3A_362 = tpu.memref_slice %arg7[%dma_wait3A_361] : memref<10240xf32, #tpu.memory_space<vmem_shared>> -> memref<128xf32, #tpu.memory_space<vmem_shared>>
        tpu.wait_dma2 semaphore(%arg8 : memref<!tpu.dma_semaphore, #tpu.memory_space<semaphore_mem>>) src(%arg5 : memref<128xf32, #tpu.memory_space<vmem>>) dst(%dma_wait3A_362 : memref<128xf32, #tpu.memory_space<vmem_shared>>)
      } else {
      }
      %mul3A_355 = arith.constant 128 : i32
      %mul3A_356 = arith.muli %while3A_350, %mul3A_355 : i32
      %dma_start3A = tpu.memref_slice %arg4[%mul3A_356] : memref<10112xi32, #tpu.memory_space<vmem>> -> memref<128xi32, #tpu.memory_space<vmem>>
      %dma_start3A_357 = arith.constant 0 : i32
      %dma_start3A_358 = tpu.memref_slice %arg7[%dma_start3A_357] : memref<10240xf32, #tpu.memory_space<vmem_shared>> -> memref<10240xf32, #tpu.memory_space<vmem_shared>>
      tpu.enqueue_indirect_dma source(%arg5 : memref<128xf32, #tpu.memory_space<vmem>>) target(%dma_start3A_358 : memref<10240xf32, #tpu.memory_space<vmem_shared>>) offsets(%dma_start3A : memref<128xi32, #tpu.memory_space<vmem>>) semaphore(%arg8 : memref<!tpu.dma_semaphore, #tpu.memory_space<semaphore_mem>>) {add = true}
    }
    %while3A_310 = arith.constant 1 : i32
    scf.for %while3A_350 = %while3A_308 to %while3A_304 step %while3A_310  : i32 {
      %ge3A = arith.constant 8 : i32
      %ge3A_351 = arith.cmpi sge, %while3A_350, %ge3A : i32
      %convert_element_type3A_352 = arith.extui %ge3A_351 : i1 to i32
      %cond3A_353 = arith.constant 0 : i32
      %cond3A_354 = arith.cmpi ne, %convert_element_type3A_352, %cond3A_353 : i32
      scf.if %cond3A_354 {
        %dma_wait3A_359 = arith.constant 0 : i32
        %dma_wait3A_360 = tpu.memref_slice %arg7[%dma_wait3A_359] : memref<10240xf32, #tpu.memory_space<vmem_shared>> -> memref<128xf32, #tpu.memory_space<vmem_shared>>
        %dma_wait3A_361 = arith.constant 0 : i32
        %dma_wait3A_362 = tpu.memref_slice %arg7[%dma_wait3A_361] : memref<10240xf32, #tpu.memory_space<vmem_shared>> -> memref<128xf32, #tpu.memory_space<vmem_shared>>
        tpu.wait_dma2 semaphore(%arg8 : memref<!tpu.dma_semaphore, #tpu.memory_space<semaphore_mem>>) src(%arg5 : memref<128xf32, #tpu.memory_space<vmem>>) dst(%dma_wait3A_362 : memref<128xf32, #tpu.memory_space<vmem_shared>>)
      } else {
      }
      %mul3A_355 = arith.constant 128 : i32
      %mul3A_356 = arith.muli %while3A_350, %mul3A_355 : i32
      %dma_start3A = tpu.memref_slice %arg4[%mul3A_356] : memref<10112xi32, #tpu.memory_space<vmem>> -> memref<128xi32, #tpu.memory_space<vmem>>
      %dma_start3A_357 = arith.constant 0 : i32
      %dma_start3A_358 = tpu.memref_slice %arg7[%dma_start3A_357] : memref<10240xf32, #tpu.memory_space<vmem_shared>> -> memref<10240xf32, #tpu.memory_space<vmem_shared>>
      tpu.enqueue_indirect_dma source(%arg5 : memref<128xf32, #tpu.memory_space<vmem>>) target(%dma_start3A_358 : memref<10240xf32, #tpu.memory_space<vmem_shared>>) offsets(%dma_start3A : memref<128xi32, #tpu.memory_space<vmem>>) semaphore(%arg8 : memref<!tpu.dma_semaphore, #tpu.memory_space<semaphore_mem>>) {add = true}
    }
    %dma_wait3A = arith.constant 0 : i32
    %dma_wait3A_311 = tpu.memref_slice %arg7[%dma_wait3A] : memref<10240xf32, #tpu.memory_space<vmem_shared>> -> memref<128xf32, #tpu.memory_space<vmem_shared>>
    %dma_wait3A_312 = arith.constant 0 : i32
    %dma_wait3A_313 = tpu.memref_slice %arg7[%dma_wait3A_312] : memref<10240xf32, #tpu.memory_space<vmem_shared>> -> memref<128xf32, #tpu.memory_space<vmem_shared>>
    tpu.wait_dma2 semaphore(%arg8 : memref<!tpu.dma_semaphore, #tpu.memory_space<semaphore_mem>>) src(%arg5 : memref<128xf32, #tpu.memory_space<vmem>>) dst(%dma_wait3A_313 : memref<128xf32, #tpu.memory_space<vmem_shared>>)
    %dma_wait3A_314 = arith.constant 0 : i32
    %dma_wait3A_315 = tpu.memref_slice %arg7[%dma_wait3A_314] : memref<10240xf32, #tpu.memory_space<vmem_shared>> -> memref<128xf32, #tpu.memory_space<vmem_shared>>
    %dma_wait3A_316 = arith.constant 0 : i32
    %dma_wait3A_317 = tpu.memref_slice %arg7[%dma_wait3A_316] : memref<10240xf32, #tpu.memory_space<vmem_shared>> -> memref<128xf32, #tpu.memory_space<vmem_shared>>
    tpu.wait_dma2 semaphore(%arg8 : memref<!tpu.dma_semaphore, #tpu.memory_space<semaphore_mem>>) src(%arg5 : memref<128xf32, #tpu.memory_space<vmem>>) dst(%dma_wait3A_317 : memref<128xf32, #tpu.memory_space<vmem_shared>>)
    %dma_wait3A_318 = arith.constant 0 : i32
    %dma_wait3A_319 = tpu.memref_slice %arg7[%dma_wait3A_318] : memref<10240xf32, #tpu.memory_space<vmem_shared>> -> memref<128xf32, #tpu.memory_space<vmem_shared>>
    %dma_wait3A_320 = arith.constant 0 : i32
    %dma_wait3A_321 = tpu.memref_slice %arg7[%dma_wait3A_320] : memref<10240xf32, #tpu.memory_space<vmem_shared>> -> memref<128xf32, #tpu.memory_space<vmem_shared>>
    tpu.wait_dma2 semaphore(%arg8 : memref<!tpu.dma_semaphore, #tpu.memory_space<semaphore_mem>>) src(%arg5 : memref<128xf32, #tpu.memory_space<vmem>>) dst(%dma_wait3A_321 : memref<128xf32, #tpu.memory_space<vmem_shared>>)
    %dma_wait3A_322 = arith.constant 0 : i32
    %dma_wait3A_323 = tpu.memref_slice %arg7[%dma_wait3A_322] : memref<10240xf32, #tpu.memory_space<vmem_shared>> -> memref<128xf32, #tpu.memory_space<vmem_shared>>
    %dma_wait3A_324 = arith.constant 0 : i32
    %dma_wait3A_325 = tpu.memref_slice %arg7[%dma_wait3A_324] : memref<10240xf32, #tpu.memory_space<vmem_shared>> -> memref<128xf32, #tpu.memory_space<vmem_shared>>
    tpu.wait_dma2 semaphore(%arg8 : memref<!tpu.dma_semaphore, #tpu.memory_space<semaphore_mem>>) src(%arg5 : memref<128xf32, #tpu.memory_space<vmem>>) dst(%dma_wait3A_325 : memref<128xf32, #tpu.memory_space<vmem_shared>>)
    %dma_wait3A_326 = arith.constant 0 : i32
    %dma_wait3A_327 = tpu.memref_slice %arg7[%dma_wait3A_326] : memref<10240xf32, #tpu.memory_space<vmem_shared>> -> memref<128xf32, #tpu.memory_space<vmem_shared>>
    %dma_wait3A_328 = arith.constant 0 : i32
    %dma_wait3A_329 = tpu.memref_slice %arg7[%dma_wait3A_328] : memref<10240xf32, #tpu.memory_space<vmem_shared>> -> memref<128xf32, #tpu.memory_space<vmem_shared>>
    tpu.wait_dma2 semaphore(%arg8 : memref<!tpu.dma_semaphore, #tpu.memory_space<semaphore_mem>>) src(%arg5 : memref<128xf32, #tpu.memory_space<vmem>>) dst(%dma_wait3A_329 : memref<128xf32, #tpu.memory_space<vmem_shared>>)
    %dma_wait3A_330 = arith.constant 0 : i32
    %dma_wait3A_331 = tpu.memref_slice %arg7[%dma_wait3A_330] : memref<10240xf32, #tpu.memory_space<vmem_shared>> -> memref<128xf32, #tpu.memory_space<vmem_shared>>
    %dma_wait3A_332 = arith.constant 0 : i32
    %dma_wait3A_333 = tpu.memref_slice %arg7[%dma_wait3A_332] : memref<10240xf32, #tpu.memory_space<vmem_shared>> -> memref<128xf32, #tpu.memory_space<vmem_shared>>
    tpu.wait_dma2 semaphore(%arg8 : memref<!tpu.dma_semaphore, #tpu.memory_space<semaphore_mem>>) src(%arg5 : memref<128xf32, #tpu.memory_space<vmem>>) dst(%dma_wait3A_333 : memref<128xf32, #tpu.memory_space<vmem_shared>>)
    %dma_wait3A_334 = arith.constant 0 : i32
    %dma_wait3A_335 = tpu.memref_slice %arg7[%dma_wait3A_334] : memref<10240xf32, #tpu.memory_space<vmem_shared>> -> memref<128xf32, #tpu.memory_space<vmem_shared>>
    %dma_wait3A_336 = arith.constant 0 : i32
    %dma_wait3A_337 = tpu.memref_slice %arg7[%dma_wait3A_336] : memref<10240xf32, #tpu.memory_space<vmem_shared>> -> memref<128xf32, #tpu.memory_space<vmem_shared>>
    tpu.wait_dma2 semaphore(%arg8 : memref<!tpu.dma_semaphore, #tpu.memory_space<semaphore_mem>>) src(%arg5 : memref<128xf32, #tpu.memory_space<vmem>>) dst(%dma_wait3A_337 : memref<128xf32, #tpu.memory_space<vmem_shared>>)
    %dma_wait3A_338 = arith.constant 0 : i32
    %dma_wait3A_339 = tpu.memref_slice %arg7[%dma_wait3A_338] : memref<10240xf32, #tpu.memory_space<vmem_shared>> -> memref<128xf32, #tpu.memory_space<vmem_shared>>
    %dma_wait3A_340 = arith.constant 0 : i32
    %dma_wait3A_341 = tpu.memref_slice %arg7[%dma_wait3A_340] : memref<10240xf32, #tpu.memory_space<vmem_shared>> -> memref<128xf32, #tpu.memory_space<vmem_shared>>
    tpu.wait_dma2 semaphore(%arg8 : memref<!tpu.dma_semaphore, #tpu.memory_space<semaphore_mem>>) src(%arg5 : memref<128xf32, #tpu.memory_space<vmem>>) dst(%dma_wait3A_341 : memref<128xf32, #tpu.memory_space<vmem_shared>>)
    %barrier3A_342 = arith.constant 0 : index
    tpu.barrier barrier_id(%barrier3A_342)
    %mul3A_343 = arith.constant 640 : i32
    %mul3A_344 = arith.muli %arg1, %mul3A_343 : i32
    "tpu.region"() ({
      %run_scoped3A_350 = tpu.sem_alloc : memref<!tpu.dma_semaphore, #tpu.memory_space<semaphore_mem>>
      %dma_start3A = tpu.memref_slice %arg7[%mul3A_344] : memref<10240xf32, #tpu.memory_space<vmem_shared>> -> memref<640xf32, #tpu.memory_space<vmem_shared>>
      %dma_start3A_351 = tpu.memref_slice %arg7[%mul3A_344] : memref<10240xf32, #tpu.memory_space<vmem_shared>> -> memref<640xf32, #tpu.memory_space<vmem_shared>>
      tpu.enqueue_dma source(%dma_start3A_351 : memref<640xf32, #tpu.memory_space<vmem_shared>>) target(%arg6 : memref<640xf32, #tpu.memory_space<vmem>>) target_semaphore(%run_scoped3A_350 : memref<!tpu.dma_semaphore, #tpu.memory_space<semaphore_mem>>)
      %dma_wait3A_352 = tpu.memref_slice %arg7[%mul3A_344] : memref<10240xf32, #tpu.memory_space<vmem_shared>> -> memref<640xf32, #tpu.memory_space<vmem_shared>>
      %dma_wait3A_353 = tpu.memref_slice %arg7[%mul3A_344] : memref<10240xf32, #tpu.memory_space<vmem_shared>> -> memref<640xf32, #tpu.memory_space<vmem_shared>>
      tpu.wait_dma2 semaphore(%run_scoped3A_350 : memref<!tpu.dma_semaphore, #tpu.memory_space<semaphore_mem>>) src(%dma_wait3A_353 : memref<640xf32, #tpu.memory_space<vmem_shared>>) dst(%arg6 : memref<640xf32, #tpu.memory_space<vmem>>)
      tpu.yield
    }) : () -> ()
    %mul3A_345 = arith.constant 10240 : i32
    %mul3A_346 = arith.muli %arg0, %mul3A_345 : i32
    %mul3A_347 = arith.constant 640 : i32
    %mul3A_348 = arith.muli %arg1, %mul3A_347 : i32
    %add3A_349 = arith.addi %mul3A_346, %mul3A_348 : i32
    "tpu.region"() ({
      %run_scoped3A_350 = tpu.sem_alloc : memref<!tpu.dma_semaphore, #tpu.memory_space<semaphore_mem>>
      %dma_start3A = tpu.memref_slice %arg3[%add3A_349] : memref<20480xf32, #tpu.memory_space<hbm>> -> memref<640xf32, #tpu.memory_space<hbm>>
      %dma_start3A_351 = tpu.memref_slice %arg3[%add3A_349] : memref<20480xf32, #tpu.memory_space<hbm>> -> memref<640xf32, #tpu.memory_space<hbm>>
      tpu.enqueue_dma source(%arg6 : memref<640xf32, #tpu.memory_space<vmem>>) target(%dma_start3A_351 : memref<640xf32, #tpu.memory_space<hbm>>) target_semaphore(%run_scoped3A_350 : memref<!tpu.dma_semaphore, #tpu.memory_space<semaphore_mem>>)
      %dma_wait3A_352 = tpu.memref_slice %arg3[%add3A_349] : memref<20480xf32, #tpu.memory_space<hbm>> -> memref<640xf32, #tpu.memory_space<hbm>>
      %dma_wait3A_353 = tpu.memref_slice %arg3[%add3A_349] : memref<20480xf32, #tpu.memory_space<hbm>> -> memref<640xf32, #tpu.memory_space<hbm>>
      tpu.wait_dma2 semaphore(%run_scoped3A_350 : memref<!tpu.dma_semaphore, #tpu.memory_space<semaphore_mem>>) src(%arg6 : memref<640xf32, #tpu.memory_space<vmem>>) dst(%dma_wait3A_353 : memref<640xf32, #tpu.memory_space<hbm>>)
      tpu.yield
    }) : () -> ()
    return
  }
}

#map = affine_map<(d0, d1) -> (0, 0)>
module attributes {stable_mosaic.version = 14 : i64} {
  func.func @_sc_aggregate(%arg0: i32, %arg1: i32, %arg2: memref<10000x16xf32, #tpu.memory_space<hbm>>, %arg3: memref<2x320000xi32, #tpu.memory_space<hbm>>, %arg4: memref<20480x16xf32, #tpu.memory_space<hbm>>, %arg5: memref<10112xi32, #tpu.memory_space<vmem>>, %arg6: memref<10112xi32, #tpu.memory_space<vmem>>, %arg7: memref<6x128x16xf32, #tpu.memory_space<vmem>>, %arg8: memref<128x16xf32, #tpu.memory_space<vmem>>, %arg9: memref<10240x16xf32, #tpu.memory_space<vmem_shared>>, %arg10: memref<!tpu.dma_semaphore, #tpu.memory_space<semaphore_mem>>, %arg11: memref<!tpu.dma_semaphore, #tpu.memory_space<semaphore_mem>>, %arg12: memref<!tpu.dma_semaphore, #tpu.memory_space<semaphore_mem>>, %arg13: memref<!tpu.dma_semaphore, #tpu.memory_space<semaphore_mem>>, %arg14: memref<!tpu.dma_semaphore, #tpu.memory_space<semaphore_mem>>, %arg15: memref<!tpu.dma_semaphore, #tpu.memory_space<semaphore_mem>>, %arg16: memref<!tpu.dma_semaphore, #tpu.memory_space<semaphore_mem>>, %arg17: memref<!tpu.dma_semaphore, #tpu.memory_space<semaphore_mem>>, %arg18: memref<!tpu.dma_semaphore, #tpu.memory_space<semaphore_mem>>, %arg19: memref<!tpu.dma_semaphore, #tpu.memory_space<semaphore_mem>>, %arg20: memref<!tpu.dma_semaphore, #tpu.memory_space<semaphore_mem>>, %arg21: memref<!tpu.dma_semaphore, #tpu.memory_space<semaphore_mem>>) attributes {dimension_semantics = [#tpu.dimension_semantics<core_parallel>, #tpu.dimension_semantics<subcore_parallel>], iteration_bounds = array<i64: 2, 16>, scalar_prefetch = 0 : i64, scratch_operands = 17 : i64, tpu.core_type = #tpu.core_type<sc_vector_subcore>, window_params = [{transform_indices = #map}, {transform_indices = #map}, {transform_indices = #map}]} {
    %mul3A = arith.constant 16 : i32
    %mul3A_0 = arith.muli %arg0, %mul3A : i32
    %add3A = arith.addi %mul3A_0, %arg1 : i32
    %mul3A_1 = arith.constant 78 : i32
    %mul3A_2 = arith.muli %add3A, %mul3A_1 : i32
    %min3A = arith.constant 4 : i32
    %min3A_3 = arith.minsi %add3A, %min3A : i32
    %add3A_4 = arith.addi %mul3A_2, %min3A_3 : i32
    %lt3A = arith.constant 4 : i32
    %lt3A_5 = arith.cmpi slt, %add3A, %lt3A : i32
    %convert_element_type3A = arith.extui %lt3A_5 : i1 to i32
    %add3A_6 = arith.constant 78 : i32
    %add3A_7 = arith.addi %add3A_6, %convert_element_type3A : i32
    %broadcast_in_dim3A = arith.constant 0.000000e+00 : f32
    %broadcast_in_dim3A_8 = vector.broadcast %broadcast_in_dim3A : f32 to vector<16xf32>
    %swap3A = arith.constant 0 : i32
    %swap3A_9 = arith.index_cast %swap3A : i32 to index
    %swap3A_10 = arith.constant 0 : index
    %swap3A_11 = tpu.vector_load %arg8[%swap3A_9, %swap3A_10] {strides = array<i32>} : memref<128x16xf32, #tpu.memory_space<vmem>>, vector<1x16xf32>,
    %swap3A_12 = vector.shape_cast %swap3A_11 : vector<1x16xf32> to vector<16xf32>
    %swap3A_13 = vector.shape_cast %broadcast_in_dim3A_8 : vector<16xf32> to vector<1x16xf32>
    tpu.vector_store %arg8[%swap3A_9, %swap3A_10], %swap3A_13 {strides = array<i32>} : memref<128x16xf32, #tpu.memory_space<vmem>>, vector<1x16xf32>,
    %broadcast_in_dim3A_14 = arith.constant 0.000000e+00 : f32
    %broadcast_in_dim3A_15 = vector.broadcast %broadcast_in_dim3A_14 : f32 to vector<16xf32>
    %swap3A_16 = arith.constant 1 : i32
    %swap3A_17 = arith.index_cast %swap3A_16 : i32 to index
    %swap3A_18 = arith.constant 0 : index
    %swap3A_19 = tpu.vector_load %arg8[%swap3A_17, %swap3A_18] {strides = array<i32>} : memref<128x16xf32, #tpu.memory_space<vmem>>, vector<1x16xf32>,
    %swap3A_20 = vector.shape_cast %swap3A_19 : vector<1x16xf32> to vector<16xf32>
    %swap3A_21 = vector.shape_cast %broadcast_in_dim3A_15 : vector<16xf32> to vector<1x16xf32>
    tpu.vector_store %arg8[%swap3A_17, %swap3A_18], %swap3A_21 {strides = array<i32>} : memref<128x16xf32, #tpu.memory_space<vmem>>, vector<1x16xf32>,
    %broadcast_in_dim3A_22 = arith.constant 0.000000e+00 : f32
    %broadcast_in_dim3A_23 = vector.broadcast %broadcast_in_dim3A_22 : f32 to vector<16xf32>
    %swap3A_24 = arith.constant 2 : i32
    %swap3A_25 = arith.index_cast %swap3A_24 : i32 to index
    %swap3A_26 = arith.constant 0 : index
    %swap3A_27 = tpu.vector_load %arg8[%swap3A_25, %swap3A_26] {strides = array<i32>} : memref<128x16xf32, #tpu.memory_space<vmem>>, vector<1x16xf32>,
    %swap3A_28 = vector.shape_cast %swap3A_27 : vector<1x16xf32> to vector<16xf32>
    %swap3A_29 = vector.shape_cast %broadcast_in_dim3A_23 : vector<16xf32> to vector<1x16xf32>
    tpu.vector_store %arg8[%swap3A_25, %swap3A_26], %swap3A_29 {strides = array<i32>} : memref<128x16xf32, #tpu.memory_space<vmem>>, vector<1x16xf32>,
    %broadcast_in_dim3A_30 = arith.constant 0.000000e+00 : f32
    %broadcast_in_dim3A_31 = vector.broadcast %broadcast_in_dim3A_30 : f32 to vector<16xf32>
    %swap3A_32 = arith.constant 3 : i32
    %swap3A_33 = arith.index_cast %swap3A_32 : i32 to index
    %swap3A_34 = arith.constant 0 : index
    %swap3A_35 = tpu.vector_load %arg8[%swap3A_33, %swap3A_34] {strides = array<i32>} : memref<128x16xf32, #tpu.memory_space<vmem>>, vector<1x16xf32>,
    %swap3A_36 = vector.shape_cast %swap3A_35 : vector<1x16xf32> to vector<16xf32>
    %swap3A_37 = vector.shape_cast %broadcast_in_dim3A_31 : vector<16xf32> to vector<1x16xf32>
    tpu.vector_store %arg8[%swap3A_33, %swap3A_34], %swap3A_37 {strides = array<i32>} : memref<128x16xf32, #tpu.memory_space<vmem>>, vector<1x16xf32>,
    %broadcast_in_dim3A_38 = arith.constant 0.000000e+00 : f32
    %broadcast_in_dim3A_39 = vector.broadcast %broadcast_in_dim3A_38 : f32 to vector<16xf32>
    %swap3A_40 = arith.constant 4 : i32
    %swap3A_41 = arith.index_cast %swap3A_40 : i32 to index
    %swap3A_42 = arith.constant 0 : index
    %swap3A_43 = tpu.vector_load %arg8[%swap3A_41, %swap3A_42] {strides = array<i32>} : memref<128x16xf32, #tpu.memory_space<vmem>>, vector<1x16xf32>,
    %swap3A_44 = vector.shape_cast %swap3A_43 : vector<1x16xf32> to vector<16xf32>
    %swap3A_45 = vector.shape_cast %broadcast_in_dim3A_39 : vector<16xf32> to vector<1x16xf32>
    tpu.vector_store %arg8[%swap3A_41, %swap3A_42], %swap3A_45 {strides = array<i32>} : memref<128x16xf32, #tpu.memory_space<vmem>>, vector<1x16xf32>,
    %broadcast_in_dim3A_46 = arith.constant 0.000000e+00 : f32
    %broadcast_in_dim3A_47 = vector.broadcast %broadcast_in_dim3A_46 : f32 to vector<16xf32>
    %swap3A_48 = arith.constant 5 : i32
    %swap3A_49 = arith.index_cast %swap3A_48 : i32 to index
    %swap3A_50 = arith.constant 0 : index
    %swap3A_51 = tpu.vector_load %arg8[%swap3A_49, %swap3A_50] {strides = array<i32>} : memref<128x16xf32, #tpu.memory_space<vmem>>, vector<1x16xf32>,
    %swap3A_52 = vector.shape_cast %swap3A_51 : vector<1x16xf32> to vector<16xf32>
    %swap3A_53 = vector.shape_cast %broadcast_in_dim3A_47 : vector<16xf32> to vector<1x16xf32>
    tpu.vector_store %arg8[%swap3A_49, %swap3A_50], %swap3A_53 {strides = array<i32>} : memref<128x16xf32, #tpu.memory_space<vmem>>, vector<1x16xf32>,
    %broadcast_in_dim3A_54 = arith.constant 0.000000e+00 : f32
    %broadcast_in_dim3A_55 = vector.broadcast %broadcast_in_dim3A_54 : f32 to vector<16xf32>
    %swap3A_56 = arith.constant 6 : i32
    %swap3A_57 = arith.index_cast %swap3A_56 : i32 to index
    %swap3A_58 = arith.constant 0 : index
    %swap3A_59 = tpu.vector_load %arg8[%swap3A_57, %swap3A_58] {strides = array<i32>} : memref<128x16xf32, #tpu.memory_space<vmem>>, vector<1x16xf32>,
    %swap3A_60 = vector.shape_cast %swap3A_59 : vector<1x16xf32> to vector<16xf32>
    %swap3A_61 = vector.shape_cast %broadcast_in_dim3A_55 : vector<16xf32> to vector<1x16xf32>
    tpu.vector_store %arg8[%swap3A_57, %swap3A_58], %swap3A_61 {strides = array<i32>} : memref<128x16xf32, #tpu.memory_space<vmem>>, vector<1x16xf32>,
    %broadcast_in_dim3A_62 = arith.constant 0.000000e+00 : f32
    %broadcast_in_dim3A_63 = vector.broadcast %broadcast_in_dim3A_62 : f32 to vector<16xf32>
    %swap3A_64 = arith.constant 7 : i32
    %swap3A_65 = arith.index_cast %swap3A_64 : i32 to index
    %swap3A_66 = arith.constant 0 : index
    %swap3A_67 = tpu.vector_load %arg8[%swap3A_65, %swap3A_66] {strides = array<i32>} : memref<128x16xf32, #tpu.memory_space<vmem>>, vector<1x16xf32>,
    %swap3A_68 = vector.shape_cast %swap3A_67 : vector<1x16xf32> to vector<16xf32>
    %swap3A_69 = vector.shape_cast %broadcast_in_dim3A_63 : vector<16xf32> to vector<1x16xf32>
    tpu.vector_store %arg8[%swap3A_65, %swap3A_66], %swap3A_69 {strides = array<i32>} : memref<128x16xf32, #tpu.memory_space<vmem>>, vector<1x16xf32>,
    %broadcast_in_dim3A_70 = arith.constant 0.000000e+00 : f32
    %broadcast_in_dim3A_71 = vector.broadcast %broadcast_in_dim3A_70 : f32 to vector<16xf32>
    %swap3A_72 = arith.constant 8 : i32
    %swap3A_73 = arith.index_cast %swap3A_72 : i32 to index
    %swap3A_74 = arith.constant 0 : index
    %swap3A_75 = tpu.vector_load %arg8[%swap3A_73, %swap3A_74] {strides = array<i32>} : memref<128x16xf32, #tpu.memory_space<vmem>>, vector<1x16xf32>,
    %swap3A_76 = vector.shape_cast %swap3A_75 : vector<1x16xf32> to vector<16xf32>
    %swap3A_77 = vector.shape_cast %broadcast_in_dim3A_71 : vector<16xf32> to vector<1x16xf32>
    tpu.vector_store %arg8[%swap3A_73, %swap3A_74], %swap3A_77 {strides = array<i32>} : memref<128x16xf32, #tpu.memory_space<vmem>>, vector<1x16xf32>,
    %broadcast_in_dim3A_78 = arith.constant 0.000000e+00 : f32
    %broadcast_in_dim3A_79 = vector.broadcast %broadcast_in_dim3A_78 : f32 to vector<16xf32>
    %swap3A_80 = arith.constant 9 : i32
    %swap3A_81 = arith.index_cast %swap3A_80 : i32 to index
    %swap3A_82 = arith.constant 0 : index
    %swap3A_83 = tpu.vector_load %arg8[%swap3A_81, %swap3A_82] {strides = array<i32>} : memref<128x16xf32, #tpu.memory_space<vmem>>, vector<1x16xf32>,
    %swap3A_84 = vector.shape_cast %swap3A_83 : vector<1x16xf32> to vector<16xf32>
    %swap3A_85 = vector.shape_cast %broadcast_in_dim3A_79 : vector<16xf32> to vector<1x16xf32>
    tpu.vector_store %arg8[%swap3A_81, %swap3A_82], %swap3A_85 {strides = array<i32>} : memref<128x16xf32, #tpu.memory_space<vmem>>, vector<1x16xf32>,
    %broadcast_in_dim3A_86 = arith.constant 0.000000e+00 : f32
    %broadcast_in_dim3A_87 = vector.broadcast %broadcast_in_dim3A_86 : f32 to vector<16xf32>
    %swap3A_88 = arith.constant 10 : i32
    %swap3A_89 = arith.index_cast %swap3A_88 : i32 to index
    %swap3A_90 = arith.constant 0 : index
    %swap3A_91 = tpu.vector_load %arg8[%swap3A_89, %swap3A_90] {strides = array<i32>} : memref<128x16xf32, #tpu.memory_space<vmem>>, vector<1x16xf32>,
    %swap3A_92 = vector.shape_cast %swap3A_91 : vector<1x16xf32> to vector<16xf32>
    %swap3A_93 = vector.shape_cast %broadcast_in_dim3A_87 : vector<16xf32> to vector<1x16xf32>
    tpu.vector_store %arg8[%swap3A_89, %swap3A_90], %swap3A_93 {strides = array<i32>} : memref<128x16xf32, #tpu.memory_space<vmem>>, vector<1x16xf32>,
    %broadcast_in_dim3A_94 = arith.constant 0.000000e+00 : f32
    %broadcast_in_dim3A_95 = vector.broadcast %broadcast_in_dim3A_94 : f32 to vector<16xf32>
    %swap3A_96 = arith.constant 11 : i32
    %swap3A_97 = arith.index_cast %swap3A_96 : i32 to index
    %swap3A_98 = arith.constant 0 : index
    %swap3A_99 = tpu.vector_load %arg8[%swap3A_97, %swap3A_98] {strides = array<i32>} : memref<128x16xf32, #tpu.memory_space<vmem>>, vector<1x16xf32>,
    %swap3A_100 = vector.shape_cast %swap3A_99 : vector<1x16xf32> to vector<16xf32>
    %swap3A_101 = vector.shape_cast %broadcast_in_dim3A_95 : vector<16xf32> to vector<1x16xf32>
    tpu.vector_store %arg8[%swap3A_97, %swap3A_98], %swap3A_101 {strides = array<i32>} : memref<128x16xf32, #tpu.memory_space<vmem>>, vector<1x16xf32>,
    %broadcast_in_dim3A_102 = arith.constant 0.000000e+00 : f32
    %broadcast_in_dim3A_103 = vector.broadcast %broadcast_in_dim3A_102 : f32 to vector<16xf32>
    %swap3A_104 = arith.constant 12 : i32
    %swap3A_105 = arith.index_cast %swap3A_104 : i32 to index
    %swap3A_106 = arith.constant 0 : index
    %swap3A_107 = tpu.vector_load %arg8[%swap3A_105, %swap3A_106] {strides = array<i32>} : memref<128x16xf32, #tpu.memory_space<vmem>>, vector<1x16xf32>,
    %swap3A_108 = vector.shape_cast %swap3A_107 : vector<1x16xf32> to vector<16xf32>
    %swap3A_109 = vector.shape_cast %broadcast_in_dim3A_103 : vector<16xf32> to vector<1x16xf32>
    tpu.vector_store %arg8[%swap3A_105, %swap3A_106], %swap3A_109 {strides = array<i32>} : memref<128x16xf32, #tpu.memory_space<vmem>>, vector<1x16xf32>,
    %broadcast_in_dim3A_110 = arith.constant 0.000000e+00 : f32
    %broadcast_in_dim3A_111 = vector.broadcast %broadcast_in_dim3A_110 : f32 to vector<16xf32>
    %swap3A_112 = arith.constant 13 : i32
    %swap3A_113 = arith.index_cast %swap3A_112 : i32 to index
    %swap3A_114 = arith.constant 0 : index
    %swap3A_115 = tpu.vector_load %arg8[%swap3A_113, %swap3A_114] {strides = array<i32>} : memref<128x16xf32, #tpu.memory_space<vmem>>, vector<1x16xf32>,
    %swap3A_116 = vector.shape_cast %swap3A_115 : vector<1x16xf32> to vector<16xf32>
    %swap3A_117 = vector.shape_cast %broadcast_in_dim3A_111 : vector<16xf32> to vector<1x16xf32>
    tpu.vector_store %arg8[%swap3A_113, %swap3A_114], %swap3A_117 {strides = array<i32>} : memref<128x16xf32, #tpu.memory_space<vmem>>, vector<1x16xf32>,
    %broadcast_in_dim3A_118 = arith.constant 0.000000e+00 : f32
    %broadcast_in_dim3A_119 = vector.broadcast %broadcast_in_dim3A_118 : f32 to vector<16xf32>
    %swap3A_120 = arith.constant 14 : i32
    %swap3A_121 = arith.index_cast %swap3A_120 : i32 to index
    %swap3A_122 = arith.constant 0 : index
    %swap3A_123 = tpu.vector_load %arg8[%swap3A_121, %swap3A_122] {strides = array<i32>} : memref<128x16xf32, #tpu.memory_space<vmem>>, vector<1x16xf32>,
    %swap3A_124 = vector.shape_cast %swap3A_123 : vector<1x16xf32> to vector<16xf32>
    %swap3A_125 = vector.shape_cast %broadcast_in_dim3A_119 : vector<16xf32> to vector<1x16xf32>
    tpu.vector_store %arg8[%swap3A_121, %swap3A_122], %swap3A_125 {strides = array<i32>} : memref<128x16xf32, #tpu.memory_space<vmem>>, vector<1x16xf32>,
    %broadcast_in_dim3A_126 = arith.constant 0.000000e+00 : f32
    %broadcast_in_dim3A_127 = vector.broadcast %broadcast_in_dim3A_126 : f32 to vector<16xf32>
    %swap3A_128 = arith.constant 15 : i32
    %swap3A_129 = arith.index_cast %swap3A_128 : i32 to index
    %swap3A_130 = arith.constant 0 : index
    %swap3A_131 = tpu.vector_load %arg8[%swap3A_129, %swap3A_130] {strides = array<i32>} : memref<128x16xf32, #tpu.memory_space<vmem>>, vector<1x16xf32>,
    %swap3A_132 = vector.shape_cast %swap3A_131 : vector<1x16xf32> to vector<16xf32>
    %swap3A_133 = vector.shape_cast %broadcast_in_dim3A_127 : vector<16xf32> to vector<1x16xf32>
    tpu.vector_store %arg8[%swap3A_129, %swap3A_130], %swap3A_133 {strides = array<i32>} : memref<128x16xf32, #tpu.memory_space<vmem>>, vector<1x16xf32>,
    %broadcast_in_dim3A_134 = arith.constant 0.000000e+00 : f32
    %broadcast_in_dim3A_135 = vector.broadcast %broadcast_in_dim3A_134 : f32 to vector<16xf32>
    %swap3A_136 = arith.constant 16 : i32
    %swap3A_137 = arith.index_cast %swap3A_136 : i32 to index
    %swap3A_138 = arith.constant 0 : index
    %swap3A_139 = tpu.vector_load %arg8[%swap3A_137, %swap3A_138] {strides = array<i32>} : memref<128x16xf32, #tpu.memory_space<vmem>>, vector<1x16xf32>,
    %swap3A_140 = vector.shape_cast %swap3A_139 : vector<1x16xf32> to vector<16xf32>
    %swap3A_141 = vector.shape_cast %broadcast_in_dim3A_135 : vector<16xf32> to vector<1x16xf32>
    tpu.vector_store %arg8[%swap3A_137, %swap3A_138], %swap3A_141 {strides = array<i32>} : memref<128x16xf32, #tpu.memory_space<vmem>>, vector<1x16xf32>,
    %broadcast_in_dim3A_142 = arith.constant 0.000000e+00 : f32
    %broadcast_in_dim3A_143 = vector.broadcast %broadcast_in_dim3A_142 : f32 to vector<16xf32>
    %swap3A_144 = arith.constant 17 : i32
    %swap3A_145 = arith.index_cast %swap3A_144 : i32 to index
    %swap3A_146 = arith.constant 0 : index
    %swap3A_147 = tpu.vector_load %arg8[%swap3A_145, %swap3A_146] {strides = array<i32>} : memref<128x16xf32, #tpu.memory_space<vmem>>, vector<1x16xf32>,
    %swap3A_148 = vector.shape_cast %swap3A_147 : vector<1x16xf32> to vector<16xf32>
    %swap3A_149 = vector.shape_cast %broadcast_in_dim3A_143 : vector<16xf32> to vector<1x16xf32>
    tpu.vector_store %arg8[%swap3A_145, %swap3A_146], %swap3A_149 {strides = array<i32>} : memref<128x16xf32, #tpu.memory_space<vmem>>, vector<1x16xf32>,
    %broadcast_in_dim3A_150 = arith.constant 0.000000e+00 : f32
    %broadcast_in_dim3A_151 = vector.broadcast %broadcast_in_dim3A_150 : f32 to vector<16xf32>
    %swap3A_152 = arith.constant 18 : i32
    %swap3A_153 = arith.index_cast %swap3A_152 : i32 to index
    %swap3A_154 = arith.constant 0 : index
    %swap3A_155 = tpu.vector_load %arg8[%swap3A_153, %swap3A_154] {strides = array<i32>} : memref<128x16xf32, #tpu.memory_space<vmem>>, vector<1x16xf32>,
    %swap3A_156 = vector.shape_cast %swap3A_155 : vector<1x16xf32> to vector<16xf32>
    %swap3A_157 = vector.shape_cast %broadcast_in_dim3A_151 : vector<16xf32> to vector<1x16xf32>
    tpu.vector_store %arg8[%swap3A_153, %swap3A_154], %swap3A_157 {strides = array<i32>} : memref<128x16xf32, #tpu.memory_space<vmem>>, vector<1x16xf32>,
    %broadcast_in_dim3A_158 = arith.constant 0.000000e+00 : f32
    %broadcast_in_dim3A_159 = vector.broadcast %broadcast_in_dim3A_158 : f32 to vector<16xf32>
    %swap3A_160 = arith.constant 19 : i32
    %swap3A_161 = arith.index_cast %swap3A_160 : i32 to index
    %swap3A_162 = arith.constant 0 : index
    %swap3A_163 = tpu.vector_load %arg8[%swap3A_161, %swap3A_162] {strides = array<i32>} : memref<128x16xf32, #tpu.memory_space<vmem>>, vector<1x16xf32>,
    %swap3A_164 = vector.shape_cast %swap3A_163 : vector<1x16xf32> to vector<16xf32>
    %swap3A_165 = vector.shape_cast %broadcast_in_dim3A_159 : vector<16xf32> to vector<1x16xf32>
    tpu.vector_store %arg8[%swap3A_161, %swap3A_162], %swap3A_165 {strides = array<i32>} : memref<128x16xf32, #tpu.memory_space<vmem>>, vector<1x16xf32>,
    %broadcast_in_dim3A_166 = arith.constant 0.000000e+00 : f32
    %broadcast_in_dim3A_167 = vector.broadcast %broadcast_in_dim3A_166 : f32 to vector<16xf32>
    %swap3A_168 = arith.constant 20 : i32
    %swap3A_169 = arith.index_cast %swap3A_168 : i32 to index
    %swap3A_170 = arith.constant 0 : index
    %swap3A_171 = tpu.vector_load %arg8[%swap3A_169, %swap3A_170] {strides = array<i32>} : memref<128x16xf32, #tpu.memory_space<vmem>>, vector<1x16xf32>,
    %swap3A_172 = vector.shape_cast %swap3A_171 : vector<1x16xf32> to vector<16xf32>
    %swap3A_173 = vector.shape_cast %broadcast_in_dim3A_167 : vector<16xf32> to vector<1x16xf32>
    tpu.vector_store %arg8[%swap3A_169, %swap3A_170], %swap3A_173 {strides = array<i32>} : memref<128x16xf32, #tpu.memory_space<vmem>>, vector<1x16xf32>,
    %broadcast_in_dim3A_174 = arith.constant 0.000000e+00 : f32
    %broadcast_in_dim3A_175 = vector.broadcast %broadcast_in_dim3A_174 : f32 to vector<16xf32>
    %swap3A_176 = arith.constant 21 : i32
    %swap3A_177 = arith.index_cast %swap3A_176 : i32 to index
    %swap3A_178 = arith.constant 0 : index
    %swap3A_179 = tpu.vector_load %arg8[%swap3A_177, %swap3A_178] {strides = array<i32>} : memref<128x16xf32, #tpu.memory_space<vmem>>, vector<1x16xf32>,
    %swap3A_180 = vector.shape_cast %swap3A_179 : vector<1x16xf32> to vector<16xf32>
    %swap3A_181 = vector.shape_cast %broadcast_in_dim3A_175 : vector<16xf32> to vector<1x16xf32>
    tpu.vector_store %arg8[%swap3A_177, %swap3A_178], %swap3A_181 {strides = array<i32>} : memref<128x16xf32, #tpu.memory_space<vmem>>, vector<1x16xf32>,
    %broadcast_in_dim3A_182 = arith.constant 0.000000e+00 : f32
    %broadcast_in_dim3A_183 = vector.broadcast %broadcast_in_dim3A_182 : f32 to vector<16xf32>
    %swap3A_184 = arith.constant 22 : i32
    %swap3A_185 = arith.index_cast %swap3A_184 : i32 to index
    %swap3A_186 = arith.constant 0 : index
    %swap3A_187 = tpu.vector_load %arg8[%swap3A_185, %swap3A_186] {strides = array<i32>} : memref<128x16xf32, #tpu.memory_space<vmem>>, vector<1x16xf32>,
    %swap3A_188 = vector.shape_cast %swap3A_187 : vector<1x16xf32> to vector<16xf32>
    %swap3A_189 = vector.shape_cast %broadcast_in_dim3A_183 : vector<16xf32> to vector<1x16xf32>
    tpu.vector_store %arg8[%swap3A_185, %swap3A_186], %swap3A_189 {strides = array<i32>} : memref<128x16xf32, #tpu.memory_space<vmem>>, vector<1x16xf32>,
    %broadcast_in_dim3A_190 = arith.constant 0.000000e+00 : f32
    %broadcast_in_dim3A_191 = vector.broadcast %broadcast_in_dim3A_190 : f32 to vector<16xf32>
    %swap3A_192 = arith.constant 23 : i32
    %swap3A_193 = arith.index_cast %swap3A_192 : i32 to index
    %swap3A_194 = arith.constant 0 : index
    %swap3A_195 = tpu.vector_load %arg8[%swap3A_193, %swap3A_194] {strides = array<i32>} : memref<128x16xf32, #tpu.memory_space<vmem>>, vector<1x16xf32>,
    %swap3A_196 = vector.shape_cast %swap3A_195 : vector<1x16xf32> to vector<16xf32>
    %swap3A_197 = vector.shape_cast %broadcast_in_dim3A_191 : vector<16xf32> to vector<1x16xf32>
    tpu.vector_store %arg8[%swap3A_193, %swap3A_194], %swap3A_197 {strides = array<i32>} : memref<128x16xf32, #tpu.memory_space<vmem>>, vector<1x16xf32>,
    %broadcast_in_dim3A_198 = arith.constant 0.000000e+00 : f32
    %broadcast_in_dim3A_199 = vector.broadcast %broadcast_in_dim3A_198 : f32 to vector<16xf32>
    %swap3A_200 = arith.constant 24 : i32
    %swap3A_201 = arith.index_cast %swap3A_200 : i32 to index
    %swap3A_202 = arith.constant 0 : index
    %swap3A_203 = tpu.vector_load %arg8[%swap3A_201, %swap3A_202] {strides = array<i32>} : memref<128x16xf32, #tpu.memory_space<vmem>>, vector<1x16xf32>,
    %swap3A_204 = vector.shape_cast %swap3A_203 : vector<1x16xf32> to vector<16xf32>
    %swap3A_205 = vector.shape_cast %broadcast_in_dim3A_199 : vector<16xf32> to vector<1x16xf32>
    tpu.vector_store %arg8[%swap3A_201, %swap3A_202], %swap3A_205 {strides = array<i32>} : memref<128x16xf32, #tpu.memory_space<vmem>>, vector<1x16xf32>,
    %broadcast_in_dim3A_206 = arith.constant 0.000000e+00 : f32
    %broadcast_in_dim3A_207 = vector.broadcast %broadcast_in_dim3A_206 : f32 to vector<16xf32>
    %swap3A_208 = arith.constant 25 : i32
    %swap3A_209 = arith.index_cast %swap3A_208 : i32 to index
    %swap3A_210 = arith.constant 0 : index
    %swap3A_211 = tpu.vector_load %arg8[%swap3A_209, %swap3A_210] {strides = array<i32>} : memref<128x16xf32, #tpu.memory_space<vmem>>, vector<1x16xf32>,
    %swap3A_212 = vector.shape_cast %swap3A_211 : vector<1x16xf32> to vector<16xf32>
    %swap3A_213 = vector.shape_cast %broadcast_in_dim3A_207 : vector<16xf32> to vector<1x16xf32>
    tpu.vector_store %arg8[%swap3A_209, %swap3A_210], %swap3A_213 {strides = array<i32>} : memref<128x16xf32, #tpu.memory_space<vmem>>, vector<1x16xf32>,
    %broadcast_in_dim3A_214 = arith.constant 0.000000e+00 : f32
    %broadcast_in_dim3A_215 = vector.broadcast %broadcast_in_dim3A_214 : f32 to vector<16xf32>
    %swap3A_216 = arith.constant 26 : i32
    %swap3A_217 = arith.index_cast %swap3A_216 : i32 to index
    %swap3A_218 = arith.constant 0 : index
    %swap3A_219 = tpu.vector_load %arg8[%swap3A_217, %swap3A_218] {strides = array<i32>} : memref<128x16xf32, #tpu.memory_space<vmem>>, vector<1x16xf32>,
    %swap3A_220 = vector.shape_cast %swap3A_219 : vector<1x16xf32> to vector<16xf32>
    %swap3A_221 = vector.shape_cast %broadcast_in_dim3A_215 : vector<16xf32> to vector<1x16xf32>
    tpu.vector_store %arg8[%swap3A_217, %swap3A_218], %swap3A_221 {strides = array<i32>} : memref<128x16xf32, #tpu.memory_space<vmem>>, vector<1x16xf32>,
    %broadcast_in_dim3A_222 = arith.constant 0.000000e+00 : f32
    %broadcast_in_dim3A_223 = vector.broadcast %broadcast_in_dim3A_222 : f32 to vector<16xf32>
    %swap3A_224 = arith.constant 27 : i32
    %swap3A_225 = arith.index_cast %swap3A_224 : i32 to index
    %swap3A_226 = arith.constant 0 : index
    %swap3A_227 = tpu.vector_load %arg8[%swap3A_225, %swap3A_226] {strides = array<i32>} : memref<128x16xf32, #tpu.memory_space<vmem>>, vector<1x16xf32>,
    %swap3A_228 = vector.shape_cast %swap3A_227 : vector<1x16xf32> to vector<16xf32>
    %swap3A_229 = vector.shape_cast %broadcast_in_dim3A_223 : vector<16xf32> to vector<1x16xf32>
    tpu.vector_store %arg8[%swap3A_225, %swap3A_226], %swap3A_229 {strides = array<i32>} : memref<128x16xf32, #tpu.memory_space<vmem>>, vector<1x16xf32>,
    %broadcast_in_dim3A_230 = arith.constant 0.000000e+00 : f32
    %broadcast_in_dim3A_231 = vector.broadcast %broadcast_in_dim3A_230 : f32 to vector<16xf32>
    %swap3A_232 = arith.constant 28 : i32
    %swap3A_233 = arith.index_cast %swap3A_232 : i32 to index
    %swap3A_234 = arith.constant 0 : index
    %swap3A_235 = tpu.vector_load %arg8[%swap3A_233, %swap3A_234] {strides = array<i32>} : memref<128x16xf32, #tpu.memory_space<vmem>>, vector<1x16xf32>,
    %swap3A_236 = vector.shape_cast %swap3A_235 : vector<1x16xf32> to vector<16xf32>
    %swap3A_237 = vector.shape_cast %broadcast_in_dim3A_231 : vector<16xf32> to vector<1x16xf32>
    tpu.vector_store %arg8[%swap3A_233, %swap3A_234], %swap3A_237 {strides = array<i32>} : memref<128x16xf32, #tpu.memory_space<vmem>>, vector<1x16xf32>,
    %broadcast_in_dim3A_238 = arith.constant 0.000000e+00 : f32
    %broadcast_in_dim3A_239 = vector.broadcast %broadcast_in_dim3A_238 : f32 to vector<16xf32>
    %swap3A_240 = arith.constant 29 : i32
    %swap3A_241 = arith.index_cast %swap3A_240 : i32 to index
    %swap3A_242 = arith.constant 0 : index
    %swap3A_243 = tpu.vector_load %arg8[%swap3A_241, %swap3A_242] {strides = array<i32>} : memref<128x16xf32, #tpu.memory_space<vmem>>, vector<1x16xf32>,
    %swap3A_244 = vector.shape_cast %swap3A_243 : vector<1x16xf32> to vector<16xf32>
    %swap3A_245 = vector.shape_cast %broadcast_in_dim3A_239 : vector<16xf32> to vector<1x16xf32>
    tpu.vector_store %arg8[%swap3A_241, %swap3A_242], %swap3A_245 {strides = array<i32>} : memref<128x16xf32, #tpu.memory_space<vmem>>, vector<1x16xf32>,
    %broadcast_in_dim3A_246 = arith.constant 0.000000e+00 : f32
    %broadcast_in_dim3A_247 = vector.broadcast %broadcast_in_dim3A_246 : f32 to vector<16xf32>
    %swap3A_248 = arith.constant 30 : i32
    %swap3A_249 = arith.index_cast %swap3A_248 : i32 to index
    %swap3A_250 = arith.constant 0 : index
    %swap3A_251 = tpu.vector_load %arg8[%swap3A_249, %swap3A_250] {strides = array<i32>} : memref<128x16xf32, #tpu.memory_space<vmem>>, vector<1x16xf32>,
    %swap3A_252 = vector.shape_cast %swap3A_251 : vector<1x16xf32> to vector<16xf32>
    %swap3A_253 = vector.shape_cast %broadcast_in_dim3A_247 : vector<16xf32> to vector<1x16xf32>
    tpu.vector_store %arg8[%swap3A_249, %swap3A_250], %swap3A_253 {strides = array<i32>} : memref<128x16xf32, #tpu.memory_space<vmem>>, vector<1x16xf32>,
    %broadcast_in_dim3A_254 = arith.constant 0.000000e+00 : f32
    %broadcast_in_dim3A_255 = vector.broadcast %broadcast_in_dim3A_254 : f32 to vector<16xf32>
    %swap3A_256 = arith.constant 31 : i32
    %swap3A_257 = arith.index_cast %swap3A_256 : i32 to index
    %swap3A_258 = arith.constant 0 : index
    %swap3A_259 = tpu.vector_load %arg8[%swap3A_257, %swap3A_258] {strides = array<i32>} : memref<128x16xf32, #tpu.memory_space<vmem>>, vector<1x16xf32>,
    %swap3A_260 = vector.shape_cast %swap3A_259 : vector<1x16xf32> to vector<16xf32>
    %swap3A_261 = vector.shape_cast %broadcast_in_dim3A_255 : vector<16xf32> to vector<1x16xf32>
    tpu.vector_store %arg8[%swap3A_257, %swap3A_258], %swap3A_261 {strides = array<i32>} : memref<128x16xf32, #tpu.memory_space<vmem>>, vector<1x16xf32>,
    %broadcast_in_dim3A_262 = arith.constant 0.000000e+00 : f32
    %broadcast_in_dim3A_263 = vector.broadcast %broadcast_in_dim3A_262 : f32 to vector<16xf32>
    %swap3A_264 = arith.constant 32 : i32
    %swap3A_265 = arith.index_cast %swap3A_264 : i32 to index
    %swap3A_266 = arith.constant 0 : index
    %swap3A_267 = tpu.vector_load %arg8[%swap3A_265, %swap3A_266] {strides = array<i32>} : memref<128x16xf32, #tpu.memory_space<vmem>>, vector<1x16xf32>,
    %swap3A_268 = vector.shape_cast %swap3A_267 : vector<1x16xf32> to vector<16xf32>
    %swap3A_269 = vector.shape_cast %broadcast_in_dim3A_263 : vector<16xf32> to vector<1x16xf32>
    tpu.vector_store %arg8[%swap3A_265, %swap3A_266], %swap3A_269 {strides = array<i32>} : memref<128x16xf32, #tpu.memory_space<vmem>>, vector<1x16xf32>,
    %broadcast_in_dim3A_270 = arith.constant 0.000000e+00 : f32
    %broadcast_in_dim3A_271 = vector.broadcast %broadcast_in_dim3A_270 : f32 to vector<16xf32>
    %swap3A_272 = arith.constant 33 : i32
    %swap3A_273 = arith.index_cast %swap3A_272 : i32 to index
    %swap3A_274 = arith.constant 0 : index
    %swap3A_275 = tpu.vector_load %arg8[%swap3A_273, %swap3A_274] {strides = array<i32>} : memref<128x16xf32, #tpu.memory_space<vmem>>, vector<1x16xf32>,
    %swap3A_276 = vector.shape_cast %swap3A_275 : vector<1x16xf32> to vector<16xf32>
    %swap3A_277 = vector.shape_cast %broadcast_in_dim3A_271 : vector<16xf32> to vector<1x16xf32>
    tpu.vector_store %arg8[%swap3A_273, %swap3A_274], %swap3A_277 {strides = array<i32>} : memref<128x16xf32, #tpu.memory_space<vmem>>, vector<1x16xf32>,
    %broadcast_in_dim3A_278 = arith.constant 0.000000e+00 : f32
    %broadcast_in_dim3A_279 = vector.broadcast %broadcast_in_dim3A_278 : f32 to vector<16xf32>
    %swap3A_280 = arith.constant 34 : i32
    %swap3A_281 = arith.index_cast %swap3A_280 : i32 to index
    %swap3A_282 = arith.constant 0 : index
    %swap3A_283 = tpu.vector_load %arg8[%swap3A_281, %swap3A_282] {strides = array<i32>} : memref<128x16xf32, #tpu.memory_space<vmem>>, vector<1x16xf32>,
    %swap3A_284 = vector.shape_cast %swap3A_283 : vector<1x16xf32> to vector<16xf32>
    %swap3A_285 = vector.shape_cast %broadcast_in_dim3A_279 : vector<16xf32> to vector<1x16xf32>
    tpu.vector_store %arg8[%swap3A_281, %swap3A_282], %swap3A_285 {strides = array<i32>} : memref<128x16xf32, #tpu.memory_space<vmem>>, vector<1x16xf32>,
    %broadcast_in_dim3A_286 = arith.constant 0.000000e+00 : f32
    %broadcast_in_dim3A_287 = vector.broadcast %broadcast_in_dim3A_286 : f32 to vector<16xf32>
    %swap3A_288 = arith.constant 35 : i32
    %swap3A_289 = arith.index_cast %swap3A_288 : i32 to index
    %swap3A_290 = arith.constant 0 : index
    %swap3A_291 = tpu.vector_load %arg8[%swap3A_289, %swap3A_290] {strides = array<i32>} : memref<128x16xf32, #tpu.memory_space<vmem>>, vector<1x16xf32>,
    %swap3A_292 = vector.shape_cast %swap3A_291 : vector<1x16xf32> to vector<16xf32>
    %swap3A_293 = vector.shape_cast %broadcast_in_dim3A_287 : vector<16xf32> to vector<1x16xf32>
    tpu.vector_store %arg8[%swap3A_289, %swap3A_290], %swap3A_293 {strides = array<i32>} : memref<128x16xf32, #tpu.memory_space<vmem>>, vector<1x16xf32>,
    %broadcast_in_dim3A_294 = arith.constant 0.000000e+00 : f32
    %broadcast_in_dim3A_295 = vector.broadcast %broadcast_in_dim3A_294 : f32 to vector<16xf32>
    %swap3A_296 = arith.constant 36 : i32
    %swap3A_297 = arith.index_cast %swap3A_296 : i32 to index
    %swap3A_298 = arith.constant 0 : index
    %swap3A_299 = tpu.vector_load %arg8[%swap3A_297, %swap3A_298] {strides = array<i32>} : memref<128x16xf32, #tpu.memory_space<vmem>>, vector<1x16xf32>,
    %swap3A_300 = vector.shape_cast %swap3A_299 : vector<1x16xf32> to vector<16xf32>
    %swap3A_301 = vector.shape_cast %broadcast_in_dim3A_295 : vector<16xf32> to vector<1x16xf32>
    tpu.vector_store %arg8[%swap3A_297, %swap3A_298], %swap3A_301 {strides = array<i32>} : memref<128x16xf32, #tpu.memory_space<vmem>>, vector<1x16xf32>,
    %broadcast_in_dim3A_302 = arith.constant 0.000000e+00 : f32
    %broadcast_in_dim3A_303 = vector.broadcast %broadcast_in_dim3A_302 : f32 to vector<16xf32>
    %swap3A_304 = arith.constant 37 : i32
    %swap3A_305 = arith.index_cast %swap3A_304 : i32 to index
    %swap3A_306 = arith.constant 0 : index
    %swap3A_307 = tpu.vector_load %arg8[%swap3A_305, %swap3A_306] {strides = array<i32>} : memref<128x16xf32, #tpu.memory_space<vmem>>, vector<1x16xf32>,
    %swap3A_308 = vector.shape_cast %swap3A_307 : vector<1x16xf32> to vector<16xf32>
    %swap3A_309 = vector.shape_cast %broadcast_in_dim3A_303 : vector<16xf32> to vector<1x16xf32>
    tpu.vector_store %arg8[%swap3A_305, %swap3A_306], %swap3A_309 {strides = array<i32>} : memref<128x16xf32, #tpu.memory_space<vmem>>, vector<1x16xf32>,
    %broadcast_in_dim3A_310 = arith.constant 0.000000e+00 : f32
    %broadcast_in_dim3A_311 = vector.broadcast %broadcast_in_dim3A_310 : f32 to vector<16xf32>
    %swap3A_312 = arith.constant 38 : i32
    %swap3A_313 = arith.index_cast %swap3A_312 : i32 to index
    %swap3A_314 = arith.constant 0 : index
    %swap3A_315 = tpu.vector_load %arg8[%swap3A_313, %swap3A_314] {strides = array<i32>} : memref<128x16xf32, #tpu.memory_space<vmem>>, vector<1x16xf32>,
    %swap3A_316 = vector.shape_cast %swap3A_315 : vector<1x16xf32> to vector<16xf32>
    %swap3A_317 = vector.shape_cast %broadcast_in_dim3A_311 : vector<16xf32> to vector<1x16xf32>
    tpu.vector_store %arg8[%swap3A_313, %swap3A_314], %swap3A_317 {strides = array<i32>} : memref<128x16xf32, #tpu.memory_space<vmem>>, vector<1x16xf32>,
    %broadcast_in_dim3A_318 = arith.constant 0.000000e+00 : f32
    %broadcast_in_dim3A_319 = vector.broadcast %broadcast_in_dim3A_318 : f32 to vector<16xf32>
    %swap3A_320 = arith.constant 39 : i32
    %swap3A_321 = arith.index_cast %swap3A_320 : i32 to index
    %swap3A_322 = arith.constant 0 : index
    %swap3A_323 = tpu.vector_load %arg8[%swap3A_321, %swap3A_322] {strides = array<i32>} : memref<128x16xf32, #tpu.memory_space<vmem>>, vector<1x16xf32>,
    %swap3A_324 = vector.shape_cast %swap3A_323 : vector<1x16xf32> to vector<16xf32>
    %swap3A_325 = vector.shape_cast %broadcast_in_dim3A_319 : vector<16xf32> to vector<1x16xf32>
    tpu.vector_store %arg8[%swap3A_321, %swap3A_322], %swap3A_325 {strides = array<i32>} : memref<128x16xf32, #tpu.memory_space<vmem>>, vector<1x16xf32>,
    %broadcast_in_dim3A_326 = arith.constant 0.000000e+00 : f32
    %broadcast_in_dim3A_327 = vector.broadcast %broadcast_in_dim3A_326 : f32 to vector<16xf32>
    %swap3A_328 = arith.constant 40 : i32
    %swap3A_329 = arith.index_cast %swap3A_328 : i32 to index
    %swap3A_330 = arith.constant 0 : index
    %swap3A_331 = tpu.vector_load %arg8[%swap3A_329, %swap3A_330] {strides = array<i32>} : memref<128x16xf32, #tpu.memory_space<vmem>>, vector<1x16xf32>,
    %swap3A_332 = vector.shape_cast %swap3A_331 : vector<1x16xf32> to vector<16xf32>
    %swap3A_333 = vector.shape_cast %broadcast_in_dim3A_327 : vector<16xf32> to vector<1x16xf32>
    tpu.vector_store %arg8[%swap3A_329, %swap3A_330], %swap3A_333 {strides = array<i32>} : memref<128x16xf32, #tpu.memory_space<vmem>>, vector<1x16xf32>,
    %broadcast_in_dim3A_334 = arith.constant 0.000000e+00 : f32
    %broadcast_in_dim3A_335 = vector.broadcast %broadcast_in_dim3A_334 : f32 to vector<16xf32>
    %swap3A_336 = arith.constant 41 : i32
    %swap3A_337 = arith.index_cast %swap3A_336 : i32 to index
    %swap3A_338 = arith.constant 0 : index
    %swap3A_339 = tpu.vector_load %arg8[%swap3A_337, %swap3A_338] {strides = array<i32>} : memref<128x16xf32, #tpu.memory_space<vmem>>, vector<1x16xf32>,
    %swap3A_340 = vector.shape_cast %swap3A_339 : vector<1x16xf32> to vector<16xf32>
    %swap3A_341 = vector.shape_cast %broadcast_in_dim3A_335 : vector<16xf32> to vector<1x16xf32>
    tpu.vector_store %arg8[%swap3A_337, %swap3A_338], %swap3A_341 {strides = array<i32>} : memref<128x16xf32, #tpu.memory_space<vmem>>, vector<1x16xf32>,
    %broadcast_in_dim3A_342 = arith.constant 0.000000e+00 : f32
    %broadcast_in_dim3A_343 = vector.broadcast %broadcast_in_dim3A_342 : f32 to vector<16xf32>
    %swap3A_344 = arith.constant 42 : i32
    %swap3A_345 = arith.index_cast %swap3A_344 : i32 to index
    %swap3A_346 = arith.constant 0 : index
    %swap3A_347 = tpu.vector_load %arg8[%swap3A_345, %swap3A_346] {strides = array<i32>} : memref<128x16xf32, #tpu.memory_space<vmem>>, vector<1x16xf32>,
    %swap3A_348 = vector.shape_cast %swap3A_347 : vector<1x16xf32> to vector<16xf32>
    %swap3A_349 = vector.shape_cast %broadcast_in_dim3A_343 : vector<16xf32> to vector<1x16xf32>
    tpu.vector_store %arg8[%swap3A_345, %swap3A_346], %swap3A_349 {strides = array<i32>} : memref<128x16xf32, #tpu.memory_space<vmem>>, vector<1x16xf32>,
    %broadcast_in_dim3A_350 = arith.constant 0.000000e+00 : f32
    %broadcast_in_dim3A_351 = vector.broadcast %broadcast_in_dim3A_350 : f32 to vector<16xf32>
    %swap3A_352 = arith.constant 43 : i32
    %swap3A_353 = arith.index_cast %swap3A_352 : i32 to index
    %swap3A_354 = arith.constant 0 : index
    %swap3A_355 = tpu.vector_load %arg8[%swap3A_353, %swap3A_354] {strides = array<i32>} : memref<128x16xf32, #tpu.memory_space<vmem>>, vector<1x16xf32>,
    %swap3A_356 = vector.shape_cast %swap3A_355 : vector<1x16xf32> to vector<16xf32>
    %swap3A_357 = vector.shape_cast %broadcast_in_dim3A_351 : vector<16xf32> to vector<1x16xf32>
    tpu.vector_store %arg8[%swap3A_353, %swap3A_354], %swap3A_357 {strides = array<i32>} : memref<128x16xf32, #tpu.memory_space<vmem>>, vector<1x16xf32>,
    %broadcast_in_dim3A_358 = arith.constant 0.000000e+00 : f32
    %broadcast_in_dim3A_359 = vector.broadcast %broadcast_in_dim3A_358 : f32 to vector<16xf32>
    %swap3A_360 = arith.constant 44 : i32
    %swap3A_361 = arith.index_cast %swap3A_360 : i32 to index
    %swap3A_362 = arith.constant 0 : index
    %swap3A_363 = tpu.vector_load %arg8[%swap3A_361, %swap3A_362] {strides = array<i32>} : memref<128x16xf32, #tpu.memory_space<vmem>>, vector<1x16xf32>,
    %swap3A_364 = vector.shape_cast %swap3A_363 : vector<1x16xf32> to vector<16xf32>
    %swap3A_365 = vector.shape_cast %broadcast_in_dim3A_359 : vector<16xf32> to vector<1x16xf32>
    tpu.vector_store %arg8[%swap3A_361, %swap3A_362], %swap3A_365 {strides = array<i32>} : memref<128x16xf32, #tpu.memory_space<vmem>>, vector<1x16xf32>,
    %broadcast_in_dim3A_366 = arith.constant 0.000000e+00 : f32
    %broadcast_in_dim3A_367 = vector.broadcast %broadcast_in_dim3A_366 : f32 to vector<16xf32>
    %swap3A_368 = arith.constant 45 : i32
    %swap3A_369 = arith.index_cast %swap3A_368 : i32 to index
    %swap3A_370 = arith.constant 0 : index
    %swap3A_371 = tpu.vector_load %arg8[%swap3A_369, %swap3A_370] {strides = array<i32>} : memref<128x16xf32, #tpu.memory_space<vmem>>, vector<1x16xf32>,
    %swap3A_372 = vector.shape_cast %swap3A_371 : vector<1x16xf32> to vector<16xf32>
    %swap3A_373 = vector.shape_cast %broadcast_in_dim3A_367 : vector<16xf32> to vector<1x16xf32>
    tpu.vector_store %arg8[%swap3A_369, %swap3A_370], %swap3A_373 {strides = array<i32>} : memref<128x16xf32, #tpu.memory_space<vmem>>, vector<1x16xf32>,
    %broadcast_in_dim3A_374 = arith.constant 0.000000e+00 : f32
    %broadcast_in_dim3A_375 = vector.broadcast %broadcast_in_dim3A_374 : f32 to vector<16xf32>
    %swap3A_376 = arith.constant 46 : i32
    %swap3A_377 = arith.index_cast %swap3A_376 : i32 to index
    %swap3A_378 = arith.constant 0 : index
    %swap3A_379 = tpu.vector_load %arg8[%swap3A_377, %swap3A_378] {strides = array<i32>} : memref<128x16xf32, #tpu.memory_space<vmem>>, vector<1x16xf32>,
    %swap3A_380 = vector.shape_cast %swap3A_379 : vector<1x16xf32> to vector<16xf32>
    %swap3A_381 = vector.shape_cast %broadcast_in_dim3A_375 : vector<16xf32> to vector<1x16xf32>
    tpu.vector_store %arg8[%swap3A_377, %swap3A_378], %swap3A_381 {strides = array<i32>} : memref<128x16xf32, #tpu.memory_space<vmem>>, vector<1x16xf32>,
    %broadcast_in_dim3A_382 = arith.constant 0.000000e+00 : f32
    %broadcast_in_dim3A_383 = vector.broadcast %broadcast_in_dim3A_382 : f32 to vector<16xf32>
    %swap3A_384 = arith.constant 47 : i32
    %swap3A_385 = arith.index_cast %swap3A_384 : i32 to index
    %swap3A_386 = arith.constant 0 : index
    %swap3A_387 = tpu.vector_load %arg8[%swap3A_385, %swap3A_386] {strides = array<i32>} : memref<128x16xf32, #tpu.memory_space<vmem>>, vector<1x16xf32>,
    %swap3A_388 = vector.shape_cast %swap3A_387 : vector<1x16xf32> to vector<16xf32>
    %swap3A_389 = vector.shape_cast %broadcast_in_dim3A_383 : vector<16xf32> to vector<1x16xf32>
    tpu.vector_store %arg8[%swap3A_385, %swap3A_386], %swap3A_389 {strides = array<i32>} : memref<128x16xf32, #tpu.memory_space<vmem>>, vector<1x16xf32>,
    %broadcast_in_dim3A_390 = arith.constant 0.000000e+00 : f32
    %broadcast_in_dim3A_391 = vector.broadcast %broadcast_in_dim3A_390 : f32 to vector<16xf32>
    %swap3A_392 = arith.constant 48 : i32
    %swap3A_393 = arith.index_cast %swap3A_392 : i32 to index
    %swap3A_394 = arith.constant 0 : index
    %swap3A_395 = tpu.vector_load %arg8[%swap3A_393, %swap3A_394] {strides = array<i32>} : memref<128x16xf32, #tpu.memory_space<vmem>>, vector<1x16xf32>,
    %swap3A_396 = vector.shape_cast %swap3A_395 : vector<1x16xf32> to vector<16xf32>
    %swap3A_397 = vector.shape_cast %broadcast_in_dim3A_391 : vector<16xf32> to vector<1x16xf32>
    tpu.vector_store %arg8[%swap3A_393, %swap3A_394], %swap3A_397 {strides = array<i32>} : memref<128x16xf32, #tpu.memory_space<vmem>>, vector<1x16xf32>,
    %broadcast_in_dim3A_398 = arith.constant 0.000000e+00 : f32
    %broadcast_in_dim3A_399 = vector.broadcast %broadcast_in_dim3A_398 : f32 to vector<16xf32>
    %swap3A_400 = arith.constant 49 : i32
    %swap3A_401 = arith.index_cast %swap3A_400 : i32 to index
    %swap3A_402 = arith.constant 0 : index
    %swap3A_403 = tpu.vector_load %arg8[%swap3A_401, %swap3A_402] {strides = array<i32>} : memref<128x16xf32, #tpu.memory_space<vmem>>, vector<1x16xf32>,
    %swap3A_404 = vector.shape_cast %swap3A_403 : vector<1x16xf32> to vector<16xf32>
    %swap3A_405 = vector.shape_cast %broadcast_in_dim3A_399 : vector<16xf32> to vector<1x16xf32>
    tpu.vector_store %arg8[%swap3A_401, %swap3A_402], %swap3A_405 {strides = array<i32>} : memref<128x16xf32, #tpu.memory_space<vmem>>, vector<1x16xf32>,
    %broadcast_in_dim3A_406 = arith.constant 0.000000e+00 : f32
    %broadcast_in_dim3A_407 = vector.broadcast %broadcast_in_dim3A_406 : f32 to vector<16xf32>
    %swap3A_408 = arith.constant 50 : i32
    %swap3A_409 = arith.index_cast %swap3A_408 : i32 to index
    %swap3A_410 = arith.constant 0 : index
    %swap3A_411 = tpu.vector_load %arg8[%swap3A_409, %swap3A_410] {strides = array<i32>} : memref<128x16xf32, #tpu.memory_space<vmem>>, vector<1x16xf32>,
    %swap3A_412 = vector.shape_cast %swap3A_411 : vector<1x16xf32> to vector<16xf32>
    %swap3A_413 = vector.shape_cast %broadcast_in_dim3A_407 : vector<16xf32> to vector<1x16xf32>
    tpu.vector_store %arg8[%swap3A_409, %swap3A_410], %swap3A_413 {strides = array<i32>} : memref<128x16xf32, #tpu.memory_space<vmem>>, vector<1x16xf32>,
    %broadcast_in_dim3A_414 = arith.constant 0.000000e+00 : f32
    %broadcast_in_dim3A_415 = vector.broadcast %broadcast_in_dim3A_414 : f32 to vector<16xf32>
    %swap3A_416 = arith.constant 51 : i32
    %swap3A_417 = arith.index_cast %swap3A_416 : i32 to index
    %swap3A_418 = arith.constant 0 : index
    %swap3A_419 = tpu.vector_load %arg8[%swap3A_417, %swap3A_418] {strides = array<i32>} : memref<128x16xf32, #tpu.memory_space<vmem>>, vector<1x16xf32>,
    %swap3A_420 = vector.shape_cast %swap3A_419 : vector<1x16xf32> to vector<16xf32>
    %swap3A_421 = vector.shape_cast %broadcast_in_dim3A_415 : vector<16xf32> to vector<1x16xf32>
    tpu.vector_store %arg8[%swap3A_417, %swap3A_418], %swap3A_421 {strides = array<i32>} : memref<128x16xf32, #tpu.memory_space<vmem>>, vector<1x16xf32>,
    %broadcast_in_dim3A_422 = arith.constant 0.000000e+00 : f32
    %broadcast_in_dim3A_423 = vector.broadcast %broadcast_in_dim3A_422 : f32 to vector<16xf32>
    %swap3A_424 = arith.constant 52 : i32
    %swap3A_425 = arith.index_cast %swap3A_424 : i32 to index
    %swap3A_426 = arith.constant 0 : index
    %swap3A_427 = tpu.vector_load %arg8[%swap3A_425, %swap3A_426] {strides = array<i32>} : memref<128x16xf32, #tpu.memory_space<vmem>>, vector<1x16xf32>,
    %swap3A_428 = vector.shape_cast %swap3A_427 : vector<1x16xf32> to vector<16xf32>
    %swap3A_429 = vector.shape_cast %broadcast_in_dim3A_423 : vector<16xf32> to vector<1x16xf32>
    tpu.vector_store %arg8[%swap3A_425, %swap3A_426], %swap3A_429 {strides = array<i32>} : memref<128x16xf32, #tpu.memory_space<vmem>>, vector<1x16xf32>,
    %broadcast_in_dim3A_430 = arith.constant 0.000000e+00 : f32
    %broadcast_in_dim3A_431 = vector.broadcast %broadcast_in_dim3A_430 : f32 to vector<16xf32>
    %swap3A_432 = arith.constant 53 : i32
    %swap3A_433 = arith.index_cast %swap3A_432 : i32 to index
    %swap3A_434 = arith.constant 0 : index
    %swap3A_435 = tpu.vector_load %arg8[%swap3A_433, %swap3A_434] {strides = array<i32>} : memref<128x16xf32, #tpu.memory_space<vmem>>, vector<1x16xf32>,
    %swap3A_436 = vector.shape_cast %swap3A_435 : vector<1x16xf32> to vector<16xf32>
    %swap3A_437 = vector.shape_cast %broadcast_in_dim3A_431 : vector<16xf32> to vector<1x16xf32>
    tpu.vector_store %arg8[%swap3A_433, %swap3A_434], %swap3A_437 {strides = array<i32>} : memref<128x16xf32, #tpu.memory_space<vmem>>, vector<1x16xf32>,
    %broadcast_in_dim3A_438 = arith.constant 0.000000e+00 : f32
    %broadcast_in_dim3A_439 = vector.broadcast %broadcast_in_dim3A_438 : f32 to vector<16xf32>
    %swap3A_440 = arith.constant 54 : i32
    %swap3A_441 = arith.index_cast %swap3A_440 : i32 to index
    %swap3A_442 = arith.constant 0 : index
    %swap3A_443 = tpu.vector_load %arg8[%swap3A_441, %swap3A_442] {strides = array<i32>} : memref<128x16xf32, #tpu.memory_space<vmem>>, vector<1x16xf32>,
    %swap3A_444 = vector.shape_cast %swap3A_443 : vector<1x16xf32> to vector<16xf32>
    %swap3A_445 = vector.shape_cast %broadcast_in_dim3A_439 : vector<16xf32> to vector<1x16xf32>
    tpu.vector_store %arg8[%swap3A_441, %swap3A_442], %swap3A_445 {strides = array<i32>} : memref<128x16xf32, #tpu.memory_space<vmem>>, vector<1x16xf32>,
    %broadcast_in_dim3A_446 = arith.constant 0.000000e+00 : f32
    %broadcast_in_dim3A_447 = vector.broadcast %broadcast_in_dim3A_446 : f32 to vector<16xf32>
    %swap3A_448 = arith.constant 55 : i32
    %swap3A_449 = arith.index_cast %swap3A_448 : i32 to index
    %swap3A_450 = arith.constant 0 : index
    %swap3A_451 = tpu.vector_load %arg8[%swap3A_449, %swap3A_450] {strides = array<i32>} : memref<128x16xf32, #tpu.memory_space<vmem>>, vector<1x16xf32>,
    %swap3A_452 = vector.shape_cast %swap3A_451 : vector<1x16xf32> to vector<16xf32>
    %swap3A_453 = vector.shape_cast %broadcast_in_dim3A_447 : vector<16xf32> to vector<1x16xf32>
    tpu.vector_store %arg8[%swap3A_449, %swap3A_450], %swap3A_453 {strides = array<i32>} : memref<128x16xf32, #tpu.memory_space<vmem>>, vector<1x16xf32>,
    %broadcast_in_dim3A_454 = arith.constant 0.000000e+00 : f32
    %broadcast_in_dim3A_455 = vector.broadcast %broadcast_in_dim3A_454 : f32 to vector<16xf32>
    %swap3A_456 = arith.constant 56 : i32
    %swap3A_457 = arith.index_cast %swap3A_456 : i32 to index
    %swap3A_458 = arith.constant 0 : index
    %swap3A_459 = tpu.vector_load %arg8[%swap3A_457, %swap3A_458] {strides = array<i32>} : memref<128x16xf32, #tpu.memory_space<vmem>>, vector<1x16xf32>,
    %swap3A_460 = vector.shape_cast %swap3A_459 : vector<1x16xf32> to vector<16xf32>
    %swap3A_461 = vector.shape_cast %broadcast_in_dim3A_455 : vector<16xf32> to vector<1x16xf32>
    tpu.vector_store %arg8[%swap3A_457, %swap3A_458], %swap3A_461 {strides = array<i32>} : memref<128x16xf32, #tpu.memory_space<vmem>>, vector<1x16xf32>,
    %broadcast_in_dim3A_462 = arith.constant 0.000000e+00 : f32
    %broadcast_in_dim3A_463 = vector.broadcast %broadcast_in_dim3A_462 : f32 to vector<16xf32>
    %swap3A_464 = arith.constant 57 : i32
    %swap3A_465 = arith.index_cast %swap3A_464 : i32 to index
    %swap3A_466 = arith.constant 0 : index
    %swap3A_467 = tpu.vector_load %arg8[%swap3A_465, %swap3A_466] {strides = array<i32>} : memref<128x16xf32, #tpu.memory_space<vmem>>, vector<1x16xf32>,
    %swap3A_468 = vector.shape_cast %swap3A_467 : vector<1x16xf32> to vector<16xf32>
    %swap3A_469 = vector.shape_cast %broadcast_in_dim3A_463 : vector<16xf32> to vector<1x16xf32>
    tpu.vector_store %arg8[%swap3A_465, %swap3A_466], %swap3A_469 {strides = array<i32>} : memref<128x16xf32, #tpu.memory_space<vmem>>, vector<1x16xf32>,
    %broadcast_in_dim3A_470 = arith.constant 0.000000e+00 : f32
    %broadcast_in_dim3A_471 = vector.broadcast %broadcast_in_dim3A_470 : f32 to vector<16xf32>
    %swap3A_472 = arith.constant 58 : i32
    %swap3A_473 = arith.index_cast %swap3A_472 : i32 to index
    %swap3A_474 = arith.constant 0 : index
    %swap3A_475 = tpu.vector_load %arg8[%swap3A_473, %swap3A_474] {strides = array<i32>} : memref<128x16xf32, #tpu.memory_space<vmem>>, vector<1x16xf32>,
    %swap3A_476 = vector.shape_cast %swap3A_475 : vector<1x16xf32> to vector<16xf32>
    %swap3A_477 = vector.shape_cast %broadcast_in_dim3A_471 : vector<16xf32> to vector<1x16xf32>
    tpu.vector_store %arg8[%swap3A_473, %swap3A_474], %swap3A_477 {strides = array<i32>} : memref<128x16xf32, #tpu.memory_space<vmem>>, vector<1x16xf32>,
    %broadcast_in_dim3A_478 = arith.constant 0.000000e+00 : f32
    %broadcast_in_dim3A_479 = vector.broadcast %broadcast_in_dim3A_478 : f32 to vector<16xf32>
    %swap3A_480 = arith.constant 59 : i32
    %swap3A_481 = arith.index_cast %swap3A_480 : i32 to index
    %swap3A_482 = arith.constant 0 : index
    %swap3A_483 = tpu.vector_load %arg8[%swap3A_481, %swap3A_482] {strides = array<i32>} : memref<128x16xf32, #tpu.memory_space<vmem>>, vector<1x16xf32>,
    %swap3A_484 = vector.shape_cast %swap3A_483 : vector<1x16xf32> to vector<16xf32>
    %swap3A_485 = vector.shape_cast %broadcast_in_dim3A_479 : vector<16xf32> to vector<1x16xf32>
    tpu.vector_store %arg8[%swap3A_481, %swap3A_482], %swap3A_485 {strides = array<i32>} : memref<128x16xf32, #tpu.memory_space<vmem>>, vector<1x16xf32>,
    %broadcast_in_dim3A_486 = arith.constant 0.000000e+00 : f32
    %broadcast_in_dim3A_487 = vector.broadcast %broadcast_in_dim3A_486 : f32 to vector<16xf32>
    %swap3A_488 = arith.constant 60 : i32
    %swap3A_489 = arith.index_cast %swap3A_488 : i32 to index
    %swap3A_490 = arith.constant 0 : index
    %swap3A_491 = tpu.vector_load %arg8[%swap3A_489, %swap3A_490] {strides = array<i32>} : memref<128x16xf32, #tpu.memory_space<vmem>>, vector<1x16xf32>,
    %swap3A_492 = vector.shape_cast %swap3A_491 : vector<1x16xf32> to vector<16xf32>
    %swap3A_493 = vector.shape_cast %broadcast_in_dim3A_487 : vector<16xf32> to vector<1x16xf32>
    tpu.vector_store %arg8[%swap3A_489, %swap3A_490], %swap3A_493 {strides = array<i32>} : memref<128x16xf32, #tpu.memory_space<vmem>>, vector<1x16xf32>,
    %broadcast_in_dim3A_494 = arith.constant 0.000000e+00 : f32
    %broadcast_in_dim3A_495 = vector.broadcast %broadcast_in_dim3A_494 : f32 to vector<16xf32>
    %swap3A_496 = arith.constant 61 : i32
    %swap3A_497 = arith.index_cast %swap3A_496 : i32 to index
    %swap3A_498 = arith.constant 0 : index
    %swap3A_499 = tpu.vector_load %arg8[%swap3A_497, %swap3A_498] {strides = array<i32>} : memref<128x16xf32, #tpu.memory_space<vmem>>, vector<1x16xf32>,
    %swap3A_500 = vector.shape_cast %swap3A_499 : vector<1x16xf32> to vector<16xf32>
    %swap3A_501 = vector.shape_cast %broadcast_in_dim3A_495 : vector<16xf32> to vector<1x16xf32>
    tpu.vector_store %arg8[%swap3A_497, %swap3A_498], %swap3A_501 {strides = array<i32>} : memref<128x16xf32, #tpu.memory_space<vmem>>, vector<1x16xf32>,
    %broadcast_in_dim3A_502 = arith.constant 0.000000e+00 : f32
    %broadcast_in_dim3A_503 = vector.broadcast %broadcast_in_dim3A_502 : f32 to vector<16xf32>
    %swap3A_504 = arith.constant 62 : i32
    %swap3A_505 = arith.index_cast %swap3A_504 : i32 to index
    %swap3A_506 = arith.constant 0 : index
    %swap3A_507 = tpu.vector_load %arg8[%swap3A_505, %swap3A_506] {strides = array<i32>} : memref<128x16xf32, #tpu.memory_space<vmem>>, vector<1x16xf32>,
    %swap3A_508 = vector.shape_cast %swap3A_507 : vector<1x16xf32> to vector<16xf32>
    %swap3A_509 = vector.shape_cast %broadcast_in_dim3A_503 : vector<16xf32> to vector<1x16xf32>
    tpu.vector_store %arg8[%swap3A_505, %swap3A_506], %swap3A_509 {strides = array<i32>} : memref<128x16xf32, #tpu.memory_space<vmem>>, vector<1x16xf32>,
    %broadcast_in_dim3A_510 = arith.constant 0.000000e+00 : f32
    %broadcast_in_dim3A_511 = vector.broadcast %broadcast_in_dim3A_510 : f32 to vector<16xf32>
    %swap3A_512 = arith.constant 63 : i32
    %swap3A_513 = arith.index_cast %swap3A_512 : i32 to index
    %swap3A_514 = arith.constant 0 : index
    %swap3A_515 = tpu.vector_load %arg8[%swap3A_513, %swap3A_514] {strides = array<i32>} : memref<128x16xf32, #tpu.memory_space<vmem>>, vector<1x16xf32>,
    %swap3A_516 = vector.shape_cast %swap3A_515 : vector<1x16xf32> to vector<16xf32>
    %swap3A_517 = vector.shape_cast %broadcast_in_dim3A_511 : vector<16xf32> to vector<1x16xf32>
    tpu.vector_store %arg8[%swap3A_513, %swap3A_514], %swap3A_517 {strides = array<i32>} : memref<128x16xf32, #tpu.memory_space<vmem>>, vector<1x16xf32>,
    %broadcast_in_dim3A_518 = arith.constant 0.000000e+00 : f32
    %broadcast_in_dim3A_519 = vector.broadcast %broadcast_in_dim3A_518 : f32 to vector<16xf32>
    %swap3A_520 = arith.constant 64 : i32
    %swap3A_521 = arith.index_cast %swap3A_520 : i32 to index
    %swap3A_522 = arith.constant 0 : index
    %swap3A_523 = tpu.vector_load %arg8[%swap3A_521, %swap3A_522] {strides = array<i32>} : memref<128x16xf32, #tpu.memory_space<vmem>>, vector<1x16xf32>,
    %swap3A_524 = vector.shape_cast %swap3A_523 : vector<1x16xf32> to vector<16xf32>
    %swap3A_525 = vector.shape_cast %broadcast_in_dim3A_519 : vector<16xf32> to vector<1x16xf32>
    tpu.vector_store %arg8[%swap3A_521, %swap3A_522], %swap3A_525 {strides = array<i32>} : memref<128x16xf32, #tpu.memory_space<vmem>>, vector<1x16xf32>,
    %broadcast_in_dim3A_526 = arith.constant 0.000000e+00 : f32
    %broadcast_in_dim3A_527 = vector.broadcast %broadcast_in_dim3A_526 : f32 to vector<16xf32>
    %swap3A_528 = arith.constant 65 : i32
    %swap3A_529 = arith.index_cast %swap3A_528 : i32 to index
    %swap3A_530 = arith.constant 0 : index
    %swap3A_531 = tpu.vector_load %arg8[%swap3A_529, %swap3A_530] {strides = array<i32>} : memref<128x16xf32, #tpu.memory_space<vmem>>, vector<1x16xf32>,
    %swap3A_532 = vector.shape_cast %swap3A_531 : vector<1x16xf32> to vector<16xf32>
    %swap3A_533 = vector.shape_cast %broadcast_in_dim3A_527 : vector<16xf32> to vector<1x16xf32>
    tpu.vector_store %arg8[%swap3A_529, %swap3A_530], %swap3A_533 {strides = array<i32>} : memref<128x16xf32, #tpu.memory_space<vmem>>, vector<1x16xf32>,
    %broadcast_in_dim3A_534 = arith.constant 0.000000e+00 : f32
    %broadcast_in_dim3A_535 = vector.broadcast %broadcast_in_dim3A_534 : f32 to vector<16xf32>
    %swap3A_536 = arith.constant 66 : i32
    %swap3A_537 = arith.index_cast %swap3A_536 : i32 to index
    %swap3A_538 = arith.constant 0 : index
    %swap3A_539 = tpu.vector_load %arg8[%swap3A_537, %swap3A_538] {strides = array<i32>} : memref<128x16xf32, #tpu.memory_space<vmem>>, vector<1x16xf32>,
    %swap3A_540 = vector.shape_cast %swap3A_539 : vector<1x16xf32> to vector<16xf32>
    %swap3A_541 = vector.shape_cast %broadcast_in_dim3A_535 : vector<16xf32> to vector<1x16xf32>
    tpu.vector_store %arg8[%swap3A_537, %swap3A_538], %swap3A_541 {strides = array<i32>} : memref<128x16xf32, #tpu.memory_space<vmem>>, vector<1x16xf32>,
    %broadcast_in_dim3A_542 = arith.constant 0.000000e+00 : f32
    %broadcast_in_dim3A_543 = vector.broadcast %broadcast_in_dim3A_542 : f32 to vector<16xf32>
    %swap3A_544 = arith.constant 67 : i32
    %swap3A_545 = arith.index_cast %swap3A_544 : i32 to index
    %swap3A_546 = arith.constant 0 : index
    %swap3A_547 = tpu.vector_load %arg8[%swap3A_545, %swap3A_546] {strides = array<i32>} : memref<128x16xf32, #tpu.memory_space<vmem>>, vector<1x16xf32>,
    %swap3A_548 = vector.shape_cast %swap3A_547 : vector<1x16xf32> to vector<16xf32>
    %swap3A_549 = vector.shape_cast %broadcast_in_dim3A_543 : vector<16xf32> to vector<1x16xf32>
    tpu.vector_store %arg8[%swap3A_545, %swap3A_546], %swap3A_549 {strides = array<i32>} : memref<128x16xf32, #tpu.memory_space<vmem>>, vector<1x16xf32>,
    %broadcast_in_dim3A_550 = arith.constant 0.000000e+00 : f32
    %broadcast_in_dim3A_551 = vector.broadcast %broadcast_in_dim3A_550 : f32 to vector<16xf32>
    %swap3A_552 = arith.constant 68 : i32
    %swap3A_553 = arith.index_cast %swap3A_552 : i32 to index
    %swap3A_554 = arith.constant 0 : index
    %swap3A_555 = tpu.vector_load %arg8[%swap3A_553, %swap3A_554] {strides = array<i32>} : memref<128x16xf32, #tpu.memory_space<vmem>>, vector<1x16xf32>,
    %swap3A_556 = vector.shape_cast %swap3A_555 : vector<1x16xf32> to vector<16xf32>
    %swap3A_557 = vector.shape_cast %broadcast_in_dim3A_551 : vector<16xf32> to vector<1x16xf32>
    tpu.vector_store %arg8[%swap3A_553, %swap3A_554], %swap3A_557 {strides = array<i32>} : memref<128x16xf32, #tpu.memory_space<vmem>>, vector<1x16xf32>,
    %broadcast_in_dim3A_558 = arith.constant 0.000000e+00 : f32
    %broadcast_in_dim3A_559 = vector.broadcast %broadcast_in_dim3A_558 : f32 to vector<16xf32>
    %swap3A_560 = arith.constant 69 : i32
    %swap3A_561 = arith.index_cast %swap3A_560 : i32 to index
    %swap3A_562 = arith.constant 0 : index
    %swap3A_563 = tpu.vector_load %arg8[%swap3A_561, %swap3A_562] {strides = array<i32>} : memref<128x16xf32, #tpu.memory_space<vmem>>, vector<1x16xf32>,
    %swap3A_564 = vector.shape_cast %swap3A_563 : vector<1x16xf32> to vector<16xf32>
    %swap3A_565 = vector.shape_cast %broadcast_in_dim3A_559 : vector<16xf32> to vector<1x16xf32>
    tpu.vector_store %arg8[%swap3A_561, %swap3A_562], %swap3A_565 {strides = array<i32>} : memref<128x16xf32, #tpu.memory_space<vmem>>, vector<1x16xf32>,
    %broadcast_in_dim3A_566 = arith.constant 0.000000e+00 : f32
    %broadcast_in_dim3A_567 = vector.broadcast %broadcast_in_dim3A_566 : f32 to vector<16xf32>
    %swap3A_568 = arith.constant 70 : i32
    %swap3A_569 = arith.index_cast %swap3A_568 : i32 to index
    %swap3A_570 = arith.constant 0 : index
    %swap3A_571 = tpu.vector_load %arg8[%swap3A_569, %swap3A_570] {strides = array<i32>} : memref<128x16xf32, #tpu.memory_space<vmem>>, vector<1x16xf32>,
    %swap3A_572 = vector.shape_cast %swap3A_571 : vector<1x16xf32> to vector<16xf32>
    %swap3A_573 = vector.shape_cast %broadcast_in_dim3A_567 : vector<16xf32> to vector<1x16xf32>
    tpu.vector_store %arg8[%swap3A_569, %swap3A_570], %swap3A_573 {strides = array<i32>} : memref<128x16xf32, #tpu.memory_space<vmem>>, vector<1x16xf32>,
    %broadcast_in_dim3A_574 = arith.constant 0.000000e+00 : f32
    %broadcast_in_dim3A_575 = vector.broadcast %broadcast_in_dim3A_574 : f32 to vector<16xf32>
    %swap3A_576 = arith.constant 71 : i32
    %swap3A_577 = arith.index_cast %swap3A_576 : i32 to index
    %swap3A_578 = arith.constant 0 : index
    %swap3A_579 = tpu.vector_load %arg8[%swap3A_577, %swap3A_578] {strides = array<i32>} : memref<128x16xf32, #tpu.memory_space<vmem>>, vector<1x16xf32>,
    %swap3A_580 = vector.shape_cast %swap3A_579 : vector<1x16xf32> to vector<16xf32>
    %swap3A_581 = vector.shape_cast %broadcast_in_dim3A_575 : vector<16xf32> to vector<1x16xf32>
    tpu.vector_store %arg8[%swap3A_577, %swap3A_578], %swap3A_581 {strides = array<i32>} : memref<128x16xf32, #tpu.memory_space<vmem>>, vector<1x16xf32>,
    %broadcast_in_dim3A_582 = arith.constant 0.000000e+00 : f32
    %broadcast_in_dim3A_583 = vector.broadcast %broadcast_in_dim3A_582 : f32 to vector<16xf32>
    %swap3A_584 = arith.constant 72 : i32
    %swap3A_585 = arith.index_cast %swap3A_584 : i32 to index
    %swap3A_586 = arith.constant 0 : index
    %swap3A_587 = tpu.vector_load %arg8[%swap3A_585, %swap3A_586] {strides = array<i32>} : memref<128x16xf32, #tpu.memory_space<vmem>>, vector<1x16xf32>,
    %swap3A_588 = vector.shape_cast %swap3A_587 : vector<1x16xf32> to vector<16xf32>
    %swap3A_589 = vector.shape_cast %broadcast_in_dim3A_583 : vector<16xf32> to vector<1x16xf32>
    tpu.vector_store %arg8[%swap3A_585, %swap3A_586], %swap3A_589 {strides = array<i32>} : memref<128x16xf32, #tpu.memory_space<vmem>>, vector<1x16xf32>,
    %broadcast_in_dim3A_590 = arith.constant 0.000000e+00 : f32
    %broadcast_in_dim3A_591 = vector.broadcast %broadcast_in_dim3A_590 : f32 to vector<16xf32>
    %swap3A_592 = arith.constant 73 : i32
    %swap3A_593 = arith.index_cast %swap3A_592 : i32 to index
    %swap3A_594 = arith.constant 0 : index
    %swap3A_595 = tpu.vector_load %arg8[%swap3A_593, %swap3A_594] {strides = array<i32>} : memref<128x16xf32, #tpu.memory_space<vmem>>, vector<1x16xf32>,
    %swap3A_596 = vector.shape_cast %swap3A_595 : vector<1x16xf32> to vector<16xf32>
    %swap3A_597 = vector.shape_cast %broadcast_in_dim3A_591 : vector<16xf32> to vector<1x16xf32>
    tpu.vector_store %arg8[%swap3A_593, %swap3A_594], %swap3A_597 {strides = array<i32>} : memref<128x16xf32, #tpu.memory_space<vmem>>, vector<1x16xf32>,
    %broadcast_in_dim3A_598 = arith.constant 0.000000e+00 : f32
    %broadcast_in_dim3A_599 = vector.broadcast %broadcast_in_dim3A_598 : f32 to vector<16xf32>
    %swap3A_600 = arith.constant 74 : i32
    %swap3A_601 = arith.index_cast %swap3A_600 : i32 to index
    %swap3A_602 = arith.constant 0 : index
    %swap3A_603 = tpu.vector_load %arg8[%swap3A_601, %swap3A_602] {strides = array<i32>} : memref<128x16xf32, #tpu.memory_space<vmem>>, vector<1x16xf32>,
    %swap3A_604 = vector.shape_cast %swap3A_603 : vector<1x16xf32> to vector<16xf32>
    %swap3A_605 = vector.shape_cast %broadcast_in_dim3A_599 : vector<16xf32> to vector<1x16xf32>
    tpu.vector_store %arg8[%swap3A_601, %swap3A_602], %swap3A_605 {strides = array<i32>} : memref<128x16xf32, #tpu.memory_space<vmem>>, vector<1x16xf32>,
    %broadcast_in_dim3A_606 = arith.constant 0.000000e+00 : f32
    %broadcast_in_dim3A_607 = vector.broadcast %broadcast_in_dim3A_606 : f32 to vector<16xf32>
    %swap3A_608 = arith.constant 75 : i32
    %swap3A_609 = arith.index_cast %swap3A_608 : i32 to index
    %swap3A_610 = arith.constant 0 : index
    %swap3A_611 = tpu.vector_load %arg8[%swap3A_609, %swap3A_610] {strides = array<i32>} : memref<128x16xf32, #tpu.memory_space<vmem>>, vector<1x16xf32>,
    %swap3A_612 = vector.shape_cast %swap3A_611 : vector<1x16xf32> to vector<16xf32>
    %swap3A_613 = vector.shape_cast %broadcast_in_dim3A_607 : vector<16xf32> to vector<1x16xf32>
    tpu.vector_store %arg8[%swap3A_609, %swap3A_610], %swap3A_613 {strides = array<i32>} : memref<128x16xf32, #tpu.memory_space<vmem>>, vector<1x16xf32>,
    %broadcast_in_dim3A_614 = arith.constant 0.000000e+00 : f32
    %broadcast_in_dim3A_615 = vector.broadcast %broadcast_in_dim3A_614 : f32 to vector<16xf32>
    %swap3A_616 = arith.constant 76 : i32
    %swap3A_617 = arith.index_cast %swap3A_616 : i32 to index
    %swap3A_618 = arith.constant 0 : index
    %swap3A_619 = tpu.vector_load %arg8[%swap3A_617, %swap3A_618] {strides = array<i32>} : memref<128x16xf32, #tpu.memory_space<vmem>>, vector<1x16xf32>,
    %swap3A_620 = vector.shape_cast %swap3A_619 : vector<1x16xf32> to vector<16xf32>
    %swap3A_621 = vector.shape_cast %broadcast_in_dim3A_615 : vector<16xf32> to vector<1x16xf32>
    tpu.vector_store %arg8[%swap3A_617, %swap3A_618], %swap3A_621 {strides = array<i32>} : memref<128x16xf32, #tpu.memory_space<vmem>>, vector<1x16xf32>,
    %broadcast_in_dim3A_622 = arith.constant 0.000000e+00 : f32
    %broadcast_in_dim3A_623 = vector.broadcast %broadcast_in_dim3A_622 : f32 to vector<16xf32>
    %swap3A_624 = arith.constant 77 : i32
    %swap3A_625 = arith.index_cast %swap3A_624 : i32 to index
    %swap3A_626 = arith.constant 0 : index
    %swap3A_627 = tpu.vector_load %arg8[%swap3A_625, %swap3A_626] {strides = array<i32>} : memref<128x16xf32, #tpu.memory_space<vmem>>, vector<1x16xf32>,
    %swap3A_628 = vector.shape_cast %swap3A_627 : vector<1x16xf32> to vector<16xf32>
    %swap3A_629 = vector.shape_cast %broadcast_in_dim3A_623 : vector<16xf32> to vector<1x16xf32>
    tpu.vector_store %arg8[%swap3A_625, %swap3A_626], %swap3A_629 {strides = array<i32>} : memref<128x16xf32, #tpu.memory_space<vmem>>, vector<1x16xf32>,
    %broadcast_in_dim3A_630 = arith.constant 0.000000e+00 : f32
    %broadcast_in_dim3A_631 = vector.broadcast %broadcast_in_dim3A_630 : f32 to vector<16xf32>
    %swap3A_632 = arith.constant 78 : i32
    %swap3A_633 = arith.index_cast %swap3A_632 : i32 to index
    %swap3A_634 = arith.constant 0 : index
    %swap3A_635 = tpu.vector_load %arg8[%swap3A_633, %swap3A_634] {strides = array<i32>} : memref<128x16xf32, #tpu.memory_space<vmem>>, vector<1x16xf32>,
    %swap3A_636 = vector.shape_cast %swap3A_635 : vector<1x16xf32> to vector<16xf32>
    %swap3A_637 = vector.shape_cast %broadcast_in_dim3A_631 : vector<16xf32> to vector<1x16xf32>
    tpu.vector_store %arg8[%swap3A_633, %swap3A_634], %swap3A_637 {strides = array<i32>} : memref<128x16xf32, #tpu.memory_space<vmem>>, vector<1x16xf32>,
    %broadcast_in_dim3A_638 = arith.constant 0.000000e+00 : f32
    %broadcast_in_dim3A_639 = vector.broadcast %broadcast_in_dim3A_638 : f32 to vector<16xf32>
    %swap3A_640 = arith.constant 79 : i32
    %swap3A_641 = arith.index_cast %swap3A_640 : i32 to index
    %swap3A_642 = arith.constant 0 : index
    %swap3A_643 = tpu.vector_load %arg8[%swap3A_641, %swap3A_642] {strides = array<i32>} : memref<128x16xf32, #tpu.memory_space<vmem>>, vector<1x16xf32>,
    %swap3A_644 = vector.shape_cast %swap3A_643 : vector<1x16xf32> to vector<16xf32>
    %swap3A_645 = vector.shape_cast %broadcast_in_dim3A_639 : vector<16xf32> to vector<1x16xf32>
    tpu.vector_store %arg8[%swap3A_641, %swap3A_642], %swap3A_645 {strides = array<i32>} : memref<128x16xf32, #tpu.memory_space<vmem>>, vector<1x16xf32>,
    %broadcast_in_dim3A_646 = arith.constant 0.000000e+00 : f32
    %broadcast_in_dim3A_647 = vector.broadcast %broadcast_in_dim3A_646 : f32 to vector<16xf32>
    %swap3A_648 = arith.constant 80 : i32
    %swap3A_649 = arith.index_cast %swap3A_648 : i32 to index
    %swap3A_650 = arith.constant 0 : index
    %swap3A_651 = tpu.vector_load %arg8[%swap3A_649, %swap3A_650] {strides = array<i32>} : memref<128x16xf32, #tpu.memory_space<vmem>>, vector<1x16xf32>,
    %swap3A_652 = vector.shape_cast %swap3A_651 : vector<1x16xf32> to vector<16xf32>
    %swap3A_653 = vector.shape_cast %broadcast_in_dim3A_647 : vector<16xf32> to vector<1x16xf32>
    tpu.vector_store %arg8[%swap3A_649, %swap3A_650], %swap3A_653 {strides = array<i32>} : memref<128x16xf32, #tpu.memory_space<vmem>>, vector<1x16xf32>,
    %broadcast_in_dim3A_654 = arith.constant 0.000000e+00 : f32
    %broadcast_in_dim3A_655 = vector.broadcast %broadcast_in_dim3A_654 : f32 to vector<16xf32>
    %swap3A_656 = arith.constant 81 : i32
    %swap3A_657 = arith.index_cast %swap3A_656 : i32 to index
    %swap3A_658 = arith.constant 0 : index
    %swap3A_659 = tpu.vector_load %arg8[%swap3A_657, %swap3A_658] {strides = array<i32>} : memref<128x16xf32, #tpu.memory_space<vmem>>, vector<1x16xf32>,
    %swap3A_660 = vector.shape_cast %swap3A_659 : vector<1x16xf32> to vector<16xf32>
    %swap3A_661 = vector.shape_cast %broadcast_in_dim3A_655 : vector<16xf32> to vector<1x16xf32>
    tpu.vector_store %arg8[%swap3A_657, %swap3A_658], %swap3A_661 {strides = array<i32>} : memref<128x16xf32, #tpu.memory_space<vmem>>, vector<1x16xf32>,
    %broadcast_in_dim3A_662 = arith.constant 0.000000e+00 : f32
    %broadcast_in_dim3A_663 = vector.broadcast %broadcast_in_dim3A_662 : f32 to vector<16xf32>
    %swap3A_664 = arith.constant 82 : i32
    %swap3A_665 = arith.index_cast %swap3A_664 : i32 to index
    %swap3A_666 = arith.constant 0 : index
    %swap3A_667 = tpu.vector_load %arg8[%swap3A_665, %swap3A_666] {strides = array<i32>} : memref<128x16xf32, #tpu.memory_space<vmem>>, vector<1x16xf32>,
    %swap3A_668 = vector.shape_cast %swap3A_667 : vector<1x16xf32> to vector<16xf32>
    %swap3A_669 = vector.shape_cast %broadcast_in_dim3A_663 : vector<16xf32> to vector<1x16xf32>
    tpu.vector_store %arg8[%swap3A_665, %swap3A_666], %swap3A_669 {strides = array<i32>} : memref<128x16xf32, #tpu.memory_space<vmem>>, vector<1x16xf32>,
    %broadcast_in_dim3A_670 = arith.constant 0.000000e+00 : f32
    %broadcast_in_dim3A_671 = vector.broadcast %broadcast_in_dim3A_670 : f32 to vector<16xf32>
    %swap3A_672 = arith.constant 83 : i32
    %swap3A_673 = arith.index_cast %swap3A_672 : i32 to index
    %swap3A_674 = arith.constant 0 : index
    %swap3A_675 = tpu.vector_load %arg8[%swap3A_673, %swap3A_674] {strides = array<i32>} : memref<128x16xf32, #tpu.memory_space<vmem>>, vector<1x16xf32>,
    %swap3A_676 = vector.shape_cast %swap3A_675 : vector<1x16xf32> to vector<16xf32>
    %swap3A_677 = vector.shape_cast %broadcast_in_dim3A_671 : vector<16xf32> to vector<1x16xf32>
    tpu.vector_store %arg8[%swap3A_673, %swap3A_674], %swap3A_677 {strides = array<i32>} : memref<128x16xf32, #tpu.memory_space<vmem>>, vector<1x16xf32>,
    %broadcast_in_dim3A_678 = arith.constant 0.000000e+00 : f32
    %broadcast_in_dim3A_679 = vector.broadcast %broadcast_in_dim3A_678 : f32 to vector<16xf32>
    %swap3A_680 = arith.constant 84 : i32
    %swap3A_681 = arith.index_cast %swap3A_680 : i32 to index
    %swap3A_682 = arith.constant 0 : index
    %swap3A_683 = tpu.vector_load %arg8[%swap3A_681, %swap3A_682] {strides = array<i32>} : memref<128x16xf32, #tpu.memory_space<vmem>>, vector<1x16xf32>,
    %swap3A_684 = vector.shape_cast %swap3A_683 : vector<1x16xf32> to vector<16xf32>
    %swap3A_685 = vector.shape_cast %broadcast_in_dim3A_679 : vector<16xf32> to vector<1x16xf32>
    tpu.vector_store %arg8[%swap3A_681, %swap3A_682], %swap3A_685 {strides = array<i32>} : memref<128x16xf32, #tpu.memory_space<vmem>>, vector<1x16xf32>,
    %broadcast_in_dim3A_686 = arith.constant 0.000000e+00 : f32
    %broadcast_in_dim3A_687 = vector.broadcast %broadcast_in_dim3A_686 : f32 to vector<16xf32>
    %swap3A_688 = arith.constant 85 : i32
    %swap3A_689 = arith.index_cast %swap3A_688 : i32 to index
    %swap3A_690 = arith.constant 0 : index
    %swap3A_691 = tpu.vector_load %arg8[%swap3A_689, %swap3A_690] {strides = array<i32>} : memref<128x16xf32, #tpu.memory_space<vmem>>, vector<1x16xf32>,
    %swap3A_692 = vector.shape_cast %swap3A_691 : vector<1x16xf32> to vector<16xf32>
    %swap3A_693 = vector.shape_cast %broadcast_in_dim3A_687 : vector<16xf32> to vector<1x16xf32>
    tpu.vector_store %arg8[%swap3A_689, %swap3A_690], %swap3A_693 {strides = array<i32>} : memref<128x16xf32, #tpu.memory_space<vmem>>, vector<1x16xf32>,
    %broadcast_in_dim3A_694 = arith.constant 0.000000e+00 : f32
    %broadcast_in_dim3A_695 = vector.broadcast %broadcast_in_dim3A_694 : f32 to vector<16xf32>
    %swap3A_696 = arith.constant 86 : i32
    %swap3A_697 = arith.index_cast %swap3A_696 : i32 to index
    %swap3A_698 = arith.constant 0 : index
    %swap3A_699 = tpu.vector_load %arg8[%swap3A_697, %swap3A_698] {strides = array<i32>} : memref<128x16xf32, #tpu.memory_space<vmem>>, vector<1x16xf32>,
    %swap3A_700 = vector.shape_cast %swap3A_699 : vector<1x16xf32> to vector<16xf32>
    %swap3A_701 = vector.shape_cast %broadcast_in_dim3A_695 : vector<16xf32> to vector<1x16xf32>
    tpu.vector_store %arg8[%swap3A_697, %swap3A_698], %swap3A_701 {strides = array<i32>} : memref<128x16xf32, #tpu.memory_space<vmem>>, vector<1x16xf32>,
    %broadcast_in_dim3A_702 = arith.constant 0.000000e+00 : f32
    %broadcast_in_dim3A_703 = vector.broadcast %broadcast_in_dim3A_702 : f32 to vector<16xf32>
    %swap3A_704 = arith.constant 87 : i32
    %swap3A_705 = arith.index_cast %swap3A_704 : i32 to index
    %swap3A_706 = arith.constant 0 : index
    %swap3A_707 = tpu.vector_load %arg8[%swap3A_705, %swap3A_706] {strides = array<i32>} : memref<128x16xf32, #tpu.memory_space<vmem>>, vector<1x16xf32>,
    %swap3A_708 = vector.shape_cast %swap3A_707 : vector<1x16xf32> to vector<16xf32>
    %swap3A_709 = vector.shape_cast %broadcast_in_dim3A_703 : vector<16xf32> to vector<1x16xf32>
    tpu.vector_store %arg8[%swap3A_705, %swap3A_706], %swap3A_709 {strides = array<i32>} : memref<128x16xf32, #tpu.memory_space<vmem>>, vector<1x16xf32>,
    %broadcast_in_dim3A_710 = arith.constant 0.000000e+00 : f32
    %broadcast_in_dim3A_711 = vector.broadcast %broadcast_in_dim3A_710 : f32 to vector<16xf32>
    %swap3A_712 = arith.constant 88 : i32
    %swap3A_713 = arith.index_cast %swap3A_712 : i32 to index
    %swap3A_714 = arith.constant 0 : index
    %swap3A_715 = tpu.vector_load %arg8[%swap3A_713, %swap3A_714] {strides = array<i32>} : memref<128x16xf32, #tpu.memory_space<vmem>>, vector<1x16xf32>,
    %swap3A_716 = vector.shape_cast %swap3A_715 : vector<1x16xf32> to vector<16xf32>
    %swap3A_717 = vector.shape_cast %broadcast_in_dim3A_711 : vector<16xf32> to vector<1x16xf32>
    tpu.vector_store %arg8[%swap3A_713, %swap3A_714], %swap3A_717 {strides = array<i32>} : memref<128x16xf32, #tpu.memory_space<vmem>>, vector<1x16xf32>,
    %broadcast_in_dim3A_718 = arith.constant 0.000000e+00 : f32
    %broadcast_in_dim3A_719 = vector.broadcast %broadcast_in_dim3A_718 : f32 to vector<16xf32>
    %swap3A_720 = arith.constant 89 : i32
    %swap3A_721 = arith.index_cast %swap3A_720 : i32 to index
    %swap3A_722 = arith.constant 0 : index
    %swap3A_723 = tpu.vector_load %arg8[%swap3A_721, %swap3A_722] {strides = array<i32>} : memref<128x16xf32, #tpu.memory_space<vmem>>, vector<1x16xf32>,
    %swap3A_724 = vector.shape_cast %swap3A_723 : vector<1x16xf32> to vector<16xf32>
    %swap3A_725 = vector.shape_cast %broadcast_in_dim3A_719 : vector<16xf32> to vector<1x16xf32>
    tpu.vector_store %arg8[%swap3A_721, %swap3A_722], %swap3A_725 {strides = array<i32>} : memref<128x16xf32, #tpu.memory_space<vmem>>, vector<1x16xf32>,
    %broadcast_in_dim3A_726 = arith.constant 0.000000e+00 : f32
    %broadcast_in_dim3A_727 = vector.broadcast %broadcast_in_dim3A_726 : f32 to vector<16xf32>
    %swap3A_728 = arith.constant 90 : i32
    %swap3A_729 = arith.index_cast %swap3A_728 : i32 to index
    %swap3A_730 = arith.constant 0 : index
    %swap3A_731 = tpu.vector_load %arg8[%swap3A_729, %swap3A_730] {strides = array<i32>} : memref<128x16xf32, #tpu.memory_space<vmem>>, vector<1x16xf32>,
    %swap3A_732 = vector.shape_cast %swap3A_731 : vector<1x16xf32> to vector<16xf32>
    %swap3A_733 = vector.shape_cast %broadcast_in_dim3A_727 : vector<16xf32> to vector<1x16xf32>
    tpu.vector_store %arg8[%swap3A_729, %swap3A_730], %swap3A_733 {strides = array<i32>} : memref<128x16xf32, #tpu.memory_space<vmem>>, vector<1x16xf32>,
    %broadcast_in_dim3A_734 = arith.constant 0.000000e+00 : f32
    %broadcast_in_dim3A_735 = vector.broadcast %broadcast_in_dim3A_734 : f32 to vector<16xf32>
    %swap3A_736 = arith.constant 91 : i32
    %swap3A_737 = arith.index_cast %swap3A_736 : i32 to index
    %swap3A_738 = arith.constant 0 : index
    %swap3A_739 = tpu.vector_load %arg8[%swap3A_737, %swap3A_738] {strides = array<i32>} : memref<128x16xf32, #tpu.memory_space<vmem>>, vector<1x16xf32>,
    %swap3A_740 = vector.shape_cast %swap3A_739 : vector<1x16xf32> to vector<16xf32>
    %swap3A_741 = vector.shape_cast %broadcast_in_dim3A_735 : vector<16xf32> to vector<1x16xf32>
    tpu.vector_store %arg8[%swap3A_737, %swap3A_738], %swap3A_741 {strides = array<i32>} : memref<128x16xf32, #tpu.memory_space<vmem>>, vector<1x16xf32>,
    %broadcast_in_dim3A_742 = arith.constant 0.000000e+00 : f32
    %broadcast_in_dim3A_743 = vector.broadcast %broadcast_in_dim3A_742 : f32 to vector<16xf32>
    %swap3A_744 = arith.constant 92 : i32
    %swap3A_745 = arith.index_cast %swap3A_744 : i32 to index
    %swap3A_746 = arith.constant 0 : index
    %swap3A_747 = tpu.vector_load %arg8[%swap3A_745, %swap3A_746] {strides = array<i32>} : memref<128x16xf32, #tpu.memory_space<vmem>>, vector<1x16xf32>,
    %swap3A_748 = vector.shape_cast %swap3A_747 : vector<1x16xf32> to vector<16xf32>
    %swap3A_749 = vector.shape_cast %broadcast_in_dim3A_743 : vector<16xf32> to vector<1x16xf32>
    tpu.vector_store %arg8[%swap3A_745, %swap3A_746], %swap3A_749 {strides = array<i32>} : memref<128x16xf32, #tpu.memory_space<vmem>>, vector<1x16xf32>,
    %broadcast_in_dim3A_750 = arith.constant 0.000000e+00 : f32
    %broadcast_in_dim3A_751 = vector.broadcast %broadcast_in_dim3A_750 : f32 to vector<16xf32>
    %swap3A_752 = arith.constant 93 : i32
    %swap3A_753 = arith.index_cast %swap3A_752 : i32 to index
    %swap3A_754 = arith.constant 0 : index
    %swap3A_755 = tpu.vector_load %arg8[%swap3A_753, %swap3A_754] {strides = array<i32>} : memref<128x16xf32, #tpu.memory_space<vmem>>, vector<1x16xf32>,
    %swap3A_756 = vector.shape_cast %swap3A_755 : vector<1x16xf32> to vector<16xf32>
    %swap3A_757 = vector.shape_cast %broadcast_in_dim3A_751 : vector<16xf32> to vector<1x16xf32>
    tpu.vector_store %arg8[%swap3A_753, %swap3A_754], %swap3A_757 {strides = array<i32>} : memref<128x16xf32, #tpu.memory_space<vmem>>, vector<1x16xf32>,
    %broadcast_in_dim3A_758 = arith.constant 0.000000e+00 : f32
    %broadcast_in_dim3A_759 = vector.broadcast %broadcast_in_dim3A_758 : f32 to vector<16xf32>
    %swap3A_760 = arith.constant 94 : i32
    %swap3A_761 = arith.index_cast %swap3A_760 : i32 to index
    %swap3A_762 = arith.constant 0 : index
    %swap3A_763 = tpu.vector_load %arg8[%swap3A_761, %swap3A_762] {strides = array<i32>} : memref<128x16xf32, #tpu.memory_space<vmem>>, vector<1x16xf32>,
    %swap3A_764 = vector.shape_cast %swap3A_763 : vector<1x16xf32> to vector<16xf32>
    %swap3A_765 = vector.shape_cast %broadcast_in_dim3A_759 : vector<16xf32> to vector<1x16xf32>
    tpu.vector_store %arg8[%swap3A_761, %swap3A_762], %swap3A_765 {strides = array<i32>} : memref<128x16xf32, #tpu.memory_space<vmem>>, vector<1x16xf32>,
    %broadcast_in_dim3A_766 = arith.constant 0.000000e+00 : f32
    %broadcast_in_dim3A_767 = vector.broadcast %broadcast_in_dim3A_766 : f32 to vector<16xf32>
    %swap3A_768 = arith.constant 95 : i32
    %swap3A_769 = arith.index_cast %swap3A_768 : i32 to index
    %swap3A_770 = arith.constant 0 : index
    %swap3A_771 = tpu.vector_load %arg8[%swap3A_769, %swap3A_770] {strides = array<i32>} : memref<128x16xf32, #tpu.memory_space<vmem>>, vector<1x16xf32>,
    %swap3A_772 = vector.shape_cast %swap3A_771 : vector<1x16xf32> to vector<16xf32>
    %swap3A_773 = vector.shape_cast %broadcast_in_dim3A_767 : vector<16xf32> to vector<1x16xf32>
    tpu.vector_store %arg8[%swap3A_769, %swap3A_770], %swap3A_773 {strides = array<i32>} : memref<128x16xf32, #tpu.memory_space<vmem>>, vector<1x16xf32>,
    %broadcast_in_dim3A_774 = arith.constant 0.000000e+00 : f32
    %broadcast_in_dim3A_775 = vector.broadcast %broadcast_in_dim3A_774 : f32 to vector<16xf32>
    %swap3A_776 = arith.constant 96 : i32
    %swap3A_777 = arith.index_cast %swap3A_776 : i32 to index
    %swap3A_778 = arith.constant 0 : index
    %swap3A_779 = tpu.vector_load %arg8[%swap3A_777, %swap3A_778] {strides = array<i32>} : memref<128x16xf32, #tpu.memory_space<vmem>>, vector<1x16xf32>,
    %swap3A_780 = vector.shape_cast %swap3A_779 : vector<1x16xf32> to vector<16xf32>
    %swap3A_781 = vector.shape_cast %broadcast_in_dim3A_775 : vector<16xf32> to vector<1x16xf32>
    tpu.vector_store %arg8[%swap3A_777, %swap3A_778], %swap3A_781 {strides = array<i32>} : memref<128x16xf32, #tpu.memory_space<vmem>>, vector<1x16xf32>,
    %broadcast_in_dim3A_782 = arith.constant 0.000000e+00 : f32
    %broadcast_in_dim3A_783 = vector.broadcast %broadcast_in_dim3A_782 : f32 to vector<16xf32>
    %swap3A_784 = arith.constant 97 : i32
    %swap3A_785 = arith.index_cast %swap3A_784 : i32 to index
    %swap3A_786 = arith.constant 0 : index
    %swap3A_787 = tpu.vector_load %arg8[%swap3A_785, %swap3A_786] {strides = array<i32>} : memref<128x16xf32, #tpu.memory_space<vmem>>, vector<1x16xf32>,
    %swap3A_788 = vector.shape_cast %swap3A_787 : vector<1x16xf32> to vector<16xf32>
    %swap3A_789 = vector.shape_cast %broadcast_in_dim3A_783 : vector<16xf32> to vector<1x16xf32>
    tpu.vector_store %arg8[%swap3A_785, %swap3A_786], %swap3A_789 {strides = array<i32>} : memref<128x16xf32, #tpu.memory_space<vmem>>, vector<1x16xf32>,
    %broadcast_in_dim3A_790 = arith.constant 0.000000e+00 : f32
    %broadcast_in_dim3A_791 = vector.broadcast %broadcast_in_dim3A_790 : f32 to vector<16xf32>
    %swap3A_792 = arith.constant 98 : i32
    %swap3A_793 = arith.index_cast %swap3A_792 : i32 to index
    %swap3A_794 = arith.constant 0 : index
    %swap3A_795 = tpu.vector_load %arg8[%swap3A_793, %swap3A_794] {strides = array<i32>} : memref<128x16xf32, #tpu.memory_space<vmem>>, vector<1x16xf32>,
    %swap3A_796 = vector.shape_cast %swap3A_795 : vector<1x16xf32> to vector<16xf32>
    %swap3A_797 = vector.shape_cast %broadcast_in_dim3A_791 : vector<16xf32> to vector<1x16xf32>
    tpu.vector_store %arg8[%swap3A_793, %swap3A_794], %swap3A_797 {strides = array<i32>} : memref<128x16xf32, #tpu.memory_space<vmem>>, vector<1x16xf32>,
    %broadcast_in_dim3A_798 = arith.constant 0.000000e+00 : f32
    %broadcast_in_dim3A_799 = vector.broadcast %broadcast_in_dim3A_798 : f32 to vector<16xf32>
    %swap3A_800 = arith.constant 99 : i32
    %swap3A_801 = arith.index_cast %swap3A_800 : i32 to index
    %swap3A_802 = arith.constant 0 : index
    %swap3A_803 = tpu.vector_load %arg8[%swap3A_801, %swap3A_802] {strides = array<i32>} : memref<128x16xf32, #tpu.memory_space<vmem>>, vector<1x16xf32>,
    %swap3A_804 = vector.shape_cast %swap3A_803 : vector<1x16xf32> to vector<16xf32>
    %swap3A_805 = vector.shape_cast %broadcast_in_dim3A_799 : vector<16xf32> to vector<1x16xf32>
    tpu.vector_store %arg8[%swap3A_801, %swap3A_802], %swap3A_805 {strides = array<i32>} : memref<128x16xf32, #tpu.memory_space<vmem>>, vector<1x16xf32>,
    %broadcast_in_dim3A_806 = arith.constant 0.000000e+00 : f32
    %broadcast_in_dim3A_807 = vector.broadcast %broadcast_in_dim3A_806 : f32 to vector<16xf32>
    %swap3A_808 = arith.constant 100 : i32
    %swap3A_809 = arith.index_cast %swap3A_808 : i32 to index
    %swap3A_810 = arith.constant 0 : index
    %swap3A_811 = tpu.vector_load %arg8[%swap3A_809, %swap3A_810] {strides = array<i32>} : memref<128x16xf32, #tpu.memory_space<vmem>>, vector<1x16xf32>,
    %swap3A_812 = vector.shape_cast %swap3A_811 : vector<1x16xf32> to vector<16xf32>
    %swap3A_813 = vector.shape_cast %broadcast_in_dim3A_807 : vector<16xf32> to vector<1x16xf32>
    tpu.vector_store %arg8[%swap3A_809, %swap3A_810], %swap3A_813 {strides = array<i32>} : memref<128x16xf32, #tpu.memory_space<vmem>>, vector<1x16xf32>,
    %broadcast_in_dim3A_814 = arith.constant 0.000000e+00 : f32
    %broadcast_in_dim3A_815 = vector.broadcast %broadcast_in_dim3A_814 : f32 to vector<16xf32>
    %swap3A_816 = arith.constant 101 : i32
    %swap3A_817 = arith.index_cast %swap3A_816 : i32 to index
    %swap3A_818 = arith.constant 0 : index
    %swap3A_819 = tpu.vector_load %arg8[%swap3A_817, %swap3A_818] {strides = array<i32>} : memref<128x16xf32, #tpu.memory_space<vmem>>, vector<1x16xf32>,
    %swap3A_820 = vector.shape_cast %swap3A_819 : vector<1x16xf32> to vector<16xf32>
    %swap3A_821 = vector.shape_cast %broadcast_in_dim3A_815 : vector<16xf32> to vector<1x16xf32>
    tpu.vector_store %arg8[%swap3A_817, %swap3A_818], %swap3A_821 {strides = array<i32>} : memref<128x16xf32, #tpu.memory_space<vmem>>, vector<1x16xf32>,
    %broadcast_in_dim3A_822 = arith.constant 0.000000e+00 : f32
    %broadcast_in_dim3A_823 = vector.broadcast %broadcast_in_dim3A_822 : f32 to vector<16xf32>
    %swap3A_824 = arith.constant 102 : i32
    %swap3A_825 = arith.index_cast %swap3A_824 : i32 to index
    %swap3A_826 = arith.constant 0 : index
    %swap3A_827 = tpu.vector_load %arg8[%swap3A_825, %swap3A_826] {strides = array<i32>} : memref<128x16xf32, #tpu.memory_space<vmem>>, vector<1x16xf32>,
    %swap3A_828 = vector.shape_cast %swap3A_827 : vector<1x16xf32> to vector<16xf32>
    %swap3A_829 = vector.shape_cast %broadcast_in_dim3A_823 : vector<16xf32> to vector<1x16xf32>
    tpu.vector_store %arg8[%swap3A_825, %swap3A_826], %swap3A_829 {strides = array<i32>} : memref<128x16xf32, #tpu.memory_space<vmem>>, vector<1x16xf32>,
    %broadcast_in_dim3A_830 = arith.constant 0.000000e+00 : f32
    %broadcast_in_dim3A_831 = vector.broadcast %broadcast_in_dim3A_830 : f32 to vector<16xf32>
    %swap3A_832 = arith.constant 103 : i32
    %swap3A_833 = arith.index_cast %swap3A_832 : i32 to index
    %swap3A_834 = arith.constant 0 : index
    %swap3A_835 = tpu.vector_load %arg8[%swap3A_833, %swap3A_834] {strides = array<i32>} : memref<128x16xf32, #tpu.memory_space<vmem>>, vector<1x16xf32>,
    %swap3A_836 = vector.shape_cast %swap3A_835 : vector<1x16xf32> to vector<16xf32>
    %swap3A_837 = vector.shape_cast %broadcast_in_dim3A_831 : vector<16xf32> to vector<1x16xf32>
    tpu.vector_store %arg8[%swap3A_833, %swap3A_834], %swap3A_837 {strides = array<i32>} : memref<128x16xf32, #tpu.memory_space<vmem>>, vector<1x16xf32>,
    %broadcast_in_dim3A_838 = arith.constant 0.000000e+00 : f32
    %broadcast_in_dim3A_839 = vector.broadcast %broadcast_in_dim3A_838 : f32 to vector<16xf32>
    %swap3A_840 = arith.constant 104 : i32
    %swap3A_841 = arith.index_cast %swap3A_840 : i32 to index
    %swap3A_842 = arith.constant 0 : index
    %swap3A_843 = tpu.vector_load %arg8[%swap3A_841, %swap3A_842] {strides = array<i32>} : memref<128x16xf32, #tpu.memory_space<vmem>>, vector<1x16xf32>,
    %swap3A_844 = vector.shape_cast %swap3A_843 : vector<1x16xf32> to vector<16xf32>
    %swap3A_845 = vector.shape_cast %broadcast_in_dim3A_839 : vector<16xf32> to vector<1x16xf32>
    tpu.vector_store %arg8[%swap3A_841, %swap3A_842], %swap3A_845 {strides = array<i32>} : memref<128x16xf32, #tpu.memory_space<vmem>>, vector<1x16xf32>,
    %broadcast_in_dim3A_846 = arith.constant 0.000000e+00 : f32
    %broadcast_in_dim3A_847 = vector.broadcast %broadcast_in_dim3A_846 : f32 to vector<16xf32>
    %swap3A_848 = arith.constant 105 : i32
    %swap3A_849 = arith.index_cast %swap3A_848 : i32 to index
    %swap3A_850 = arith.constant 0 : index
    %swap3A_851 = tpu.vector_load %arg8[%swap3A_849, %swap3A_850] {strides = array<i32>} : memref<128x16xf32, #tpu.memory_space<vmem>>, vector<1x16xf32>,
    %swap3A_852 = vector.shape_cast %swap3A_851 : vector<1x16xf32> to vector<16xf32>
    %swap3A_853 = vector.shape_cast %broadcast_in_dim3A_847 : vector<16xf32> to vector<1x16xf32>
    tpu.vector_store %arg8[%swap3A_849, %swap3A_850], %swap3A_853 {strides = array<i32>} : memref<128x16xf32, #tpu.memory_space<vmem>>, vector<1x16xf32>,
    %broadcast_in_dim3A_854 = arith.constant 0.000000e+00 : f32
    %broadcast_in_dim3A_855 = vector.broadcast %broadcast_in_dim3A_854 : f32 to vector<16xf32>
    %swap3A_856 = arith.constant 106 : i32
    %swap3A_857 = arith.index_cast %swap3A_856 : i32 to index
    %swap3A_858 = arith.constant 0 : index
    %swap3A_859 = tpu.vector_load %arg8[%swap3A_857, %swap3A_858] {strides = array<i32>} : memref<128x16xf32, #tpu.memory_space<vmem>>, vector<1x16xf32>,
    %swap3A_860 = vector.shape_cast %swap3A_859 : vector<1x16xf32> to vector<16xf32>
    %swap3A_861 = vector.shape_cast %broadcast_in_dim3A_855 : vector<16xf32> to vector<1x16xf32>
    tpu.vector_store %arg8[%swap3A_857, %swap3A_858], %swap3A_861 {strides = array<i32>} : memref<128x16xf32, #tpu.memory_space<vmem>>, vector<1x16xf32>,
    %broadcast_in_dim3A_862 = arith.constant 0.000000e+00 : f32
    %broadcast_in_dim3A_863 = vector.broadcast %broadcast_in_dim3A_862 : f32 to vector<16xf32>
    %swap3A_864 = arith.constant 107 : i32
    %swap3A_865 = arith.index_cast %swap3A_864 : i32 to index
    %swap3A_866 = arith.constant 0 : index
    %swap3A_867 = tpu.vector_load %arg8[%swap3A_865, %swap3A_866] {strides = array<i32>} : memref<128x16xf32, #tpu.memory_space<vmem>>, vector<1x16xf32>,
    %swap3A_868 = vector.shape_cast %swap3A_867 : vector<1x16xf32> to vector<16xf32>
    %swap3A_869 = vector.shape_cast %broadcast_in_dim3A_863 : vector<16xf32> to vector<1x16xf32>
    tpu.vector_store %arg8[%swap3A_865, %swap3A_866], %swap3A_869 {strides = array<i32>} : memref<128x16xf32, #tpu.memory_space<vmem>>, vector<1x16xf32>,
    %broadcast_in_dim3A_870 = arith.constant 0.000000e+00 : f32
    %broadcast_in_dim3A_871 = vector.broadcast %broadcast_in_dim3A_870 : f32 to vector<16xf32>
    %swap3A_872 = arith.constant 108 : i32
    %swap3A_873 = arith.index_cast %swap3A_872 : i32 to index
    %swap3A_874 = arith.constant 0 : index
    %swap3A_875 = tpu.vector_load %arg8[%swap3A_873, %swap3A_874] {strides = array<i32>} : memref<128x16xf32, #tpu.memory_space<vmem>>, vector<1x16xf32>,
    %swap3A_876 = vector.shape_cast %swap3A_875 : vector<1x16xf32> to vector<16xf32>
    %swap3A_877 = vector.shape_cast %broadcast_in_dim3A_871 : vector<16xf32> to vector<1x16xf32>
    tpu.vector_store %arg8[%swap3A_873, %swap3A_874], %swap3A_877 {strides = array<i32>} : memref<128x16xf32, #tpu.memory_space<vmem>>, vector<1x16xf32>,
    %broadcast_in_dim3A_878 = arith.constant 0.000000e+00 : f32
    %broadcast_in_dim3A_879 = vector.broadcast %broadcast_in_dim3A_878 : f32 to vector<16xf32>
    %swap3A_880 = arith.constant 109 : i32
    %swap3A_881 = arith.index_cast %swap3A_880 : i32 to index
    %swap3A_882 = arith.constant 0 : index
    %swap3A_883 = tpu.vector_load %arg8[%swap3A_881, %swap3A_882] {strides = array<i32>} : memref<128x16xf32, #tpu.memory_space<vmem>>, vector<1x16xf32>,
    %swap3A_884 = vector.shape_cast %swap3A_883 : vector<1x16xf32> to vector<16xf32>
    %swap3A_885 = vector.shape_cast %broadcast_in_dim3A_879 : vector<16xf32> to vector<1x16xf32>
    tpu.vector_store %arg8[%swap3A_881, %swap3A_882], %swap3A_885 {strides = array<i32>} : memref<128x16xf32, #tpu.memory_space<vmem>>, vector<1x16xf32>,
    %broadcast_in_dim3A_886 = arith.constant 0.000000e+00 : f32
    %broadcast_in_dim3A_887 = vector.broadcast %broadcast_in_dim3A_886 : f32 to vector<16xf32>
    %swap3A_888 = arith.constant 110 : i32
    %swap3A_889 = arith.index_cast %swap3A_888 : i32 to index
    %swap3A_890 = arith.constant 0 : index
    %swap3A_891 = tpu.vector_load %arg8[%swap3A_889, %swap3A_890] {strides = array<i32>} : memref<128x16xf32, #tpu.memory_space<vmem>>, vector<1x16xf32>,
    %swap3A_892 = vector.shape_cast %swap3A_891 : vector<1x16xf32> to vector<16xf32>
    %swap3A_893 = vector.shape_cast %broadcast_in_dim3A_887 : vector<16xf32> to vector<1x16xf32>
    tpu.vector_store %arg8[%swap3A_889, %swap3A_890], %swap3A_893 {strides = array<i32>} : memref<128x16xf32, #tpu.memory_space<vmem>>, vector<1x16xf32>,
    %broadcast_in_dim3A_894 = arith.constant 0.000000e+00 : f32
    %broadcast_in_dim3A_895 = vector.broadcast %broadcast_in_dim3A_894 : f32 to vector<16xf32>
    %swap3A_896 = arith.constant 111 : i32
    %swap3A_897 = arith.index_cast %swap3A_896 : i32 to index
    %swap3A_898 = arith.constant 0 : index
    %swap3A_899 = tpu.vector_load %arg8[%swap3A_897, %swap3A_898] {strides = array<i32>} : memref<128x16xf32, #tpu.memory_space<vmem>>, vector<1x16xf32>,
    %swap3A_900 = vector.shape_cast %swap3A_899 : vector<1x16xf32> to vector<16xf32>
    %swap3A_901 = vector.shape_cast %broadcast_in_dim3A_895 : vector<16xf32> to vector<1x16xf32>
    tpu.vector_store %arg8[%swap3A_897, %swap3A_898], %swap3A_901 {strides = array<i32>} : memref<128x16xf32, #tpu.memory_space<vmem>>, vector<1x16xf32>,
    %broadcast_in_dim3A_902 = arith.constant 0.000000e+00 : f32
    %broadcast_in_dim3A_903 = vector.broadcast %broadcast_in_dim3A_902 : f32 to vector<16xf32>
    %swap3A_904 = arith.constant 112 : i32
    %swap3A_905 = arith.index_cast %swap3A_904 : i32 to index
    %swap3A_906 = arith.constant 0 : index
    %swap3A_907 = tpu.vector_load %arg8[%swap3A_905, %swap3A_906] {strides = array<i32>} : memref<128x16xf32, #tpu.memory_space<vmem>>, vector<1x16xf32>,
    %swap3A_908 = vector.shape_cast %swap3A_907 : vector<1x16xf32> to vector<16xf32>
    %swap3A_909 = vector.shape_cast %broadcast_in_dim3A_903 : vector<16xf32> to vector<1x16xf32>
    tpu.vector_store %arg8[%swap3A_905, %swap3A_906], %swap3A_909 {strides = array<i32>} : memref<128x16xf32, #tpu.memory_space<vmem>>, vector<1x16xf32>,
    %broadcast_in_dim3A_910 = arith.constant 0.000000e+00 : f32
    %broadcast_in_dim3A_911 = vector.broadcast %broadcast_in_dim3A_910 : f32 to vector<16xf32>
    %swap3A_912 = arith.constant 113 : i32
    %swap3A_913 = arith.index_cast %swap3A_912 : i32 to index
    %swap3A_914 = arith.constant 0 : index
    %swap3A_915 = tpu.vector_load %arg8[%swap3A_913, %swap3A_914] {strides = array<i32>} : memref<128x16xf32, #tpu.memory_space<vmem>>, vector<1x16xf32>,
    %swap3A_916 = vector.shape_cast %swap3A_915 : vector<1x16xf32> to vector<16xf32>
    %swap3A_917 = vector.shape_cast %broadcast_in_dim3A_911 : vector<16xf32> to vector<1x16xf32>
    tpu.vector_store %arg8[%swap3A_913, %swap3A_914], %swap3A_917 {strides = array<i32>} : memref<128x16xf32, #tpu.memory_space<vmem>>, vector<1x16xf32>,
    %broadcast_in_dim3A_918 = arith.constant 0.000000e+00 : f32
    %broadcast_in_dim3A_919 = vector.broadcast %broadcast_in_dim3A_918 : f32 to vector<16xf32>
    %swap3A_920 = arith.constant 114 : i32
    %swap3A_921 = arith.index_cast %swap3A_920 : i32 to index
    %swap3A_922 = arith.constant 0 : index
    %swap3A_923 = tpu.vector_load %arg8[%swap3A_921, %swap3A_922] {strides = array<i32>} : memref<128x16xf32, #tpu.memory_space<vmem>>, vector<1x16xf32>,
    %swap3A_924 = vector.shape_cast %swap3A_923 : vector<1x16xf32> to vector<16xf32>
    %swap3A_925 = vector.shape_cast %broadcast_in_dim3A_919 : vector<16xf32> to vector<1x16xf32>
    tpu.vector_store %arg8[%swap3A_921, %swap3A_922], %swap3A_925 {strides = array<i32>} : memref<128x16xf32, #tpu.memory_space<vmem>>, vector<1x16xf32>,
    %broadcast_in_dim3A_926 = arith.constant 0.000000e+00 : f32
    %broadcast_in_dim3A_927 = vector.broadcast %broadcast_in_dim3A_926 : f32 to vector<16xf32>
    %swap3A_928 = arith.constant 115 : i32
    %swap3A_929 = arith.index_cast %swap3A_928 : i32 to index
    %swap3A_930 = arith.constant 0 : index
    %swap3A_931 = tpu.vector_load %arg8[%swap3A_929, %swap3A_930] {strides = array<i32>} : memref<128x16xf32, #tpu.memory_space<vmem>>, vector<1x16xf32>,
    %swap3A_932 = vector.shape_cast %swap3A_931 : vector<1x16xf32> to vector<16xf32>
    %swap3A_933 = vector.shape_cast %broadcast_in_dim3A_927 : vector<16xf32> to vector<1x16xf32>
    tpu.vector_store %arg8[%swap3A_929, %swap3A_930], %swap3A_933 {strides = array<i32>} : memref<128x16xf32, #tpu.memory_space<vmem>>, vector<1x16xf32>,
    %broadcast_in_dim3A_934 = arith.constant 0.000000e+00 : f32
    %broadcast_in_dim3A_935 = vector.broadcast %broadcast_in_dim3A_934 : f32 to vector<16xf32>
    %swap3A_936 = arith.constant 116 : i32
    %swap3A_937 = arith.index_cast %swap3A_936 : i32 to index
    %swap3A_938 = arith.constant 0 : index
    %swap3A_939 = tpu.vector_load %arg8[%swap3A_937, %swap3A_938] {strides = array<i32>} : memref<128x16xf32, #tpu.memory_space<vmem>>, vector<1x16xf32>,
    %swap3A_940 = vector.shape_cast %swap3A_939 : vector<1x16xf32> to vector<16xf32>
    %swap3A_941 = vector.shape_cast %broadcast_in_dim3A_935 : vector<16xf32> to vector<1x16xf32>
    tpu.vector_store %arg8[%swap3A_937, %swap3A_938], %swap3A_941 {strides = array<i32>} : memref<128x16xf32, #tpu.memory_space<vmem>>, vector<1x16xf32>,
    %broadcast_in_dim3A_942 = arith.constant 0.000000e+00 : f32
    %broadcast_in_dim3A_943 = vector.broadcast %broadcast_in_dim3A_942 : f32 to vector<16xf32>
    %swap3A_944 = arith.constant 117 : i32
    %swap3A_945 = arith.index_cast %swap3A_944 : i32 to index
    %swap3A_946 = arith.constant 0 : index
    %swap3A_947 = tpu.vector_load %arg8[%swap3A_945, %swap3A_946] {strides = array<i32>} : memref<128x16xf32, #tpu.memory_space<vmem>>, vector<1x16xf32>,
    %swap3A_948 = vector.shape_cast %swap3A_947 : vector<1x16xf32> to vector<16xf32>
    %swap3A_949 = vector.shape_cast %broadcast_in_dim3A_943 : vector<16xf32> to vector<1x16xf32>
    tpu.vector_store %arg8[%swap3A_945, %swap3A_946], %swap3A_949 {strides = array<i32>} : memref<128x16xf32, #tpu.memory_space<vmem>>, vector<1x16xf32>,
    %broadcast_in_dim3A_950 = arith.constant 0.000000e+00 : f32
    %broadcast_in_dim3A_951 = vector.broadcast %broadcast_in_dim3A_950 : f32 to vector<16xf32>
    %swap3A_952 = arith.constant 118 : i32
    %swap3A_953 = arith.index_cast %swap3A_952 : i32 to index
    %swap3A_954 = arith.constant 0 : index
    %swap3A_955 = tpu.vector_load %arg8[%swap3A_953, %swap3A_954] {strides = array<i32>} : memref<128x16xf32, #tpu.memory_space<vmem>>, vector<1x16xf32>,
    %swap3A_956 = vector.shape_cast %swap3A_955 : vector<1x16xf32> to vector<16xf32>
    %swap3A_957 = vector.shape_cast %broadcast_in_dim3A_951 : vector<16xf32> to vector<1x16xf32>
    tpu.vector_store %arg8[%swap3A_953, %swap3A_954], %swap3A_957 {strides = array<i32>} : memref<128x16xf32, #tpu.memory_space<vmem>>, vector<1x16xf32>,
    %broadcast_in_dim3A_958 = arith.constant 0.000000e+00 : f32
    %broadcast_in_dim3A_959 = vector.broadcast %broadcast_in_dim3A_958 : f32 to vector<16xf32>
    %swap3A_960 = arith.constant 119 : i32
    %swap3A_961 = arith.index_cast %swap3A_960 : i32 to index
    %swap3A_962 = arith.constant 0 : index
    %swap3A_963 = tpu.vector_load %arg8[%swap3A_961, %swap3A_962] {strides = array<i32>} : memref<128x16xf32, #tpu.memory_space<vmem>>, vector<1x16xf32>,
    %swap3A_964 = vector.shape_cast %swap3A_963 : vector<1x16xf32> to vector<16xf32>
    %swap3A_965 = vector.shape_cast %broadcast_in_dim3A_959 : vector<16xf32> to vector<1x16xf32>
    tpu.vector_store %arg8[%swap3A_961, %swap3A_962], %swap3A_965 {strides = array<i32>} : memref<128x16xf32, #tpu.memory_space<vmem>>, vector<1x16xf32>,
    %broadcast_in_dim3A_966 = arith.constant 0.000000e+00 : f32
    %broadcast_in_dim3A_967 = vector.broadcast %broadcast_in_dim3A_966 : f32 to vector<16xf32>
    %swap3A_968 = arith.constant 120 : i32
    %swap3A_969 = arith.index_cast %swap3A_968 : i32 to index
    %swap3A_970 = arith.constant 0 : index
    %swap3A_971 = tpu.vector_load %arg8[%swap3A_969, %swap3A_970] {strides = array<i32>} : memref<128x16xf32, #tpu.memory_space<vmem>>, vector<1x16xf32>,
    %swap3A_972 = vector.shape_cast %swap3A_971 : vector<1x16xf32> to vector<16xf32>
    %swap3A_973 = vector.shape_cast %broadcast_in_dim3A_967 : vector<16xf32> to vector<1x16xf32>
    tpu.vector_store %arg8[%swap3A_969, %swap3A_970], %swap3A_973 {strides = array<i32>} : memref<128x16xf32, #tpu.memory_space<vmem>>, vector<1x16xf32>,
    %broadcast_in_dim3A_974 = arith.constant 0.000000e+00 : f32
    %broadcast_in_dim3A_975 = vector.broadcast %broadcast_in_dim3A_974 : f32 to vector<16xf32>
    %swap3A_976 = arith.constant 121 : i32
    %swap3A_977 = arith.index_cast %swap3A_976 : i32 to index
    %swap3A_978 = arith.constant 0 : index
    %swap3A_979 = tpu.vector_load %arg8[%swap3A_977, %swap3A_978] {strides = array<i32>} : memref<128x16xf32, #tpu.memory_space<vmem>>, vector<1x16xf32>,
    %swap3A_980 = vector.shape_cast %swap3A_979 : vector<1x16xf32> to vector<16xf32>
    %swap3A_981 = vector.shape_cast %broadcast_in_dim3A_975 : vector<16xf32> to vector<1x16xf32>
    tpu.vector_store %arg8[%swap3A_977, %swap3A_978], %swap3A_981 {strides = array<i32>} : memref<128x16xf32, #tpu.memory_space<vmem>>, vector<1x16xf32>,
    %broadcast_in_dim3A_982 = arith.constant 0.000000e+00 : f32
    %broadcast_in_dim3A_983 = vector.broadcast %broadcast_in_dim3A_982 : f32 to vector<16xf32>
    %swap3A_984 = arith.constant 122 : i32
    %swap3A_985 = arith.index_cast %swap3A_984 : i32 to index
    %swap3A_986 = arith.constant 0 : index
    %swap3A_987 = tpu.vector_load %arg8[%swap3A_985, %swap3A_986] {strides = array<i32>} : memref<128x16xf32, #tpu.memory_space<vmem>>, vector<1x16xf32>,
    %swap3A_988 = vector.shape_cast %swap3A_987 : vector<1x16xf32> to vector<16xf32>
    %swap3A_989 = vector.shape_cast %broadcast_in_dim3A_983 : vector<16xf32> to vector<1x16xf32>
    tpu.vector_store %arg8[%swap3A_985, %swap3A_986], %swap3A_989 {strides = array<i32>} : memref<128x16xf32, #tpu.memory_space<vmem>>, vector<1x16xf32>,
    %broadcast_in_dim3A_990 = arith.constant 0.000000e+00 : f32
    %broadcast_in_dim3A_991 = vector.broadcast %broadcast_in_dim3A_990 : f32 to vector<16xf32>
    %swap3A_992 = arith.constant 123 : i32
    %swap3A_993 = arith.index_cast %swap3A_992 : i32 to index
    %swap3A_994 = arith.constant 0 : index
    %swap3A_995 = tpu.vector_load %arg8[%swap3A_993, %swap3A_994] {strides = array<i32>} : memref<128x16xf32, #tpu.memory_space<vmem>>, vector<1x16xf32>,
    %swap3A_996 = vector.shape_cast %swap3A_995 : vector<1x16xf32> to vector<16xf32>
    %swap3A_997 = vector.shape_cast %broadcast_in_dim3A_991 : vector<16xf32> to vector<1x16xf32>
    tpu.vector_store %arg8[%swap3A_993, %swap3A_994], %swap3A_997 {strides = array<i32>} : memref<128x16xf32, #tpu.memory_space<vmem>>, vector<1x16xf32>,
    %broadcast_in_dim3A_998 = arith.constant 0.000000e+00 : f32
    %broadcast_in_dim3A_999 = vector.broadcast %broadcast_in_dim3A_998 : f32 to vector<16xf32>
    %swap3A_1000 = arith.constant 124 : i32
    %swap3A_1001 = arith.index_cast %swap3A_1000 : i32 to index
    %swap3A_1002 = arith.constant 0 : index
    %swap3A_1003 = tpu.vector_load %arg8[%swap3A_1001, %swap3A_1002] {strides = array<i32>} : memref<128x16xf32, #tpu.memory_space<vmem>>, vector<1x16xf32>,
    %swap3A_1004 = vector.shape_cast %swap3A_1003 : vector<1x16xf32> to vector<16xf32>
    %swap3A_1005 = vector.shape_cast %broadcast_in_dim3A_999 : vector<16xf32> to vector<1x16xf32>
    tpu.vector_store %arg8[%swap3A_1001, %swap3A_1002], %swap3A_1005 {strides = array<i32>} : memref<128x16xf32, #tpu.memory_space<vmem>>, vector<1x16xf32>,
    %broadcast_in_dim3A_1006 = arith.constant 0.000000e+00 : f32
    %broadcast_in_dim3A_1007 = vector.broadcast %broadcast_in_dim3A_1006 : f32 to vector<16xf32>
    %swap3A_1008 = arith.constant 125 : i32
    %swap3A_1009 = arith.index_cast %swap3A_1008 : i32 to index
    %swap3A_1010 = arith.constant 0 : index
    %swap3A_1011 = tpu.vector_load %arg8[%swap3A_1009, %swap3A_1010] {strides = array<i32>} : memref<128x16xf32, #tpu.memory_space<vmem>>, vector<1x16xf32>,
    %swap3A_1012 = vector.shape_cast %swap3A_1011 : vector<1x16xf32> to vector<16xf32>
    %swap3A_1013 = vector.shape_cast %broadcast_in_dim3A_1007 : vector<16xf32> to vector<1x16xf32>
    tpu.vector_store %arg8[%swap3A_1009, %swap3A_1010], %swap3A_1013 {strides = array<i32>} : memref<128x16xf32, #tpu.memory_space<vmem>>, vector<1x16xf32>,
    %broadcast_in_dim3A_1014 = arith.constant 0.000000e+00 : f32
    %broadcast_in_dim3A_1015 = vector.broadcast %broadcast_in_dim3A_1014 : f32 to vector<16xf32>
    %swap3A_1016 = arith.constant 126 : i32
    %swap3A_1017 = arith.index_cast %swap3A_1016 : i32 to index
    %swap3A_1018 = arith.constant 0 : index
    %swap3A_1019 = tpu.vector_load %arg8[%swap3A_1017, %swap3A_1018] {strides = array<i32>} : memref<128x16xf32, #tpu.memory_space<vmem>>, vector<1x16xf32>,
    %swap3A_1020 = vector.shape_cast %swap3A_1019 : vector<1x16xf32> to vector<16xf32>
    %swap3A_1021 = vector.shape_cast %broadcast_in_dim3A_1015 : vector<16xf32> to vector<1x16xf32>
    tpu.vector_store %arg8[%swap3A_1017, %swap3A_1018], %swap3A_1021 {strides = array<i32>} : memref<128x16xf32, #tpu.memory_space<vmem>>, vector<1x16xf32>,
    %broadcast_in_dim3A_1022 = arith.constant 0.000000e+00 : f32
    %broadcast_in_dim3A_1023 = vector.broadcast %broadcast_in_dim3A_1022 : f32 to vector<16xf32>
    %swap3A_1024 = arith.constant 127 : i32
    %swap3A_1025 = arith.index_cast %swap3A_1024 : i32 to index
    %swap3A_1026 = arith.constant 0 : index
    %swap3A_1027 = tpu.vector_load %arg8[%swap3A_1025, %swap3A_1026] {strides = array<i32>} : memref<128x16xf32, #tpu.memory_space<vmem>>, vector<1x16xf32>,
    %swap3A_1028 = vector.shape_cast %swap3A_1027 : vector<1x16xf32> to vector<16xf32>
    %swap3A_1029 = vector.shape_cast %broadcast_in_dim3A_1023 : vector<16xf32> to vector<1x16xf32>
    tpu.vector_store %arg8[%swap3A_1025, %swap3A_1026], %swap3A_1029 {strides = array<i32>} : memref<128x16xf32, #tpu.memory_space<vmem>>, vector<1x16xf32>,
    %mul3A_1030 = arith.constant 640 : i32
    %mul3A_1031 = arith.muli %arg1, %mul3A_1030 : i32
    %add3A_1032 = arith.constant 0 : i32
    %add3A_1033 = arith.addi %mul3A_1031, %add3A_1032 : i32
    "tpu.region"() ({
      %run_scoped3A_1297 = tpu.sem_alloc : memref<!tpu.dma_semaphore, #tpu.memory_space<semaphore_mem>>
      %dma_start3A_1298 = arith.constant 0 : i32
      %dma_start3A_1299 = tpu.memref_slice %arg9[%add3A_1033, %dma_start3A_1298] : memref<10240x16xf32, #tpu.memory_space<vmem_shared>> -> memref<128x16xf32, #tpu.memory_space<vmem_shared>>
      %dma_start3A_1300 = arith.constant 0 : i32
      %dma_start3A_1301 = tpu.memref_slice %arg9[%add3A_1033, %dma_start3A_1300] : memref<10240x16xf32, #tpu.memory_space<vmem_shared>> -> memref<128x16xf32, #tpu.memory_space<vmem_shared>>
      tpu.enqueue_dma source(%arg8 : memref<128x16xf32, #tpu.memory_space<vmem>>) target(%dma_start3A_1301 : memref<128x16xf32, #tpu.memory_space<vmem_shared>>) target_semaphore(%run_scoped3A_1297 : memref<!tpu.dma_semaphore, #tpu.memory_space<semaphore_mem>>)
      %dma_wait3A_1302 = arith.constant 0 : i32
      %dma_wait3A_1303 = tpu.memref_slice %arg9[%add3A_1033, %dma_wait3A_1302] : memref<10240x16xf32, #tpu.memory_space<vmem_shared>> -> memref<128x16xf32, #tpu.memory_space<vmem_shared>>
      %dma_wait3A_1304 = arith.constant 0 : i32
      %dma_wait3A_1305 = tpu.memref_slice %arg9[%add3A_1033, %dma_wait3A_1304] : memref<10240x16xf32, #tpu.memory_space<vmem_shared>> -> memref<128x16xf32, #tpu.memory_space<vmem_shared>>
      tpu.wait_dma2 semaphore(%run_scoped3A_1297 : memref<!tpu.dma_semaphore, #tpu.memory_space<semaphore_mem>>) src(%arg8 : memref<128x16xf32, #tpu.memory_space<vmem>>) dst(%dma_wait3A_1305 : memref<128x16xf32, #tpu.memory_space<vmem_shared>>)
      tpu.yield
    }) : () -> ()
    %mul3A_1034 = arith.constant 640 : i32
    %mul3A_1035 = arith.muli %arg1, %mul3A_1034 : i32
    %add3A_1036 = arith.constant 128 : i32
    %add3A_1037 = arith.addi %mul3A_1035, %add3A_1036 : i32
    "tpu.region"() ({
      %run_scoped3A_1297 = tpu.sem_alloc : memref<!tpu.dma_semaphore, #tpu.memory_space<semaphore_mem>>
      %dma_start3A_1298 = arith.constant 0 : i32
      %dma_start3A_1299 = tpu.memref_slice %arg9[%add3A_1037, %dma_start3A_1298] : memref<10240x16xf32, #tpu.memory_space<vmem_shared>> -> memref<128x16xf32, #tpu.memory_space<vmem_shared>>
      %dma_start3A_1300 = arith.constant 0 : i32
      %dma_start3A_1301 = tpu.memref_slice %arg9[%add3A_1037, %dma_start3A_1300] : memref<10240x16xf32, #tpu.memory_space<vmem_shared>> -> memref<128x16xf32, #tpu.memory_space<vmem_shared>>
      tpu.enqueue_dma source(%arg8 : memref<128x16xf32, #tpu.memory_space<vmem>>) target(%dma_start3A_1301 : memref<128x16xf32, #tpu.memory_space<vmem_shared>>) target_semaphore(%run_scoped3A_1297 : memref<!tpu.dma_semaphore, #tpu.memory_space<semaphore_mem>>)
      %dma_wait3A_1302 = arith.constant 0 : i32
      %dma_wait3A_1303 = tpu.memref_slice %arg9[%add3A_1037, %dma_wait3A_1302] : memref<10240x16xf32, #tpu.memory_space<vmem_shared>> -> memref<128x16xf32, #tpu.memory_space<vmem_shared>>
      %dma_wait3A_1304 = arith.constant 0 : i32
      %dma_wait3A_1305 = tpu.memref_slice %arg9[%add3A_1037, %dma_wait3A_1304] : memref<10240x16xf32, #tpu.memory_space<vmem_shared>> -> memref<128x16xf32, #tpu.memory_space<vmem_shared>>
      tpu.wait_dma2 semaphore(%run_scoped3A_1297 : memref<!tpu.dma_semaphore, #tpu.memory_space<semaphore_mem>>) src(%arg8 : memref<128x16xf32, #tpu.memory_space<vmem>>) dst(%dma_wait3A_1305 : memref<128x16xf32, #tpu.memory_space<vmem_shared>>)
      tpu.yield
    }) : () -> ()
    %mul3A_1038 = arith.constant 640 : i32
    %mul3A_1039 = arith.muli %arg1, %mul3A_1038 : i32
    %add3A_1040 = arith.constant 256 : i32
    %add3A_1041 = arith.addi %mul3A_1039, %add3A_1040 : i32
    "tpu.region"() ({
      %run_scoped3A_1297 = tpu.sem_alloc : memref<!tpu.dma_semaphore, #tpu.memory_space<semaphore_mem>>
      %dma_start3A_1298 = arith.constant 0 : i32
      %dma_start3A_1299 = tpu.memref_slice %arg9[%add3A_1041, %dma_start3A_1298] : memref<10240x16xf32, #tpu.memory_space<vmem_shared>> -> memref<128x16xf32, #tpu.memory_space<vmem_shared>>
      %dma_start3A_1300 = arith.constant 0 : i32
      %dma_start3A_1301 = tpu.memref_slice %arg9[%add3A_1041, %dma_start3A_1300] : memref<10240x16xf32, #tpu.memory_space<vmem_shared>> -> memref<128x16xf32, #tpu.memory_space<vmem_shared>>
      tpu.enqueue_dma source(%arg8 : memref<128x16xf32, #tpu.memory_space<vmem>>) target(%dma_start3A_1301 : memref<128x16xf32, #tpu.memory_space<vmem_shared>>) target_semaphore(%run_scoped3A_1297 : memref<!tpu.dma_semaphore, #tpu.memory_space<semaphore_mem>>)
      %dma_wait3A_1302 = arith.constant 0 : i32
      %dma_wait3A_1303 = tpu.memref_slice %arg9[%add3A_1041, %dma_wait3A_1302] : memref<10240x16xf32, #tpu.memory_space<vmem_shared>> -> memref<128x16xf32, #tpu.memory_space<vmem_shared>>
      %dma_wait3A_1304 = arith.constant 0 : i32
      %dma_wait3A_1305 = tpu.memref_slice %arg9[%add3A_1041, %dma_wait3A_1304] : memref<10240x16xf32, #tpu.memory_space<vmem_shared>> -> memref<128x16xf32, #tpu.memory_space<vmem_shared>>
      tpu.wait_dma2 semaphore(%run_scoped3A_1297 : memref<!tpu.dma_semaphore, #tpu.memory_space<semaphore_mem>>) src(%arg8 : memref<128x16xf32, #tpu.memory_space<vmem>>) dst(%dma_wait3A_1305 : memref<128x16xf32, #tpu.memory_space<vmem_shared>>)
      tpu.yield
    }) : () -> ()
    %mul3A_1042 = arith.constant 640 : i32
    %mul3A_1043 = arith.muli %arg1, %mul3A_1042 : i32
    %add3A_1044 = arith.constant 384 : i32
    %add3A_1045 = arith.addi %mul3A_1043, %add3A_1044 : i32
    "tpu.region"() ({
      %run_scoped3A_1297 = tpu.sem_alloc : memref<!tpu.dma_semaphore, #tpu.memory_space<semaphore_mem>>
      %dma_start3A_1298 = arith.constant 0 : i32
      %dma_start3A_1299 = tpu.memref_slice %arg9[%add3A_1045, %dma_start3A_1298] : memref<10240x16xf32, #tpu.memory_space<vmem_shared>> -> memref<128x16xf32, #tpu.memory_space<vmem_shared>>
      %dma_start3A_1300 = arith.constant 0 : i32
      %dma_start3A_1301 = tpu.memref_slice %arg9[%add3A_1045, %dma_start3A_1300] : memref<10240x16xf32, #tpu.memory_space<vmem_shared>> -> memref<128x16xf32, #tpu.memory_space<vmem_shared>>
      tpu.enqueue_dma source(%arg8 : memref<128x16xf32, #tpu.memory_space<vmem>>) target(%dma_start3A_1301 : memref<128x16xf32, #tpu.memory_space<vmem_shared>>) target_semaphore(%run_scoped3A_1297 : memref<!tpu.dma_semaphore, #tpu.memory_space<semaphore_mem>>)
      %dma_wait3A_1302 = arith.constant 0 : i32
      %dma_wait3A_1303 = tpu.memref_slice %arg9[%add3A_1045, %dma_wait3A_1302] : memref<10240x16xf32, #tpu.memory_space<vmem_shared>> -> memref<128x16xf32, #tpu.memory_space<vmem_shared>>
      %dma_wait3A_1304 = arith.constant 0 : i32
      %dma_wait3A_1305 = tpu.memref_slice %arg9[%add3A_1045, %dma_wait3A_1304] : memref<10240x16xf32, #tpu.memory_space<vmem_shared>> -> memref<128x16xf32, #tpu.memory_space<vmem_shared>>
      tpu.wait_dma2 semaphore(%run_scoped3A_1297 : memref<!tpu.dma_semaphore, #tpu.memory_space<semaphore_mem>>) src(%arg8 : memref<128x16xf32, #tpu.memory_space<vmem>>) dst(%dma_wait3A_1305 : memref<128x16xf32, #tpu.memory_space<vmem_shared>>)
      tpu.yield
    }) : () -> ()
    %mul3A_1046 = arith.constant 640 : i32
    %mul3A_1047 = arith.muli %arg1, %mul3A_1046 : i32
    %add3A_1048 = arith.constant 512 : i32
    %add3A_1049 = arith.addi %mul3A_1047, %add3A_1048 : i32
    "tpu.region"() ({
      %run_scoped3A_1297 = tpu.sem_alloc : memref<!tpu.dma_semaphore, #tpu.memory_space<semaphore_mem>>
      %dma_start3A_1298 = arith.constant 0 : i32
      %dma_start3A_1299 = tpu.memref_slice %arg9[%add3A_1049, %dma_start3A_1298] : memref<10240x16xf32, #tpu.memory_space<vmem_shared>> -> memref<128x16xf32, #tpu.memory_space<vmem_shared>>
      %dma_start3A_1300 = arith.constant 0 : i32
      %dma_start3A_1301 = tpu.memref_slice %arg9[%add3A_1049, %dma_start3A_1300] : memref<10240x16xf32, #tpu.memory_space<vmem_shared>> -> memref<128x16xf32, #tpu.memory_space<vmem_shared>>
      tpu.enqueue_dma source(%arg8 : memref<128x16xf32, #tpu.memory_space<vmem>>) target(%dma_start3A_1301 : memref<128x16xf32, #tpu.memory_space<vmem_shared>>) target_semaphore(%run_scoped3A_1297 : memref<!tpu.dma_semaphore, #tpu.memory_space<semaphore_mem>>)
      %dma_wait3A_1302 = arith.constant 0 : i32
      %dma_wait3A_1303 = tpu.memref_slice %arg9[%add3A_1049, %dma_wait3A_1302] : memref<10240x16xf32, #tpu.memory_space<vmem_shared>> -> memref<128x16xf32, #tpu.memory_space<vmem_shared>>
      %dma_wait3A_1304 = arith.constant 0 : i32
      %dma_wait3A_1305 = tpu.memref_slice %arg9[%add3A_1049, %dma_wait3A_1304] : memref<10240x16xf32, #tpu.memory_space<vmem_shared>> -> memref<128x16xf32, #tpu.memory_space<vmem_shared>>
      tpu.wait_dma2 semaphore(%run_scoped3A_1297 : memref<!tpu.dma_semaphore, #tpu.memory_space<semaphore_mem>>) src(%arg8 : memref<128x16xf32, #tpu.memory_space<vmem>>) dst(%dma_wait3A_1305 : memref<128x16xf32, #tpu.memory_space<vmem_shared>>)
      tpu.yield
    }) : () -> ()
    %barrier3A = arith.constant 0 : index
    tpu.barrier barrier_id(%barrier3A)
    %mul3A_1050 = arith.constant 128 : i32
    %mul3A_1051 = arith.muli %add3A_4, %mul3A_1050 : i32
    %run_scoped3A = arith.constant 0 : i32
    "tpu.region"() ({
      %run_scoped3A_1297 = tpu.sem_alloc : memref<!tpu.dma_semaphore, #tpu.memory_space<semaphore_mem>>
      %dma_start3A_1298 = arith.constant 0 : i32
      %dma_start3A_1299 = tpu.memref_slice %arg5[%dma_start3A_1298] : memref<10112xi32, #tpu.memory_space<vmem>> -> memref<9984xi32, #tpu.memory_space<vmem>>
      %dma_start3A_1300 = tpu.memref_slice %arg3[%run_scoped3A, %mul3A_1051] : memref<2x320000xi32, #tpu.memory_space<hbm>> -> memref<1x9984xi32, #tpu.memory_space<hbm>>
      %dma_start3A_1301 = tpu.memref_squeeze %dma_start3A_1300 : memref<1x9984xi32, #tpu.memory_space<hbm>> -> memref<9984xi32, #tpu.memory_space<hbm>>
      %dma_start3A_1302 = arith.constant 0 : i32
      %dma_start3A_1303 = tpu.memref_slice %arg5[%dma_start3A_1302] : memref<10112xi32, #tpu.memory_space<vmem>> -> memref<9984xi32, #tpu.memory_space<vmem>>
      %dma_start3A_1304 = tpu.memref_slice %arg3[%run_scoped3A, %mul3A_1051] : memref<2x320000xi32, #tpu.memory_space<hbm>> -> memref<1x9984xi32, #tpu.memory_space<hbm>>
      %dma_start3A_1305 = tpu.memref_squeeze %dma_start3A_1304 : memref<1x9984xi32, #tpu.memory_space<hbm>> -> memref<9984xi32, #tpu.memory_space<hbm>>
      tpu.enqueue_dma source(%dma_start3A_1305 : memref<9984xi32, #tpu.memory_space<hbm>>) target(%dma_start3A_1303 : memref<9984xi32, #tpu.memory_space<vmem>>) target_semaphore(%run_scoped3A_1297 : memref<!tpu.dma_semaphore, #tpu.memory_space<semaphore_mem>>)
      %dma_wait3A_1306 = arith.constant 0 : i32
      %dma_wait3A_1307 = tpu.memref_slice %arg5[%dma_wait3A_1306] : memref<10112xi32, #tpu.memory_space<vmem>> -> memref<9984xi32, #tpu.memory_space<vmem>>
      %dma_wait3A_1308 = tpu.memref_slice %arg3[%run_scoped3A, %mul3A_1051] : memref<2x320000xi32, #tpu.memory_space<hbm>> -> memref<1x9984xi32, #tpu.memory_space<hbm>>
      %dma_wait3A_1309 = tpu.memref_squeeze %dma_wait3A_1308 : memref<1x9984xi32, #tpu.memory_space<hbm>> -> memref<9984xi32, #tpu.memory_space<hbm>>
      %dma_wait3A_1310 = arith.constant 0 : i32
      %dma_wait3A_1311 = tpu.memref_slice %arg5[%dma_wait3A_1310] : memref<10112xi32, #tpu.memory_space<vmem>> -> memref<9984xi32, #tpu.memory_space<vmem>>
      %dma_wait3A_1312 = tpu.memref_slice %arg3[%run_scoped3A, %mul3A_1051] : memref<2x320000xi32, #tpu.memory_space<hbm>> -> memref<1x9984xi32, #tpu.memory_space<hbm>>
      %dma_wait3A_1313 = tpu.memref_squeeze %dma_wait3A_1312 : memref<1x9984xi32, #tpu.memory_space<hbm>> -> memref<9984xi32, #tpu.memory_space<hbm>>
      tpu.wait_dma2 semaphore(%run_scoped3A_1297 : memref<!tpu.dma_semaphore, #tpu.memory_space<semaphore_mem>>) src(%dma_wait3A_1313 : memref<9984xi32, #tpu.memory_space<hbm>>) dst(%dma_wait3A_1311 : memref<9984xi32, #tpu.memory_space<vmem>>)
      tpu.yield
    }) : () -> ()
    %lt3A_1052 = arith.constant 4 : i32
    %lt3A_1053 = arith.cmpi slt, %add3A, %lt3A_1052 : i32
    %convert_element_type3A_1054 = arith.extui %lt3A_1053 : i1 to i32
    %cond3A = arith.constant 0 : i32
    %cond3A_1055 = arith.cmpi ne, %convert_element_type3A_1054, %cond3A : i32
    scf.if %cond3A_1055 {
      %add3A_1297 = arith.constant 78 : i32
      %add3A_1298 = arith.addi %add3A_4, %add3A_1297 : i32
      %mul3A_1299 = arith.constant 128 : i32
      %mul3A_1300 = arith.muli %add3A_1298, %mul3A_1299 : i32
      %run_scoped3A_1301 = arith.constant 0 : i32
      "tpu.region"() ({
        %run_scoped3A_1302 = tpu.sem_alloc : memref<!tpu.dma_semaphore, #tpu.memory_space<semaphore_mem>>
        %dma_start3A_1303 = arith.constant 9984 : i32
        %dma_start3A_1304 = tpu.memref_slice %arg5[%dma_start3A_1303] : memref<10112xi32, #tpu.memory_space<vmem>> -> memref<128xi32, #tpu.memory_space<vmem>>
        %dma_start3A_1305 = tpu.memref_slice %arg3[%run_scoped3A_1301, %mul3A_1300] : memref<2x320000xi32, #tpu.memory_space<hbm>> -> memref<1x128xi32, #tpu.memory_space<hbm>>
        %dma_start3A_1306 = tpu.memref_squeeze %dma_start3A_1305 : memref<1x128xi32, #tpu.memory_space<hbm>> -> memref<128xi32, #tpu.memory_space<hbm>>
        %dma_start3A_1307 = arith.constant 9984 : i32
        %dma_start3A_1308 = tpu.memref_slice %arg5[%dma_start3A_1307] : memref<10112xi32, #tpu.memory_space<vmem>> -> memref<128xi32, #tpu.memory_space<vmem>>
        %dma_start3A_1309 = tpu.memref_slice %arg3[%run_scoped3A_1301, %mul3A_1300] : memref<2x320000xi32, #tpu.memory_space<hbm>> -> memref<1x128xi32, #tpu.memory_space<hbm>>
        %dma_start3A_1310 = tpu.memref_squeeze %dma_start3A_1309 : memref<1x128xi32, #tpu.memory_space<hbm>> -> memref<128xi32, #tpu.memory_space<hbm>>
        tpu.enqueue_dma source(%dma_start3A_1310 : memref<128xi32, #tpu.memory_space<hbm>>) target(%dma_start3A_1308 : memref<128xi32, #tpu.memory_space<vmem>>) target_semaphore(%run_scoped3A_1302 : memref<!tpu.dma_semaphore, #tpu.memory_space<semaphore_mem>>)
        %dma_wait3A_1311 = arith.constant 9984 : i32
        %dma_wait3A_1312 = tpu.memref_slice %arg5[%dma_wait3A_1311] : memref<10112xi32, #tpu.memory_space<vmem>> -> memref<128xi32, #tpu.memory_space<vmem>>
        %dma_wait3A_1313 = tpu.memref_slice %arg3[%run_scoped3A_1301, %mul3A_1300] : memref<2x320000xi32, #tpu.memory_space<hbm>> -> memref<1x128xi32, #tpu.memory_space<hbm>>
        %dma_wait3A_1314 = tpu.memref_squeeze %dma_wait3A_1313 : memref<1x128xi32, #tpu.memory_space<hbm>> -> memref<128xi32, #tpu.memory_space<hbm>>
        %dma_wait3A_1315 = arith.constant 9984 : i32
        %dma_wait3A_1316 = tpu.memref_slice %arg5[%dma_wait3A_1315] : memref<10112xi32, #tpu.memory_space<vmem>> -> memref<128xi32, #tpu.memory_space<vmem>>
        %dma_wait3A_1317 = tpu.memref_slice %arg3[%run_scoped3A_1301, %mul3A_1300] : memref<2x320000xi32, #tpu.memory_space<hbm>> -> memref<1x128xi32, #tpu.memory_space<hbm>>
        %dma_wait3A_1318 = tpu.memref_squeeze %dma_wait3A_1317 : memref<1x128xi32, #tpu.memory_space<hbm>> -> memref<128xi32, #tpu.memory_space<hbm>>
        tpu.wait_dma2 semaphore(%run_scoped3A_1302 : memref<!tpu.dma_semaphore, #tpu.memory_space<semaphore_mem>>) src(%dma_wait3A_1318 : memref<128xi32, #tpu.memory_space<hbm>>) dst(%dma_wait3A_1316 : memref<128xi32, #tpu.memory_space<vmem>>)
        tpu.yield
      }) : () -> ()
    } else {
    }
    %mul3A_1056 = arith.constant 128 : i32
    %mul3A_1057 = arith.muli %add3A_4, %mul3A_1056 : i32
    %run_scoped3A_1058 = arith.constant 1 : i32
    "tpu.region"() ({
      %run_scoped3A_1297 = tpu.sem_alloc : memref<!tpu.dma_semaphore, #tpu.memory_space<semaphore_mem>>
      %dma_start3A_1298 = arith.constant 0 : i32
      %dma_start3A_1299 = tpu.memref_slice %arg6[%dma_start3A_1298] : memref<10112xi32, #tpu.memory_space<vmem>> -> memref<9984xi32, #tpu.memory_space<vmem>>
      %dma_start3A_1300 = tpu.memref_slice %arg3[%run_scoped3A_1058, %mul3A_1057] : memref<2x320000xi32, #tpu.memory_space<hbm>> -> memref<1x9984xi32, #tpu.memory_space<hbm>>
      %dma_start3A_1301 = tpu.memref_squeeze %dma_start3A_1300 : memref<1x9984xi32, #tpu.memory_space<hbm>> -> memref<9984xi32, #tpu.memory_space<hbm>>
      %dma_start3A_1302 = arith.constant 0 : i32
      %dma_start3A_1303 = tpu.memref_slice %arg6[%dma_start3A_1302] : memref<10112xi32, #tpu.memory_space<vmem>> -> memref<9984xi32, #tpu.memory_space<vmem>>
      %dma_start3A_1304 = tpu.memref_slice %arg3[%run_scoped3A_1058, %mul3A_1057] : memref<2x320000xi32, #tpu.memory_space<hbm>> -> memref<1x9984xi32, #tpu.memory_space<hbm>>
      %dma_start3A_1305 = tpu.memref_squeeze %dma_start3A_1304 : memref<1x9984xi32, #tpu.memory_space<hbm>> -> memref<9984xi32, #tpu.memory_space<hbm>>
      tpu.enqueue_dma source(%dma_start3A_1305 : memref<9984xi32, #tpu.memory_space<hbm>>) target(%dma_start3A_1303 : memref<9984xi32, #tpu.memory_space<vmem>>) target_semaphore(%run_scoped3A_1297 : memref<!tpu.dma_semaphore, #tpu.memory_space<semaphore_mem>>)
      %dma_wait3A_1306 = arith.constant 0 : i32
      %dma_wait3A_1307 = tpu.memref_slice %arg6[%dma_wait3A_1306] : memref<10112xi32, #tpu.memory_space<vmem>> -> memref<9984xi32, #tpu.memory_space<vmem>>
      %dma_wait3A_1308 = tpu.memref_slice %arg3[%run_scoped3A_1058, %mul3A_1057] : memref<2x320000xi32, #tpu.memory_space<hbm>> -> memref<1x9984xi32, #tpu.memory_space<hbm>>
      %dma_wait3A_1309 = tpu.memref_squeeze %dma_wait3A_1308 : memref<1x9984xi32, #tpu.memory_space<hbm>> -> memref<9984xi32, #tpu.memory_space<hbm>>
      %dma_wait3A_1310 = arith.constant 0 : i32
      %dma_wait3A_1311 = tpu.memref_slice %arg6[%dma_wait3A_1310] : memref<10112xi32, #tpu.memory_space<vmem>> -> memref<9984xi32, #tpu.memory_space<vmem>>
      %dma_wait3A_1312 = tpu.memref_slice %arg3[%run_scoped3A_1058, %mul3A_1057] : memref<2x320000xi32, #tpu.memory_space<hbm>> -> memref<1x9984xi32, #tpu.memory_space<hbm>>
      %dma_wait3A_1313 = tpu.memref_squeeze %dma_wait3A_1312 : memref<1x9984xi32, #tpu.memory_space<hbm>> -> memref<9984xi32, #tpu.memory_space<hbm>>
      tpu.wait_dma2 semaphore(%run_scoped3A_1297 : memref<!tpu.dma_semaphore, #tpu.memory_space<semaphore_mem>>) src(%dma_wait3A_1313 : memref<9984xi32, #tpu.memory_space<hbm>>) dst(%dma_wait3A_1311 : memref<9984xi32, #tpu.memory_space<vmem>>)
      tpu.yield
    }) : () -> ()
    %lt3A_1059 = arith.constant 4 : i32
    %lt3A_1060 = arith.cmpi slt, %add3A, %lt3A_1059 : i32
    %convert_element_type3A_1061 = arith.extui %lt3A_1060 : i1 to i32
    %cond3A_1062 = arith.constant 0 : i32
    %cond3A_1063 = arith.cmpi ne, %convert_element_type3A_1061, %cond3A_1062 : i32
    scf.if %cond3A_1063 {
      %add3A_1297 = arith.constant 78 : i32
      %add3A_1298 = arith.addi %add3A_4, %add3A_1297 : i32
      %mul3A_1299 = arith.constant 128 : i32
      %mul3A_1300 = arith.muli %add3A_1298, %mul3A_1299 : i32
      %run_scoped3A_1301 = arith.constant 1 : i32
      "tpu.region"() ({
        %run_scoped3A_1302 = tpu.sem_alloc : memref<!tpu.dma_semaphore, #tpu.memory_space<semaphore_mem>>
        %dma_start3A_1303 = arith.constant 9984 : i32
        %dma_start3A_1304 = tpu.memref_slice %arg6[%dma_start3A_1303] : memref<10112xi32, #tpu.memory_space<vmem>> -> memref<128xi32, #tpu.memory_space<vmem>>
        %dma_start3A_1305 = tpu.memref_slice %arg3[%run_scoped3A_1301, %mul3A_1300] : memref<2x320000xi32, #tpu.memory_space<hbm>> -> memref<1x128xi32, #tpu.memory_space<hbm>>
        %dma_start3A_1306 = tpu.memref_squeeze %dma_start3A_1305 : memref<1x128xi32, #tpu.memory_space<hbm>> -> memref<128xi32, #tpu.memory_space<hbm>>
        %dma_start3A_1307 = arith.constant 9984 : i32
        %dma_start3A_1308 = tpu.memref_slice %arg6[%dma_start3A_1307] : memref<10112xi32, #tpu.memory_space<vmem>> -> memref<128xi32, #tpu.memory_space<vmem>>
        %dma_start3A_1309 = tpu.memref_slice %arg3[%run_scoped3A_1301, %mul3A_1300] : memref<2x320000xi32, #tpu.memory_space<hbm>> -> memref<1x128xi32, #tpu.memory_space<hbm>>
        %dma_start3A_1310 = tpu.memref_squeeze %dma_start3A_1309 : memref<1x128xi32, #tpu.memory_space<hbm>> -> memref<128xi32, #tpu.memory_space<hbm>>
        tpu.enqueue_dma source(%dma_start3A_1310 : memref<128xi32, #tpu.memory_space<hbm>>) target(%dma_start3A_1308 : memref<128xi32, #tpu.memory_space<vmem>>) target_semaphore(%run_scoped3A_1302 : memref<!tpu.dma_semaphore, #tpu.memory_space<semaphore_mem>>)
        %dma_wait3A_1311 = arith.constant 9984 : i32
        %dma_wait3A_1312 = tpu.memref_slice %arg6[%dma_wait3A_1311] : memref<10112xi32, #tpu.memory_space<vmem>> -> memref<128xi32, #tpu.memory_space<vmem>>
        %dma_wait3A_1313 = tpu.memref_slice %arg3[%run_scoped3A_1301, %mul3A_1300] : memref<2x320000xi32, #tpu.memory_space<hbm>> -> memref<1x128xi32, #tpu.memory_space<hbm>>
        %dma_wait3A_1314 = tpu.memref_squeeze %dma_wait3A_1313 : memref<1x128xi32, #tpu.memory_space<hbm>> -> memref<128xi32, #tpu.memory_space<hbm>>
        %dma_wait3A_1315 = arith.constant 9984 : i32
        %dma_wait3A_1316 = tpu.memref_slice %arg6[%dma_wait3A_1315] : memref<10112xi32, #tpu.memory_space<vmem>> -> memref<128xi32, #tpu.memory_space<vmem>>
        %dma_wait3A_1317 = tpu.memref_slice %arg3[%run_scoped3A_1301, %mul3A_1300] : memref<2x320000xi32, #tpu.memory_space<hbm>> -> memref<1x128xi32, #tpu.memory_space<hbm>>
        %dma_wait3A_1318 = tpu.memref_squeeze %dma_wait3A_1317 : memref<1x128xi32, #tpu.memory_space<hbm>> -> memref<128xi32, #tpu.memory_space<hbm>>
        tpu.wait_dma2 semaphore(%run_scoped3A_1302 : memref<!tpu.dma_semaphore, #tpu.memory_space<semaphore_mem>>) src(%dma_wait3A_1318 : memref<128xi32, #tpu.memory_space<hbm>>) dst(%dma_wait3A_1316 : memref<128xi32, #tpu.memory_space<vmem>>)
        tpu.yield
      }) : () -> ()
    } else {
    }
    %dma_start3A = arith.constant 0 : i32
    %dma_start3A_1064 = arith.constant 0 : i32
    %dma_start3A_1065 = arith.constant 0 : i32
    %dma_start3A_1066 = tpu.memref_slice %arg7[%dma_start3A, %dma_start3A_1064, %dma_start3A_1065] : memref<6x128x16xf32, #tpu.memory_space<vmem>> -> memref<1x128x16xf32, #tpu.memory_space<vmem>>
    %dma_start3A_1067 = tpu.memref_squeeze %dma_start3A_1066 : memref<1x128x16xf32, #tpu.memory_space<vmem>> -> memref<128x16xf32, #tpu.memory_space<vmem>>
    %dma_start3A_1068 = arith.constant 0 : i32
    %dma_start3A_1069 = tpu.memref_slice %arg5[%dma_start3A_1068] : memref<10112xi32, #tpu.memory_space<vmem>> -> memref<128xi32, #tpu.memory_space<vmem>>
    %dma_start3A_1070 = arith.constant 0 : i32
    %dma_start3A_1071 = arith.constant 0 : i32
    %dma_start3A_1072 = tpu.memref_slice %arg2[%dma_start3A_1070, %dma_start3A_1071] : memref<10000x16xf32, #tpu.memory_space<hbm>> -> memref<10000x16xf32, #tpu.memory_space<hbm>>
    tpu.enqueue_indirect_dma source(%dma_start3A_1072 : memref<10000x16xf32, #tpu.memory_space<hbm>>) target(%dma_start3A_1067 : memref<128x16xf32, #tpu.memory_space<vmem>>) offsets(%dma_start3A_1069 : memref<128xi32, #tpu.memory_space<vmem>>) semaphore(%arg10 : memref<!tpu.dma_semaphore, #tpu.memory_space<semaphore_mem>>)
    %dma_start3A_1073 = arith.constant 1 : i32
    %dma_start3A_1074 = arith.constant 0 : i32
    %dma_start3A_1075 = arith.constant 0 : i32
    %dma_start3A_1076 = tpu.memref_slice %arg7[%dma_start3A_1073, %dma_start3A_1074, %dma_start3A_1075] : memref<6x128x16xf32, #tpu.memory_space<vmem>> -> memref<1x128x16xf32, #tpu.memory_space<vmem>>
    %dma_start3A_1077 = tpu.memref_squeeze %dma_start3A_1076 : memref<1x128x16xf32, #tpu.memory_space<vmem>> -> memref<128x16xf32, #tpu.memory_space<vmem>>
    %dma_start3A_1078 = arith.constant 128 : i32
    %dma_start3A_1079 = tpu.memref_slice %arg5[%dma_start3A_1078] : memref<10112xi32, #tpu.memory_space<vmem>> -> memref<128xi32, #tpu.memory_space<vmem>>
    %dma_start3A_1080 = arith.constant 0 : i32
    %dma_start3A_1081 = arith.constant 0 : i32
    %dma_start3A_1082 = tpu.memref_slice %arg2[%dma_start3A_1080, %dma_start3A_1081] : memref<10000x16xf32, #tpu.memory_space<hbm>> -> memref<10000x16xf32, #tpu.memory_space<hbm>>
    tpu.enqueue_indirect_dma source(%dma_start3A_1082 : memref<10000x16xf32, #tpu.memory_space<hbm>>) target(%dma_start3A_1077 : memref<128x16xf32, #tpu.memory_space<vmem>>) offsets(%dma_start3A_1079 : memref<128xi32, #tpu.memory_space<vmem>>) semaphore(%arg11 : memref<!tpu.dma_semaphore, #tpu.memory_space<semaphore_mem>>)
    %dma_start3A_1083 = arith.constant 2 : i32
    %dma_start3A_1084 = arith.constant 0 : i32
    %dma_start3A_1085 = arith.constant 0 : i32
    %dma_start3A_1086 = tpu.memref_slice %arg7[%dma_start3A_1083, %dma_start3A_1084, %dma_start3A_1085] : memref<6x128x16xf32, #tpu.memory_space<vmem>> -> memref<1x128x16xf32, #tpu.memory_space<vmem>>
    %dma_start3A_1087 = tpu.memref_squeeze %dma_start3A_1086 : memref<1x128x16xf32, #tpu.memory_space<vmem>> -> memref<128x16xf32, #tpu.memory_space<vmem>>
    %dma_start3A_1088 = arith.constant 256 : i32
    %dma_start3A_1089 = tpu.memref_slice %arg5[%dma_start3A_1088] : memref<10112xi32, #tpu.memory_space<vmem>> -> memref<128xi32, #tpu.memory_space<vmem>>
    %dma_start3A_1090 = arith.constant 0 : i32
    %dma_start3A_1091 = arith.constant 0 : i32
    %dma_start3A_1092 = tpu.memref_slice %arg2[%dma_start3A_1090, %dma_start3A_1091] : memref<10000x16xf32, #tpu.memory_space<hbm>> -> memref<10000x16xf32, #tpu.memory_space<hbm>>
    tpu.enqueue_indirect_dma source(%dma_start3A_1092 : memref<10000x16xf32, #tpu.memory_space<hbm>>) target(%dma_start3A_1087 : memref<128x16xf32, #tpu.memory_space<vmem>>) offsets(%dma_start3A_1089 : memref<128xi32, #tpu.memory_space<vmem>>) semaphore(%arg12 : memref<!tpu.dma_semaphore, #tpu.memory_space<semaphore_mem>>)
    %dma_start3A_1093 = arith.constant 3 : i32
    %dma_start3A_1094 = arith.constant 0 : i32
    %dma_start3A_1095 = arith.constant 0 : i32
    %dma_start3A_1096 = tpu.memref_slice %arg7[%dma_start3A_1093, %dma_start3A_1094, %dma_start3A_1095] : memref<6x128x16xf32, #tpu.memory_space<vmem>> -> memref<1x128x16xf32, #tpu.memory_space<vmem>>
    %dma_start3A_1097 = tpu.memref_squeeze %dma_start3A_1096 : memref<1x128x16xf32, #tpu.memory_space<vmem>> -> memref<128x16xf32, #tpu.memory_space<vmem>>
    %dma_start3A_1098 = arith.constant 384 : i32
    %dma_start3A_1099 = tpu.memref_slice %arg5[%dma_start3A_1098] : memref<10112xi32, #tpu.memory_space<vmem>> -> memref<128xi32, #tpu.memory_space<vmem>>
    %dma_start3A_1100 = arith.constant 0 : i32
    %dma_start3A_1101 = arith.constant 0 : i32
    %dma_start3A_1102 = tpu.memref_slice %arg2[%dma_start3A_1100, %dma_start3A_1101] : memref<10000x16xf32, #tpu.memory_space<hbm>> -> memref<10000x16xf32, #tpu.memory_space<hbm>>
    tpu.enqueue_indirect_dma source(%dma_start3A_1102 : memref<10000x16xf32, #tpu.memory_space<hbm>>) target(%dma_start3A_1097 : memref<128x16xf32, #tpu.memory_space<vmem>>) offsets(%dma_start3A_1099 : memref<128xi32, #tpu.memory_space<vmem>>) semaphore(%arg13 : memref<!tpu.dma_semaphore, #tpu.memory_space<semaphore_mem>>)
    %dma_start3A_1103 = arith.constant 4 : i32
    %dma_start3A_1104 = arith.constant 0 : i32
    %dma_start3A_1105 = arith.constant 0 : i32
    %dma_start3A_1106 = tpu.memref_slice %arg7[%dma_start3A_1103, %dma_start3A_1104, %dma_start3A_1105] : memref<6x128x16xf32, #tpu.memory_space<vmem>> -> memref<1x128x16xf32, #tpu.memory_space<vmem>>
    %dma_start3A_1107 = tpu.memref_squeeze %dma_start3A_1106 : memref<1x128x16xf32, #tpu.memory_space<vmem>> -> memref<128x16xf32, #tpu.memory_space<vmem>>
    %dma_start3A_1108 = arith.constant 512 : i32
    %dma_start3A_1109 = tpu.memref_slice %arg5[%dma_start3A_1108] : memref<10112xi32, #tpu.memory_space<vmem>> -> memref<128xi32, #tpu.memory_space<vmem>>
    %dma_start3A_1110 = arith.constant 0 : i32
    %dma_start3A_1111 = arith.constant 0 : i32
    %dma_start3A_1112 = tpu.memref_slice %arg2[%dma_start3A_1110, %dma_start3A_1111] : memref<10000x16xf32, #tpu.memory_space<hbm>> -> memref<10000x16xf32, #tpu.memory_space<hbm>>
    tpu.enqueue_indirect_dma source(%dma_start3A_1112 : memref<10000x16xf32, #tpu.memory_space<hbm>>) target(%dma_start3A_1107 : memref<128x16xf32, #tpu.memory_space<vmem>>) offsets(%dma_start3A_1109 : memref<128xi32, #tpu.memory_space<vmem>>) semaphore(%arg14 : memref<!tpu.dma_semaphore, #tpu.memory_space<semaphore_mem>>)
    %dma_start3A_1113 = arith.constant 5 : i32
    %dma_start3A_1114 = arith.constant 0 : i32
    %dma_start3A_1115 = arith.constant 0 : i32
    %dma_start3A_1116 = tpu.memref_slice %arg7[%dma_start3A_1113, %dma_start3A_1114, %dma_start3A_1115] : memref<6x128x16xf32, #tpu.memory_space<vmem>> -> memref<1x128x16xf32, #tpu.memory_space<vmem>>
    %dma_start3A_1117 = tpu.memref_squeeze %dma_start3A_1116 : memref<1x128x16xf32, #tpu.memory_space<vmem>> -> memref<128x16xf32, #tpu.memory_space<vmem>>
    %dma_start3A_1118 = arith.constant 640 : i32
    %dma_start3A_1119 = tpu.memref_slice %arg5[%dma_start3A_1118] : memref<10112xi32, #tpu.memory_space<vmem>> -> memref<128xi32, #tpu.memory_space<vmem>>
    %dma_start3A_1120 = arith.constant 0 : i32
    %dma_start3A_1121 = arith.constant 0 : i32
    %dma_start3A_1122 = tpu.memref_slice %arg2[%dma_start3A_1120, %dma_start3A_1121] : memref<10000x16xf32, #tpu.memory_space<hbm>> -> memref<10000x16xf32, #tpu.memory_space<hbm>>
    tpu.enqueue_indirect_dma source(%dma_start3A_1122 : memref<10000x16xf32, #tpu.memory_space<hbm>>) target(%dma_start3A_1117 : memref<128x16xf32, #tpu.memory_space<vmem>>) offsets(%dma_start3A_1119 : memref<128xi32, #tpu.memory_space<vmem>>) semaphore(%arg15 : memref<!tpu.dma_semaphore, #tpu.memory_space<semaphore_mem>>)
    %add3A_1123 = arith.constant 6 : i32
    %add3A_1124 = arith.addi %add3A_7, %add3A_1123 : i32
    %sub3A = arith.constant 1 : i32
    %sub3A_1125 = arith.subi %add3A_1124, %sub3A : i32
    %jit3A = arith.constant 6 : i32
    %div3A = arith.divsi %sub3A_1125, %jit3A : i32
    %sign3A = arith.constant 0 : i32
    %sign3A_1126 = arith.cmpi sgt, %sub3A_1125, %sign3A : i32
    %sign3A_1127 = arith.extui %sign3A_1126 : i1 to i32
    %sign3A_1128 = arith.constant 0 : i32
    %sign3A_1129 = arith.cmpi slt, %sub3A_1125, %sign3A_1128 : i32
    %sign3A_1130 = arith.extui %sign3A_1129 : i1 to i32
    %sign3A_1131 = arith.subi %sign3A_1127, %sign3A_1130 : i32
    %sign3A_1132 = arith.constant 0 : i32
    %sign3A_1133 = arith.cmpi sgt, %jit3A, %sign3A_1132 : i32
    %sign3A_1134 = arith.extui %sign3A_1133 : i1 to i32
    %sign3A_1135 = arith.constant 0 : i32
    %sign3A_1136 = arith.cmpi slt, %jit3A, %sign3A_1135 : i32
    %sign3A_1137 = arith.extui %sign3A_1136 : i1 to i32
    %sign3A_1138 = arith.subi %sign3A_1134, %sign3A_1137 : i32
    %ne3A = arith.cmpi ne, %sign3A_1131, %sign3A_1138 : i32
    %rem3A = arith.remsi %sub3A_1125, %jit3A : i32
    %ne3A_1139 = arith.constant 0 : i32
    %ne3A_1140 = arith.cmpi ne, %rem3A, %ne3A_1139 : i32
    %and3A = arith.andi %ne3A, %ne3A_1140 : i1
    %sub3A_1141 = arith.constant 1 : i32
    %sub3A_1142 = arith.subi %div3A, %sub3A_1141 : i32
    %select_n3A = arith.select %and3A, %sub3A_1142, %div3A : i32
    %while3A = arith.constant 0 : i32
    %while3A_1143 = arith.constant 0 : i32
    %while3A_1144 = arith.subi %select_n3A, %while3A_1143 : i32
    %while3A_1145 = arith.addi %while3A_1143, %while3A_1144 : i32
    %while3A_1146 = arith.constant 1 : i32
    %while3A_1147 = arith.divsi %while3A_1144, %while3A_1146 : i32
    %while3A_1148 = arith.muli %while3A_1147, %while3A_1146 : i32
    %while3A_1149 = arith.addi %while3A_1143, %while3A_1148 : i32
    %while3A_1150 = arith.constant 1 : i32
    scf.for %while3A_1297 = %while3A_1143 to %while3A_1149 step %while3A_1150  : i32 {
      %mul3A_1298 = arith.constant 6 : i32
      %mul3A_1299 = arith.muli %while3A_1297, %mul3A_1298 : i32
      %add3A_1300 = arith.constant 0 : i32
      %add3A_1301 = arith.addi %mul3A_1299, %add3A_1300 : i32
      %lt3A_1302 = arith.cmpi slt, %add3A_1301, %add3A_7 : i32
      %convert_element_type3A_1303 = arith.extui %lt3A_1302 : i1 to i32
      %cond3A_1304 = arith.constant 0 : i32
      %cond3A_1305 = arith.cmpi ne, %convert_element_type3A_1303, %cond3A_1304 : i32
      scf.if %cond3A_1305 {
        %dma_wait3A_1406 = arith.constant 0 : i32
        %dma_wait3A_1407 = arith.constant 0 : i32
        %dma_wait3A_1408 = arith.constant 0 : i32
        %dma_wait3A_1409 = tpu.memref_slice %arg7[%dma_wait3A_1406, %dma_wait3A_1407, %dma_wait3A_1408] : memref<6x128x16xf32, #tpu.memory_space<vmem>> -> memref<1x128x16xf32, #tpu.memory_space<vmem>>
        %dma_wait3A_1410 = tpu.memref_squeeze %dma_wait3A_1409 : memref<1x128x16xf32, #tpu.memory_space<vmem>> -> memref<128x16xf32, #tpu.memory_space<vmem>>
        %dma_wait3A_1411 = arith.constant 0 : i32
        %dma_wait3A_1412 = tpu.memref_slice %arg5[%dma_wait3A_1411] : memref<10112xi32, #tpu.memory_space<vmem>> -> memref<128xi32, #tpu.memory_space<vmem>>
        %dma_wait3A_1413 = arith.constant 0 : i32
        %dma_wait3A_1414 = arith.constant 0 : i32
        %dma_wait3A_1415 = tpu.memref_slice %arg2[%dma_wait3A_1413, %dma_wait3A_1414] : memref<10000x16xf32, #tpu.memory_space<hbm>> -> memref<10000x16xf32, #tpu.memory_space<hbm>>
        tpu.wait_indirect_dma semaphore(%arg10 : memref<!tpu.dma_semaphore, #tpu.memory_space<semaphore_mem>>) src(%dma_wait3A_1415 : memref<10000x16xf32, #tpu.memory_space<hbm>>) dst(%dma_wait3A_1410 : memref<128x16xf32, #tpu.memory_space<vmem>>)
        %mul3A_1416 = arith.constant 128 : i32
        %mul3A_1417 = arith.muli %add3A_1301, %mul3A_1416 : i32
        %dma_start3A_1418 = arith.constant 0 : i32
        %dma_start3A_1419 = arith.constant 0 : i32
        %dma_start3A_1420 = arith.constant 0 : i32
        %dma_start3A_1421 = tpu.memref_slice %arg7[%dma_start3A_1418, %dma_start3A_1419, %dma_start3A_1420] : memref<6x128x16xf32, #tpu.memory_space<vmem>> -> memref<1x128x16xf32, #tpu.memory_space<vmem>>
        %dma_start3A_1422 = tpu.memref_squeeze %dma_start3A_1421 : memref<1x128x16xf32, #tpu.memory_space<vmem>> -> memref<128x16xf32, #tpu.memory_space<vmem>>
        %dma_start3A_1423 = tpu.memref_slice %arg6[%mul3A_1417] : memref<10112xi32, #tpu.memory_space<vmem>> -> memref<128xi32, #tpu.memory_space<vmem>>
        %dma_start3A_1424 = arith.constant 0 : i32
        %dma_start3A_1425 = arith.constant 0 : i32
        %dma_start3A_1426 = tpu.memref_slice %arg9[%dma_start3A_1424, %dma_start3A_1425] : memref<10240x16xf32, #tpu.memory_space<vmem_shared>> -> memref<10240x16xf32, #tpu.memory_space<vmem_shared>>
        tpu.enqueue_indirect_dma source(%dma_start3A_1422 : memref<128x16xf32, #tpu.memory_space<vmem>>) target(%dma_start3A_1426 : memref<10240x16xf32, #tpu.memory_space<vmem_shared>>) offsets(%dma_start3A_1423 : memref<128xi32, #tpu.memory_space<vmem>>) semaphore(%arg16 : memref<!tpu.dma_semaphore, #tpu.memory_space<semaphore_mem>>) {add = true}
      } else {
      }
      %mul3A_1306 = arith.constant 6 : i32
      %mul3A_1307 = arith.muli %while3A_1297, %mul3A_1306 : i32
      %add3A_1308 = arith.constant 1 : i32
      %add3A_1309 = arith.addi %mul3A_1307, %add3A_1308 : i32
      %lt3A_1310 = arith.cmpi slt, %add3A_1309, %add3A_7 : i32
      %convert_element_type3A_1311 = arith.extui %lt3A_1310 : i1 to i32
      %cond3A_1312 = arith.constant 0 : i32
      %cond3A_1313 = arith.cmpi ne, %convert_element_type3A_1311, %cond3A_1312 : i32
      scf.if %cond3A_1313 {
        %dma_wait3A_1406 = arith.constant 1 : i32
        %dma_wait3A_1407 = arith.constant 0 : i32
        %dma_wait3A_1408 = arith.constant 0 : i32
        %dma_wait3A_1409 = tpu.memref_slice %arg7[%dma_wait3A_1406, %dma_wait3A_1407, %dma_wait3A_1408] : memref<6x128x16xf32, #tpu.memory_space<vmem>> -> memref<1x128x16xf32, #tpu.memory_space<vmem>>
        %dma_wait3A_1410 = tpu.memref_squeeze %dma_wait3A_1409 : memref<1x128x16xf32, #tpu.memory_space<vmem>> -> memref<128x16xf32, #tpu.memory_space<vmem>>
        %dma_wait3A_1411 = arith.constant 0 : i32
        %dma_wait3A_1412 = tpu.memref_slice %arg5[%dma_wait3A_1411] : memref<10112xi32, #tpu.memory_space<vmem>> -> memref<128xi32, #tpu.memory_space<vmem>>
        %dma_wait3A_1413 = arith.constant 0 : i32
        %dma_wait3A_1414 = arith.constant 0 : i32
        %dma_wait3A_1415 = tpu.memref_slice %arg2[%dma_wait3A_1413, %dma_wait3A_1414] : memref<10000x16xf32, #tpu.memory_space<hbm>> -> memref<10000x16xf32, #tpu.memory_space<hbm>>
        tpu.wait_indirect_dma semaphore(%arg11 : memref<!tpu.dma_semaphore, #tpu.memory_space<semaphore_mem>>) src(%dma_wait3A_1415 : memref<10000x16xf32, #tpu.memory_space<hbm>>) dst(%dma_wait3A_1410 : memref<128x16xf32, #tpu.memory_space<vmem>>)
        %mul3A_1416 = arith.constant 128 : i32
        %mul3A_1417 = arith.muli %add3A_1309, %mul3A_1416 : i32
        %dma_start3A_1418 = arith.constant 1 : i32
        %dma_start3A_1419 = arith.constant 0 : i32
        %dma_start3A_1420 = arith.constant 0 : i32
        %dma_start3A_1421 = tpu.memref_slice %arg7[%dma_start3A_1418, %dma_start3A_1419, %dma_start3A_1420] : memref<6x128x16xf32, #tpu.memory_space<vmem>> -> memref<1x128x16xf32, #tpu.memory_space<vmem>>
        %dma_start3A_1422 = tpu.memref_squeeze %dma_start3A_1421 : memref<1x128x16xf32, #tpu.memory_space<vmem>> -> memref<128x16xf32, #tpu.memory_space<vmem>>
        %dma_start3A_1423 = tpu.memref_slice %arg6[%mul3A_1417] : memref<10112xi32, #tpu.memory_space<vmem>> -> memref<128xi32, #tpu.memory_space<vmem>>
        %dma_start3A_1424 = arith.constant 0 : i32
        %dma_start3A_1425 = arith.constant 0 : i32
        %dma_start3A_1426 = tpu.memref_slice %arg9[%dma_start3A_1424, %dma_start3A_1425] : memref<10240x16xf32, #tpu.memory_space<vmem_shared>> -> memref<10240x16xf32, #tpu.memory_space<vmem_shared>>
        tpu.enqueue_indirect_dma source(%dma_start3A_1422 : memref<128x16xf32, #tpu.memory_space<vmem>>) target(%dma_start3A_1426 : memref<10240x16xf32, #tpu.memory_space<vmem_shared>>) offsets(%dma_start3A_1423 : memref<128xi32, #tpu.memory_space<vmem>>) semaphore(%arg17 : memref<!tpu.dma_semaphore, #tpu.memory_space<semaphore_mem>>) {add = true}
      } else {
      }
      %mul3A_1314 = arith.constant 6 : i32
      %mul3A_1315 = arith.muli %while3A_1297, %mul3A_1314 : i32
      %add3A_1316 = arith.constant 2 : i32
      %add3A_1317 = arith.addi %mul3A_1315, %add3A_1316 : i32
      %lt3A_1318 = arith.cmpi slt, %add3A_1317, %add3A_7 : i32
      %convert_element_type3A_1319 = arith.extui %lt3A_1318 : i1 to i32
      %cond3A_1320 = arith.constant 0 : i32
      %cond3A_1321 = arith.cmpi ne, %convert_element_type3A_1319, %cond3A_1320 : i32
      scf.if %cond3A_1321 {
        %dma_wait3A_1406 = arith.constant 2 : i32
        %dma_wait3A_1407 = arith.constant 0 : i32
        %dma_wait3A_1408 = arith.constant 0 : i32
        %dma_wait3A_1409 = tpu.memref_slice %arg7[%dma_wait3A_1406, %dma_wait3A_1407, %dma_wait3A_1408] : memref<6x128x16xf32, #tpu.memory_space<vmem>> -> memref<1x128x16xf32, #tpu.memory_space<vmem>>
        %dma_wait3A_1410 = tpu.memref_squeeze %dma_wait3A_1409 : memref<1x128x16xf32, #tpu.memory_space<vmem>> -> memref<128x16xf32, #tpu.memory_space<vmem>>
        %dma_wait3A_1411 = arith.constant 0 : i32
        %dma_wait3A_1412 = tpu.memref_slice %arg5[%dma_wait3A_1411] : memref<10112xi32, #tpu.memory_space<vmem>> -> memref<128xi32, #tpu.memory_space<vmem>>
        %dma_wait3A_1413 = arith.constant 0 : i32
        %dma_wait3A_1414 = arith.constant 0 : i32
        %dma_wait3A_1415 = tpu.memref_slice %arg2[%dma_wait3A_1413, %dma_wait3A_1414] : memref<10000x16xf32, #tpu.memory_space<hbm>> -> memref<10000x16xf32, #tpu.memory_space<hbm>>
        tpu.wait_indirect_dma semaphore(%arg12 : memref<!tpu.dma_semaphore, #tpu.memory_space<semaphore_mem>>) src(%dma_wait3A_1415 : memref<10000x16xf32, #tpu.memory_space<hbm>>) dst(%dma_wait3A_1410 : memref<128x16xf32, #tpu.memory_space<vmem>>)
        %mul3A_1416 = arith.constant 128 : i32
        %mul3A_1417 = arith.muli %add3A_1317, %mul3A_1416 : i32
        %dma_start3A_1418 = arith.constant 2 : i32
        %dma_start3A_1419 = arith.constant 0 : i32
        %dma_start3A_1420 = arith.constant 0 : i32
        %dma_start3A_1421 = tpu.memref_slice %arg7[%dma_start3A_1418, %dma_start3A_1419, %dma_start3A_1420] : memref<6x128x16xf32, #tpu.memory_space<vmem>> -> memref<1x128x16xf32, #tpu.memory_space<vmem>>
        %dma_start3A_1422 = tpu.memref_squeeze %dma_start3A_1421 : memref<1x128x16xf32, #tpu.memory_space<vmem>> -> memref<128x16xf32, #tpu.memory_space<vmem>>
        %dma_start3A_1423 = tpu.memref_slice %arg6[%mul3A_1417] : memref<10112xi32, #tpu.memory_space<vmem>> -> memref<128xi32, #tpu.memory_space<vmem>>
        %dma_start3A_1424 = arith.constant 0 : i32
        %dma_start3A_1425 = arith.constant 0 : i32
        %dma_start3A_1426 = tpu.memref_slice %arg9[%dma_start3A_1424, %dma_start3A_1425] : memref<10240x16xf32, #tpu.memory_space<vmem_shared>> -> memref<10240x16xf32, #tpu.memory_space<vmem_shared>>
        tpu.enqueue_indirect_dma source(%dma_start3A_1422 : memref<128x16xf32, #tpu.memory_space<vmem>>) target(%dma_start3A_1426 : memref<10240x16xf32, #tpu.memory_space<vmem_shared>>) offsets(%dma_start3A_1423 : memref<128xi32, #tpu.memory_space<vmem>>) semaphore(%arg18 : memref<!tpu.dma_semaphore, #tpu.memory_space<semaphore_mem>>) {add = true}
      } else {
      }
      %mul3A_1322 = arith.constant 6 : i32
      %mul3A_1323 = arith.muli %while3A_1297, %mul3A_1322 : i32
      %add3A_1324 = arith.constant 3 : i32
      %add3A_1325 = arith.addi %mul3A_1323, %add3A_1324 : i32
      %lt3A_1326 = arith.cmpi slt, %add3A_1325, %add3A_7 : i32
      %convert_element_type3A_1327 = arith.extui %lt3A_1326 : i1 to i32
      %cond3A_1328 = arith.constant 0 : i32
      %cond3A_1329 = arith.cmpi ne, %convert_element_type3A_1327, %cond3A_1328 : i32
      scf.if %cond3A_1329 {
        %dma_wait3A_1406 = arith.constant 3 : i32
        %dma_wait3A_1407 = arith.constant 0 : i32
        %dma_wait3A_1408 = arith.constant 0 : i32
        %dma_wait3A_1409 = tpu.memref_slice %arg7[%dma_wait3A_1406, %dma_wait3A_1407, %dma_wait3A_1408] : memref<6x128x16xf32, #tpu.memory_space<vmem>> -> memref<1x128x16xf32, #tpu.memory_space<vmem>>
        %dma_wait3A_1410 = tpu.memref_squeeze %dma_wait3A_1409 : memref<1x128x16xf32, #tpu.memory_space<vmem>> -> memref<128x16xf32, #tpu.memory_space<vmem>>
        %dma_wait3A_1411 = arith.constant 0 : i32
        %dma_wait3A_1412 = tpu.memref_slice %arg5[%dma_wait3A_1411] : memref<10112xi32, #tpu.memory_space<vmem>> -> memref<128xi32, #tpu.memory_space<vmem>>
        %dma_wait3A_1413 = arith.constant 0 : i32
        %dma_wait3A_1414 = arith.constant 0 : i32
        %dma_wait3A_1415 = tpu.memref_slice %arg2[%dma_wait3A_1413, %dma_wait3A_1414] : memref<10000x16xf32, #tpu.memory_space<hbm>> -> memref<10000x16xf32, #tpu.memory_space<hbm>>
        tpu.wait_indirect_dma semaphore(%arg13 : memref<!tpu.dma_semaphore, #tpu.memory_space<semaphore_mem>>) src(%dma_wait3A_1415 : memref<10000x16xf32, #tpu.memory_space<hbm>>) dst(%dma_wait3A_1410 : memref<128x16xf32, #tpu.memory_space<vmem>>)
        %mul3A_1416 = arith.constant 128 : i32
        %mul3A_1417 = arith.muli %add3A_1325, %mul3A_1416 : i32
        %dma_start3A_1418 = arith.constant 3 : i32
        %dma_start3A_1419 = arith.constant 0 : i32
        %dma_start3A_1420 = arith.constant 0 : i32
        %dma_start3A_1421 = tpu.memref_slice %arg7[%dma_start3A_1418, %dma_start3A_1419, %dma_start3A_1420] : memref<6x128x16xf32, #tpu.memory_space<vmem>> -> memref<1x128x16xf32, #tpu.memory_space<vmem>>
        %dma_start3A_1422 = tpu.memref_squeeze %dma_start3A_1421 : memref<1x128x16xf32, #tpu.memory_space<vmem>> -> memref<128x16xf32, #tpu.memory_space<vmem>>
        %dma_start3A_1423 = tpu.memref_slice %arg6[%mul3A_1417] : memref<10112xi32, #tpu.memory_space<vmem>> -> memref<128xi32, #tpu.memory_space<vmem>>
        %dma_start3A_1424 = arith.constant 0 : i32
        %dma_start3A_1425 = arith.constant 0 : i32
        %dma_start3A_1426 = tpu.memref_slice %arg9[%dma_start3A_1424, %dma_start3A_1425] : memref<10240x16xf32, #tpu.memory_space<vmem_shared>> -> memref<10240x16xf32, #tpu.memory_space<vmem_shared>>
        tpu.enqueue_indirect_dma source(%dma_start3A_1422 : memref<128x16xf32, #tpu.memory_space<vmem>>) target(%dma_start3A_1426 : memref<10240x16xf32, #tpu.memory_space<vmem_shared>>) offsets(%dma_start3A_1423 : memref<128xi32, #tpu.memory_space<vmem>>) semaphore(%arg19 : memref<!tpu.dma_semaphore, #tpu.memory_space<semaphore_mem>>) {add = true}
      } else {
      }
      %mul3A_1330 = arith.constant 6 : i32
      %mul3A_1331 = arith.muli %while3A_1297, %mul3A_1330 : i32
      %add3A_1332 = arith.constant 4 : i32
      %add3A_1333 = arith.addi %mul3A_1331, %add3A_1332 : i32
      %lt3A_1334 = arith.cmpi slt, %add3A_1333, %add3A_7 : i32
      %convert_element_type3A_1335 = arith.extui %lt3A_1334 : i1 to i32
      %cond3A_1336 = arith.constant 0 : i32
      %cond3A_1337 = arith.cmpi ne, %convert_element_type3A_1335, %cond3A_1336 : i32
      scf.if %cond3A_1337 {
        %dma_wait3A_1406 = arith.constant 4 : i32
        %dma_wait3A_1407 = arith.constant 0 : i32
        %dma_wait3A_1408 = arith.constant 0 : i32
        %dma_wait3A_1409 = tpu.memref_slice %arg7[%dma_wait3A_1406, %dma_wait3A_1407, %dma_wait3A_1408] : memref<6x128x16xf32, #tpu.memory_space<vmem>> -> memref<1x128x16xf32, #tpu.memory_space<vmem>>
        %dma_wait3A_1410 = tpu.memref_squeeze %dma_wait3A_1409 : memref<1x128x16xf32, #tpu.memory_space<vmem>> -> memref<128x16xf32, #tpu.memory_space<vmem>>
        %dma_wait3A_1411 = arith.constant 0 : i32
        %dma_wait3A_1412 = tpu.memref_slice %arg5[%dma_wait3A_1411] : memref<10112xi32, #tpu.memory_space<vmem>> -> memref<128xi32, #tpu.memory_space<vmem>>
        %dma_wait3A_1413 = arith.constant 0 : i32
        %dma_wait3A_1414 = arith.constant 0 : i32
        %dma_wait3A_1415 = tpu.memref_slice %arg2[%dma_wait3A_1413, %dma_wait3A_1414] : memref<10000x16xf32, #tpu.memory_space<hbm>> -> memref<10000x16xf32, #tpu.memory_space<hbm>>
        tpu.wait_indirect_dma semaphore(%arg14 : memref<!tpu.dma_semaphore, #tpu.memory_space<semaphore_mem>>) src(%dma_wait3A_1415 : memref<10000x16xf32, #tpu.memory_space<hbm>>) dst(%dma_wait3A_1410 : memref<128x16xf32, #tpu.memory_space<vmem>>)
        %mul3A_1416 = arith.constant 128 : i32
        %mul3A_1417 = arith.muli %add3A_1333, %mul3A_1416 : i32
        %dma_start3A_1418 = arith.constant 4 : i32
        %dma_start3A_1419 = arith.constant 0 : i32
        %dma_start3A_1420 = arith.constant 0 : i32
        %dma_start3A_1421 = tpu.memref_slice %arg7[%dma_start3A_1418, %dma_start3A_1419, %dma_start3A_1420] : memref<6x128x16xf32, #tpu.memory_space<vmem>> -> memref<1x128x16xf32, #tpu.memory_space<vmem>>
        %dma_start3A_1422 = tpu.memref_squeeze %dma_start3A_1421 : memref<1x128x16xf32, #tpu.memory_space<vmem>> -> memref<128x16xf32, #tpu.memory_space<vmem>>
        %dma_start3A_1423 = tpu.memref_slice %arg6[%mul3A_1417] : memref<10112xi32, #tpu.memory_space<vmem>> -> memref<128xi32, #tpu.memory_space<vmem>>
        %dma_start3A_1424 = arith.constant 0 : i32
        %dma_start3A_1425 = arith.constant 0 : i32
        %dma_start3A_1426 = tpu.memref_slice %arg9[%dma_start3A_1424, %dma_start3A_1425] : memref<10240x16xf32, #tpu.memory_space<vmem_shared>> -> memref<10240x16xf32, #tpu.memory_space<vmem_shared>>
        tpu.enqueue_indirect_dma source(%dma_start3A_1422 : memref<128x16xf32, #tpu.memory_space<vmem>>) target(%dma_start3A_1426 : memref<10240x16xf32, #tpu.memory_space<vmem_shared>>) offsets(%dma_start3A_1423 : memref<128xi32, #tpu.memory_space<vmem>>) semaphore(%arg20 : memref<!tpu.dma_semaphore, #tpu.memory_space<semaphore_mem>>) {add = true}
      } else {
      }
      %mul3A_1338 = arith.constant 6 : i32
      %mul3A_1339 = arith.muli %while3A_1297, %mul3A_1338 : i32
      %add3A_1340 = arith.constant 5 : i32
      %add3A_1341 = arith.addi %mul3A_1339, %add3A_1340 : i32
      %lt3A_1342 = arith.cmpi slt, %add3A_1341, %add3A_7 : i32
      %convert_element_type3A_1343 = arith.extui %lt3A_1342 : i1 to i32
      %cond3A_1344 = arith.constant 0 : i32
      %cond3A_1345 = arith.cmpi ne, %convert_element_type3A_1343, %cond3A_1344 : i32
      scf.if %cond3A_1345 {
        %dma_wait3A_1406 = arith.constant 5 : i32
        %dma_wait3A_1407 = arith.constant 0 : i32
        %dma_wait3A_1408 = arith.constant 0 : i32
        %dma_wait3A_1409 = tpu.memref_slice %arg7[%dma_wait3A_1406, %dma_wait3A_1407, %dma_wait3A_1408] : memref<6x128x16xf32, #tpu.memory_space<vmem>> -> memref<1x128x16xf32, #tpu.memory_space<vmem>>
        %dma_wait3A_1410 = tpu.memref_squeeze %dma_wait3A_1409 : memref<1x128x16xf32, #tpu.memory_space<vmem>> -> memref<128x16xf32, #tpu.memory_space<vmem>>
        %dma_wait3A_1411 = arith.constant 0 : i32
        %dma_wait3A_1412 = tpu.memref_slice %arg5[%dma_wait3A_1411] : memref<10112xi32, #tpu.memory_space<vmem>> -> memref<128xi32, #tpu.memory_space<vmem>>
        %dma_wait3A_1413 = arith.constant 0 : i32
        %dma_wait3A_1414 = arith.constant 0 : i32
        %dma_wait3A_1415 = tpu.memref_slice %arg2[%dma_wait3A_1413, %dma_wait3A_1414] : memref<10000x16xf32, #tpu.memory_space<hbm>> -> memref<10000x16xf32, #tpu.memory_space<hbm>>
        tpu.wait_indirect_dma semaphore(%arg15 : memref<!tpu.dma_semaphore, #tpu.memory_space<semaphore_mem>>) src(%dma_wait3A_1415 : memref<10000x16xf32, #tpu.memory_space<hbm>>) dst(%dma_wait3A_1410 : memref<128x16xf32, #tpu.memory_space<vmem>>)
        %mul3A_1416 = arith.constant 128 : i32
        %mul3A_1417 = arith.muli %add3A_1341, %mul3A_1416 : i32
        %dma_start3A_1418 = arith.constant 5 : i32
        %dma_start3A_1419 = arith.constant 0 : i32
        %dma_start3A_1420 = arith.constant 0 : i32
        %dma_start3A_1421 = tpu.memref_slice %arg7[%dma_start3A_1418, %dma_start3A_1419, %dma_start3A_1420] : memref<6x128x16xf32, #tpu.memory_space<vmem>> -> memref<1x128x16xf32, #tpu.memory_space<vmem>>
        %dma_start3A_1422 = tpu.memref_squeeze %dma_start3A_1421 : memref<1x128x16xf32, #tpu.memory_space<vmem>> -> memref<128x16xf32, #tpu.memory_space<vmem>>
        %dma_start3A_1423 = tpu.memref_slice %arg6[%mul3A_1417] : memref<10112xi32, #tpu.memory_space<vmem>> -> memref<128xi32, #tpu.memory_space<vmem>>
        %dma_start3A_1424 = arith.constant 0 : i32
        %dma_start3A_1425 = arith.constant 0 : i32
        %dma_start3A_1426 = tpu.memref_slice %arg9[%dma_start3A_1424, %dma_start3A_1425] : memref<10240x16xf32, #tpu.memory_space<vmem_shared>> -> memref<10240x16xf32, #tpu.memory_space<vmem_shared>>
        tpu.enqueue_indirect_dma source(%dma_start3A_1422 : memref<128x16xf32, #tpu.memory_space<vmem>>) target(%dma_start3A_1426 : memref<10240x16xf32, #tpu.memory_space<vmem_shared>>) offsets(%dma_start3A_1423 : memref<128xi32, #tpu.memory_space<vmem>>) semaphore(%arg21 : memref<!tpu.dma_semaphore, #tpu.memory_space<semaphore_mem>>) {add = true}
      } else {
      }
      %mul3A_1346 = arith.constant 6 : i32
      %mul3A_1347 = arith.muli %while3A_1297, %mul3A_1346 : i32
      %add3A_1348 = arith.constant 0 : i32
      %add3A_1349 = arith.addi %mul3A_1347, %add3A_1348 : i32
      %add3A_1350 = arith.constant 6 : i32
      %add3A_1351 = arith.addi %add3A_1349, %add3A_1350 : i32
      %lt3A_1352 = arith.cmpi slt, %add3A_1351, %add3A_7 : i32
      %convert_element_type3A_1353 = arith.extui %lt3A_1352 : i1 to i32
      %cond3A_1354 = arith.constant 0 : i32
      %cond3A_1355 = arith.cmpi ne, %convert_element_type3A_1353, %cond3A_1354 : i32
      scf.if %cond3A_1355 {
        %dma_wait3A_1406 = arith.constant 0 : i32
        %dma_wait3A_1407 = arith.constant 0 : i32
        %dma_wait3A_1408 = arith.constant 0 : i32
        %dma_wait3A_1409 = tpu.memref_slice %arg7[%dma_wait3A_1406, %dma_wait3A_1407, %dma_wait3A_1408] : memref<6x128x16xf32, #tpu.memory_space<vmem>> -> memref<1x128x16xf32, #tpu.memory_space<vmem>>
        %dma_wait3A_1410 = tpu.memref_squeeze %dma_wait3A_1409 : memref<1x128x16xf32, #tpu.memory_space<vmem>> -> memref<128x16xf32, #tpu.memory_space<vmem>>
        %dma_wait3A_1411 = arith.constant 0 : i32
        %dma_wait3A_1412 = arith.constant 0 : i32
        %dma_wait3A_1413 = tpu.memref_slice %arg9[%dma_wait3A_1411, %dma_wait3A_1412] : memref<10240x16xf32, #tpu.memory_space<vmem_shared>> -> memref<128x16xf32, #tpu.memory_space<vmem_shared>>
        %dma_wait3A_1414 = arith.constant 0 : i32
        %dma_wait3A_1415 = arith.constant 0 : i32
        %dma_wait3A_1416 = tpu.memref_slice %arg9[%dma_wait3A_1414, %dma_wait3A_1415] : memref<10240x16xf32, #tpu.memory_space<vmem_shared>> -> memref<128x16xf32, #tpu.memory_space<vmem_shared>>
        %dma_wait3A_1417 = arith.constant 0 : i32
        %dma_wait3A_1418 = arith.constant 0 : i32
        %dma_wait3A_1419 = tpu.memref_slice %arg7[%dma_wait3A_1406, %dma_wait3A_1417, %dma_wait3A_1418] : memref<6x128x16xf32, #tpu.memory_space<vmem>> -> memref<1x128x16xf32, #tpu.memory_space<vmem>>
        %dma_wait3A_1420 = tpu.memref_squeeze %dma_wait3A_1419 : memref<1x128x16xf32, #tpu.memory_space<vmem>> -> memref<128x16xf32, #tpu.memory_space<vmem>>
        tpu.wait_dma2 semaphore(%arg16 : memref<!tpu.dma_semaphore, #tpu.memory_space<semaphore_mem>>) src(%dma_wait3A_1420 : memref<128x16xf32, #tpu.memory_space<vmem>>) dst(%dma_wait3A_1416 : memref<128x16xf32, #tpu.memory_space<vmem_shared>>)
        %add3A_1421 = arith.constant 6 : i32
        %add3A_1422 = arith.addi %add3A_1349, %add3A_1421 : i32
        %mul3A_1423 = arith.constant 128 : i32
        %mul3A_1424 = arith.muli %add3A_1422, %mul3A_1423 : i32
        %dma_start3A_1425 = arith.constant 0 : i32
        %dma_start3A_1426 = arith.constant 0 : i32
        %dma_start3A_1427 = arith.constant 0 : i32
        %dma_start3A_1428 = tpu.memref_slice %arg7[%dma_start3A_1425, %dma_start3A_1426, %dma_start3A_1427] : memref<6x128x16xf32, #tpu.memory_space<vmem>> -> memref<1x128x16xf32, #tpu.memory_space<vmem>>
        %dma_start3A_1429 = tpu.memref_squeeze %dma_start3A_1428 : memref<1x128x16xf32, #tpu.memory_space<vmem>> -> memref<128x16xf32, #tpu.memory_space<vmem>>
        %dma_start3A_1430 = tpu.memref_slice %arg5[%mul3A_1424] : memref<10112xi32, #tpu.memory_space<vmem>> -> memref<128xi32, #tpu.memory_space<vmem>>
        %dma_start3A_1431 = arith.constant 0 : i32
        %dma_start3A_1432 = arith.constant 0 : i32
        %dma_start3A_1433 = tpu.memref_slice %arg2[%dma_start3A_1431, %dma_start3A_1432] : memref<10000x16xf32, #tpu.memory_space<hbm>> -> memref<10000x16xf32, #tpu.memory_space<hbm>>
        tpu.enqueue_indirect_dma source(%dma_start3A_1433 : memref<10000x16xf32, #tpu.memory_space<hbm>>) target(%dma_start3A_1429 : memref<128x16xf32, #tpu.memory_space<vmem>>) offsets(%dma_start3A_1430 : memref<128xi32, #tpu.memory_space<vmem>>) semaphore(%arg10 : memref<!tpu.dma_semaphore, #tpu.memory_space<semaphore_mem>>)
      } else {
      }
      %mul3A_1356 = arith.constant 6 : i32
      %mul3A_1357 = arith.muli %while3A_1297, %mul3A_1356 : i32
      %add3A_1358 = arith.constant 1 : i32
      %add3A_1359 = arith.addi %mul3A_1357, %add3A_1358 : i32
      %add3A_1360 = arith.constant 6 : i32
      %add3A_1361 = arith.addi %add3A_1359, %add3A_1360 : i32
      %lt3A_1362 = arith.cmpi slt, %add3A_1361, %add3A_7 : i32
      %convert_element_type3A_1363 = arith.extui %lt3A_1362 : i1 to i32
      %cond3A_1364 = arith.constant 0 : i32
      %cond3A_1365 = arith.cmpi ne, %convert_element_type3A_1363, %cond3A_1364 : i32
      scf.if %cond3A_1365 {
        %dma_wait3A_1406 = arith.constant 1 : i32
        %dma_wait3A_1407 = arith.constant 0 : i32
        %dma_wait3A_1408 = arith.constant 0 : i32
        %dma_wait3A_1409 = tpu.memref_slice %arg7[%dma_wait3A_1406, %dma_wait3A_1407, %dma_wait3A_1408] : memref<6x128x16xf32, #tpu.memory_space<vmem>> -> memref<1x128x16xf32, #tpu.memory_space<vmem>>
        %dma_wait3A_1410 = tpu.memref_squeeze %dma_wait3A_1409 : memref<1x128x16xf32, #tpu.memory_space<vmem>> -> memref<128x16xf32, #tpu.memory_space<vmem>>
        %dma_wait3A_1411 = arith.constant 0 : i32
        %dma_wait3A_1412 = arith.constant 0 : i32
        %dma_wait3A_1413 = tpu.memref_slice %arg9[%dma_wait3A_1411, %dma_wait3A_1412] : memref<10240x16xf32, #tpu.memory_space<vmem_shared>> -> memref<128x16xf32, #tpu.memory_space<vmem_shared>>
        %dma_wait3A_1414 = arith.constant 0 : i32
        %dma_wait3A_1415 = arith.constant 0 : i32
        %dma_wait3A_1416 = tpu.memref_slice %arg9[%dma_wait3A_1414, %dma_wait3A_1415] : memref<10240x16xf32, #tpu.memory_space<vmem_shared>> -> memref<128x16xf32, #tpu.memory_space<vmem_shared>>
        %dma_wait3A_1417 = arith.constant 0 : i32
        %dma_wait3A_1418 = arith.constant 0 : i32
        %dma_wait3A_1419 = tpu.memref_slice %arg7[%dma_wait3A_1406, %dma_wait3A_1417, %dma_wait3A_1418] : memref<6x128x16xf32, #tpu.memory_space<vmem>> -> memref<1x128x16xf32, #tpu.memory_space<vmem>>
        %dma_wait3A_1420 = tpu.memref_squeeze %dma_wait3A_1419 : memref<1x128x16xf32, #tpu.memory_space<vmem>> -> memref<128x16xf32, #tpu.memory_space<vmem>>
        tpu.wait_dma2 semaphore(%arg17 : memref<!tpu.dma_semaphore, #tpu.memory_space<semaphore_mem>>) src(%dma_wait3A_1420 : memref<128x16xf32, #tpu.memory_space<vmem>>) dst(%dma_wait3A_1416 : memref<128x16xf32, #tpu.memory_space<vmem_shared>>)
        %add3A_1421 = arith.constant 6 : i32
        %add3A_1422 = arith.addi %add3A_1359, %add3A_1421 : i32
        %mul3A_1423 = arith.constant 128 : i32
        %mul3A_1424 = arith.muli %add3A_1422, %mul3A_1423 : i32
        %dma_start3A_1425 = arith.constant 1 : i32
        %dma_start3A_1426 = arith.constant 0 : i32
        %dma_start3A_1427 = arith.constant 0 : i32
        %dma_start3A_1428 = tpu.memref_slice %arg7[%dma_start3A_1425, %dma_start3A_1426, %dma_start3A_1427] : memref<6x128x16xf32, #tpu.memory_space<vmem>> -> memref<1x128x16xf32, #tpu.memory_space<vmem>>
        %dma_start3A_1429 = tpu.memref_squeeze %dma_start3A_1428 : memref<1x128x16xf32, #tpu.memory_space<vmem>> -> memref<128x16xf32, #tpu.memory_space<vmem>>
        %dma_start3A_1430 = tpu.memref_slice %arg5[%mul3A_1424] : memref<10112xi32, #tpu.memory_space<vmem>> -> memref<128xi32, #tpu.memory_space<vmem>>
        %dma_start3A_1431 = arith.constant 0 : i32
        %dma_start3A_1432 = arith.constant 0 : i32
        %dma_start3A_1433 = tpu.memref_slice %arg2[%dma_start3A_1431, %dma_start3A_1432] : memref<10000x16xf32, #tpu.memory_space<hbm>> -> memref<10000x16xf32, #tpu.memory_space<hbm>>
        tpu.enqueue_indirect_dma source(%dma_start3A_1433 : memref<10000x16xf32, #tpu.memory_space<hbm>>) target(%dma_start3A_1429 : memref<128x16xf32, #tpu.memory_space<vmem>>) offsets(%dma_start3A_1430 : memref<128xi32, #tpu.memory_space<vmem>>) semaphore(%arg11 : memref<!tpu.dma_semaphore, #tpu.memory_space<semaphore_mem>>)
      } else {
      }
      %mul3A_1366 = arith.constant 6 : i32
      %mul3A_1367 = arith.muli %while3A_1297, %mul3A_1366 : i32
      %add3A_1368 = arith.constant 2 : i32
      %add3A_1369 = arith.addi %mul3A_1367, %add3A_1368 : i32
      %add3A_1370 = arith.constant 6 : i32
      %add3A_1371 = arith.addi %add3A_1369, %add3A_1370 : i32
      %lt3A_1372 = arith.cmpi slt, %add3A_1371, %add3A_7 : i32
      %convert_element_type3A_1373 = arith.extui %lt3A_1372 : i1 to i32
      %cond3A_1374 = arith.constant 0 : i32
      %cond3A_1375 = arith.cmpi ne, %convert_element_type3A_1373, %cond3A_1374 : i32
      scf.if %cond3A_1375 {
        %dma_wait3A_1406 = arith.constant 2 : i32
        %dma_wait3A_1407 = arith.constant 0 : i32
        %dma_wait3A_1408 = arith.constant 0 : i32
        %dma_wait3A_1409 = tpu.memref_slice %arg7[%dma_wait3A_1406, %dma_wait3A_1407, %dma_wait3A_1408] : memref<6x128x16xf32, #tpu.memory_space<vmem>> -> memref<1x128x16xf32, #tpu.memory_space<vmem>>
        %dma_wait3A_1410 = tpu.memref_squeeze %dma_wait3A_1409 : memref<1x128x16xf32, #tpu.memory_space<vmem>> -> memref<128x16xf32, #tpu.memory_space<vmem>>
        %dma_wait3A_1411 = arith.constant 0 : i32
        %dma_wait3A_1412 = arith.constant 0 : i32
        %dma_wait3A_1413 = tpu.memref_slice %arg9[%dma_wait3A_1411, %dma_wait3A_1412] : memref<10240x16xf32, #tpu.memory_space<vmem_shared>> -> memref<128x16xf32, #tpu.memory_space<vmem_shared>>
        %dma_wait3A_1414 = arith.constant 0 : i32
        %dma_wait3A_1415 = arith.constant 0 : i32
        %dma_wait3A_1416 = tpu.memref_slice %arg9[%dma_wait3A_1414, %dma_wait3A_1415] : memref<10240x16xf32, #tpu.memory_space<vmem_shared>> -> memref<128x16xf32, #tpu.memory_space<vmem_shared>>
        %dma_wait3A_1417 = arith.constant 0 : i32
        %dma_wait3A_1418 = arith.constant 0 : i32
        %dma_wait3A_1419 = tpu.memref_slice %arg7[%dma_wait3A_1406, %dma_wait3A_1417, %dma_wait3A_1418] : memref<6x128x16xf32, #tpu.memory_space<vmem>> -> memref<1x128x16xf32, #tpu.memory_space<vmem>>
        %dma_wait3A_1420 = tpu.memref_squeeze %dma_wait3A_1419 : memref<1x128x16xf32, #tpu.memory_space<vmem>> -> memref<128x16xf32, #tpu.memory_space<vmem>>
        tpu.wait_dma2 semaphore(%arg18 : memref<!tpu.dma_semaphore, #tpu.memory_space<semaphore_mem>>) src(%dma_wait3A_1420 : memref<128x16xf32, #tpu.memory_space<vmem>>) dst(%dma_wait3A_1416 : memref<128x16xf32, #tpu.memory_space<vmem_shared>>)
        %add3A_1421 = arith.constant 6 : i32
        %add3A_1422 = arith.addi %add3A_1369, %add3A_1421 : i32
        %mul3A_1423 = arith.constant 128 : i32
        %mul3A_1424 = arith.muli %add3A_1422, %mul3A_1423 : i32
        %dma_start3A_1425 = arith.constant 2 : i32
        %dma_start3A_1426 = arith.constant 0 : i32
        %dma_start3A_1427 = arith.constant 0 : i32
        %dma_start3A_1428 = tpu.memref_slice %arg7[%dma_start3A_1425, %dma_start3A_1426, %dma_start3A_1427] : memref<6x128x16xf32, #tpu.memory_space<vmem>> -> memref<1x128x16xf32, #tpu.memory_space<vmem>>
        %dma_start3A_1429 = tpu.memref_squeeze %dma_start3A_1428 : memref<1x128x16xf32, #tpu.memory_space<vmem>> -> memref<128x16xf32, #tpu.memory_space<vmem>>
        %dma_start3A_1430 = tpu.memref_slice %arg5[%mul3A_1424] : memref<10112xi32, #tpu.memory_space<vmem>> -> memref<128xi32, #tpu.memory_space<vmem>>
        %dma_start3A_1431 = arith.constant 0 : i32
        %dma_start3A_1432 = arith.constant 0 : i32
        %dma_start3A_1433 = tpu.memref_slice %arg2[%dma_start3A_1431, %dma_start3A_1432] : memref<10000x16xf32, #tpu.memory_space<hbm>> -> memref<10000x16xf32, #tpu.memory_space<hbm>>
        tpu.enqueue_indirect_dma source(%dma_start3A_1433 : memref<10000x16xf32, #tpu.memory_space<hbm>>) target(%dma_start3A_1429 : memref<128x16xf32, #tpu.memory_space<vmem>>) offsets(%dma_start3A_1430 : memref<128xi32, #tpu.memory_space<vmem>>) semaphore(%arg12 : memref<!tpu.dma_semaphore, #tpu.memory_space<semaphore_mem>>)
      } else {
      }
      %mul3A_1376 = arith.constant 6 : i32
      %mul3A_1377 = arith.muli %while3A_1297, %mul3A_1376 : i32
      %add3A_1378 = arith.constant 3 : i32
      %add3A_1379 = arith.addi %mul3A_1377, %add3A_1378 : i32
      %add3A_1380 = arith.constant 6 : i32
      %add3A_1381 = arith.addi %add3A_1379, %add3A_1380 : i32
      %lt3A_1382 = arith.cmpi slt, %add3A_1381, %add3A_7 : i32
      %convert_element_type3A_1383 = arith.extui %lt3A_1382 : i1 to i32
      %cond3A_1384 = arith.constant 0 : i32
      %cond3A_1385 = arith.cmpi ne, %convert_element_type3A_1383, %cond3A_1384 : i32
      scf.if %cond3A_1385 {
        %dma_wait3A_1406 = arith.constant 3 : i32
        %dma_wait3A_1407 = arith.constant 0 : i32
        %dma_wait3A_1408 = arith.constant 0 : i32
        %dma_wait3A_1409 = tpu.memref_slice %arg7[%dma_wait3A_1406, %dma_wait3A_1407, %dma_wait3A_1408] : memref<6x128x16xf32, #tpu.memory_space<vmem>> -> memref<1x128x16xf32, #tpu.memory_space<vmem>>
        %dma_wait3A_1410 = tpu.memref_squeeze %dma_wait3A_1409 : memref<1x128x16xf32, #tpu.memory_space<vmem>> -> memref<128x16xf32, #tpu.memory_space<vmem>>
        %dma_wait3A_1411 = arith.constant 0 : i32
        %dma_wait3A_1412 = arith.constant 0 : i32
        %dma_wait3A_1413 = tpu.memref_slice %arg9[%dma_wait3A_1411, %dma_wait3A_1412] : memref<10240x16xf32, #tpu.memory_space<vmem_shared>> -> memref<128x16xf32, #tpu.memory_space<vmem_shared>>
        %dma_wait3A_1414 = arith.constant 0 : i32
        %dma_wait3A_1415 = arith.constant 0 : i32
        %dma_wait3A_1416 = tpu.memref_slice %arg9[%dma_wait3A_1414, %dma_wait3A_1415] : memref<10240x16xf32, #tpu.memory_space<vmem_shared>> -> memref<128x16xf32, #tpu.memory_space<vmem_shared>>
        %dma_wait3A_1417 = arith.constant 0 : i32
        %dma_wait3A_1418 = arith.constant 0 : i32
        %dma_wait3A_1419 = tpu.memref_slice %arg7[%dma_wait3A_1406, %dma_wait3A_1417, %dma_wait3A_1418] : memref<6x128x16xf32, #tpu.memory_space<vmem>> -> memref<1x128x16xf32, #tpu.memory_space<vmem>>
        %dma_wait3A_1420 = tpu.memref_squeeze %dma_wait3A_1419 : memref<1x128x16xf32, #tpu.memory_space<vmem>> -> memref<128x16xf32, #tpu.memory_space<vmem>>
        tpu.wait_dma2 semaphore(%arg19 : memref<!tpu.dma_semaphore, #tpu.memory_space<semaphore_mem>>) src(%dma_wait3A_1420 : memref<128x16xf32, #tpu.memory_space<vmem>>) dst(%dma_wait3A_1416 : memref<128x16xf32, #tpu.memory_space<vmem_shared>>)
        %add3A_1421 = arith.constant 6 : i32
        %add3A_1422 = arith.addi %add3A_1379, %add3A_1421 : i32
        %mul3A_1423 = arith.constant 128 : i32
        %mul3A_1424 = arith.muli %add3A_1422, %mul3A_1423 : i32
        %dma_start3A_1425 = arith.constant 3 : i32
        %dma_start3A_1426 = arith.constant 0 : i32
        %dma_start3A_1427 = arith.constant 0 : i32
        %dma_start3A_1428 = tpu.memref_slice %arg7[%dma_start3A_1425, %dma_start3A_1426, %dma_start3A_1427] : memref<6x128x16xf32, #tpu.memory_space<vmem>> -> memref<1x128x16xf32, #tpu.memory_space<vmem>>
        %dma_start3A_1429 = tpu.memref_squeeze %dma_start3A_1428 : memref<1x128x16xf32, #tpu.memory_space<vmem>> -> memref<128x16xf32, #tpu.memory_space<vmem>>
        %dma_start3A_1430 = tpu.memref_slice %arg5[%mul3A_1424] : memref<10112xi32, #tpu.memory_space<vmem>> -> memref<128xi32, #tpu.memory_space<vmem>>
        %dma_start3A_1431 = arith.constant 0 : i32
        %dma_start3A_1432 = arith.constant 0 : i32
        %dma_start3A_1433 = tpu.memref_slice %arg2[%dma_start3A_1431, %dma_start3A_1432] : memref<10000x16xf32, #tpu.memory_space<hbm>> -> memref<10000x16xf32, #tpu.memory_space<hbm>>
        tpu.enqueue_indirect_dma source(%dma_start3A_1433 : memref<10000x16xf32, #tpu.memory_space<hbm>>) target(%dma_start3A_1429 : memref<128x16xf32, #tpu.memory_space<vmem>>) offsets(%dma_start3A_1430 : memref<128xi32, #tpu.memory_space<vmem>>) semaphore(%arg13 : memref<!tpu.dma_semaphore, #tpu.memory_space<semaphore_mem>>)
      } else {
      }
      %mul3A_1386 = arith.constant 6 : i32
      %mul3A_1387 = arith.muli %while3A_1297, %mul3A_1386 : i32
      %add3A_1388 = arith.constant 4 : i32
      %add3A_1389 = arith.addi %mul3A_1387, %add3A_1388 : i32
      %add3A_1390 = arith.constant 6 : i32
      %add3A_1391 = arith.addi %add3A_1389, %add3A_1390 : i32
      %lt3A_1392 = arith.cmpi slt, %add3A_1391, %add3A_7 : i32
      %convert_element_type3A_1393 = arith.extui %lt3A_1392 : i1 to i32
      %cond3A_1394 = arith.constant 0 : i32
      %cond3A_1395 = arith.cmpi ne, %convert_element_type3A_1393, %cond3A_1394 : i32
      scf.if %cond3A_1395 {
        %dma_wait3A_1406 = arith.constant 4 : i32
        %dma_wait3A_1407 = arith.constant 0 : i32
        %dma_wait3A_1408 = arith.constant 0 : i32
        %dma_wait3A_1409 = tpu.memref_slice %arg7[%dma_wait3A_1406, %dma_wait3A_1407, %dma_wait3A_1408] : memref<6x128x16xf32, #tpu.memory_space<vmem>> -> memref<1x128x16xf32, #tpu.memory_space<vmem>>
        %dma_wait3A_1410 = tpu.memref_squeeze %dma_wait3A_1409 : memref<1x128x16xf32, #tpu.memory_space<vmem>> -> memref<128x16xf32, #tpu.memory_space<vmem>>
        %dma_wait3A_1411 = arith.constant 0 : i32
        %dma_wait3A_1412 = arith.constant 0 : i32
        %dma_wait3A_1413 = tpu.memref_slice %arg9[%dma_wait3A_1411, %dma_wait3A_1412] : memref<10240x16xf32, #tpu.memory_space<vmem_shared>> -> memref<128x16xf32, #tpu.memory_space<vmem_shared>>
        %dma_wait3A_1414 = arith.constant 0 : i32
        %dma_wait3A_1415 = arith.constant 0 : i32
        %dma_wait3A_1416 = tpu.memref_slice %arg9[%dma_wait3A_1414, %dma_wait3A_1415] : memref<10240x16xf32, #tpu.memory_space<vmem_shared>> -> memref<128x16xf32, #tpu.memory_space<vmem_shared>>
        %dma_wait3A_1417 = arith.constant 0 : i32
        %dma_wait3A_1418 = arith.constant 0 : i32
        %dma_wait3A_1419 = tpu.memref_slice %arg7[%dma_wait3A_1406, %dma_wait3A_1417, %dma_wait3A_1418] : memref<6x128x16xf32, #tpu.memory_space<vmem>> -> memref<1x128x16xf32, #tpu.memory_space<vmem>>
        %dma_wait3A_1420 = tpu.memref_squeeze %dma_wait3A_1419 : memref<1x128x16xf32, #tpu.memory_space<vmem>> -> memref<128x16xf32, #tpu.memory_space<vmem>>
        tpu.wait_dma2 semaphore(%arg20 : memref<!tpu.dma_semaphore, #tpu.memory_space<semaphore_mem>>) src(%dma_wait3A_1420 : memref<128x16xf32, #tpu.memory_space<vmem>>) dst(%dma_wait3A_1416 : memref<128x16xf32, #tpu.memory_space<vmem_shared>>)
        %add3A_1421 = arith.constant 6 : i32
        %add3A_1422 = arith.addi %add3A_1389, %add3A_1421 : i32
        %mul3A_1423 = arith.constant 128 : i32
        %mul3A_1424 = arith.muli %add3A_1422, %mul3A_1423 : i32
        %dma_start3A_1425 = arith.constant 4 : i32
        %dma_start3A_1426 = arith.constant 0 : i32
        %dma_start3A_1427 = arith.constant 0 : i32
        %dma_start3A_1428 = tpu.memref_slice %arg7[%dma_start3A_1425, %dma_start3A_1426, %dma_start3A_1427] : memref<6x128x16xf32, #tpu.memory_space<vmem>> -> memref<1x128x16xf32, #tpu.memory_space<vmem>>
        %dma_start3A_1429 = tpu.memref_squeeze %dma_start3A_1428 : memref<1x128x16xf32, #tpu.memory_space<vmem>> -> memref<128x16xf32, #tpu.memory_space<vmem>>
        %dma_start3A_1430 = tpu.memref_slice %arg5[%mul3A_1424] : memref<10112xi32, #tpu.memory_space<vmem>> -> memref<128xi32, #tpu.memory_space<vmem>>
        %dma_start3A_1431 = arith.constant 0 : i32
        %dma_start3A_1432 = arith.constant 0 : i32
        %dma_start3A_1433 = tpu.memref_slice %arg2[%dma_start3A_1431, %dma_start3A_1432] : memref<10000x16xf32, #tpu.memory_space<hbm>> -> memref<10000x16xf32, #tpu.memory_space<hbm>>
        tpu.enqueue_indirect_dma source(%dma_start3A_1433 : memref<10000x16xf32, #tpu.memory_space<hbm>>) target(%dma_start3A_1429 : memref<128x16xf32, #tpu.memory_space<vmem>>) offsets(%dma_start3A_1430 : memref<128xi32, #tpu.memory_space<vmem>>) semaphore(%arg14 : memref<!tpu.dma_semaphore, #tpu.memory_space<semaphore_mem>>)
      } else {
      }
      %mul3A_1396 = arith.constant 6 : i32
      %mul3A_1397 = arith.muli %while3A_1297, %mul3A_1396 : i32
      %add3A_1398 = arith.constant 5 : i32
      %add3A_1399 = arith.addi %mul3A_1397, %add3A_1398 : i32
      %add3A_1400 = arith.constant 6 : i32
      %add3A_1401 = arith.addi %add3A_1399, %add3A_1400 : i32
      %lt3A_1402 = arith.cmpi slt, %add3A_1401, %add3A_7 : i32
      %convert_element_type3A_1403 = arith.extui %lt3A_1402 : i1 to i32
      %cond3A_1404 = arith.constant 0 : i32
      %cond3A_1405 = arith.cmpi ne, %convert_element_type3A_1403, %cond3A_1404 : i32
      scf.if %cond3A_1405 {
        %dma_wait3A_1406 = arith.constant 5 : i32
        %dma_wait3A_1407 = arith.constant 0 : i32
        %dma_wait3A_1408 = arith.constant 0 : i32
        %dma_wait3A_1409 = tpu.memref_slice %arg7[%dma_wait3A_1406, %dma_wait3A_1407, %dma_wait3A_1408] : memref<6x128x16xf32, #tpu.memory_space<vmem>> -> memref<1x128x16xf32, #tpu.memory_space<vmem>>
        %dma_wait3A_1410 = tpu.memref_squeeze %dma_wait3A_1409 : memref<1x128x16xf32, #tpu.memory_space<vmem>> -> memref<128x16xf32, #tpu.memory_space<vmem>>
        %dma_wait3A_1411 = arith.constant 0 : i32
        %dma_wait3A_1412 = arith.constant 0 : i32
        %dma_wait3A_1413 = tpu.memref_slice %arg9[%dma_wait3A_1411, %dma_wait3A_1412] : memref<10240x16xf32, #tpu.memory_space<vmem_shared>> -> memref<128x16xf32, #tpu.memory_space<vmem_shared>>
        %dma_wait3A_1414 = arith.constant 0 : i32
        %dma_wait3A_1415 = arith.constant 0 : i32
        %dma_wait3A_1416 = tpu.memref_slice %arg9[%dma_wait3A_1414, %dma_wait3A_1415] : memref<10240x16xf32, #tpu.memory_space<vmem_shared>> -> memref<128x16xf32, #tpu.memory_space<vmem_shared>>
        %dma_wait3A_1417 = arith.constant 0 : i32
        %dma_wait3A_1418 = arith.constant 0 : i32
        %dma_wait3A_1419 = tpu.memref_slice %arg7[%dma_wait3A_1406, %dma_wait3A_1417, %dma_wait3A_1418] : memref<6x128x16xf32, #tpu.memory_space<vmem>> -> memref<1x128x16xf32, #tpu.memory_space<vmem>>
        %dma_wait3A_1420 = tpu.memref_squeeze %dma_wait3A_1419 : memref<1x128x16xf32, #tpu.memory_space<vmem>> -> memref<128x16xf32, #tpu.memory_space<vmem>>
        tpu.wait_dma2 semaphore(%arg21 : memref<!tpu.dma_semaphore, #tpu.memory_space<semaphore_mem>>) src(%dma_wait3A_1420 : memref<128x16xf32, #tpu.memory_space<vmem>>) dst(%dma_wait3A_1416 : memref<128x16xf32, #tpu.memory_space<vmem_shared>>)
        %add3A_1421 = arith.constant 6 : i32
        %add3A_1422 = arith.addi %add3A_1399, %add3A_1421 : i32
        %mul3A_1423 = arith.constant 128 : i32
        %mul3A_1424 = arith.muli %add3A_1422, %mul3A_1423 : i32
        %dma_start3A_1425 = arith.constant 5 : i32
        %dma_start3A_1426 = arith.constant 0 : i32
        %dma_start3A_1427 = arith.constant 0 : i32
        %dma_start3A_1428 = tpu.memref_slice %arg7[%dma_start3A_1425, %dma_start3A_1426, %dma_start3A_1427] : memref<6x128x16xf32, #tpu.memory_space<vmem>> -> memref<1x128x16xf32, #tpu.memory_space<vmem>>
        %dma_start3A_1429 = tpu.memref_squeeze %dma_start3A_1428 : memref<1x128x16xf32, #tpu.memory_space<vmem>> -> memref<128x16xf32, #tpu.memory_space<vmem>>
        %dma_start3A_1430 = tpu.memref_slice %arg5[%mul3A_1424] : memref<10112xi32, #tpu.memory_space<vmem>> -> memref<128xi32, #tpu.memory_space<vmem>>
        %dma_start3A_1431 = arith.constant 0 : i32
        %dma_start3A_1432 = arith.constant 0 : i32
        %dma_start3A_1433 = tpu.memref_slice %arg2[%dma_start3A_1431, %dma_start3A_1432] : memref<10000x16xf32, #tpu.memory_space<hbm>> -> memref<10000x16xf32, #tpu.memory_space<hbm>>
        tpu.enqueue_indirect_dma source(%dma_start3A_1433 : memref<10000x16xf32, #tpu.memory_space<hbm>>) target(%dma_start3A_1429 : memref<128x16xf32, #tpu.memory_space<vmem>>) offsets(%dma_start3A_1430 : memref<128xi32, #tpu.memory_space<vmem>>) semaphore(%arg15 : memref<!tpu.dma_semaphore, #tpu.memory_space<semaphore_mem>>)
      } else {
      }
    }
    %while3A_1151 = arith.constant 1 : i32
    scf.for %while3A_1297 = %while3A_1149 to %while3A_1145 step %while3A_1151  : i32 {
      %mul3A_1298 = arith.constant 6 : i32
      %mul3A_1299 = arith.muli %while3A_1297, %mul3A_1298 : i32
      %add3A_1300 = arith.constant 0 : i32
      %add3A_1301 = arith.addi %mul3A_1299, %add3A_1300 : i32
      %lt3A_1302 = arith.cmpi slt, %add3A_1301, %add3A_7 : i32
      %convert_element_type3A_1303 = arith.extui %lt3A_1302 : i1 to i32
      %cond3A_1304 = arith.constant 0 : i32
      %cond3A_1305 = arith.cmpi ne, %convert_element_type3A_1303, %cond3A_1304 : i32
      scf.if %cond3A_1305 {
        %dma_wait3A_1406 = arith.constant 0 : i32
        %dma_wait3A_1407 = arith.constant 0 : i32
        %dma_wait3A_1408 = arith.constant 0 : i32
        %dma_wait3A_1409 = tpu.memref_slice %arg7[%dma_wait3A_1406, %dma_wait3A_1407, %dma_wait3A_1408] : memref<6x128x16xf32, #tpu.memory_space<vmem>> -> memref<1x128x16xf32, #tpu.memory_space<vmem>>
        %dma_wait3A_1410 = tpu.memref_squeeze %dma_wait3A_1409 : memref<1x128x16xf32, #tpu.memory_space<vmem>> -> memref<128x16xf32, #tpu.memory_space<vmem>>
        %dma_wait3A_1411 = arith.constant 0 : i32
        %dma_wait3A_1412 = tpu.memref_slice %arg5[%dma_wait3A_1411] : memref<10112xi32, #tpu.memory_space<vmem>> -> memref<128xi32, #tpu.memory_space<vmem>>
        %dma_wait3A_1413 = arith.constant 0 : i32
        %dma_wait3A_1414 = arith.constant 0 : i32
        %dma_wait3A_1415 = tpu.memref_slice %arg2[%dma_wait3A_1413, %dma_wait3A_1414] : memref<10000x16xf32, #tpu.memory_space<hbm>> -> memref<10000x16xf32, #tpu.memory_space<hbm>>
        tpu.wait_indirect_dma semaphore(%arg10 : memref<!tpu.dma_semaphore, #tpu.memory_space<semaphore_mem>>) src(%dma_wait3A_1415 : memref<10000x16xf32, #tpu.memory_space<hbm>>) dst(%dma_wait3A_1410 : memref<128x16xf32, #tpu.memory_space<vmem>>)
        %mul3A_1416 = arith.constant 128 : i32
        %mul3A_1417 = arith.muli %add3A_1301, %mul3A_1416 : i32
        %dma_start3A_1418 = arith.constant 0 : i32
        %dma_start3A_1419 = arith.constant 0 : i32
        %dma_start3A_1420 = arith.constant 0 : i32
        %dma_start3A_1421 = tpu.memref_slice %arg7[%dma_start3A_1418, %dma_start3A_1419, %dma_start3A_1420] : memref<6x128x16xf32, #tpu.memory_space<vmem>> -> memref<1x128x16xf32, #tpu.memory_space<vmem>>
        %dma_start3A_1422 = tpu.memref_squeeze %dma_start3A_1421 : memref<1x128x16xf32, #tpu.memory_space<vmem>> -> memref<128x16xf32, #tpu.memory_space<vmem>>
        %dma_start3A_1423 = tpu.memref_slice %arg6[%mul3A_1417] : memref<10112xi32, #tpu.memory_space<vmem>> -> memref<128xi32, #tpu.memory_space<vmem>>
        %dma_start3A_1424 = arith.constant 0 : i32
        %dma_start3A_1425 = arith.constant 0 : i32
        %dma_start3A_1426 = tpu.memref_slice %arg9[%dma_start3A_1424, %dma_start3A_1425] : memref<10240x16xf32, #tpu.memory_space<vmem_shared>> -> memref<10240x16xf32, #tpu.memory_space<vmem_shared>>
        tpu.enqueue_indirect_dma source(%dma_start3A_1422 : memref<128x16xf32, #tpu.memory_space<vmem>>) target(%dma_start3A_1426 : memref<10240x16xf32, #tpu.memory_space<vmem_shared>>) offsets(%dma_start3A_1423 : memref<128xi32, #tpu.memory_space<vmem>>) semaphore(%arg16 : memref<!tpu.dma_semaphore, #tpu.memory_space<semaphore_mem>>) {add = true}
      } else {
      }
      %mul3A_1306 = arith.constant 6 : i32
      %mul3A_1307 = arith.muli %while3A_1297, %mul3A_1306 : i32
      %add3A_1308 = arith.constant 1 : i32
      %add3A_1309 = arith.addi %mul3A_1307, %add3A_1308 : i32
      %lt3A_1310 = arith.cmpi slt, %add3A_1309, %add3A_7 : i32
      %convert_element_type3A_1311 = arith.extui %lt3A_1310 : i1 to i32
      %cond3A_1312 = arith.constant 0 : i32
      %cond3A_1313 = arith.cmpi ne, %convert_element_type3A_1311, %cond3A_1312 : i32
      scf.if %cond3A_1313 {
        %dma_wait3A_1406 = arith.constant 1 : i32
        %dma_wait3A_1407 = arith.constant 0 : i32
        %dma_wait3A_1408 = arith.constant 0 : i32
        %dma_wait3A_1409 = tpu.memref_slice %arg7[%dma_wait3A_1406, %dma_wait3A_1407, %dma_wait3A_1408] : memref<6x128x16xf32, #tpu.memory_space<vmem>> -> memref<1x128x16xf32, #tpu.memory_space<vmem>>
        %dma_wait3A_1410 = tpu.memref_squeeze %dma_wait3A_1409 : memref<1x128x16xf32, #tpu.memory_space<vmem>> -> memref<128x16xf32, #tpu.memory_space<vmem>>
        %dma_wait3A_1411 = arith.constant 0 : i32
        %dma_wait3A_1412 = tpu.memref_slice %arg5[%dma_wait3A_1411] : memref<10112xi32, #tpu.memory_space<vmem>> -> memref<128xi32, #tpu.memory_space<vmem>>
        %dma_wait3A_1413 = arith.constant 0 : i32
        %dma_wait3A_1414 = arith.constant 0 : i32
        %dma_wait3A_1415 = tpu.memref_slice %arg2[%dma_wait3A_1413, %dma_wait3A_1414] : memref<10000x16xf32, #tpu.memory_space<hbm>> -> memref<10000x16xf32, #tpu.memory_space<hbm>>
        tpu.wait_indirect_dma semaphore(%arg11 : memref<!tpu.dma_semaphore, #tpu.memory_space<semaphore_mem>>) src(%dma_wait3A_1415 : memref<10000x16xf32, #tpu.memory_space<hbm>>) dst(%dma_wait3A_1410 : memref<128x16xf32, #tpu.memory_space<vmem>>)
        %mul3A_1416 = arith.constant 128 : i32
        %mul3A_1417 = arith.muli %add3A_1309, %mul3A_1416 : i32
        %dma_start3A_1418 = arith.constant 1 : i32
        %dma_start3A_1419 = arith.constant 0 : i32
        %dma_start3A_1420 = arith.constant 0 : i32
        %dma_start3A_1421 = tpu.memref_slice %arg7[%dma_start3A_1418, %dma_start3A_1419, %dma_start3A_1420] : memref<6x128x16xf32, #tpu.memory_space<vmem>> -> memref<1x128x16xf32, #tpu.memory_space<vmem>>
        %dma_start3A_1422 = tpu.memref_squeeze %dma_start3A_1421 : memref<1x128x16xf32, #tpu.memory_space<vmem>> -> memref<128x16xf32, #tpu.memory_space<vmem>>
        %dma_start3A_1423 = tpu.memref_slice %arg6[%mul3A_1417] : memref<10112xi32, #tpu.memory_space<vmem>> -> memref<128xi32, #tpu.memory_space<vmem>>
        %dma_start3A_1424 = arith.constant 0 : i32
        %dma_start3A_1425 = arith.constant 0 : i32
        %dma_start3A_1426 = tpu.memref_slice %arg9[%dma_start3A_1424, %dma_start3A_1425] : memref<10240x16xf32, #tpu.memory_space<vmem_shared>> -> memref<10240x16xf32, #tpu.memory_space<vmem_shared>>
        tpu.enqueue_indirect_dma source(%dma_start3A_1422 : memref<128x16xf32, #tpu.memory_space<vmem>>) target(%dma_start3A_1426 : memref<10240x16xf32, #tpu.memory_space<vmem_shared>>) offsets(%dma_start3A_1423 : memref<128xi32, #tpu.memory_space<vmem>>) semaphore(%arg17 : memref<!tpu.dma_semaphore, #tpu.memory_space<semaphore_mem>>) {add = true}
      } else {
      }
      %mul3A_1314 = arith.constant 6 : i32
      %mul3A_1315 = arith.muli %while3A_1297, %mul3A_1314 : i32
      %add3A_1316 = arith.constant 2 : i32
      %add3A_1317 = arith.addi %mul3A_1315, %add3A_1316 : i32
      %lt3A_1318 = arith.cmpi slt, %add3A_1317, %add3A_7 : i32
      %convert_element_type3A_1319 = arith.extui %lt3A_1318 : i1 to i32
      %cond3A_1320 = arith.constant 0 : i32
      %cond3A_1321 = arith.cmpi ne, %convert_element_type3A_1319, %cond3A_1320 : i32
      scf.if %cond3A_1321 {
        %dma_wait3A_1406 = arith.constant 2 : i32
        %dma_wait3A_1407 = arith.constant 0 : i32
        %dma_wait3A_1408 = arith.constant 0 : i32
        %dma_wait3A_1409 = tpu.memref_slice %arg7[%dma_wait3A_1406, %dma_wait3A_1407, %dma_wait3A_1408] : memref<6x128x16xf32, #tpu.memory_space<vmem>> -> memref<1x128x16xf32, #tpu.memory_space<vmem>>
        %dma_wait3A_1410 = tpu.memref_squeeze %dma_wait3A_1409 : memref<1x128x16xf32, #tpu.memory_space<vmem>> -> memref<128x16xf32, #tpu.memory_space<vmem>>
        %dma_wait3A_1411 = arith.constant 0 : i32
        %dma_wait3A_1412 = tpu.memref_slice %arg5[%dma_wait3A_1411] : memref<10112xi32, #tpu.memory_space<vmem>> -> memref<128xi32, #tpu.memory_space<vmem>>
        %dma_wait3A_1413 = arith.constant 0 : i32
        %dma_wait3A_1414 = arith.constant 0 : i32
        %dma_wait3A_1415 = tpu.memref_slice %arg2[%dma_wait3A_1413, %dma_wait3A_1414] : memref<10000x16xf32, #tpu.memory_space<hbm>> -> memref<10000x16xf32, #tpu.memory_space<hbm>>
        tpu.wait_indirect_dma semaphore(%arg12 : memref<!tpu.dma_semaphore, #tpu.memory_space<semaphore_mem>>) src(%dma_wait3A_1415 : memref<10000x16xf32, #tpu.memory_space<hbm>>) dst(%dma_wait3A_1410 : memref<128x16xf32, #tpu.memory_space<vmem>>)
        %mul3A_1416 = arith.constant 128 : i32
        %mul3A_1417 = arith.muli %add3A_1317, %mul3A_1416 : i32
        %dma_start3A_1418 = arith.constant 2 : i32
        %dma_start3A_1419 = arith.constant 0 : i32
        %dma_start3A_1420 = arith.constant 0 : i32
        %dma_start3A_1421 = tpu.memref_slice %arg7[%dma_start3A_1418, %dma_start3A_1419, %dma_start3A_1420] : memref<6x128x16xf32, #tpu.memory_space<vmem>> -> memref<1x128x16xf32, #tpu.memory_space<vmem>>
        %dma_start3A_1422 = tpu.memref_squeeze %dma_start3A_1421 : memref<1x128x16xf32, #tpu.memory_space<vmem>> -> memref<128x16xf32, #tpu.memory_space<vmem>>
        %dma_start3A_1423 = tpu.memref_slice %arg6[%mul3A_1417] : memref<10112xi32, #tpu.memory_space<vmem>> -> memref<128xi32, #tpu.memory_space<vmem>>
        %dma_start3A_1424 = arith.constant 0 : i32
        %dma_start3A_1425 = arith.constant 0 : i32
        %dma_start3A_1426 = tpu.memref_slice %arg9[%dma_start3A_1424, %dma_start3A_1425] : memref<10240x16xf32, #tpu.memory_space<vmem_shared>> -> memref<10240x16xf32, #tpu.memory_space<vmem_shared>>
        tpu.enqueue_indirect_dma source(%dma_start3A_1422 : memref<128x16xf32, #tpu.memory_space<vmem>>) target(%dma_start3A_1426 : memref<10240x16xf32, #tpu.memory_space<vmem_shared>>) offsets(%dma_start3A_1423 : memref<128xi32, #tpu.memory_space<vmem>>) semaphore(%arg18 : memref<!tpu.dma_semaphore, #tpu.memory_space<semaphore_mem>>) {add = true}
      } else {
      }
      %mul3A_1322 = arith.constant 6 : i32
      %mul3A_1323 = arith.muli %while3A_1297, %mul3A_1322 : i32
      %add3A_1324 = arith.constant 3 : i32
      %add3A_1325 = arith.addi %mul3A_1323, %add3A_1324 : i32
      %lt3A_1326 = arith.cmpi slt, %add3A_1325, %add3A_7 : i32
      %convert_element_type3A_1327 = arith.extui %lt3A_1326 : i1 to i32
      %cond3A_1328 = arith.constant 0 : i32
      %cond3A_1329 = arith.cmpi ne, %convert_element_type3A_1327, %cond3A_1328 : i32
      scf.if %cond3A_1329 {
        %dma_wait3A_1406 = arith.constant 3 : i32
        %dma_wait3A_1407 = arith.constant 0 : i32
        %dma_wait3A_1408 = arith.constant 0 : i32
        %dma_wait3A_1409 = tpu.memref_slice %arg7[%dma_wait3A_1406, %dma_wait3A_1407, %dma_wait3A_1408] : memref<6x128x16xf32, #tpu.memory_space<vmem>> -> memref<1x128x16xf32, #tpu.memory_space<vmem>>
        %dma_wait3A_1410 = tpu.memref_squeeze %dma_wait3A_1409 : memref<1x128x16xf32, #tpu.memory_space<vmem>> -> memref<128x16xf32, #tpu.memory_space<vmem>>
        %dma_wait3A_1411 = arith.constant 0 : i32
        %dma_wait3A_1412 = tpu.memref_slice %arg5[%dma_wait3A_1411] : memref<10112xi32, #tpu.memory_space<vmem>> -> memref<128xi32, #tpu.memory_space<vmem>>
        %dma_wait3A_1413 = arith.constant 0 : i32
        %dma_wait3A_1414 = arith.constant 0 : i32
        %dma_wait3A_1415 = tpu.memref_slice %arg2[%dma_wait3A_1413, %dma_wait3A_1414] : memref<10000x16xf32, #tpu.memory_space<hbm>> -> memref<10000x16xf32, #tpu.memory_space<hbm>>
        tpu.wait_indirect_dma semaphore(%arg13 : memref<!tpu.dma_semaphore, #tpu.memory_space<semaphore_mem>>) src(%dma_wait3A_1415 : memref<10000x16xf32, #tpu.memory_space<hbm>>) dst(%dma_wait3A_1410 : memref<128x16xf32, #tpu.memory_space<vmem>>)
        %mul3A_1416 = arith.constant 128 : i32
        %mul3A_1417 = arith.muli %add3A_1325, %mul3A_1416 : i32
        %dma_start3A_1418 = arith.constant 3 : i32
        %dma_start3A_1419 = arith.constant 0 : i32
        %dma_start3A_1420 = arith.constant 0 : i32
        %dma_start3A_1421 = tpu.memref_slice %arg7[%dma_start3A_1418, %dma_start3A_1419, %dma_start3A_1420] : memref<6x128x16xf32, #tpu.memory_space<vmem>> -> memref<1x128x16xf32, #tpu.memory_space<vmem>>
        %dma_start3A_1422 = tpu.memref_squeeze %dma_start3A_1421 : memref<1x128x16xf32, #tpu.memory_space<vmem>> -> memref<128x16xf32, #tpu.memory_space<vmem>>
        %dma_start3A_1423 = tpu.memref_slice %arg6[%mul3A_1417] : memref<10112xi32, #tpu.memory_space<vmem>> -> memref<128xi32, #tpu.memory_space<vmem>>
        %dma_start3A_1424 = arith.constant 0 : i32
        %dma_start3A_1425 = arith.constant 0 : i32
        %dma_start3A_1426 = tpu.memref_slice %arg9[%dma_start3A_1424, %dma_start3A_1425] : memref<10240x16xf32, #tpu.memory_space<vmem_shared>> -> memref<10240x16xf32, #tpu.memory_space<vmem_shared>>
        tpu.enqueue_indirect_dma source(%dma_start3A_1422 : memref<128x16xf32, #tpu.memory_space<vmem>>) target(%dma_start3A_1426 : memref<10240x16xf32, #tpu.memory_space<vmem_shared>>) offsets(%dma_start3A_1423 : memref<128xi32, #tpu.memory_space<vmem>>) semaphore(%arg19 : memref<!tpu.dma_semaphore, #tpu.memory_space<semaphore_mem>>) {add = true}
      } else {
      }
      %mul3A_1330 = arith.constant 6 : i32
      %mul3A_1331 = arith.muli %while3A_1297, %mul3A_1330 : i32
      %add3A_1332 = arith.constant 4 : i32
      %add3A_1333 = arith.addi %mul3A_1331, %add3A_1332 : i32
      %lt3A_1334 = arith.cmpi slt, %add3A_1333, %add3A_7 : i32
      %convert_element_type3A_1335 = arith.extui %lt3A_1334 : i1 to i32
      %cond3A_1336 = arith.constant 0 : i32
      %cond3A_1337 = arith.cmpi ne, %convert_element_type3A_1335, %cond3A_1336 : i32
      scf.if %cond3A_1337 {
        %dma_wait3A_1406 = arith.constant 4 : i32
        %dma_wait3A_1407 = arith.constant 0 : i32
        %dma_wait3A_1408 = arith.constant 0 : i32
        %dma_wait3A_1409 = tpu.memref_slice %arg7[%dma_wait3A_1406, %dma_wait3A_1407, %dma_wait3A_1408] : memref<6x128x16xf32, #tpu.memory_space<vmem>> -> memref<1x128x16xf32, #tpu.memory_space<vmem>>
        %dma_wait3A_1410 = tpu.memref_squeeze %dma_wait3A_1409 : memref<1x128x16xf32, #tpu.memory_space<vmem>> -> memref<128x16xf32, #tpu.memory_space<vmem>>
        %dma_wait3A_1411 = arith.constant 0 : i32
        %dma_wait3A_1412 = tpu.memref_slice %arg5[%dma_wait3A_1411] : memref<10112xi32, #tpu.memory_space<vmem>> -> memref<128xi32, #tpu.memory_space<vmem>>
        %dma_wait3A_1413 = arith.constant 0 : i32
        %dma_wait3A_1414 = arith.constant 0 : i32
        %dma_wait3A_1415 = tpu.memref_slice %arg2[%dma_wait3A_1413, %dma_wait3A_1414] : memref<10000x16xf32, #tpu.memory_space<hbm>> -> memref<10000x16xf32, #tpu.memory_space<hbm>>
        tpu.wait_indirect_dma semaphore(%arg14 : memref<!tpu.dma_semaphore, #tpu.memory_space<semaphore_mem>>) src(%dma_wait3A_1415 : memref<10000x16xf32, #tpu.memory_space<hbm>>) dst(%dma_wait3A_1410 : memref<128x16xf32, #tpu.memory_space<vmem>>)
        %mul3A_1416 = arith.constant 128 : i32
        %mul3A_1417 = arith.muli %add3A_1333, %mul3A_1416 : i32
        %dma_start3A_1418 = arith.constant 4 : i32
        %dma_start3A_1419 = arith.constant 0 : i32
        %dma_start3A_1420 = arith.constant 0 : i32
        %dma_start3A_1421 = tpu.memref_slice %arg7[%dma_start3A_1418, %dma_start3A_1419, %dma_start3A_1420] : memref<6x128x16xf32, #tpu.memory_space<vmem>> -> memref<1x128x16xf32, #tpu.memory_space<vmem>>
        %dma_start3A_1422 = tpu.memref_squeeze %dma_start3A_1421 : memref<1x128x16xf32, #tpu.memory_space<vmem>> -> memref<128x16xf32, #tpu.memory_space<vmem>>
        %dma_start3A_1423 = tpu.memref_slice %arg6[%mul3A_1417] : memref<10112xi32, #tpu.memory_space<vmem>> -> memref<128xi32, #tpu.memory_space<vmem>>
        %dma_start3A_1424 = arith.constant 0 : i32
        %dma_start3A_1425 = arith.constant 0 : i32
        %dma_start3A_1426 = tpu.memref_slice %arg9[%dma_start3A_1424, %dma_start3A_1425] : memref<10240x16xf32, #tpu.memory_space<vmem_shared>> -> memref<10240x16xf32, #tpu.memory_space<vmem_shared>>
        tpu.enqueue_indirect_dma source(%dma_start3A_1422 : memref<128x16xf32, #tpu.memory_space<vmem>>) target(%dma_start3A_1426 : memref<10240x16xf32, #tpu.memory_space<vmem_shared>>) offsets(%dma_start3A_1423 : memref<128xi32, #tpu.memory_space<vmem>>) semaphore(%arg20 : memref<!tpu.dma_semaphore, #tpu.memory_space<semaphore_mem>>) {add = true}
      } else {
      }
      %mul3A_1338 = arith.constant 6 : i32
      %mul3A_1339 = arith.muli %while3A_1297, %mul3A_1338 : i32
      %add3A_1340 = arith.constant 5 : i32
      %add3A_1341 = arith.addi %mul3A_1339, %add3A_1340 : i32
      %lt3A_1342 = arith.cmpi slt, %add3A_1341, %add3A_7 : i32
      %convert_element_type3A_1343 = arith.extui %lt3A_1342 : i1 to i32
      %cond3A_1344 = arith.constant 0 : i32
      %cond3A_1345 = arith.cmpi ne, %convert_element_type3A_1343, %cond3A_1344 : i32
      scf.if %cond3A_1345 {
        %dma_wait3A_1406 = arith.constant 5 : i32
        %dma_wait3A_1407 = arith.constant 0 : i32
        %dma_wait3A_1408 = arith.constant 0 : i32
        %dma_wait3A_1409 = tpu.memref_slice %arg7[%dma_wait3A_1406, %dma_wait3A_1407, %dma_wait3A_1408] : memref<6x128x16xf32, #tpu.memory_space<vmem>> -> memref<1x128x16xf32, #tpu.memory_space<vmem>>
        %dma_wait3A_1410 = tpu.memref_squeeze %dma_wait3A_1409 : memref<1x128x16xf32, #tpu.memory_space<vmem>> -> memref<128x16xf32, #tpu.memory_space<vmem>>
        %dma_wait3A_1411 = arith.constant 0 : i32
        %dma_wait3A_1412 = tpu.memref_slice %arg5[%dma_wait3A_1411] : memref<10112xi32, #tpu.memory_space<vmem>> -> memref<128xi32, #tpu.memory_space<vmem>>
        %dma_wait3A_1413 = arith.constant 0 : i32
        %dma_wait3A_1414 = arith.constant 0 : i32
        %dma_wait3A_1415 = tpu.memref_slice %arg2[%dma_wait3A_1413, %dma_wait3A_1414] : memref<10000x16xf32, #tpu.memory_space<hbm>> -> memref<10000x16xf32, #tpu.memory_space<hbm>>
        tpu.wait_indirect_dma semaphore(%arg15 : memref<!tpu.dma_semaphore, #tpu.memory_space<semaphore_mem>>) src(%dma_wait3A_1415 : memref<10000x16xf32, #tpu.memory_space<hbm>>) dst(%dma_wait3A_1410 : memref<128x16xf32, #tpu.memory_space<vmem>>)
        %mul3A_1416 = arith.constant 128 : i32
        %mul3A_1417 = arith.muli %add3A_1341, %mul3A_1416 : i32
        %dma_start3A_1418 = arith.constant 5 : i32
        %dma_start3A_1419 = arith.constant 0 : i32
        %dma_start3A_1420 = arith.constant 0 : i32
        %dma_start3A_1421 = tpu.memref_slice %arg7[%dma_start3A_1418, %dma_start3A_1419, %dma_start3A_1420] : memref<6x128x16xf32, #tpu.memory_space<vmem>> -> memref<1x128x16xf32, #tpu.memory_space<vmem>>
        %dma_start3A_1422 = tpu.memref_squeeze %dma_start3A_1421 : memref<1x128x16xf32, #tpu.memory_space<vmem>> -> memref<128x16xf32, #tpu.memory_space<vmem>>
        %dma_start3A_1423 = tpu.memref_slice %arg6[%mul3A_1417] : memref<10112xi32, #tpu.memory_space<vmem>> -> memref<128xi32, #tpu.memory_space<vmem>>
        %dma_start3A_1424 = arith.constant 0 : i32
        %dma_start3A_1425 = arith.constant 0 : i32
        %dma_start3A_1426 = tpu.memref_slice %arg9[%dma_start3A_1424, %dma_start3A_1425] : memref<10240x16xf32, #tpu.memory_space<vmem_shared>> -> memref<10240x16xf32, #tpu.memory_space<vmem_shared>>
        tpu.enqueue_indirect_dma source(%dma_start3A_1422 : memref<128x16xf32, #tpu.memory_space<vmem>>) target(%dma_start3A_1426 : memref<10240x16xf32, #tpu.memory_space<vmem_shared>>) offsets(%dma_start3A_1423 : memref<128xi32, #tpu.memory_space<vmem>>) semaphore(%arg21 : memref<!tpu.dma_semaphore, #tpu.memory_space<semaphore_mem>>) {add = true}
      } else {
      }
      %mul3A_1346 = arith.constant 6 : i32
      %mul3A_1347 = arith.muli %while3A_1297, %mul3A_1346 : i32
      %add3A_1348 = arith.constant 0 : i32
      %add3A_1349 = arith.addi %mul3A_1347, %add3A_1348 : i32
      %add3A_1350 = arith.constant 6 : i32
      %add3A_1351 = arith.addi %add3A_1349, %add3A_1350 : i32
      %lt3A_1352 = arith.cmpi slt, %add3A_1351, %add3A_7 : i32
      %convert_element_type3A_1353 = arith.extui %lt3A_1352 : i1 to i32
      %cond3A_1354 = arith.constant 0 : i32
      %cond3A_1355 = arith.cmpi ne, %convert_element_type3A_1353, %cond3A_1354 : i32
      scf.if %cond3A_1355 {
        %dma_wait3A_1406 = arith.constant 0 : i32
        %dma_wait3A_1407 = arith.constant 0 : i32
        %dma_wait3A_1408 = arith.constant 0 : i32
        %dma_wait3A_1409 = tpu.memref_slice %arg7[%dma_wait3A_1406, %dma_wait3A_1407, %dma_wait3A_1408] : memref<6x128x16xf32, #tpu.memory_space<vmem>> -> memref<1x128x16xf32, #tpu.memory_space<vmem>>
        %dma_wait3A_1410 = tpu.memref_squeeze %dma_wait3A_1409 : memref<1x128x16xf32, #tpu.memory_space<vmem>> -> memref<128x16xf32, #tpu.memory_space<vmem>>
        %dma_wait3A_1411 = arith.constant 0 : i32
        %dma_wait3A_1412 = arith.constant 0 : i32
        %dma_wait3A_1413 = tpu.memref_slice %arg9[%dma_wait3A_1411, %dma_wait3A_1412] : memref<10240x16xf32, #tpu.memory_space<vmem_shared>> -> memref<128x16xf32, #tpu.memory_space<vmem_shared>>
        %dma_wait3A_1414 = arith.constant 0 : i32
        %dma_wait3A_1415 = arith.constant 0 : i32
        %dma_wait3A_1416 = tpu.memref_slice %arg9[%dma_wait3A_1414, %dma_wait3A_1415] : memref<10240x16xf32, #tpu.memory_space<vmem_shared>> -> memref<128x16xf32, #tpu.memory_space<vmem_shared>>
        %dma_wait3A_1417 = arith.constant 0 : i32
        %dma_wait3A_1418 = arith.constant 0 : i32
        %dma_wait3A_1419 = tpu.memref_slice %arg7[%dma_wait3A_1406, %dma_wait3A_1417, %dma_wait3A_1418] : memref<6x128x16xf32, #tpu.memory_space<vmem>> -> memref<1x128x16xf32, #tpu.memory_space<vmem>>
        %dma_wait3A_1420 = tpu.memref_squeeze %dma_wait3A_1419 : memref<1x128x16xf32, #tpu.memory_space<vmem>> -> memref<128x16xf32, #tpu.memory_space<vmem>>
        tpu.wait_dma2 semaphore(%arg16 : memref<!tpu.dma_semaphore, #tpu.memory_space<semaphore_mem>>) src(%dma_wait3A_1420 : memref<128x16xf32, #tpu.memory_space<vmem>>) dst(%dma_wait3A_1416 : memref<128x16xf32, #tpu.memory_space<vmem_shared>>)
        %add3A_1421 = arith.constant 6 : i32
        %add3A_1422 = arith.addi %add3A_1349, %add3A_1421 : i32
        %mul3A_1423 = arith.constant 128 : i32
        %mul3A_1424 = arith.muli %add3A_1422, %mul3A_1423 : i32
        %dma_start3A_1425 = arith.constant 0 : i32
        %dma_start3A_1426 = arith.constant 0 : i32
        %dma_start3A_1427 = arith.constant 0 : i32
        %dma_start3A_1428 = tpu.memref_slice %arg7[%dma_start3A_1425, %dma_start3A_1426, %dma_start3A_1427] : memref<6x128x16xf32, #tpu.memory_space<vmem>> -> memref<1x128x16xf32, #tpu.memory_space<vmem>>
        %dma_start3A_1429 = tpu.memref_squeeze %dma_start3A_1428 : memref<1x128x16xf32, #tpu.memory_space<vmem>> -> memref<128x16xf32, #tpu.memory_space<vmem>>
        %dma_start3A_1430 = tpu.memref_slice %arg5[%mul3A_1424] : memref<10112xi32, #tpu.memory_space<vmem>> -> memref<128xi32, #tpu.memory_space<vmem>>
        %dma_start3A_1431 = arith.constant 0 : i32
        %dma_start3A_1432 = arith.constant 0 : i32
        %dma_start3A_1433 = tpu.memref_slice %arg2[%dma_start3A_1431, %dma_start3A_1432] : memref<10000x16xf32, #tpu.memory_space<hbm>> -> memref<10000x16xf32, #tpu.memory_space<hbm>>
        tpu.enqueue_indirect_dma source(%dma_start3A_1433 : memref<10000x16xf32, #tpu.memory_space<hbm>>) target(%dma_start3A_1429 : memref<128x16xf32, #tpu.memory_space<vmem>>) offsets(%dma_start3A_1430 : memref<128xi32, #tpu.memory_space<vmem>>) semaphore(%arg10 : memref<!tpu.dma_semaphore, #tpu.memory_space<semaphore_mem>>)
      } else {
      }
      %mul3A_1356 = arith.constant 6 : i32
      %mul3A_1357 = arith.muli %while3A_1297, %mul3A_1356 : i32
      %add3A_1358 = arith.constant 1 : i32
      %add3A_1359 = arith.addi %mul3A_1357, %add3A_1358 : i32
      %add3A_1360 = arith.constant 6 : i32
      %add3A_1361 = arith.addi %add3A_1359, %add3A_1360 : i32
      %lt3A_1362 = arith.cmpi slt, %add3A_1361, %add3A_7 : i32
      %convert_element_type3A_1363 = arith.extui %lt3A_1362 : i1 to i32
      %cond3A_1364 = arith.constant 0 : i32
      %cond3A_1365 = arith.cmpi ne, %convert_element_type3A_1363, %cond3A_1364 : i32
      scf.if %cond3A_1365 {
        %dma_wait3A_1406 = arith.constant 1 : i32
        %dma_wait3A_1407 = arith.constant 0 : i32
        %dma_wait3A_1408 = arith.constant 0 : i32
        %dma_wait3A_1409 = tpu.memref_slice %arg7[%dma_wait3A_1406, %dma_wait3A_1407, %dma_wait3A_1408] : memref<6x128x16xf32, #tpu.memory_space<vmem>> -> memref<1x128x16xf32, #tpu.memory_space<vmem>>
        %dma_wait3A_1410 = tpu.memref_squeeze %dma_wait3A_1409 : memref<1x128x16xf32, #tpu.memory_space<vmem>> -> memref<128x16xf32, #tpu.memory_space<vmem>>
        %dma_wait3A_1411 = arith.constant 0 : i32
        %dma_wait3A_1412 = arith.constant 0 : i32
        %dma_wait3A_1413 = tpu.memref_slice %arg9[%dma_wait3A_1411, %dma_wait3A_1412] : memref<10240x16xf32, #tpu.memory_space<vmem_shared>> -> memref<128x16xf32, #tpu.memory_space<vmem_shared>>
        %dma_wait3A_1414 = arith.constant 0 : i32
        %dma_wait3A_1415 = arith.constant 0 : i32
        %dma_wait3A_1416 = tpu.memref_slice %arg9[%dma_wait3A_1414, %dma_wait3A_1415] : memref<10240x16xf32, #tpu.memory_space<vmem_shared>> -> memref<128x16xf32, #tpu.memory_space<vmem_shared>>
        %dma_wait3A_1417 = arith.constant 0 : i32
        %dma_wait3A_1418 = arith.constant 0 : i32
        %dma_wait3A_1419 = tpu.memref_slice %arg7[%dma_wait3A_1406, %dma_wait3A_1417, %dma_wait3A_1418] : memref<6x128x16xf32, #tpu.memory_space<vmem>> -> memref<1x128x16xf32, #tpu.memory_space<vmem>>
        %dma_wait3A_1420 = tpu.memref_squeeze %dma_wait3A_1419 : memref<1x128x16xf32, #tpu.memory_space<vmem>> -> memref<128x16xf32, #tpu.memory_space<vmem>>
        tpu.wait_dma2 semaphore(%arg17 : memref<!tpu.dma_semaphore, #tpu.memory_space<semaphore_mem>>) src(%dma_wait3A_1420 : memref<128x16xf32, #tpu.memory_space<vmem>>) dst(%dma_wait3A_1416 : memref<128x16xf32, #tpu.memory_space<vmem_shared>>)
        %add3A_1421 = arith.constant 6 : i32
        %add3A_1422 = arith.addi %add3A_1359, %add3A_1421 : i32
        %mul3A_1423 = arith.constant 128 : i32
        %mul3A_1424 = arith.muli %add3A_1422, %mul3A_1423 : i32
        %dma_start3A_1425 = arith.constant 1 : i32
        %dma_start3A_1426 = arith.constant 0 : i32
        %dma_start3A_1427 = arith.constant 0 : i32
        %dma_start3A_1428 = tpu.memref_slice %arg7[%dma_start3A_1425, %dma_start3A_1426, %dma_start3A_1427] : memref<6x128x16xf32, #tpu.memory_space<vmem>> -> memref<1x128x16xf32, #tpu.memory_space<vmem>>
        %dma_start3A_1429 = tpu.memref_squeeze %dma_start3A_1428 : memref<1x128x16xf32, #tpu.memory_space<vmem>> -> memref<128x16xf32, #tpu.memory_space<vmem>>
        %dma_start3A_1430 = tpu.memref_slice %arg5[%mul3A_1424] : memref<10112xi32, #tpu.memory_space<vmem>> -> memref<128xi32, #tpu.memory_space<vmem>>
        %dma_start3A_1431 = arith.constant 0 : i32
        %dma_start3A_1432 = arith.constant 0 : i32
        %dma_start3A_1433 = tpu.memref_slice %arg2[%dma_start3A_1431, %dma_start3A_1432] : memref<10000x16xf32, #tpu.memory_space<hbm>> -> memref<10000x16xf32, #tpu.memory_space<hbm>>
        tpu.enqueue_indirect_dma source(%dma_start3A_1433 : memref<10000x16xf32, #tpu.memory_space<hbm>>) target(%dma_start3A_1429 : memref<128x16xf32, #tpu.memory_space<vmem>>) offsets(%dma_start3A_1430 : memref<128xi32, #tpu.memory_space<vmem>>) semaphore(%arg11 : memref<!tpu.dma_semaphore, #tpu.memory_space<semaphore_mem>>)
      } else {
      }
      %mul3A_1366 = arith.constant 6 : i32
      %mul3A_1367 = arith.muli %while3A_1297, %mul3A_1366 : i32
      %add3A_1368 = arith.constant 2 : i32
      %add3A_1369 = arith.addi %mul3A_1367, %add3A_1368 : i32
      %add3A_1370 = arith.constant 6 : i32
      %add3A_1371 = arith.addi %add3A_1369, %add3A_1370 : i32
      %lt3A_1372 = arith.cmpi slt, %add3A_1371, %add3A_7 : i32
      %convert_element_type3A_1373 = arith.extui %lt3A_1372 : i1 to i32
      %cond3A_1374 = arith.constant 0 : i32
      %cond3A_1375 = arith.cmpi ne, %convert_element_type3A_1373, %cond3A_1374 : i32
      scf.if %cond3A_1375 {
        %dma_wait3A_1406 = arith.constant 2 : i32
        %dma_wait3A_1407 = arith.constant 0 : i32
        %dma_wait3A_1408 = arith.constant 0 : i32
        %dma_wait3A_1409 = tpu.memref_slice %arg7[%dma_wait3A_1406, %dma_wait3A_1407, %dma_wait3A_1408] : memref<6x128x16xf32, #tpu.memory_space<vmem>> -> memref<1x128x16xf32, #tpu.memory_space<vmem>>
        %dma_wait3A_1410 = tpu.memref_squeeze %dma_wait3A_1409 : memref<1x128x16xf32, #tpu.memory_space<vmem>> -> memref<128x16xf32, #tpu.memory_space<vmem>>
        %dma_wait3A_1411 = arith.constant 0 : i32
        %dma_wait3A_1412 = arith.constant 0 : i32
        %dma_wait3A_1413 = tpu.memref_slice %arg9[%dma_wait3A_1411, %dma_wait3A_1412] : memref<10240x16xf32, #tpu.memory_space<vmem_shared>> -> memref<128x16xf32, #tpu.memory_space<vmem_shared>>
        %dma_wait3A_1414 = arith.constant 0 : i32
        %dma_wait3A_1415 = arith.constant 0 : i32
        %dma_wait3A_1416 = tpu.memref_slice %arg9[%dma_wait3A_1414, %dma_wait3A_1415] : memref<10240x16xf32, #tpu.memory_space<vmem_shared>> -> memref<128x16xf32, #tpu.memory_space<vmem_shared>>
        %dma_wait3A_1417 = arith.constant 0 : i32
        %dma_wait3A_1418 = arith.constant 0 : i32
        %dma_wait3A_1419 = tpu.memref_slice %arg7[%dma_wait3A_1406, %dma_wait3A_1417, %dma_wait3A_1418] : memref<6x128x16xf32, #tpu.memory_space<vmem>> -> memref<1x128x16xf32, #tpu.memory_space<vmem>>
        %dma_wait3A_1420 = tpu.memref_squeeze %dma_wait3A_1419 : memref<1x128x16xf32, #tpu.memory_space<vmem>> -> memref<128x16xf32, #tpu.memory_space<vmem>>
        tpu.wait_dma2 semaphore(%arg18 : memref<!tpu.dma_semaphore, #tpu.memory_space<semaphore_mem>>) src(%dma_wait3A_1420 : memref<128x16xf32, #tpu.memory_space<vmem>>) dst(%dma_wait3A_1416 : memref<128x16xf32, #tpu.memory_space<vmem_shared>>)
        %add3A_1421 = arith.constant 6 : i32
        %add3A_1422 = arith.addi %add3A_1369, %add3A_1421 : i32
        %mul3A_1423 = arith.constant 128 : i32
        %mul3A_1424 = arith.muli %add3A_1422, %mul3A_1423 : i32
        %dma_start3A_1425 = arith.constant 2 : i32
        %dma_start3A_1426 = arith.constant 0 : i32
        %dma_start3A_1427 = arith.constant 0 : i32
        %dma_start3A_1428 = tpu.memref_slice %arg7[%dma_start3A_1425, %dma_start3A_1426, %dma_start3A_1427] : memref<6x128x16xf32, #tpu.memory_space<vmem>> -> memref<1x128x16xf32, #tpu.memory_space<vmem>>
        %dma_start3A_1429 = tpu.memref_squeeze %dma_start3A_1428 : memref<1x128x16xf32, #tpu.memory_space<vmem>> -> memref<128x16xf32, #tpu.memory_space<vmem>>
        %dma_start3A_1430 = tpu.memref_slice %arg5[%mul3A_1424] : memref<10112xi32, #tpu.memory_space<vmem>> -> memref<128xi32, #tpu.memory_space<vmem>>
        %dma_start3A_1431 = arith.constant 0 : i32
        %dma_start3A_1432 = arith.constant 0 : i32
        %dma_start3A_1433 = tpu.memref_slice %arg2[%dma_start3A_1431, %dma_start3A_1432] : memref<10000x16xf32, #tpu.memory_space<hbm>> -> memref<10000x16xf32, #tpu.memory_space<hbm>>
        tpu.enqueue_indirect_dma source(%dma_start3A_1433 : memref<10000x16xf32, #tpu.memory_space<hbm>>) target(%dma_start3A_1429 : memref<128x16xf32, #tpu.memory_space<vmem>>) offsets(%dma_start3A_1430 : memref<128xi32, #tpu.memory_space<vmem>>) semaphore(%arg12 : memref<!tpu.dma_semaphore, #tpu.memory_space<semaphore_mem>>)
      } else {
      }
      %mul3A_1376 = arith.constant 6 : i32
      %mul3A_1377 = arith.muli %while3A_1297, %mul3A_1376 : i32
      %add3A_1378 = arith.constant 3 : i32
      %add3A_1379 = arith.addi %mul3A_1377, %add3A_1378 : i32
      %add3A_1380 = arith.constant 6 : i32
      %add3A_1381 = arith.addi %add3A_1379, %add3A_1380 : i32
      %lt3A_1382 = arith.cmpi slt, %add3A_1381, %add3A_7 : i32
      %convert_element_type3A_1383 = arith.extui %lt3A_1382 : i1 to i32
      %cond3A_1384 = arith.constant 0 : i32
      %cond3A_1385 = arith.cmpi ne, %convert_element_type3A_1383, %cond3A_1384 : i32
      scf.if %cond3A_1385 {
        %dma_wait3A_1406 = arith.constant 3 : i32
        %dma_wait3A_1407 = arith.constant 0 : i32
        %dma_wait3A_1408 = arith.constant 0 : i32
        %dma_wait3A_1409 = tpu.memref_slice %arg7[%dma_wait3A_1406, %dma_wait3A_1407, %dma_wait3A_1408] : memref<6x128x16xf32, #tpu.memory_space<vmem>> -> memref<1x128x16xf32, #tpu.memory_space<vmem>>
        %dma_wait3A_1410 = tpu.memref_squeeze %dma_wait3A_1409 : memref<1x128x16xf32, #tpu.memory_space<vmem>> -> memref<128x16xf32, #tpu.memory_space<vmem>>
        %dma_wait3A_1411 = arith.constant 0 : i32
        %dma_wait3A_1412 = arith.constant 0 : i32
        %dma_wait3A_1413 = tpu.memref_slice %arg9[%dma_wait3A_1411, %dma_wait3A_1412] : memref<10240x16xf32, #tpu.memory_space<vmem_shared>> -> memref<128x16xf32, #tpu.memory_space<vmem_shared>>
        %dma_wait3A_1414 = arith.constant 0 : i32
        %dma_wait3A_1415 = arith.constant 0 : i32
        %dma_wait3A_1416 = tpu.memref_slice %arg9[%dma_wait3A_1414, %dma_wait3A_1415] : memref<10240x16xf32, #tpu.memory_space<vmem_shared>> -> memref<128x16xf32, #tpu.memory_space<vmem_shared>>
        %dma_wait3A_1417 = arith.constant 0 : i32
        %dma_wait3A_1418 = arith.constant 0 : i32
        %dma_wait3A_1419 = tpu.memref_slice %arg7[%dma_wait3A_1406, %dma_wait3A_1417, %dma_wait3A_1418] : memref<6x128x16xf32, #tpu.memory_space<vmem>> -> memref<1x128x16xf32, #tpu.memory_space<vmem>>
        %dma_wait3A_1420 = tpu.memref_squeeze %dma_wait3A_1419 : memref<1x128x16xf32, #tpu.memory_space<vmem>> -> memref<128x16xf32, #tpu.memory_space<vmem>>
        tpu.wait_dma2 semaphore(%arg19 : memref<!tpu.dma_semaphore, #tpu.memory_space<semaphore_mem>>) src(%dma_wait3A_1420 : memref<128x16xf32, #tpu.memory_space<vmem>>) dst(%dma_wait3A_1416 : memref<128x16xf32, #tpu.memory_space<vmem_shared>>)
        %add3A_1421 = arith.constant 6 : i32
        %add3A_1422 = arith.addi %add3A_1379, %add3A_1421 : i32
        %mul3A_1423 = arith.constant 128 : i32
        %mul3A_1424 = arith.muli %add3A_1422, %mul3A_1423 : i32
        %dma_start3A_1425 = arith.constant 3 : i32
        %dma_start3A_1426 = arith.constant 0 : i32
        %dma_start3A_1427 = arith.constant 0 : i32
        %dma_start3A_1428 = tpu.memref_slice %arg7[%dma_start3A_1425, %dma_start3A_1426, %dma_start3A_1427] : memref<6x128x16xf32, #tpu.memory_space<vmem>> -> memref<1x128x16xf32, #tpu.memory_space<vmem>>
        %dma_start3A_1429 = tpu.memref_squeeze %dma_start3A_1428 : memref<1x128x16xf32, #tpu.memory_space<vmem>> -> memref<128x16xf32, #tpu.memory_space<vmem>>
        %dma_start3A_1430 = tpu.memref_slice %arg5[%mul3A_1424] : memref<10112xi32, #tpu.memory_space<vmem>> -> memref<128xi32, #tpu.memory_space<vmem>>
        %dma_start3A_1431 = arith.constant 0 : i32
        %dma_start3A_1432 = arith.constant 0 : i32
        %dma_start3A_1433 = tpu.memref_slice %arg2[%dma_start3A_1431, %dma_start3A_1432] : memref<10000x16xf32, #tpu.memory_space<hbm>> -> memref<10000x16xf32, #tpu.memory_space<hbm>>
        tpu.enqueue_indirect_dma source(%dma_start3A_1433 : memref<10000x16xf32, #tpu.memory_space<hbm>>) target(%dma_start3A_1429 : memref<128x16xf32, #tpu.memory_space<vmem>>) offsets(%dma_start3A_1430 : memref<128xi32, #tpu.memory_space<vmem>>) semaphore(%arg13 : memref<!tpu.dma_semaphore, #tpu.memory_space<semaphore_mem>>)
      } else {
      }
      %mul3A_1386 = arith.constant 6 : i32
      %mul3A_1387 = arith.muli %while3A_1297, %mul3A_1386 : i32
      %add3A_1388 = arith.constant 4 : i32
      %add3A_1389 = arith.addi %mul3A_1387, %add3A_1388 : i32
      %add3A_1390 = arith.constant 6 : i32
      %add3A_1391 = arith.addi %add3A_1389, %add3A_1390 : i32
      %lt3A_1392 = arith.cmpi slt, %add3A_1391, %add3A_7 : i32
      %convert_element_type3A_1393 = arith.extui %lt3A_1392 : i1 to i32
      %cond3A_1394 = arith.constant 0 : i32
      %cond3A_1395 = arith.cmpi ne, %convert_element_type3A_1393, %cond3A_1394 : i32
      scf.if %cond3A_1395 {
        %dma_wait3A_1406 = arith.constant 4 : i32
        %dma_wait3A_1407 = arith.constant 0 : i32
        %dma_wait3A_1408 = arith.constant 0 : i32
        %dma_wait3A_1409 = tpu.memref_slice %arg7[%dma_wait3A_1406, %dma_wait3A_1407, %dma_wait3A_1408] : memref<6x128x16xf32, #tpu.memory_space<vmem>> -> memref<1x128x16xf32, #tpu.memory_space<vmem>>
        %dma_wait3A_1410 = tpu.memref_squeeze %dma_wait3A_1409 : memref<1x128x16xf32, #tpu.memory_space<vmem>> -> memref<128x16xf32, #tpu.memory_space<vmem>>
        %dma_wait3A_1411 = arith.constant 0 : i32
        %dma_wait3A_1412 = arith.constant 0 : i32
        %dma_wait3A_1413 = tpu.memref_slice %arg9[%dma_wait3A_1411, %dma_wait3A_1412] : memref<10240x16xf32, #tpu.memory_space<vmem_shared>> -> memref<128x16xf32, #tpu.memory_space<vmem_shared>>
        %dma_wait3A_1414 = arith.constant 0 : i32
        %dma_wait3A_1415 = arith.constant 0 : i32
        %dma_wait3A_1416 = tpu.memref_slice %arg9[%dma_wait3A_1414, %dma_wait3A_1415] : memref<10240x16xf32, #tpu.memory_space<vmem_shared>> -> memref<128x16xf32, #tpu.memory_space<vmem_shared>>
        %dma_wait3A_1417 = arith.constant 0 : i32
        %dma_wait3A_1418 = arith.constant 0 : i32
        %dma_wait3A_1419 = tpu.memref_slice %arg7[%dma_wait3A_1406, %dma_wait3A_1417, %dma_wait3A_1418] : memref<6x128x16xf32, #tpu.memory_space<vmem>> -> memref<1x128x16xf32, #tpu.memory_space<vmem>>
        %dma_wait3A_1420 = tpu.memref_squeeze %dma_wait3A_1419 : memref<1x128x16xf32, #tpu.memory_space<vmem>> -> memref<128x16xf32, #tpu.memory_space<vmem>>
        tpu.wait_dma2 semaphore(%arg20 : memref<!tpu.dma_semaphore, #tpu.memory_space<semaphore_mem>>) src(%dma_wait3A_1420 : memref<128x16xf32, #tpu.memory_space<vmem>>) dst(%dma_wait3A_1416 : memref<128x16xf32, #tpu.memory_space<vmem_shared>>)
        %add3A_1421 = arith.constant 6 : i32
        %add3A_1422 = arith.addi %add3A_1389, %add3A_1421 : i32
        %mul3A_1423 = arith.constant 128 : i32
        %mul3A_1424 = arith.muli %add3A_1422, %mul3A_1423 : i32
        %dma_start3A_1425 = arith.constant 4 : i32
        %dma_start3A_1426 = arith.constant 0 : i32
        %dma_start3A_1427 = arith.constant 0 : i32
        %dma_start3A_1428 = tpu.memref_slice %arg7[%dma_start3A_1425, %dma_start3A_1426, %dma_start3A_1427] : memref<6x128x16xf32, #tpu.memory_space<vmem>> -> memref<1x128x16xf32, #tpu.memory_space<vmem>>
        %dma_start3A_1429 = tpu.memref_squeeze %dma_start3A_1428 : memref<1x128x16xf32, #tpu.memory_space<vmem>> -> memref<128x16xf32, #tpu.memory_space<vmem>>
        %dma_start3A_1430 = tpu.memref_slice %arg5[%mul3A_1424] : memref<10112xi32, #tpu.memory_space<vmem>> -> memref<128xi32, #tpu.memory_space<vmem>>
        %dma_start3A_1431 = arith.constant 0 : i32
        %dma_start3A_1432 = arith.constant 0 : i32
        %dma_start3A_1433 = tpu.memref_slice %arg2[%dma_start3A_1431, %dma_start3A_1432] : memref<10000x16xf32, #tpu.memory_space<hbm>> -> memref<10000x16xf32, #tpu.memory_space<hbm>>
        tpu.enqueue_indirect_dma source(%dma_start3A_1433 : memref<10000x16xf32, #tpu.memory_space<hbm>>) target(%dma_start3A_1429 : memref<128x16xf32, #tpu.memory_space<vmem>>) offsets(%dma_start3A_1430 : memref<128xi32, #tpu.memory_space<vmem>>) semaphore(%arg14 : memref<!tpu.dma_semaphore, #tpu.memory_space<semaphore_mem>>)
      } else {
      }
      %mul3A_1396 = arith.constant 6 : i32
      %mul3A_1397 = arith.muli %while3A_1297, %mul3A_1396 : i32
      %add3A_1398 = arith.constant 5 : i32
      %add3A_1399 = arith.addi %mul3A_1397, %add3A_1398 : i32
      %add3A_1400 = arith.constant 6 : i32
      %add3A_1401 = arith.addi %add3A_1399, %add3A_1400 : i32
      %lt3A_1402 = arith.cmpi slt, %add3A_1401, %add3A_7 : i32
      %convert_element_type3A_1403 = arith.extui %lt3A_1402 : i1 to i32
      %cond3A_1404 = arith.constant 0 : i32
      %cond3A_1405 = arith.cmpi ne, %convert_element_type3A_1403, %cond3A_1404 : i32
      scf.if %cond3A_1405 {
        %dma_wait3A_1406 = arith.constant 5 : i32
        %dma_wait3A_1407 = arith.constant 0 : i32
        %dma_wait3A_1408 = arith.constant 0 : i32
        %dma_wait3A_1409 = tpu.memref_slice %arg7[%dma_wait3A_1406, %dma_wait3A_1407, %dma_wait3A_1408] : memref<6x128x16xf32, #tpu.memory_space<vmem>> -> memref<1x128x16xf32, #tpu.memory_space<vmem>>
        %dma_wait3A_1410 = tpu.memref_squeeze %dma_wait3A_1409 : memref<1x128x16xf32, #tpu.memory_space<vmem>> -> memref<128x16xf32, #tpu.memory_space<vmem>>
        %dma_wait3A_1411 = arith.constant 0 : i32
        %dma_wait3A_1412 = arith.constant 0 : i32
        %dma_wait3A_1413 = tpu.memref_slice %arg9[%dma_wait3A_1411, %dma_wait3A_1412] : memref<10240x16xf32, #tpu.memory_space<vmem_shared>> -> memref<128x16xf32, #tpu.memory_space<vmem_shared>>
        %dma_wait3A_1414 = arith.constant 0 : i32
        %dma_wait3A_1415 = arith.constant 0 : i32
        %dma_wait3A_1416 = tpu.memref_slice %arg9[%dma_wait3A_1414, %dma_wait3A_1415] : memref<10240x16xf32, #tpu.memory_space<vmem_shared>> -> memref<128x16xf32, #tpu.memory_space<vmem_shared>>
        %dma_wait3A_1417 = arith.constant 0 : i32
        %dma_wait3A_1418 = arith.constant 0 : i32
        %dma_wait3A_1419 = tpu.memref_slice %arg7[%dma_wait3A_1406, %dma_wait3A_1417, %dma_wait3A_1418] : memref<6x128x16xf32, #tpu.memory_space<vmem>> -> memref<1x128x16xf32, #tpu.memory_space<vmem>>
        %dma_wait3A_1420 = tpu.memref_squeeze %dma_wait3A_1419 : memref<1x128x16xf32, #tpu.memory_space<vmem>> -> memref<128x16xf32, #tpu.memory_space<vmem>>
        tpu.wait_dma2 semaphore(%arg21 : memref<!tpu.dma_semaphore, #tpu.memory_space<semaphore_mem>>) src(%dma_wait3A_1420 : memref<128x16xf32, #tpu.memory_space<vmem>>) dst(%dma_wait3A_1416 : memref<128x16xf32, #tpu.memory_space<vmem_shared>>)
        %add3A_1421 = arith.constant 6 : i32
        %add3A_1422 = arith.addi %add3A_1399, %add3A_1421 : i32
        %mul3A_1423 = arith.constant 128 : i32
        %mul3A_1424 = arith.muli %add3A_1422, %mul3A_1423 : i32
        %dma_start3A_1425 = arith.constant 5 : i32
        %dma_start3A_1426 = arith.constant 0 : i32
        %dma_start3A_1427 = arith.constant 0 : i32
        %dma_start3A_1428 = tpu.memref_slice %arg7[%dma_start3A_1425, %dma_start3A_1426, %dma_start3A_1427] : memref<6x128x16xf32, #tpu.memory_space<vmem>> -> memref<1x128x16xf32, #tpu.memory_space<vmem>>
        %dma_start3A_1429 = tpu.memref_squeeze %dma_start3A_1428 : memref<1x128x16xf32, #tpu.memory_space<vmem>> -> memref<128x16xf32, #tpu.memory_space<vmem>>
        %dma_start3A_1430 = tpu.memref_slice %arg5[%mul3A_1424] : memref<10112xi32, #tpu.memory_space<vmem>> -> memref<128xi32, #tpu.memory_space<vmem>>
        %dma_start3A_1431 = arith.constant 0 : i32
        %dma_start3A_1432 = arith.constant 0 : i32
        %dma_start3A_1433 = tpu.memref_slice %arg2[%dma_start3A_1431, %dma_start3A_1432] : memref<10000x16xf32, #tpu.memory_space<hbm>> -> memref<10000x16xf32, #tpu.memory_space<hbm>>
        tpu.enqueue_indirect_dma source(%dma_start3A_1433 : memref<10000x16xf32, #tpu.memory_space<hbm>>) target(%dma_start3A_1429 : memref<128x16xf32, #tpu.memory_space<vmem>>) offsets(%dma_start3A_1430 : memref<128xi32, #tpu.memory_space<vmem>>) semaphore(%arg15 : memref<!tpu.dma_semaphore, #tpu.memory_space<semaphore_mem>>)
      } else {
      }
    }
    %dma_wait3A = arith.constant 0 : i32
    %dma_wait3A_1152 = arith.constant 0 : i32
    %dma_wait3A_1153 = arith.constant 0 : i32
    %dma_wait3A_1154 = tpu.memref_slice %arg7[%dma_wait3A, %dma_wait3A_1152, %dma_wait3A_1153] : memref<6x128x16xf32, #tpu.memory_space<vmem>> -> memref<1x128x16xf32, #tpu.memory_space<vmem>>
    %dma_wait3A_1155 = tpu.memref_squeeze %dma_wait3A_1154 : memref<1x128x16xf32, #tpu.memory_space<vmem>> -> memref<128x16xf32, #tpu.memory_space<vmem>>
    %dma_wait3A_1156 = arith.constant 0 : i32
    %dma_wait3A_1157 = arith.constant 0 : i32
    %dma_wait3A_1158 = tpu.memref_slice %arg9[%dma_wait3A_1156, %dma_wait3A_1157] : memref<10240x16xf32, #tpu.memory_space<vmem_shared>> -> memref<128x16xf32, #tpu.memory_space<vmem_shared>>
    %dma_wait3A_1159 = arith.constant 0 : i32
    %dma_wait3A_1160 = arith.constant 0 : i32
    %dma_wait3A_1161 = tpu.memref_slice %arg9[%dma_wait3A_1159, %dma_wait3A_1160] : memref<10240x16xf32, #tpu.memory_space<vmem_shared>> -> memref<128x16xf32, #tpu.memory_space<vmem_shared>>
    %dma_wait3A_1162 = arith.constant 0 : i32
    %dma_wait3A_1163 = arith.constant 0 : i32
    %dma_wait3A_1164 = tpu.memref_slice %arg7[%dma_wait3A, %dma_wait3A_1162, %dma_wait3A_1163] : memref<6x128x16xf32, #tpu.memory_space<vmem>> -> memref<1x128x16xf32, #tpu.memory_space<vmem>>
    %dma_wait3A_1165 = tpu.memref_squeeze %dma_wait3A_1164 : memref<1x128x16xf32, #tpu.memory_space<vmem>> -> memref<128x16xf32, #tpu.memory_space<vmem>>
    tpu.wait_dma2 semaphore(%arg16 : memref<!tpu.dma_semaphore, #tpu.memory_space<semaphore_mem>>) src(%dma_wait3A_1165 : memref<128x16xf32, #tpu.memory_space<vmem>>) dst(%dma_wait3A_1161 : memref<128x16xf32, #tpu.memory_space<vmem_shared>>)
    %dma_wait3A_1166 = arith.constant 1 : i32
    %dma_wait3A_1167 = arith.constant 0 : i32
    %dma_wait3A_1168 = arith.constant 0 : i32
    %dma_wait3A_1169 = tpu.memref_slice %arg7[%dma_wait3A_1166, %dma_wait3A_1167, %dma_wait3A_1168] : memref<6x128x16xf32, #tpu.memory_space<vmem>> -> memref<1x128x16xf32, #tpu.memory_space<vmem>>
    %dma_wait3A_1170 = tpu.memref_squeeze %dma_wait3A_1169 : memref<1x128x16xf32, #tpu.memory_space<vmem>> -> memref<128x16xf32, #tpu.memory_space<vmem>>
    %dma_wait3A_1171 = arith.constant 0 : i32
    %dma_wait3A_1172 = arith.constant 0 : i32
    %dma_wait3A_1173 = tpu.memref_slice %arg9[%dma_wait3A_1171, %dma_wait3A_1172] : memref<10240x16xf32, #tpu.memory_space<vmem_shared>> -> memref<128x16xf32, #tpu.memory_space<vmem_shared>>
    %dma_wait3A_1174 = arith.constant 0 : i32
    %dma_wait3A_1175 = arith.constant 0 : i32
    %dma_wait3A_1176 = tpu.memref_slice %arg9[%dma_wait3A_1174, %dma_wait3A_1175] : memref<10240x16xf32, #tpu.memory_space<vmem_shared>> -> memref<128x16xf32, #tpu.memory_space<vmem_shared>>
    %dma_wait3A_1177 = arith.constant 0 : i32
    %dma_wait3A_1178 = arith.constant 0 : i32
    %dma_wait3A_1179 = tpu.memref_slice %arg7[%dma_wait3A_1166, %dma_wait3A_1177, %dma_wait3A_1178] : memref<6x128x16xf32, #tpu.memory_space<vmem>> -> memref<1x128x16xf32, #tpu.memory_space<vmem>>
    %dma_wait3A_1180 = tpu.memref_squeeze %dma_wait3A_1179 : memref<1x128x16xf32, #tpu.memory_space<vmem>> -> memref<128x16xf32, #tpu.memory_space<vmem>>
    tpu.wait_dma2 semaphore(%arg17 : memref<!tpu.dma_semaphore, #tpu.memory_space<semaphore_mem>>) src(%dma_wait3A_1180 : memref<128x16xf32, #tpu.memory_space<vmem>>) dst(%dma_wait3A_1176 : memref<128x16xf32, #tpu.memory_space<vmem_shared>>)
    %dma_wait3A_1181 = arith.constant 2 : i32
    %dma_wait3A_1182 = arith.constant 0 : i32
    %dma_wait3A_1183 = arith.constant 0 : i32
    %dma_wait3A_1184 = tpu.memref_slice %arg7[%dma_wait3A_1181, %dma_wait3A_1182, %dma_wait3A_1183] : memref<6x128x16xf32, #tpu.memory_space<vmem>> -> memref<1x128x16xf32, #tpu.memory_space<vmem>>
    %dma_wait3A_1185 = tpu.memref_squeeze %dma_wait3A_1184 : memref<1x128x16xf32, #tpu.memory_space<vmem>> -> memref<128x16xf32, #tpu.memory_space<vmem>>
    %dma_wait3A_1186 = arith.constant 0 : i32
    %dma_wait3A_1187 = arith.constant 0 : i32
    %dma_wait3A_1188 = tpu.memref_slice %arg9[%dma_wait3A_1186, %dma_wait3A_1187] : memref<10240x16xf32, #tpu.memory_space<vmem_shared>> -> memref<128x16xf32, #tpu.memory_space<vmem_shared>>
    %dma_wait3A_1189 = arith.constant 0 : i32
    %dma_wait3A_1190 = arith.constant 0 : i32
    %dma_wait3A_1191 = tpu.memref_slice %arg9[%dma_wait3A_1189, %dma_wait3A_1190] : memref<10240x16xf32, #tpu.memory_space<vmem_shared>> -> memref<128x16xf32, #tpu.memory_space<vmem_shared>>
    %dma_wait3A_1192 = arith.constant 0 : i32
    %dma_wait3A_1193 = arith.constant 0 : i32
    %dma_wait3A_1194 = tpu.memref_slice %arg7[%dma_wait3A_1181, %dma_wait3A_1192, %dma_wait3A_1193] : memref<6x128x16xf32, #tpu.memory_space<vmem>> -> memref<1x128x16xf32, #tpu.memory_space<vmem>>
    %dma_wait3A_1195 = tpu.memref_squeeze %dma_wait3A_1194 : memref<1x128x16xf32, #tpu.memory_space<vmem>> -> memref<128x16xf32, #tpu.memory_space<vmem>>
    tpu.wait_dma2 semaphore(%arg18 : memref<!tpu.dma_semaphore, #tpu.memory_space<semaphore_mem>>) src(%dma_wait3A_1195 : memref<128x16xf32, #tpu.memory_space<vmem>>) dst(%dma_wait3A_1191 : memref<128x16xf32, #tpu.memory_space<vmem_shared>>)
    %dma_wait3A_1196 = arith.constant 3 : i32
    %dma_wait3A_1197 = arith.constant 0 : i32
    %dma_wait3A_1198 = arith.constant 0 : i32
    %dma_wait3A_1199 = tpu.memref_slice %arg7[%dma_wait3A_1196, %dma_wait3A_1197, %dma_wait3A_1198] : memref<6x128x16xf32, #tpu.memory_space<vmem>> -> memref<1x128x16xf32, #tpu.memory_space<vmem>>
    %dma_wait3A_1200 = tpu.memref_squeeze %dma_wait3A_1199 : memref<1x128x16xf32, #tpu.memory_space<vmem>> -> memref<128x16xf32, #tpu.memory_space<vmem>>
    %dma_wait3A_1201 = arith.constant 0 : i32
    %dma_wait3A_1202 = arith.constant 0 : i32
    %dma_wait3A_1203 = tpu.memref_slice %arg9[%dma_wait3A_1201, %dma_wait3A_1202] : memref<10240x16xf32, #tpu.memory_space<vmem_shared>> -> memref<128x16xf32, #tpu.memory_space<vmem_shared>>
    %dma_wait3A_1204 = arith.constant 0 : i32
    %dma_wait3A_1205 = arith.constant 0 : i32
    %dma_wait3A_1206 = tpu.memref_slice %arg9[%dma_wait3A_1204, %dma_wait3A_1205] : memref<10240x16xf32, #tpu.memory_space<vmem_shared>> -> memref<128x16xf32, #tpu.memory_space<vmem_shared>>
    %dma_wait3A_1207 = arith.constant 0 : i32
    %dma_wait3A_1208 = arith.constant 0 : i32
    %dma_wait3A_1209 = tpu.memref_slice %arg7[%dma_wait3A_1196, %dma_wait3A_1207, %dma_wait3A_1208] : memref<6x128x16xf32, #tpu.memory_space<vmem>> -> memref<1x128x16xf32, #tpu.memory_space<vmem>>
    %dma_wait3A_1210 = tpu.memref_squeeze %dma_wait3A_1209 : memref<1x128x16xf32, #tpu.memory_space<vmem>> -> memref<128x16xf32, #tpu.memory_space<vmem>>
    tpu.wait_dma2 semaphore(%arg19 : memref<!tpu.dma_semaphore, #tpu.memory_space<semaphore_mem>>) src(%dma_wait3A_1210 : memref<128x16xf32, #tpu.memory_space<vmem>>) dst(%dma_wait3A_1206 : memref<128x16xf32, #tpu.memory_space<vmem_shared>>)
    %dma_wait3A_1211 = arith.constant 4 : i32
    %dma_wait3A_1212 = arith.constant 0 : i32
    %dma_wait3A_1213 = arith.constant 0 : i32
    %dma_wait3A_1214 = tpu.memref_slice %arg7[%dma_wait3A_1211, %dma_wait3A_1212, %dma_wait3A_1213] : memref<6x128x16xf32, #tpu.memory_space<vmem>> -> memref<1x128x16xf32, #tpu.memory_space<vmem>>
    %dma_wait3A_1215 = tpu.memref_squeeze %dma_wait3A_1214 : memref<1x128x16xf32, #tpu.memory_space<vmem>> -> memref<128x16xf32, #tpu.memory_space<vmem>>
    %dma_wait3A_1216 = arith.constant 0 : i32
    %dma_wait3A_1217 = arith.constant 0 : i32
    %dma_wait3A_1218 = tpu.memref_slice %arg9[%dma_wait3A_1216, %dma_wait3A_1217] : memref<10240x16xf32, #tpu.memory_space<vmem_shared>> -> memref<128x16xf32, #tpu.memory_space<vmem_shared>>
    %dma_wait3A_1219 = arith.constant 0 : i32
    %dma_wait3A_1220 = arith.constant 0 : i32
    %dma_wait3A_1221 = tpu.memref_slice %arg9[%dma_wait3A_1219, %dma_wait3A_1220] : memref<10240x16xf32, #tpu.memory_space<vmem_shared>> -> memref<128x16xf32, #tpu.memory_space<vmem_shared>>
    %dma_wait3A_1222 = arith.constant 0 : i32
    %dma_wait3A_1223 = arith.constant 0 : i32
    %dma_wait3A_1224 = tpu.memref_slice %arg7[%dma_wait3A_1211, %dma_wait3A_1222, %dma_wait3A_1223] : memref<6x128x16xf32, #tpu.memory_space<vmem>> -> memref<1x128x16xf32, #tpu.memory_space<vmem>>
    %dma_wait3A_1225 = tpu.memref_squeeze %dma_wait3A_1224 : memref<1x128x16xf32, #tpu.memory_space<vmem>> -> memref<128x16xf32, #tpu.memory_space<vmem>>
    tpu.wait_dma2 semaphore(%arg20 : memref<!tpu.dma_semaphore, #tpu.memory_space<semaphore_mem>>) src(%dma_wait3A_1225 : memref<128x16xf32, #tpu.memory_space<vmem>>) dst(%dma_wait3A_1221 : memref<128x16xf32, #tpu.memory_space<vmem_shared>>)
    %dma_wait3A_1226 = arith.constant 5 : i32
    %dma_wait3A_1227 = arith.constant 0 : i32
    %dma_wait3A_1228 = arith.constant 0 : i32
    %dma_wait3A_1229 = tpu.memref_slice %arg7[%dma_wait3A_1226, %dma_wait3A_1227, %dma_wait3A_1228] : memref<6x128x16xf32, #tpu.memory_space<vmem>> -> memref<1x128x16xf32, #tpu.memory_space<vmem>>
    %dma_wait3A_1230 = tpu.memref_squeeze %dma_wait3A_1229 : memref<1x128x16xf32, #tpu.memory_space<vmem>> -> memref<128x16xf32, #tpu.memory_space<vmem>>
    %dma_wait3A_1231 = arith.constant 0 : i32
    %dma_wait3A_1232 = arith.constant 0 : i32
    %dma_wait3A_1233 = tpu.memref_slice %arg9[%dma_wait3A_1231, %dma_wait3A_1232] : memref<10240x16xf32, #tpu.memory_space<vmem_shared>> -> memref<128x16xf32, #tpu.memory_space<vmem_shared>>
    %dma_wait3A_1234 = arith.constant 0 : i32
    %dma_wait3A_1235 = arith.constant 0 : i32
    %dma_wait3A_1236 = tpu.memref_slice %arg9[%dma_wait3A_1234, %dma_wait3A_1235] : memref<10240x16xf32, #tpu.memory_space<vmem_shared>> -> memref<128x16xf32, #tpu.memory_space<vmem_shared>>
    %dma_wait3A_1237 = arith.constant 0 : i32
    %dma_wait3A_1238 = arith.constant 0 : i32
    %dma_wait3A_1239 = tpu.memref_slice %arg7[%dma_wait3A_1226, %dma_wait3A_1237, %dma_wait3A_1238] : memref<6x128x16xf32, #tpu.memory_space<vmem>> -> memref<1x128x16xf32, #tpu.memory_space<vmem>>
    %dma_wait3A_1240 = tpu.memref_squeeze %dma_wait3A_1239 : memref<1x128x16xf32, #tpu.memory_space<vmem>> -> memref<128x16xf32, #tpu.memory_space<vmem>>
    tpu.wait_dma2 semaphore(%arg21 : memref<!tpu.dma_semaphore, #tpu.memory_space<semaphore_mem>>) src(%dma_wait3A_1240 : memref<128x16xf32, #tpu.memory_space<vmem>>) dst(%dma_wait3A_1236 : memref<128x16xf32, #tpu.memory_space<vmem_shared>>)
    %barrier3A_1241 = arith.constant 0 : index
    tpu.barrier barrier_id(%barrier3A_1241)
    %mul3A_1242 = arith.constant 640 : i32
    %mul3A_1243 = arith.muli %arg1, %mul3A_1242 : i32
    %add3A_1244 = arith.constant 0 : i32
    %add3A_1245 = arith.addi %mul3A_1243, %add3A_1244 : i32
    "tpu.region"() ({
      %run_scoped3A_1297 = tpu.sem_alloc : memref<!tpu.dma_semaphore, #tpu.memory_space<semaphore_mem>>
      %dma_start3A_1298 = arith.constant 0 : i32
      %dma_start3A_1299 = tpu.memref_slice %arg9[%add3A_1245, %dma_start3A_1298] : memref<10240x16xf32, #tpu.memory_space<vmem_shared>> -> memref<128x16xf32, #tpu.memory_space<vmem_shared>>
      %dma_start3A_1300 = arith.constant 0 : i32
      %dma_start3A_1301 = tpu.memref_slice %arg9[%add3A_1245, %dma_start3A_1300] : memref<10240x16xf32, #tpu.memory_space<vmem_shared>> -> memref<128x16xf32, #tpu.memory_space<vmem_shared>>
      tpu.enqueue_dma source(%dma_start3A_1301 : memref<128x16xf32, #tpu.memory_space<vmem_shared>>) target(%arg8 : memref<128x16xf32, #tpu.memory_space<vmem>>) target_semaphore(%run_scoped3A_1297 : memref<!tpu.dma_semaphore, #tpu.memory_space<semaphore_mem>>)
      %dma_wait3A_1302 = arith.constant 0 : i32
      %dma_wait3A_1303 = tpu.memref_slice %arg9[%add3A_1245, %dma_wait3A_1302] : memref<10240x16xf32, #tpu.memory_space<vmem_shared>> -> memref<128x16xf32, #tpu.memory_space<vmem_shared>>
      %dma_wait3A_1304 = arith.constant 0 : i32
      %dma_wait3A_1305 = tpu.memref_slice %arg9[%add3A_1245, %dma_wait3A_1304] : memref<10240x16xf32, #tpu.memory_space<vmem_shared>> -> memref<128x16xf32, #tpu.memory_space<vmem_shared>>
      tpu.wait_dma2 semaphore(%run_scoped3A_1297 : memref<!tpu.dma_semaphore, #tpu.memory_space<semaphore_mem>>) src(%dma_wait3A_1305 : memref<128x16xf32, #tpu.memory_space<vmem_shared>>) dst(%arg8 : memref<128x16xf32, #tpu.memory_space<vmem>>)
      tpu.yield
    }) : () -> ()
    %mul3A_1246 = arith.constant 10240 : i32
    %mul3A_1247 = arith.muli %arg0, %mul3A_1246 : i32
    %mul3A_1248 = arith.constant 640 : i32
    %mul3A_1249 = arith.muli %arg1, %mul3A_1248 : i32
    %add3A_1250 = arith.addi %mul3A_1247, %mul3A_1249 : i32
    %add3A_1251 = arith.constant 0 : i32
    %add3A_1252 = arith.addi %add3A_1250, %add3A_1251 : i32
    "tpu.region"() ({
      %run_scoped3A_1297 = tpu.sem_alloc : memref<!tpu.dma_semaphore, #tpu.memory_space<semaphore_mem>>
      %dma_start3A_1298 = arith.constant 0 : i32
      %dma_start3A_1299 = tpu.memref_slice %arg4[%add3A_1252, %dma_start3A_1298] : memref<20480x16xf32, #tpu.memory_space<hbm>> -> memref<128x16xf32, #tpu.memory_space<hbm>>
      %dma_start3A_1300 = arith.constant 0 : i32
      %dma_start3A_1301 = tpu.memref_slice %arg4[%add3A_1252, %dma_start3A_1300] : memref<20480x16xf32, #tpu.memory_space<hbm>> -> memref<128x16xf32, #tpu.memory_space<hbm>>
      tpu.enqueue_dma source(%arg8 : memref<128x16xf32, #tpu.memory_space<vmem>>) target(%dma_start3A_1301 : memref<128x16xf32, #tpu.memory_space<hbm>>) target_semaphore(%run_scoped3A_1297 : memref<!tpu.dma_semaphore, #tpu.memory_space<semaphore_mem>>)
      %dma_wait3A_1302 = arith.constant 0 : i32
      %dma_wait3A_1303 = tpu.memref_slice %arg4[%add3A_1252, %dma_wait3A_1302] : memref<20480x16xf32, #tpu.memory_space<hbm>> -> memref<128x16xf32, #tpu.memory_space<hbm>>
      %dma_wait3A_1304 = arith.constant 0 : i32
      %dma_wait3A_1305 = tpu.memref_slice %arg4[%add3A_1252, %dma_wait3A_1304] : memref<20480x16xf32, #tpu.memory_space<hbm>> -> memref<128x16xf32, #tpu.memory_space<hbm>>
      tpu.wait_dma2 semaphore(%run_scoped3A_1297 : memref<!tpu.dma_semaphore, #tpu.memory_space<semaphore_mem>>) src(%arg8 : memref<128x16xf32, #tpu.memory_space<vmem>>) dst(%dma_wait3A_1305 : memref<128x16xf32, #tpu.memory_space<hbm>>)
      tpu.yield
    }) : () -> ()
    %mul3A_1253 = arith.constant 640 : i32
    %mul3A_1254 = arith.muli %arg1, %mul3A_1253 : i32
    %add3A_1255 = arith.constant 128 : i32
    %add3A_1256 = arith.addi %mul3A_1254, %add3A_1255 : i32
    "tpu.region"() ({
      %run_scoped3A_1297 = tpu.sem_alloc : memref<!tpu.dma_semaphore, #tpu.memory_space<semaphore_mem>>
      %dma_start3A_1298 = arith.constant 0 : i32
      %dma_start3A_1299 = tpu.memref_slice %arg9[%add3A_1256, %dma_start3A_1298] : memref<10240x16xf32, #tpu.memory_space<vmem_shared>> -> memref<128x16xf32, #tpu.memory_space<vmem_shared>>
      %dma_start3A_1300 = arith.constant 0 : i32
      %dma_start3A_1301 = tpu.memref_slice %arg9[%add3A_1256, %dma_start3A_1300] : memref<10240x16xf32, #tpu.memory_space<vmem_shared>> -> memref<128x16xf32, #tpu.memory_space<vmem_shared>>
      tpu.enqueue_dma source(%dma_start3A_1301 : memref<128x16xf32, #tpu.memory_space<vmem_shared>>) target(%arg8 : memref<128x16xf32, #tpu.memory_space<vmem>>) target_semaphore(%run_scoped3A_1297 : memref<!tpu.dma_semaphore, #tpu.memory_space<semaphore_mem>>)
      %dma_wait3A_1302 = arith.constant 0 : i32
      %dma_wait3A_1303 = tpu.memref_slice %arg9[%add3A_1256, %dma_wait3A_1302] : memref<10240x16xf32, #tpu.memory_space<vmem_shared>> -> memref<128x16xf32, #tpu.memory_space<vmem_shared>>
      %dma_wait3A_1304 = arith.constant 0 : i32
      %dma_wait3A_1305 = tpu.memref_slice %arg9[%add3A_1256, %dma_wait3A_1304] : memref<10240x16xf32, #tpu.memory_space<vmem_shared>> -> memref<128x16xf32, #tpu.memory_space<vmem_shared>>
      tpu.wait_dma2 semaphore(%run_scoped3A_1297 : memref<!tpu.dma_semaphore, #tpu.memory_space<semaphore_mem>>) src(%dma_wait3A_1305 : memref<128x16xf32, #tpu.memory_space<vmem_shared>>) dst(%arg8 : memref<128x16xf32, #tpu.memory_space<vmem>>)
      tpu.yield
    }) : () -> ()
    %mul3A_1257 = arith.constant 10240 : i32
    %mul3A_1258 = arith.muli %arg0, %mul3A_1257 : i32
    %mul3A_1259 = arith.constant 640 : i32
    %mul3A_1260 = arith.muli %arg1, %mul3A_1259 : i32
    %add3A_1261 = arith.addi %mul3A_1258, %mul3A_1260 : i32
    %add3A_1262 = arith.constant 128 : i32
    %add3A_1263 = arith.addi %add3A_1261, %add3A_1262 : i32
    "tpu.region"() ({
      %run_scoped3A_1297 = tpu.sem_alloc : memref<!tpu.dma_semaphore, #tpu.memory_space<semaphore_mem>>
      %dma_start3A_1298 = arith.constant 0 : i32
      %dma_start3A_1299 = tpu.memref_slice %arg4[%add3A_1263, %dma_start3A_1298] : memref<20480x16xf32, #tpu.memory_space<hbm>> -> memref<128x16xf32, #tpu.memory_space<hbm>>
      %dma_start3A_1300 = arith.constant 0 : i32
      %dma_start3A_1301 = tpu.memref_slice %arg4[%add3A_1263, %dma_start3A_1300] : memref<20480x16xf32, #tpu.memory_space<hbm>> -> memref<128x16xf32, #tpu.memory_space<hbm>>
      tpu.enqueue_dma source(%arg8 : memref<128x16xf32, #tpu.memory_space<vmem>>) target(%dma_start3A_1301 : memref<128x16xf32, #tpu.memory_space<hbm>>) target_semaphore(%run_scoped3A_1297 : memref<!tpu.dma_semaphore, #tpu.memory_space<semaphore_mem>>)
      %dma_wait3A_1302 = arith.constant 0 : i32
      %dma_wait3A_1303 = tpu.memref_slice %arg4[%add3A_1263, %dma_wait3A_1302] : memref<20480x16xf32, #tpu.memory_space<hbm>> -> memref<128x16xf32, #tpu.memory_space<hbm>>
      %dma_wait3A_1304 = arith.constant 0 : i32
      %dma_wait3A_1305 = tpu.memref_slice %arg4[%add3A_1263, %dma_wait3A_1304] : memref<20480x16xf32, #tpu.memory_space<hbm>> -> memref<128x16xf32, #tpu.memory_space<hbm>>
      tpu.wait_dma2 semaphore(%run_scoped3A_1297 : memref<!tpu.dma_semaphore, #tpu.memory_space<semaphore_mem>>) src(%arg8 : memref<128x16xf32, #tpu.memory_space<vmem>>) dst(%dma_wait3A_1305 : memref<128x16xf32, #tpu.memory_space<hbm>>)
      tpu.yield
    }) : () -> ()
    %mul3A_1264 = arith.constant 640 : i32
    %mul3A_1265 = arith.muli %arg1, %mul3A_1264 : i32
    %add3A_1266 = arith.constant 256 : i32
    %add3A_1267 = arith.addi %mul3A_1265, %add3A_1266 : i32
    "tpu.region"() ({
      %run_scoped3A_1297 = tpu.sem_alloc : memref<!tpu.dma_semaphore, #tpu.memory_space<semaphore_mem>>
      %dma_start3A_1298 = arith.constant 0 : i32
      %dma_start3A_1299 = tpu.memref_slice %arg9[%add3A_1267, %dma_start3A_1298] : memref<10240x16xf32, #tpu.memory_space<vmem_shared>> -> memref<128x16xf32, #tpu.memory_space<vmem_shared>>
      %dma_start3A_1300 = arith.constant 0 : i32
      %dma_start3A_1301 = tpu.memref_slice %arg9[%add3A_1267, %dma_start3A_1300] : memref<10240x16xf32, #tpu.memory_space<vmem_shared>> -> memref<128x16xf32, #tpu.memory_space<vmem_shared>>
      tpu.enqueue_dma source(%dma_start3A_1301 : memref<128x16xf32, #tpu.memory_space<vmem_shared>>) target(%arg8 : memref<128x16xf32, #tpu.memory_space<vmem>>) target_semaphore(%run_scoped3A_1297 : memref<!tpu.dma_semaphore, #tpu.memory_space<semaphore_mem>>)
      %dma_wait3A_1302 = arith.constant 0 : i32
      %dma_wait3A_1303 = tpu.memref_slice %arg9[%add3A_1267, %dma_wait3A_1302] : memref<10240x16xf32, #tpu.memory_space<vmem_shared>> -> memref<128x16xf32, #tpu.memory_space<vmem_shared>>
      %dma_wait3A_1304 = arith.constant 0 : i32
      %dma_wait3A_1305 = tpu.memref_slice %arg9[%add3A_1267, %dma_wait3A_1304] : memref<10240x16xf32, #tpu.memory_space<vmem_shared>> -> memref<128x16xf32, #tpu.memory_space<vmem_shared>>
      tpu.wait_dma2 semaphore(%run_scoped3A_1297 : memref<!tpu.dma_semaphore, #tpu.memory_space<semaphore_mem>>) src(%dma_wait3A_1305 : memref<128x16xf32, #tpu.memory_space<vmem_shared>>) dst(%arg8 : memref<128x16xf32, #tpu.memory_space<vmem>>)
      tpu.yield
    }) : () -> ()
    %mul3A_1268 = arith.constant 10240 : i32
    %mul3A_1269 = arith.muli %arg0, %mul3A_1268 : i32
    %mul3A_1270 = arith.constant 640 : i32
    %mul3A_1271 = arith.muli %arg1, %mul3A_1270 : i32
    %add3A_1272 = arith.addi %mul3A_1269, %mul3A_1271 : i32
    %add3A_1273 = arith.constant 256 : i32
    %add3A_1274 = arith.addi %add3A_1272, %add3A_1273 : i32
    "tpu.region"() ({
      %run_scoped3A_1297 = tpu.sem_alloc : memref<!tpu.dma_semaphore, #tpu.memory_space<semaphore_mem>>
      %dma_start3A_1298 = arith.constant 0 : i32
      %dma_start3A_1299 = tpu.memref_slice %arg4[%add3A_1274, %dma_start3A_1298] : memref<20480x16xf32, #tpu.memory_space<hbm>> -> memref<128x16xf32, #tpu.memory_space<hbm>>
      %dma_start3A_1300 = arith.constant 0 : i32
      %dma_start3A_1301 = tpu.memref_slice %arg4[%add3A_1274, %dma_start3A_1300] : memref<20480x16xf32, #tpu.memory_space<hbm>> -> memref<128x16xf32, #tpu.memory_space<hbm>>
      tpu.enqueue_dma source(%arg8 : memref<128x16xf32, #tpu.memory_space<vmem>>) target(%dma_start3A_1301 : memref<128x16xf32, #tpu.memory_space<hbm>>) target_semaphore(%run_scoped3A_1297 : memref<!tpu.dma_semaphore, #tpu.memory_space<semaphore_mem>>)
      %dma_wait3A_1302 = arith.constant 0 : i32
      %dma_wait3A_1303 = tpu.memref_slice %arg4[%add3A_1274, %dma_wait3A_1302] : memref<20480x16xf32, #tpu.memory_space<hbm>> -> memref<128x16xf32, #tpu.memory_space<hbm>>
      %dma_wait3A_1304 = arith.constant 0 : i32
      %dma_wait3A_1305 = tpu.memref_slice %arg4[%add3A_1274, %dma_wait3A_1304] : memref<20480x16xf32, #tpu.memory_space<hbm>> -> memref<128x16xf32, #tpu.memory_space<hbm>>
      tpu.wait_dma2 semaphore(%run_scoped3A_1297 : memref<!tpu.dma_semaphore, #tpu.memory_space<semaphore_mem>>) src(%arg8 : memref<128x16xf32, #tpu.memory_space<vmem>>) dst(%dma_wait3A_1305 : memref<128x16xf32, #tpu.memory_space<hbm>>)
      tpu.yield
    }) : () -> ()
    %mul3A_1275 = arith.constant 640 : i32
    %mul3A_1276 = arith.muli %arg1, %mul3A_1275 : i32
    %add3A_1277 = arith.constant 384 : i32
    %add3A_1278 = arith.addi %mul3A_1276, %add3A_1277 : i32
    "tpu.region"() ({
      %run_scoped3A_1297 = tpu.sem_alloc : memref<!tpu.dma_semaphore, #tpu.memory_space<semaphore_mem>>
      %dma_start3A_1298 = arith.constant 0 : i32
      %dma_start3A_1299 = tpu.memref_slice %arg9[%add3A_1278, %dma_start3A_1298] : memref<10240x16xf32, #tpu.memory_space<vmem_shared>> -> memref<128x16xf32, #tpu.memory_space<vmem_shared>>
      %dma_start3A_1300 = arith.constant 0 : i32
      %dma_start3A_1301 = tpu.memref_slice %arg9[%add3A_1278, %dma_start3A_1300] : memref<10240x16xf32, #tpu.memory_space<vmem_shared>> -> memref<128x16xf32, #tpu.memory_space<vmem_shared>>
      tpu.enqueue_dma source(%dma_start3A_1301 : memref<128x16xf32, #tpu.memory_space<vmem_shared>>) target(%arg8 : memref<128x16xf32, #tpu.memory_space<vmem>>) target_semaphore(%run_scoped3A_1297 : memref<!tpu.dma_semaphore, #tpu.memory_space<semaphore_mem>>)
      %dma_wait3A_1302 = arith.constant 0 : i32
      %dma_wait3A_1303 = tpu.memref_slice %arg9[%add3A_1278, %dma_wait3A_1302] : memref<10240x16xf32, #tpu.memory_space<vmem_shared>> -> memref<128x16xf32, #tpu.memory_space<vmem_shared>>
      %dma_wait3A_1304 = arith.constant 0 : i32
      %dma_wait3A_1305 = tpu.memref_slice %arg9[%add3A_1278, %dma_wait3A_1304] : memref<10240x16xf32, #tpu.memory_space<vmem_shared>> -> memref<128x16xf32, #tpu.memory_space<vmem_shared>>
      tpu.wait_dma2 semaphore(%run_scoped3A_1297 : memref<!tpu.dma_semaphore, #tpu.memory_space<semaphore_mem>>) src(%dma_wait3A_1305 : memref<128x16xf32, #tpu.memory_space<vmem_shared>>) dst(%arg8 : memref<128x16xf32, #tpu.memory_space<vmem>>)
      tpu.yield
    }) : () -> ()
    %mul3A_1279 = arith.constant 10240 : i32
    %mul3A_1280 = arith.muli %arg0, %mul3A_1279 : i32
    %mul3A_1281 = arith.constant 640 : i32
    %mul3A_1282 = arith.muli %arg1, %mul3A_1281 : i32
    %add3A_1283 = arith.addi %mul3A_1280, %mul3A_1282 : i32
    %add3A_1284 = arith.constant 384 : i32
    %add3A_1285 = arith.addi %add3A_1283, %add3A_1284 : i32
    "tpu.region"() ({
      %run_scoped3A_1297 = tpu.sem_alloc : memref<!tpu.dma_semaphore, #tpu.memory_space<semaphore_mem>>
      %dma_start3A_1298 = arith.constant 0 : i32
      %dma_start3A_1299 = tpu.memref_slice %arg4[%add3A_1285, %dma_start3A_1298] : memref<20480x16xf32, #tpu.memory_space<hbm>> -> memref<128x16xf32, #tpu.memory_space<hbm>>
      %dma_start3A_1300 = arith.constant 0 : i32
      %dma_start3A_1301 = tpu.memref_slice %arg4[%add3A_1285, %dma_start3A_1300] : memref<20480x16xf32, #tpu.memory_space<hbm>> -> memref<128x16xf32, #tpu.memory_space<hbm>>
      tpu.enqueue_dma source(%arg8 : memref<128x16xf32, #tpu.memory_space<vmem>>) target(%dma_start3A_1301 : memref<128x16xf32, #tpu.memory_space<hbm>>) target_semaphore(%run_scoped3A_1297 : memref<!tpu.dma_semaphore, #tpu.memory_space<semaphore_mem>>)
      %dma_wait3A_1302 = arith.constant 0 : i32
      %dma_wait3A_1303 = tpu.memref_slice %arg4[%add3A_1285, %dma_wait3A_1302] : memref<20480x16xf32, #tpu.memory_space<hbm>> -> memref<128x16xf32, #tpu.memory_space<hbm>>
      %dma_wait3A_1304 = arith.constant 0 : i32
      %dma_wait3A_1305 = tpu.memref_slice %arg4[%add3A_1285, %dma_wait3A_1304] : memref<20480x16xf32, #tpu.memory_space<hbm>> -> memref<128x16xf32, #tpu.memory_space<hbm>>
      tpu.wait_dma2 semaphore(%run_scoped3A_1297 : memref<!tpu.dma_semaphore, #tpu.memory_space<semaphore_mem>>) src(%arg8 : memref<128x16xf32, #tpu.memory_space<vmem>>) dst(%dma_wait3A_1305 : memref<128x16xf32, #tpu.memory_space<hbm>>)
      tpu.yield
    }) : () -> ()
    %mul3A_1286 = arith.constant 640 : i32
    %mul3A_1287 = arith.muli %arg1, %mul3A_1286 : i32
    %add3A_1288 = arith.constant 512 : i32
    %add3A_1289 = arith.addi %mul3A_1287, %add3A_1288 : i32
    "tpu.region"() ({
      %run_scoped3A_1297 = tpu.sem_alloc : memref<!tpu.dma_semaphore, #tpu.memory_space<semaphore_mem>>
      %dma_start3A_1298 = arith.constant 0 : i32
      %dma_start3A_1299 = tpu.memref_slice %arg9[%add3A_1289, %dma_start3A_1298] : memref<10240x16xf32, #tpu.memory_space<vmem_shared>> -> memref<128x16xf32, #tpu.memory_space<vmem_shared>>
      %dma_start3A_1300 = arith.constant 0 : i32
      %dma_start3A_1301 = tpu.memref_slice %arg9[%add3A_1289, %dma_start3A_1300] : memref<10240x16xf32, #tpu.memory_space<vmem_shared>> -> memref<128x16xf32, #tpu.memory_space<vmem_shared>>
      tpu.enqueue_dma source(%dma_start3A_1301 : memref<128x16xf32, #tpu.memory_space<vmem_shared>>) target(%arg8 : memref<128x16xf32, #tpu.memory_space<vmem>>) target_semaphore(%run_scoped3A_1297 : memref<!tpu.dma_semaphore, #tpu.memory_space<semaphore_mem>>)
      %dma_wait3A_1302 = arith.constant 0 : i32
      %dma_wait3A_1303 = tpu.memref_slice %arg9[%add3A_1289, %dma_wait3A_1302] : memref<10240x16xf32, #tpu.memory_space<vmem_shared>> -> memref<128x16xf32, #tpu.memory_space<vmem_shared>>
      %dma_wait3A_1304 = arith.constant 0 : i32
      %dma_wait3A_1305 = tpu.memref_slice %arg9[%add3A_1289, %dma_wait3A_1304] : memref<10240x16xf32, #tpu.memory_space<vmem_shared>> -> memref<128x16xf32, #tpu.memory_space<vmem_shared>>
      tpu.wait_dma2 semaphore(%run_scoped3A_1297 : memref<!tpu.dma_semaphore, #tpu.memory_space<semaphore_mem>>) src(%dma_wait3A_1305 : memref<128x16xf32, #tpu.memory_space<vmem_shared>>) dst(%arg8 : memref<128x16xf32, #tpu.memory_space<vmem>>)
      tpu.yield
    }) : () -> ()
    %mul3A_1290 = arith.constant 10240 : i32
    %mul3A_1291 = arith.muli %arg0, %mul3A_1290 : i32
    %mul3A_1292 = arith.constant 640 : i32
    %mul3A_1293 = arith.muli %arg1, %mul3A_1292 : i32
    %add3A_1294 = arith.addi %mul3A_1291, %mul3A_1293 : i32
    %add3A_1295 = arith.constant 512 : i32
    %add3A_1296 = arith.addi %add3A_1294, %add3A_1295 : i32
    "tpu.region"() ({
      %run_scoped3A_1297 = tpu.sem_alloc : memref<!tpu.dma_semaphore, #tpu.memory_space<semaphore_mem>>
      %dma_start3A_1298 = arith.constant 0 : i32
      %dma_start3A_1299 = tpu.memref_slice %arg4[%add3A_1296, %dma_start3A_1298] : memref<20480x16xf32, #tpu.memory_space<hbm>> -> memref<128x16xf32, #tpu.memory_space<hbm>>
      %dma_start3A_1300 = arith.constant 0 : i32
      %dma_start3A_1301 = tpu.memref_slice %arg4[%add3A_1296, %dma_start3A_1300] : memref<20480x16xf32, #tpu.memory_space<hbm>> -> memref<128x16xf32, #tpu.memory_space<hbm>>
      tpu.enqueue_dma source(%arg8 : memref<128x16xf32, #tpu.memory_space<vmem>>) target(%dma_start3A_1301 : memref<128x16xf32, #tpu.memory_space<hbm>>) target_semaphore(%run_scoped3A_1297 : memref<!tpu.dma_semaphore, #tpu.memory_space<semaphore_mem>>)
      %dma_wait3A_1302 = arith.constant 0 : i32
      %dma_wait3A_1303 = tpu.memref_slice %arg4[%add3A_1296, %dma_wait3A_1302] : memref<20480x16xf32, #tpu.memory_space<hbm>> -> memref<128x16xf32, #tpu.memory_space<hbm>>
      %dma_wait3A_1304 = arith.constant 0 : i32
      %dma_wait3A_1305 = tpu.memref_slice %arg4[%add3A_1296, %dma_wait3A_1304] : memref<20480x16xf32, #tpu.memory_space<hbm>> -> memref<128x16xf32, #tpu.memory_space<hbm>>
      tpu.wait_dma2 semaphore(%run_scoped3A_1297 : memref<!tpu.dma_semaphore, #tpu.memory_space<semaphore_mem>>) src(%arg8 : memref<128x16xf32, #tpu.memory_space<vmem>>) dst(%dma_wait3A_1305 : memref<128x16xf32, #tpu.memory_space<hbm>>)
      tpu.yield
    }) : () -> ()
    return
  }
}

module attributes {stable_mosaic.version = 14 : i64} {
  func.func @_tc_matmul_body(%arg0: memref<1250x1024xf32, #tpu.memory_space<vmem>>, %arg1: memref<128x16xf32, #tpu.memory_space<vmem>>, %arg2: memref<1250x128xf32, #tpu.memory_space<vmem>>) attributes {dimension_semantics = [], scalar_prefetch = 0 : i64, scratch_operands = 0 : i64, tpu.core_type = #tpu.core_type<tc>} {
    %get3A = arith.constant 0 : index
    %get3A_0 = arith.constant 0 : index
    %get3A_1 = vector.load %arg0[%get3A, %get3A_0] : memref<1250x1024xf32, #tpu.memory_space<vmem>>, vector<1250x128xf32>
    %get3A_2 = arith.constant 0 : index
    %get3A_3 = arith.constant 0 : index
    %get3A_4 = vector.load %arg1[%get3A_2, %get3A_3] : memref<128x16xf32, #tpu.memory_space<vmem>>, vector<128x16xf32>
    %dot_general3A = arith.constant dense<0.000000e+00> : vector<1250x16xf32>
    %dot_general3A_5 = tpu.matmul %get3A_1, %get3A_4, %dot_general3A {dimension_numbers = #tpu.dot_dimension_numbers<[1], [0], [0], [1], [0, 0, 1, 1], [], []>, transpose_lhs_hint = false} : vector<1250x128xf32>, vector<128x16xf32>, vector<1250x16xf32> -> vector<1250x16xf32>
    %get3A_6 = arith.constant 0 : index
    %get3A_7 = arith.constant 128 : index
    %get3A_8 = vector.load %arg0[%get3A_6, %get3A_7] : memref<1250x1024xf32, #tpu.memory_space<vmem>>, vector<1250x128xf32>
    %get3A_9 = arith.constant 0 : index
    %get3A_10 = arith.constant 0 : index
    %get3A_11 = vector.load %arg1[%get3A_9, %get3A_10] : memref<128x16xf32, #tpu.memory_space<vmem>>, vector<128x16xf32>
    %dot_general3A_12 = arith.constant dense<0.000000e+00> : vector<1250x16xf32>
    %dot_general3A_13 = tpu.matmul %get3A_8, %get3A_11, %dot_general3A_12 {dimension_numbers = #tpu.dot_dimension_numbers<[1], [0], [0], [1], [0, 0, 1, 1], [], []>, transpose_lhs_hint = false} : vector<1250x128xf32>, vector<128x16xf32>, vector<1250x16xf32> -> vector<1250x16xf32>
    %get3A_14 = arith.constant 0 : index
    %get3A_15 = arith.constant 256 : index
    %get3A_16 = vector.load %arg0[%get3A_14, %get3A_15] : memref<1250x1024xf32, #tpu.memory_space<vmem>>, vector<1250x128xf32>
    %get3A_17 = arith.constant 0 : index
    %get3A_18 = arith.constant 0 : index
    %get3A_19 = vector.load %arg1[%get3A_17, %get3A_18] : memref<128x16xf32, #tpu.memory_space<vmem>>, vector<128x16xf32>
    %dot_general3A_20 = arith.constant dense<0.000000e+00> : vector<1250x16xf32>
    %dot_general3A_21 = tpu.matmul %get3A_16, %get3A_19, %dot_general3A_20 {dimension_numbers = #tpu.dot_dimension_numbers<[1], [0], [0], [1], [0, 0, 1, 1], [], []>, transpose_lhs_hint = false} : vector<1250x128xf32>, vector<128x16xf32>, vector<1250x16xf32> -> vector<1250x16xf32>
    %get3A_22 = arith.constant 0 : index
    %get3A_23 = arith.constant 384 : index
    %get3A_24 = vector.load %arg0[%get3A_22, %get3A_23] : memref<1250x1024xf32, #tpu.memory_space<vmem>>, vector<1250x128xf32>
    %get3A_25 = arith.constant 0 : index
    %get3A_26 = arith.constant 0 : index
    %get3A_27 = vector.load %arg1[%get3A_25, %get3A_26] : memref<128x16xf32, #tpu.memory_space<vmem>>, vector<128x16xf32>
    %dot_general3A_28 = arith.constant dense<0.000000e+00> : vector<1250x16xf32>
    %dot_general3A_29 = tpu.matmul %get3A_24, %get3A_27, %dot_general3A_28 {dimension_numbers = #tpu.dot_dimension_numbers<[1], [0], [0], [1], [0, 0, 1, 1], [], []>, transpose_lhs_hint = false} : vector<1250x128xf32>, vector<128x16xf32>, vector<1250x16xf32> -> vector<1250x16xf32>
    %get3A_30 = arith.constant 0 : index
    %get3A_31 = arith.constant 512 : index
    %get3A_32 = vector.load %arg0[%get3A_30, %get3A_31] : memref<1250x1024xf32, #tpu.memory_space<vmem>>, vector<1250x128xf32>
    %get3A_33 = arith.constant 0 : index
    %get3A_34 = arith.constant 0 : index
    %get3A_35 = vector.load %arg1[%get3A_33, %get3A_34] : memref<128x16xf32, #tpu.memory_space<vmem>>, vector<128x16xf32>
    %dot_general3A_36 = arith.constant dense<0.000000e+00> : vector<1250x16xf32>
    %dot_general3A_37 = tpu.matmul %get3A_32, %get3A_35, %dot_general3A_36 {dimension_numbers = #tpu.dot_dimension_numbers<[1], [0], [0], [1], [0, 0, 1, 1], [], []>, transpose_lhs_hint = false} : vector<1250x128xf32>, vector<128x16xf32>, vector<1250x16xf32> -> vector<1250x16xf32>
    %get3A_38 = arith.constant 0 : index
    %get3A_39 = arith.constant 640 : index
    %get3A_40 = vector.load %arg0[%get3A_38, %get3A_39] : memref<1250x1024xf32, #tpu.memory_space<vmem>>, vector<1250x128xf32>
    %get3A_41 = arith.constant 0 : index
    %get3A_42 = arith.constant 0 : index
    %get3A_43 = vector.load %arg1[%get3A_41, %get3A_42] : memref<128x16xf32, #tpu.memory_space<vmem>>, vector<128x16xf32>
    %dot_general3A_44 = arith.constant dense<0.000000e+00> : vector<1250x16xf32>
    %dot_general3A_45 = tpu.matmul %get3A_40, %get3A_43, %dot_general3A_44 {dimension_numbers = #tpu.dot_dimension_numbers<[1], [0], [0], [1], [0, 0, 1, 1], [], []>, transpose_lhs_hint = false} : vector<1250x128xf32>, vector<128x16xf32>, vector<1250x16xf32> -> vector<1250x16xf32>
    %get3A_46 = arith.constant 0 : index
    %get3A_47 = arith.constant 768 : index
    %get3A_48 = vector.load %arg0[%get3A_46, %get3A_47] : memref<1250x1024xf32, #tpu.memory_space<vmem>>, vector<1250x128xf32>
    %get3A_49 = arith.constant 0 : index
    %get3A_50 = arith.constant 0 : index
    %get3A_51 = vector.load %arg1[%get3A_49, %get3A_50] : memref<128x16xf32, #tpu.memory_space<vmem>>, vector<128x16xf32>
    %dot_general3A_52 = arith.constant dense<0.000000e+00> : vector<1250x16xf32>
    %dot_general3A_53 = tpu.matmul %get3A_48, %get3A_51, %dot_general3A_52 {dimension_numbers = #tpu.dot_dimension_numbers<[1], [0], [0], [1], [0, 0, 1, 1], [], []>, transpose_lhs_hint = false} : vector<1250x128xf32>, vector<128x16xf32>, vector<1250x16xf32> -> vector<1250x16xf32>
    %get3A_54 = arith.constant 0 : index
    %get3A_55 = arith.constant 896 : index
    %get3A_56 = vector.load %arg0[%get3A_54, %get3A_55] : memref<1250x1024xf32, #tpu.memory_space<vmem>>, vector<1250x128xf32>
    %get3A_57 = arith.constant 0 : index
    %get3A_58 = arith.constant 0 : index
    %get3A_59 = vector.load %arg1[%get3A_57, %get3A_58] : memref<128x16xf32, #tpu.memory_space<vmem>>, vector<128x16xf32>
    %dot_general3A_60 = arith.constant dense<0.000000e+00> : vector<1250x16xf32>
    %dot_general3A_61 = tpu.matmul %get3A_56, %get3A_59, %dot_general3A_60 {dimension_numbers = #tpu.dot_dimension_numbers<[1], [0], [0], [1], [0, 0, 1, 1], [], []>, transpose_lhs_hint = false} : vector<1250x128xf32>, vector<128x16xf32>, vector<1250x16xf32> -> vector<1250x16xf32>
    %concatenate3A = tpu.concatenate %dot_general3A_5, %dot_general3A_13, %dot_general3A_21, %dot_general3A_29, %dot_general3A_37, %dot_general3A_45, %dot_general3A_53, %dot_general3A_61 in 1 : vector<1250x16xf32>, vector<1250x16xf32>, vector<1250x16xf32>, vector<1250x16xf32>, vector<1250x16xf32>, vector<1250x16xf32>, vector<1250x16xf32>, vector<1250x16xf32> -> vector<1250x128xf32>
    %swap3A = arith.constant 0 : index
    %swap3A_62 = arith.constant 0 : index
    %swap3A_63 = vector.load %arg2[%swap3A, %swap3A_62] : memref<1250x128xf32, #tpu.memory_space<vmem>>, vector<1250x128xf32>
    tpu.vector_store %arg2[%swap3A, %swap3A_62], %concatenate3A {strides = array<i32>} : memref<1250x128xf32, #tpu.memory_space<vmem>>, vector<1250x128xf32>,
    return
  }
}

module attributes {stable_mosaic.version = 14 : i64} {
  func.func @_tc_scale_body(%arg0: memref<1250x128xf32, #tpu.memory_space<vmem>>, %arg1: memref<1250x128xf32, #tpu.memory_space<vmem>>, %arg2: memref<1250x128xf32, #tpu.memory_space<vmem>>) attributes {dimension_semantics = [], scalar_prefetch = 0 : i64, scratch_operands = 0 : i64, tpu.core_type = #tpu.core_type<tc>} {
    %get3A = arith.constant 0 : index
    %get3A_0 = arith.constant 0 : index
    %get3A_1 = vector.load %arg0[%get3A, %get3A_0] : memref<1250x128xf32, #tpu.memory_space<vmem>>, vector<1250x128xf32>
    %get3A_2 = arith.constant 0 : index
    %get3A_3 = arith.constant 0 : index
    %get3A_4 = vector.load %arg1[%get3A_2, %get3A_3] : memref<1250x128xf32, #tpu.memory_space<vmem>>, vector<1250x128xf32>
    %add3A = arith.constant 1.000000e+00 : f32
    %add3A_5 = vector.broadcast %add3A : f32 to vector<1250x128xf32>
    %add3A_6 = arith.addf %get3A_4, %add3A_5 : vector<1250x128xf32>
    %rsqrt3A = math.rsqrt %add3A_6 : vector<1250x128xf32>
    %mul3A = arith.mulf %get3A_1, %rsqrt3A : vector<1250x128xf32>
    %swap3A = arith.constant 0 : index
    %swap3A_7 = arith.constant 0 : index
    %swap3A_8 = vector.load %arg2[%swap3A, %swap3A_7] : memref<1250x128xf32, #tpu.memory_space<vmem>>, vector<1250x128xf32>
    tpu.vector_store %arg2[%swap3A, %swap3A_7], %mul3A {strides = array<i32>} : memref<1250x128xf32, #tpu.memory_space<vmem>>, vector<1250x128xf32>,
    return
  }
}

module attributes {stable_mosaic.version = 14 : i64} {
  func.func @_tc_combine_body(%arg0: memref<2560x128xf32, #tpu.memory_space<vmem>>, %arg1: memref<1250x128xf32, #tpu.memory_space<vmem>>, %arg2: memref<1250x128xf32, #tpu.memory_space<vmem>>, %arg3: memref<1x128xf32, #tpu.memory_space<vmem>>, %arg4: memref<1250x128xf32, #tpu.memory_space<vmem>>) attributes {dimension_semantics = [], scalar_prefetch = 0 : i64, scratch_operands = 0 : i64, tpu.core_type = #tpu.core_type<tc>} {
    %get3A = arith.constant 0 : index
    %get3A_0 = arith.constant 0 : index
    %get3A_1 = vector.load %arg0[%get3A, %get3A_0] : memref<2560x128xf32, #tpu.memory_space<vmem>>, vector<1250x128xf32>
    %get3A_2 = arith.constant 1280 : index
    %get3A_3 = arith.constant 0 : index
    %get3A_4 = vector.load %arg0[%get3A_2, %get3A_3] : memref<2560x128xf32, #tpu.memory_space<vmem>>, vector<1250x128xf32>
    %add3A = arith.addf %get3A_1, %get3A_4 : vector<1250x128xf32>
    %get3A_5 = arith.constant 0 : index
    %get3A_6 = arith.constant 0 : index
    %get3A_7 = vector.load %arg1[%get3A_5, %get3A_6] : memref<1250x128xf32, #tpu.memory_space<vmem>>, vector<1250x128xf32>
    %add3A_8 = arith.addf %add3A, %get3A_7 : vector<1250x128xf32>
    %get3A_9 = arith.constant 0 : index
    %get3A_10 = arith.constant 0 : index
    %get3A_11 = vector.load %arg2[%get3A_9, %get3A_10] : memref<1250x128xf32, #tpu.memory_space<vmem>>, vector<1250x128xf32>
    %add3A_12 = arith.constant 1.000000e+00 : f32
    %add3A_13 = vector.broadcast %add3A_12 : f32 to vector<1250x128xf32>
    %add3A_14 = arith.addf %get3A_11, %add3A_13 : vector<1250x128xf32>
    %rsqrt3A = math.rsqrt %add3A_14 : vector<1250x128xf32>
    %mul3A = arith.mulf %add3A_8, %rsqrt3A : vector<1250x128xf32>
    %get3A_15 = arith.constant 0 : index
    %get3A_16 = arith.constant 0 : index
    %get3A_17 = vector.load %arg3[%get3A_15, %get3A_16] : memref<1x128xf32, #tpu.memory_space<vmem>>, vector<1x128xf32>
    %add3A_18 = vector.broadcast %get3A_17 : vector<1x128xf32> to vector<1250x128xf32>
    %add3A_19 = arith.addf %mul3A, %add3A_18 : vector<1250x128xf32>
    %swap3A = arith.constant 0 : index
    %swap3A_20 = arith.constant 0 : index
    %swap3A_21 = vector.load %arg4[%swap3A, %swap3A_20] : memref<1250x128xf32, #tpu.memory_space<vmem>>, vector<1250x128xf32>
    tpu.vector_store %arg4[%swap3A, %swap3A_20], %add3A_19 {strides = array<i32>} : memref<1250x128xf32, #tpu.memory_space<vmem>>, vector<1250x128xf32>,
    return
  }
}

</mosaic_0001>

<sc_bundles>
// kernel: kernel.10.cloned.1.call-start
scs
__scs_entry_jumppad:
0x0: {  	(pc) =	sbr.rel $0x88, $3  }
0x1: {  	(tag) =	ssettag $0x0;
	lr =	simm.s32 $0x1  }
0x2: {  	[smem:$0x3F9D] =	sst lr;
	_ =	strace $0xD0000000  }
0x3: {  	_ = 	snop  }
0x4: {  	_ = 	snop  }
0x5: {  	_ = 	snop  }
0x6: {  	_ = 	snop  }
0x7: {  	_ = 	snop  }
__scs_overlays_trampoline_lowered:
0x8: {  	[smem:$0x3FAC] =	sst s0  }
0x9: {  	[smem:$0x3FAD] =	sst s1  }
0xa: {  	[smem:$0x3FAE] =	sst s2  }
0xb: {  	[smem:$0x3FAF] =	sst s3  }
0xc: {  	[smem:$0x3FB0] =	sst s4  }
0xd: {  	[smem:$0x3FB1] =	sst s5  }
0xe: {  	[smem:$0x3FB2] =	sst s6  }
0xf: {  	[smem:$0x3FB3] =	sst s7  }
0x10: {  	[smem:$0x3FB4] =	sst s8  }
0x11: {  	[smem:$0x3FB5] =	sst s9;
	s0 =	simm.s32 @!p0 $0x0  }
0x12: {  	s1 =	sld [smem:$0x3F9B];
	s0 =	simm.s32 @p0 $0x1  }
0x13: {  	[smem:$0x3FB6] =	sst s0;
	s0 =	simm.s32 @!p1 $0x0  }
0x14: {  	s2 =	sld [smem:$0x3F9A];
	s0 =	simm.s32 @p1 $0x1  }
0x15: {  	[smem:$0x3FB7] =	sst s0;
	s0 =	simm.s32 @!p2 $0x0  }
0x16: {  	s3 =	sld [smem:$0x3FDB];
	s0 =	simm.s32 @p2 $0x1  }
0x17: {  	s4 =	simm.s32 $0x1BF5;
	[smem:$0x3FB9] =	sst s0  }
0x18: {  	s0 =	sld [smem:$0x3F9C];
	_ =	swait.ge [sflag:s4], $0x0  }
0x19: {  	s7 =	sld [smem:$0x3F9D]  }
0x1a: {  	s8 =	sadd.s32 $0xFFFFE003, lr  }
0x1b: {  	s9 =	sadd.s32 $0xFFFFFEF7, lr;
	s5 =	simm.s32 $0xFFFFFFFF;
	p2 =	slt.u32 s8, $0xFFFFF086  }
0x1c: {  	p1 =	slt.u32 s9, $0xF7A;
	s5 =	simm.s32 @!p2 $0x0  }
0x1d: {  	s5 =	simm.s32 @p1 $0x1;
	p0 =	seq.s32 s7, s2  }
0x1e: {  	s7 =	smul.u32 @!p0 $0xF7A, s2;
	p2 =	seq.s32 @!p0 s5, $0x0  }
0x1f: {  	s9 =	smul.u32 $0xF7A, s1;
	s8 =	simm.s32 @!p0 $0x1BF5;
	p2 =	por !p2, p0  }
0x20: {  	[sflag:s8] =	ssyncset.s32 @!p0 $0xFFFFF086;
	s6 =	sadd.s32 @!p0 s3, s7;
	s7 =	simm.s32 @!p0 $0x108  }
0x21: {  	s3 =	sadd.s32 s3, s9;
	s6 =	sadd.s32 @!p0 $0x88, s6;
	s7 =	simm.s32 @p2 $0x1082  }
0x22: {  	[simem:s7], [sflag:s8] =	dma.local @!p0 [hbm:s6], $0xF7A  }
0x23: {  	s9 =	sor.u32 $0xD0000000, s2;
	s6 =	simm.s32 $0x108;
	_ =	swait.ge @!p0 [sflag:s8], $0x0  }
0x24: {  	s3 =	sadd.s32 $0x88, s3;
	s6 =	simm.s32 @!p1 $0x1082;
	[sflag:s4] =	ssyncset.s32 $0xFFFFF086  }
0x25: {  	[simem:s6], [sflag:s4] =	dma.local [hbm:s3], $0xF7A  }
0x26: {  	[smem:$0x3F9D] =	sst s1;
	(tag) =	ssettag s2;
	_ =	strace s9  }
0x27: {  	s1 =	sld [smem:$0x3FAD]  }
0x28: {  	s2 =	sld [smem:$0x3FAE]  }
0x29: {  	s4 =	sld [smem:$0x3FB0]  }
0x2a: {  	p0 =	seq.s32 s5, $0x0;
	s5 =	sld [smem:$0x3FB1]  }
0x2b: {  	s6 =	sld [smem:$0x3FB2]  }
0x2c: {  	s7 =	sld [smem:$0x3FB3]  }
0x2d: {  	s3 =	simm.s32 $0x108;
	s8 =	sld [smem:$0x3FB4]  }
0x2e: {  	s3 =	simm.s32 @!p0 $0x1082;
	s9 =	sld [smem:$0x3FB5]  }
0x2f: {  	lr =	sadd.s32 s0, s3;
	s0 =	sld [smem:$0x3FAC]  }
0x30: {  	s3 =	sld [smem:$0x3FAF]  }
0x31: {  	[smem:$0x3FB8] =	sst s10  }
0x32: {  	s10 =	sld [smem:$0x3FB6];
	_ =	sdelay $0x3  }
0x33: {  	p0 =	seq.s32 s10, $0x1;
	s10 =	sld [smem:$0x3FB8];
	_ =	sdelay $0x3  }
0x34: {  	[smem:$0x3FB8] =	sst s10  }
0x35: {  	s10 =	sld [smem:$0x3FB7];
	_ =	sdelay $0x3  }
0x36: {  	p1 =	seq.s32 s10, $0x1;
	s10 =	sld [smem:$0x3FB8];
	_ =	sdelay $0x3  }
0x37: {  	[smem:$0x3FB8] =	sst s10  }
0x38: {  	s10 =	sld [smem:$0x3FB9]  }
0x39: {  	_ = 	snop;
	(pc) =	sbr.ind lr, $3  }
0x3a: {  	_ = 	snop  }
0x3b: {  	_ = 	snop  }
0x3c: {  	p2 =	seq.s32 s10, $0x1;
	s10 =	sld [smem:$0x3FB8]  }
0x3d: {  	_ =	shalt  }
0x3e: {  	_ =	shalt  }
0x3f: {  	_ =	shalt  }
0x40: {  	_ =	shalt  }
0x41: {  	_ =	shalt  }
0x42: {  	_ =	shalt  }
0x43: {  	_ =	shalt  }
0x44: {  	_ =	shalt  }
0x45: {  	_ =	shalt  }
0x46: {  	_ =	shalt  }
0x47: {  	_ =	shalt  }
0x48: {  	_ =	shalt  }
0x49: {  	_ =	shalt  }
0x4a: {  	_ =	shalt  }
0x4b: {  	_ =	shalt  }
0x4c: {  	_ =	shalt  }
0x4d: {  	_ =	shalt  }
0x4e: {  	_ =	shalt  }
0x4f: {  	_ =	shalt  }
0x50: {  	_ =	shalt  }
0x51: {  	_ =	shalt  }
0x52: {  	_ =	shalt  }
0x53: {  	_ =	shalt  }
0x54: {  	_ =	shalt  }
0x55: {  	_ =	shalt  }
0x56: {  	_ =	shalt  }
0x57: {  	_ =	shalt  }
0x58: {  	_ =	shalt  }
0x59: {  	_ =	shalt  }
0x5a: {  	_ =	shalt  }
0x5b: {  	_ =	shalt  }
0x5c: {  	_ =	shalt  }
0x5d: {  	_ =	shalt  }
0x5e: {  	_ =	shalt  }
0x5f: {  	_ =	shalt  }
0x60: {  	_ =	shalt  }
0x61: {  	_ =	shalt  }
0x62: {  	_ =	shalt  }
0x63: {  	_ =	shalt  }
0x64: {  	_ =	shalt  }
0x65: {  	_ =	shalt  }
0x66: {  	_ =	shalt  }
0x67: {  	_ =	shalt  }
0x68: {  	_ =	shalt  }
0x69: {  	_ =	shalt  }
0x6a: {  	_ =	shalt  }
0x6b: {  	_ =	shalt  }
0x6c: {  	_ =	shalt  }
0x6d: {  	_ =	shalt  }
0x6e: {  	_ =	shalt  }
0x6f: {  	_ =	shalt  }
0x70: {  	_ =	shalt  }
0x71: {  	_ =	shalt  }
0x72: {  	_ =	shalt  }
0x73: {  	_ =	shalt  }
0x74: {  	_ =	shalt  }
0x75: {  	_ =	shalt  }
0x76: {  	_ =	shalt  }
0x77: {  	_ =	shalt  }
0x78: {  	_ =	shalt  }
0x79: {  	_ =	shalt  }
0x7a: {  	_ =	shalt  }
0x7b: {  	_ =	shalt  }
0x7c: {  	_ =	shalt  }
0x7d: {  	_ =	shalt  }
0x7e: {  	_ =	shalt  }
0x7f: {  	_ =	shalt  }
0x80: {  	_ =	shalt  }
0x81: {  	_ =	shalt  }
0x82: {  	_ =	shalt  }
0x83: {  	_ =	shalt  }
0x84: {  	_ =	shalt  }
0x85: {  	_ =	shalt  }
0x86: {  	_ =	shalt  }
0x87: {  	_ =	shalt  }
.Lfunc_end0:
.L_simem_size_0:
called_computation.1_lowered:
.L_overlay_start_0:
0x88: {  	s2 =	sld [smem:$0x3FD9]  }
0x89: {  	s3 =	sld [smem:$0x3FFE];
	_ =	sdelay $0x1  }
0x8a: {  	s1 =	srdreg.scid  }
0x8b: {  	s0 =	sand.u32 $0x1, s1  }
0x8c: {  	s17 =	sshll.u32 s0, $0xA;
	s2 =	sadd.s32 s3, s2  }
0x8d: {  	s2 =	sadd.s32 s2, s17  }
0x8e: {  	[smem:$0x3FC4] =	sst s2  }
0x8f: {  	_ = 	snop  }
0x90: {  	s2 =	sld [smem:$0x3FD0];
	(tm) =	ssettm $0x1  }
0x91: {  	s18 =	sld [smem:$0x3FFB];
	_ =	sdelay $0x3  }
0x92: {  	_ =	strace s18  }
0x93: {  	s3 =	sld [smem:$0x3FFC];
	_ =	sdelay $0x3  }
0x94: {  	_ =	strace s3  }
0x95: {  	s3 =	sld [smem:$0x3FFD];
	_ =	sdelay $0x3  }
0x96: {  	_ =	strace s3  }
0x97: {  	_ =	strace $0x8FFFFFFF  }
0x98: {  	s19 =	sld [smem:$0x3FDB];
	_ =	sdelay $0x1  }
0x99: {  	s4 =	simm.s32 $_scs_section_size  }
0x9a: {  	s5 =	simm.s32 $_size__tile_overlayer_lowered;
	s6 =	simm.s32 $_tile_overlayer_lowered  }
0x9b: {  	s22 =	simm.s32 $0x1BFF;
	s21 =	sshll.u32 s6, $0x1;
	s3 =	sadd.s32 s4, s19  }
0x9c: {  	s7 =	simm.s32 $0x0;
	s20 =	sshll.u32 s5, $0x1;
	s5 =	sadd.s32 s21, s3  }
0x9d: {  	[timem:s7], [sflag:s22] =	dma.local [hbm:s5], s20  }
0x9e: {  	_ =	swait.ge [sflag:s22], s20  }
0x9f: {  	s4 =	ssub.s32 $0x0, s20;
	[sflag:s22] =	ssyncset.done $0x0  }
0xa0: {  	[sflag:s22] =	ssyncadd.s32 s4;
	_ =	sdelay $0x1  }
0xa1: {  	s23 =	simm.s32 $0x1B8B  }
0xa2: {  	_ =	swait.ge [sflag:s23], $0x1  }
0xa3: {  	[sflag:s23] =	ssyncset.done $0x0  }
0xa4: {  	s25 =	simm.s32 $0x1B8E;
	s24 =	sld [smem:$0x3FFE];
	[sflag:s23] =	ssyncadd.s32 $0xFFFFFFFF  }
0xa5: {  	s26 =	simm.s32 $execute0_lowered;
	[smem:$0x3FD2] =	sst s25  }
0xa6: {  	s5 =	sshll.u32 s26, $0x1;
	_ =	strace $0x80000049;
	[dreg:$0x1] =	wrdreg $0xFFFFFFFF  }
0xa7: {  	s28 =	simm.s32 $_size_execute0_lowered;
	s3 =	sadd.s32 s3, s5;
	[dreg:$0x0] =	wrdreg $0x0  }
0xa8: {  	s5 =	sshll.u32 s28, $0x1;
	[dreg:$0x2] =	wrdreg s3  }
0xa9: {  	[dreg:$0x3] =	wrdreg s5  }
0xaa: {  	[dreg:$0x4] =	wrdreg $0xC0  }
0xab: {  	_ =	task [dreg:s7], $0x5FFFF  }
0xac: {  	[dreg:$0x1] =	wrdreg $0xFFFFFFFF  }
0xad: {  	[dreg:$0x0] =	wrdreg $0x60  }
0xae: {  	[dreg:$0x2] =	wrdreg s2  }
0xaf: {  	[dreg:$0x3] =	wrdreg s24  }
0xb0: {  	[dreg:$0x4] =	wrdreg $0x87000  }
0xb1: {  	[dreg:$0x5] =	wrdreg $0x9  }
0xb2: {  	_ =	task.clear_ibuf [dreg:s7], $0x6FFFF;
	_ =	strace $0x90000049  }
0xb3: {  	s29 =	simm.s32 $0x9;
	_ =	strace $0x8000004B  }
0xb4: {  	_ =	swait.ge [sflag:s29], $0x1  }
0xb5: {  	[sflag:s29] =	ssyncadd.s32 $0xFFFFFFFF  }
0xb6: {  	_ =	strace $0x9000004B  }
0xb7: {  	_ =	sfence  }
0xb8: {  	s30 =	sld [smem:$0x0];
	_ =	sdelay $0x2  }
0xb9: {  	s31 =	sshll.u32 s1, $0xD;
	s1 =	sshrl.u32 s1, $0x2  }
0xba: {  	s3 =	sand.u32 $0x4000, s31;
	s1 =	sadd.s32 s1, s30  }
0xbb: {  	s0 =	sor.u32 s3, s0;
	s1 =	sshll.u32 s1, $0x11  }
0xbc: {  	s0 =	sor.u32 s1, s0  }
0xbd: {  	s0 =	sadd.s32 $0x8F2B, s0  }
0xbe: {  	[sflag:s0] =	ssyncadd.remote.s32 $0x1  }
0xbf: {  	_ =	sfence.sel $0xFFFF  }
0xc0: {  	[dreg:$0x0] =	wrdreg $0xFFFFFFFF;
	(pc) =	sbr.abs _section_cstart, $3  }
0xc1: {  	[dreg:$0x1] =	wrdreg $0xFFFFFFFF  }
0xc2: {  	_ =	task.clear_ibuf [dreg:s7], $0x2FFFF;
	_ =	strace $0x9FFFFFFF  }
0xc3: {  	(tm) =	ssettm $0x7FFFFFFF  }
tec
execute0_lowered:
.L_overlay_start_1:
0x0: {  	(tag) =	ssettag $0x1  }
0x1: {  	s1 =	rddreg [dreg:$0x0]  }
0x2: {  	s0 =	srdreg.scid;
	s2 =	rddreg [dreg:$0x1]  }
0x3: {  	s8 =	stileid.u32;
	s3 =	rddreg [dreg:$0x2]  }
0x4: {  	s28 =	simm.s32 $0x9;
	s29 =	simm.s32 $0xA;
	s7 =	smul.u32 $0x280, s8  }
0x5: {  	s30 =	simm.s32 $0xB;
	s0 =	sand.u32 $0x1, s0;
	s21 =	smul.u32 $0xA000, s8  }
0x6: {  	s31 =	simm.s32 $0xC;
	s4 =	sshll.u32 s0, $0x4;
	s20 =	smul.u32 $0x2800, s0  }
0x7: {  	s0 =	ssub.s32 $0x2, s0;
	s11 =	sor.u32 s8, s4;
	s4 =	simm.s32 $0x0  }
0x8: {  	s23 =	sshrl.u32 s0, $0x1;
	s24 =	sshrl.u32 s21, $0x2;
	s21 =	simm.s32 $0x7F00  }
0x9: {  	s5 =	smul.u32 $0x4E, s11;
	s6 =	smin.u32 s11, $0x4;
	[smem:$0x7FF] =	sst s4  }
0xa: {  	s0 =	ssub.s32 s0, s23;
	p0 =	slt.u32 s11, $0x4;
	s23 =	simm.s32 $0x80  }
0xb: {  	_ =	strace $0x8000004A;
	s5 =	sadd.s32 s6, s5;
	s6 =	sadd.s32 s7, s20  }
0xc: {  	s20 =	smax.u32 s0, $0x1;
	s5 =	sshll.u32 s5, $0x4;
	s22 =	sshll.u32 s6, $0x1  }
0xd: {  	s6 =	sadd.s32 s24, s3;
	s14 =	sadd.s32 s5, s2;
	s2 =	sadd.s32 s22, s2  }
0xe: {  	s5 =	simm.s32 $0x4F;
	s7 =	sadd.s32 $0x800, s6;
	s8 =	sadd.s32 $0x1000, s6  }
0xf: {  	s9 =	sadd.s32 $0x1800, s6;
	s10 =	sadd.s32 $0x2000, s6;
	s22 =	simm.s32 $0xD  }
0x10: {  	s5 =	simm.s32 @!p0 $0x4E;
	s12 =	sadd.s32 $0x1A00, s14;
	s13 =	sadd.s32 $0x1EE0, s14  }
0x11: {  	s25 =	sadd.s32 $0xBB20, s14;
	s26 =	sadd.s32 $0x15400, s2;
	s16 =	sadd.s32 $0x15500, s2  }
0x12: {  	s17 =	sadd.s32 $0x15600, s2;
	s18 =	sadd.s32 $0x15700, s2;
	[dreg:$0x5] =	wrdreg s12  }
0x13: {  	s19 =	sadd.s32 $0x15800, s2;
	p0 =	sgt.u32 s11, $0x3;
	[dreg:$0x6] =	wrdreg s13  }
0x14: {  	s2 =	simm.s32 $0x0;
	s12 =	sadd.s32 $0xB640, s14;
	[dreg:$0x7] =	wrdreg s25  }
0x15: {  	v0 =	vimm.f32 $0.0e+00;
	[dreg:$0x8] =	wrdreg s26;
	s25 =	simm.s32 $0x7;
	s26 =	simm.s32 $0x8  }
.LBB2_1:
0x16: {  	[tilespmem:$0x7F00] =	vst v0  }
0x17: {  	[tilespmem:$0x7F10] =	vst v0  }
0x18: {  	[tilespmem:$0x7F20] =	vst v0  }
0x19: {  	[tilespmem:$0x7F30] =	vst v0  }
0x1a: {  	[tilespmem:$0x7F40] =	vst v0  }
0x1b: {  	[tilespmem:$0x7F50] =	vst v0  }
0x1c: {  	[tilespmem:$0x7F60] =	vst v0  }
0x1d: {  	[tilespmem:$0x7F70] =	vst v0  }
0x1e: {  	[tilespmem:$0x7F80] =	vst v0  }
0x1f: {  	[tilespmem:$0x7F90] =	vst v0  }
0x20: {  	[tilespmem:$0x7FA0] =	vst v0  }
0x21: {  	[tilespmem:$0x7FB0] =	vst v0  }
0x22: {  	[tilespmem:$0x7FC0] =	vst v0  }
0x23: {  	[tilespmem:$0x7FD0] =	vst v0  }
0x24: {  	[tilespmem:$0x7FE0] =	vst v0  }
0x25: {  	[tilespmem:$0x7FF0] =	vst v0  }
0x26: {  	[tilespmem:$0x8000] =	vst v0  }
0x27: {  	[tilespmem:$0x8010] =	vst v0  }
0x28: {  	[tilespmem:$0x8020] =	vst v0  }
0x29: {  	[tilespmem:$0x8030] =	vst v0  }
0x2a: {  	[tilespmem:$0x8040] =	vst v0  }
0x2b: {  	[tilespmem:$0x8050] =	vst v0  }
0x2c: {  	[tilespmem:$0x8060] =	vst v0  }
0x2d: {  	[tilespmem:$0x8070] =	vst v0  }
0x2e: {  	[tilespmem:$0x8080] =	vst v0  }
0x2f: {  	[tilespmem:$0x8090] =	vst v0  }
0x30: {  	[tilespmem:$0x80A0] =	vst v0  }
0x31: {  	[tilespmem:$0x80B0] =	vst v0  }
0x32: {  	[tilespmem:$0x80C0] =	vst v0  }
0x33: {  	[tilespmem:$0x80D0] =	vst v0  }
0x34: {  	[tilespmem:$0x80E0] =	vst v0  }
0x35: {  	[tilespmem:$0x80F0] =	vst v0  }
0x36: {  	[tilespmem:$0x8100] =	vst v0  }
0x37: {  	[tilespmem:$0x8110] =	vst v0  }
0x38: {  	[tilespmem:$0x8120] =	vst v0  }
0x39: {  	[tilespmem:$0x8130] =	vst v0  }
0x3a: {  	[tilespmem:$0x8140] =	vst v0  }
0x3b: {  	[tilespmem:$0x8150] =	vst v0  }
0x3c: {  	[tilespmem:$0x8160] =	vst v0  }
0x3d: {  	[tilespmem:$0x8170] =	vst v0  }
0x3e: {  	[tilespmem:$0x8180] =	vst v0  }
0x3f: {  	[tilespmem:$0x8190] =	vst v0  }
0x40: {  	[tilespmem:$0x81A0] =	vst v0  }
0x41: {  	[tilespmem:$0x81B0] =	vst v0  }
0x42: {  	[tilespmem:$0x81C0] =	vst v0  }
0x43: {  	[tilespmem:$0x81D0] =	vst v0  }
0x44: {  	[tilespmem:$0x81E0] =	vst v0  }
0x45: {  	[tilespmem:$0x81F0] =	vst v0  }
0x46: {  	[tilespmem:$0x8200] =	vst v0  }
0x47: {  	[tilespmem:$0x8210] =	vst v0  }
0x48: {  	[tilespmem:$0x8220] =	vst v0  }
0x49: {  	[tilespmem:$0x8230] =	vst v0  }
0x4a: {  	[tilespmem:$0x8240] =	vst v0  }
0x4b: {  	[tilespmem:$0x8250] =	vst v0  }
0x4c: {  	[tilespmem:$0x8260] =	vst v0  }
0x4d: {  	[tilespmem:$0x8270] =	vst v0  }
0x4e: {  	[tilespmem:$0x8280] =	vst v0  }
0x4f: {  	[tilespmem:$0x8290] =	vst v0  }
0x50: {  	[tilespmem:$0x82A0] =	vst v0  }
0x51: {  	[tilespmem:$0x82B0] =	vst v0  }
0x52: {  	[tilespmem:$0x82C0] =	vst v0  }
0x53: {  	[tilespmem:$0x82D0] =	vst v0  }
0x54: {  	[tilespmem:$0x82E0] =	vst v0  }
0x55: {  	[tilespmem:$0x82F0] =	vst v0  }
0x56: {  	[tilespmem:$0x8300] =	vst v0  }
0x57: {  	[tilespmem:$0x8310] =	vst v0  }
0x58: {  	[tilespmem:$0x8320] =	vst v0  }
0x59: {  	[tilespmem:$0x8330] =	vst v0  }
0x5a: {  	[tilespmem:$0x8340] =	vst v0  }
0x5b: {  	[tilespmem:$0x8350] =	vst v0  }
0x5c: {  	[tilespmem:$0x8360] =	vst v0  }
0x5d: {  	[tilespmem:$0x8370] =	vst v0  }
0x5e: {  	[tilespmem:$0x8380] =	vst v0  }
0x5f: {  	[tilespmem:$0x8390] =	vst v0  }
0x60: {  	[tilespmem:$0x83A0] =	vst v0  }
0x61: {  	[tilespmem:$0x83B0] =	vst v0  }
0x62: {  	[tilespmem:$0x83C0] =	vst v0  }
0x63: {  	[tilespmem:$0x83D0] =	vst v0  }
0x64: {  	[tilespmem:$0x83E0] =	vst v0  }
0x65: {  	[tilespmem:$0x83F0] =	vst v0  }
0x66: {  	[tilespmem:$0x8400] =	vst v0  }
0x67: {  	[tilespmem:$0x8410] =	vst v0  }
0x68: {  	[tilespmem:$0x8420] =	vst v0  }
0x69: {  	[tilespmem:$0x8430] =	vst v0  }
0x6a: {  	[tilespmem:$0x8440] =	vst v0  }
0x6b: {  	[tilespmem:$0x8450] =	vst v0  }
0x6c: {  	[tilespmem:$0x8460] =	vst v0  }
0x6d: {  	[tilespmem:$0x8470] =	vst v0  }
0x6e: {  	[tilespmem:$0x8480] =	vst v0  }
0x6f: {  	[tilespmem:$0x8490] =	vst v0  }
0x70: {  	[tilespmem:$0x84A0] =	vst v0  }
0x71: {  	[tilespmem:$0x84B0] =	vst v0  }
0x72: {  	[tilespmem:$0x84C0] =	vst v0  }
0x73: {  	[tilespmem:$0x84D0] =	vst v0  }
0x74: {  	[tilespmem:$0x84E0] =	vst v0  }
0x75: {  	[tilespmem:$0x84F0] =	vst v0  }
0x76: {  	[tilespmem:$0x8500] =	vst v0  }
0x77: {  	[tilespmem:$0x8510] =	vst v0  }
0x78: {  	[tilespmem:$0x8520] =	vst v0  }
0x79: {  	[tilespmem:$0x8530] =	vst v0  }
0x7a: {  	[tilespmem:$0x8540] =	vst v0  }
0x7b: {  	[tilespmem:$0x8550] =	vst v0  }
0x7c: {  	[tilespmem:$0x8560] =	vst v0  }
0x7d: {  	[tilespmem:$0x8570] =	vst v0  }
0x7e: {  	[tilespmem:$0x8580] =	vst v0  }
0x7f: {  	[tilespmem:$0x8590] =	vst v0  }
0x80: {  	[tilespmem:$0x85A0] =	vst v0  }
0x81: {  	[tilespmem:$0x85B0] =	vst v0  }
0x82: {  	[tilespmem:$0x85C0] =	vst v0  }
0x83: {  	[tilespmem:$0x85D0] =	vst v0  }
0x84: {  	[tilespmem:$0x85E0] =	vst v0  }
0x85: {  	[tilespmem:$0x85F0] =	vst v0  }
0x86: {  	[tilespmem:$0x8600] =	vst v0  }
0x87: {  	[tilespmem:$0x8610] =	vst v0  }
0x88: {  	[tilespmem:$0x8620] =	vst v0  }
0x89: {  	[tilespmem:$0x8630] =	vst v0  }
0x8a: {  	[tilespmem:$0x8640] =	vst v0  }
0x8b: {  	[tilespmem:$0x8650] =	vst v0  }
0x8c: {  	[tilespmem:$0x8660] =	vst v0  }
0x8d: {  	[tilespmem:$0x8670] =	vst v0  }
0x8e: {  	[tilespmem:$0x8680] =	vst v0  }
0x8f: {  	[tilespmem:$0x8690] =	vst v0  }
0x90: {  	[tilespmem:$0x86A0] =	vst v0  }
0x91: {  	[tilespmem:$0x86B0] =	vst v0  }
0x92: {  	[tilespmem:$0x86C0] =	vst v0  }
0x93: {  	[tilespmem:$0x86D0] =	vst v0  }
0x94: {  	[tilespmem:$0x86E0] =	vst v0  }
0x95: {  	[tilespmem:$0x86F0] =	vst v0  }
0x96: {  	[spmem:s6] =	stream.linear.scatter [tilespmem:s21], [sflag:$0xD], $0x800, $0x38;
	[tilespmem:$0xAF00] =	vst v63  }
0x97: {  	_ =	swait.ge [sflag:s22], $0x800  }
0x98: {  	[sflag:s22] =	ssyncset.done $0x0  }
0x99: {  	[sflag:s22] =	ssyncadd.s32 $0xFFFFF800  }
0x9a: {  	[spmem:s7] =	stream.linear.scatter [tilespmem:s21], [sflag:$0xD], $0x800, $0x38;
	[tilespmem:$0xAF00] =	vst v63  }
0x9b: {  	_ =	swait.ge [sflag:s22], $0x800  }
0x9c: {  	[sflag:s22] =	ssyncset.done $0x0  }
0x9d: {  	[sflag:s22] =	ssyncadd.s32 $0xFFFFF800  }
0x9e: {  	[spmem:s8] =	stream.linear.scatter [tilespmem:s21], [sflag:$0xD], $0x800, $0x38;
	[tilespmem:$0xAF00] =	vst v63  }
0x9f: {  	_ =	swait.ge [sflag:s22], $0x800  }
0xa0: {  	[sflag:s22] =	ssyncset.done $0x0  }
0xa1: {  	[sflag:s22] =	ssyncadd.s32 $0xFFFFF800  }
0xa2: {  	[spmem:s9] =	stream.linear.scatter [tilespmem:s21], [sflag:$0xD], $0x800, $0x38;
	[tilespmem:$0xAF00] =	vst v63  }
0xa3: {  	_ =	swait.ge [sflag:s22], $0x800  }
0xa4: {  	[sflag:s22] =	ssyncset.done $0x0  }
0xa5: {  	[sflag:s22] =	ssyncadd.s32 $0xFFFFF800  }
0xa6: {  	[spmem:s10] =	stream.linear.scatter [tilespmem:s21], [sflag:$0xD], $0x800, $0x38;
	[tilespmem:$0xAF00] =	vst v63  }
0xa7: {  	_ =	swait.ge [sflag:s22], $0x800  }
0xa8: {  	[sflag:s22] =	ssyncset.done $0x0  }
0xa9: {  	[sflag:s22] =	ssyncadd.s32 $0xFFFFF800  }
0xaa: {  	[bflag:$0x0] =	sbarrier.arrive $0xFFFF  }
0xab: {  	s0 =	rddreg [dreg:$0x5]  }
0xac: {  	[tilespmem:s4], [sflag:$0xD] =	stream.linear.gather [hbm4b:s0+s4], $0x2700, $0x38;
	[tilespmem:$0xAF00] =	vst v63  }
0xad: {  	_ =	swait.ge [sflag:s22], $0x2700  }
0xae: {  	[sflag:s22] =	ssyncset.done $0x0  }
0xaf: {  	s11 =	simm.s32 @p0 $0x2780;
	s0 =	simm.s32 @p0 $0x0;
	[sflag:s22] =	ssyncadd.s32 $0xFFFFD900  }
0xb0: {  	[tilespmem:s11], [sflag:$0xD] =	stream.linear.gather @p0 [hbm4b:s12+s0], $0x2700, $0x38;
	[tilespmem:$0xAF00] =	vst v63  }
0xb1: {  	s0 =	simm.s32 @p0 $0xD  }
0xb2: {  	_ =	swait.ge @p0 [sflag:s0], $0x2700  }
0xb3: {  	s11 =	simm.s32 @!p0 $0x2700;
	[sflag:s0] =	ssyncset.done @p0 $0x0  }
0xb4: {  	s13 =	rddreg [dreg:$0x6];
	[sflag:s0] =	ssyncadd.s32 @p0 $0xFFFFD900;
	s0 =	simm.s32 @!p0 $0x0  }
0xb5: {  	[tilespmem:s11], [sflag:$0xD] =	stream.linear.gather @!p0 [hbm4b:s13+s0], $0x80, $0x38;
	[tilespmem:$0xAF00] =	vst v63  }
0xb6: {  	s11 =	simm.s32 @!p0 $0xD  }
0xb7: {  	_ =	swait.ge @!p0 [sflag:s11], $0x80  }
0xb8: {  	[sflag:s11] =	ssyncset.done @!p0 $0x0  }
0xb9: {  	s24 =	simm.s32 @!p0 $0x2780;
	[sflag:s11] =	ssyncadd.s32 @!p0 $0xFFFFFF80  }
0xba: {  	[tilespmem:s24], [sflag:$0xD] =	stream.linear.gather @!p0 [hbm4b:s12+s0], $0x2700, $0x38;
	[tilespmem:$0xAF00] =	vst v63  }
0xbb: {  	_ =	swait.ge @!p0 [sflag:s11], $0x2700  }
0xbc: {  	[sflag:s11] =	ssyncset.done @!p0 $0x0  }
0xbd: {  	s24 =	simm.s32 @!p0 $0x4E80;
	s13 =	rddreg [dreg:$0x7];
	[sflag:s11] =	ssyncadd.s32 @!p0 $0xFFFFD900  }
0xbe: {  	[tilespmem:s24], [sflag:$0xD] =	stream.linear.gather @!p0 [hbm4b:s13+s0], $0x80, $0x38;
	[tilespmem:$0xAF00] =	vst v63  }
0xbf: {  	_ =	swait.ge @!p0 [sflag:s11], $0x80  }
0xc0: {  	[sflag:s11] =	ssyncset.done @!p0 $0x0  }
0xc1: {  	s24 =	simm.s32 $0x4F00;
	[sflag:s11] =	ssyncadd.s32 @!p0 $0xFFFFFF80  }
0xc2: {  	[tilespmem:s24], [sflag:$0x1] =	stream.indirect.gather [hbm4b:s1+s23], $0x10, s4, s23, $0xb8;
	[tilespmem:$0xAF00] =	vst v63  }
0xc3: {  	s11 =	simm.s32 $0x5700  }
0xc4: {  	[tilespmem:s11], [sflag:$0x2] =	stream.indirect.gather [hbm4b:s1+s23], $0x10, s23, s23, $0xb8;
	[tilespmem:$0xAF00] =	vst v63  }
0xc5: {  	s14 =	simm.s32 $0x5F00;
	s13 =	simm.s32 $0x100  }
0xc6: {  	[tilespmem:s14], [sflag:$0x3] =	stream.indirect.gather [hbm4b:s1+s23], $0x10, s13, s23, $0xb8;
	[tilespmem:$0xAF00] =	vst v63  }
0xc7: {  	s15 =	simm.s32 $0x180;
	s0 =	simm.s32 @!p0 $0xE;
	s24 =	simm.s32 $0x6700  }
0xc8: {  	[tilespmem:s24], [sflag:$0x4] =	stream.indirect.gather [hbm4b:s1+s23], $0x10, s15, s23, $0xb8;
	[tilespmem:$0xAF00] =	vst v63  }
0xc9: {  	s0 =	simm.s32 @p0 $0xD;
	s13 =	simm.s32 $0x200;
	s14 =	simm.s32 $0x6F00  }
0xca: {  	[tilespmem:s14], [sflag:$0x5] =	stream.indirect.gather [hbm4b:s1+s23], $0x10, s13, s23, $0xb8;
	[tilespmem:$0xAF00] =	vst v63  }
0xcb: {  	s0 =	smul.u32 $0x6, s0;
	s15 =	simm.s32 $0x280;
	s24 =	simm.s32 $0x7700  }
0xcc: {  	[tilespmem:s24], [sflag:$0x6] =	stream.indirect.gather [hbm4b:s1+s23], $0x10, s15, s23, $0xb8;
	[tilespmem:$0xAF00] =	vst v63  }
0xcd: {  	[dreg:$0x4] =	wrdreg s0;
	s0 =	simm.s32 $0x0;
	s24 =	simm.s32 $0x0  }
.LBB2_2:
0xce: {  	p1 =	sge.u32 s24, s5  }
0xcf: {  	s11 =	simm.s32 @!p1 $0x1  }
0xd0: {  	_ =	swait.ge @!p1 [sflag:s11], $0x800  }
0xd1: {  	[sflag:s11] =	ssyncset.done @!p1 $0x0  }
0xd2: {  	s15 =	sadd.s32 $0x1, s24;
	[sflag:s11] =	ssyncadd.s32 @!p1 $0xFFFFF800;
	s11 =	sshra.s32 @!p1 s0, $0x2  }
0xd3: {  	s13 =	simm.s32 @!p1 $0x80;
	s14 =	simm.s32 @!p1 $0x4F00;
	s11 =	sadd.s32 @!p1 $0x2780, s11  }
0xd4: {  	[spmem:s3] =	stream.indirect.scatter.add.f32 @!p1 [tilespmem:s14], [sflag:$0x7], $0x10, s11, s13, $0xb8;
	[tilespmem:$0xAF00] =	vst v63  }
0xd5: {  	p1 =	sge.u32 s15, s5  }
0xd6: {  	s11 =	simm.s32 @!p1 $0x2  }
0xd7: {  	_ =	swait.ge @!p1 [sflag:s11], $0x800  }
0xd8: {  	[sflag:s11] =	ssyncset.done @!p1 $0x0  }
0xd9: {  	[sflag:s11] =	ssyncadd.s32 @!p1 $0xFFFFF800;
	s11 =	sshra.s32 @!p1 s0, $0x2  }
0xda: {  	s13 =	simm.s32 @!p1 $0x80;
	s14 =	simm.s32 @!p1 $0x5700;
	s11 =	sadd.s32 @!p1 $0x2800, s11  }
0xdb: {  	[spmem:s3] =	stream.indirect.scatter.add.f32 @!p1 [tilespmem:s14], [sflag:$0x8], $0x10, s11, s13, $0xb8;
	[tilespmem:$0xAF00] =	vst v63  }
0xdc: {  	s13 =	sadd.s32 $0x2, s24  }
0xdd: {  	p1 =	sge.u32 s13, s5  }
0xde: {  	s11 =	simm.s32 @!p1 $0x3  }
0xdf: {  	_ =	swait.ge @!p1 [sflag:s11], $0x800  }
0xe0: {  	[sflag:s11] =	ssyncset.done @!p1 $0x0  }
0xe1: {  	[sflag:s11] =	ssyncadd.s32 @!p1 $0xFFFFF800;
	s11 =	sshra.s32 @!p1 s0, $0x2  }
0xe2: {  	s13 =	simm.s32 @!p1 $0x80;
	s14 =	simm.s32 @!p1 $0x5F00;
	s11 =	sadd.s32 @!p1 $0x2880, s11  }
0xe3: {  	[spmem:s3] =	stream.indirect.scatter.add.f32 @!p1 [tilespmem:s14], [sflag:$0x9], $0x10, s11, s13, $0xb8;
	[tilespmem:$0xAF00] =	vst v63  }
0xe4: {  	s14 =	sadd.s32 $0x3, s24  }
0xe5: {  	p1 =	sge.u32 s14, s5  }
0xe6: {  	s11 =	simm.s32 @!p1 $0x4  }
0xe7: {  	_ =	swait.ge @!p1 [sflag:s11], $0x800  }
0xe8: {  	[sflag:s11] =	ssyncset.done @!p1 $0x0  }
0xe9: {  	s15 =	sadd.s32 $0x4, s24;
	[sflag:s11] =	ssyncadd.s32 @!p1 $0xFFFFF800;
	s11 =	sshra.s32 @!p1 s0, $0x2  }
0xea: {  	s13 =	simm.s32 @!p1 $0x80;
	s14 =	simm.s32 @!p1 $0x6700;
	s11 =	sadd.s32 @!p1 $0x2900, s11  }
0xeb: {  	[spmem:s3] =	stream.indirect.scatter.add.f32 @!p1 [tilespmem:s14], [sflag:$0xA], $0x10, s11, s13, $0xb8;
	[tilespmem:$0xAF00] =	vst v63  }
0xec: {  	p1 =	sge.u32 s15, s5  }
0xed: {  	s11 =	simm.s32 @!p1 $0x5  }
0xee: {  	_ =	swait.ge @!p1 [sflag:s11], $0x800  }
0xef: {  	[sflag:s11] =	ssyncset.done @!p1 $0x0  }
0xf0: {  	[sflag:s11] =	ssyncadd.s32 @!p1 $0xFFFFF800;
	s11 =	sshra.s32 @!p1 s0, $0x2  }
0xf1: {  	s13 =	simm.s32 @!p1 $0x80;
	s14 =	simm.s32 @!p1 $0x6F00;
	s11 =	sadd.s32 @!p1 $0x2980, s11  }
0xf2: {  	[spmem:s3] =	stream.indirect.scatter.add.f32 @!p1 [tilespmem:s14], [sflag:$0xB], $0x10, s11, s13, $0xb8;
	[tilespmem:$0xAF00] =	vst v63  }
0xf3: {  	s13 =	sadd.s32 $0x5, s24  }
0xf4: {  	p1 =	sge.u32 s13, s5  }
0xf5: {  	s11 =	simm.s32 @!p1 $0x6  }
0xf6: {  	_ =	swait.ge @!p1 [sflag:s11], $0x800  }
0xf7: {  	[sflag:s11] =	ssyncset.done @!p1 $0x0  }
0xf8: {  	[sflag:s11] =	ssyncadd.s32 @!p1 $0xFFFFF800;
	s11 =	sshra.s32 @!p1 s0, $0x2  }
0xf9: {  	s13 =	simm.s32 @!p1 $0x80;
	s14 =	simm.s32 @!p1 $0x7700;
	s11 =	sadd.s32 @!p1 $0x2A00, s11  }
0xfa: {  	[spmem:s3] =	stream.indirect.scatter.add.f32 @!p1 [tilespmem:s14], [sflag:$0xC], $0x10, s11, s13, $0xb8;
	[tilespmem:$0xAF00] =	vst v63  }
0xfb: {  	s11 =	sadd.s32 $0x6, s24  }
0xfc: {  	p1 =	sge.u32 s11, s5  }
0xfd: {  	s13 =	simm.s32 @!p1 $0x7  }
0xfe: {  	_ =	swait.ge @!p1 [sflag:s13], $0x800  }
0xff: {  	[sflag:s13] =	ssyncset.done @!p1 $0x0  }
0x100: {  	[sflag:s13] =	ssyncadd.s32 @!p1 $0xFFFFF800;
	s13 =	sshra.s32 @!p1 s0, $0x2  }
0x101: {  	s14 =	simm.s32 @!p1 $0x80;
	s15 =	simm.s32 @!p1 $0x4F00;
	s13 =	sadd.s32 @!p1 $0x300, s13  }
0x102: {  	[tilespmem:s15], [sflag:$0x1] =	stream.indirect.gather @!p1 [hbm4b:s1+s14], $0x10, s13, s14, $0xb8;
	[tilespmem:$0xAF00] =	vst v63  }
0x103: {  	s14 =	sadd.s32 $0x7, s24  }
0x104: {  	p1 =	sge.u32 s14, s5  }
0x105: {  	s13 =	simm.s32 @!p1 $0x8  }
0x106: {  	_ =	swait.ge @!p1 [sflag:s13], $0x800  }
0x107: {  	[sflag:s13] =	ssyncset.done @!p1 $0x0  }
0x108: {  	[sflag:s13] =	ssyncadd.s32 @!p1 $0xFFFFF800;
	s13 =	sshra.s32 @!p1 s0, $0x2  }
0x109: {  	s14 =	simm.s32 @!p1 $0x80;
	s15 =	simm.s32 @!p1 $0x5700;
	s13 =	sadd.s32 @!p1 $0x380, s13  }
0x10a: {  	[tilespmem:s15], [sflag:$0x2] =	stream.indirect.gather @!p1 [hbm4b:s1+s14], $0x10, s13, s14, $0xb8;
	[tilespmem:$0xAF00] =	vst v63  }
0x10b: {  	s15 =	sadd.s32 $0x8, s24  }
0x10c: {  	p1 =	sge.u32 s15, s5  }
0x10d: {  	s13 =	simm.s32 @!p1 $0x9  }
0x10e: {  	_ =	swait.ge @!p1 [sflag:s13], $0x800  }
0x10f: {  	[sflag:s13] =	ssyncset.done @!p1 $0x0  }
0x110: {  	[sflag:s13] =	ssyncadd.s32 @!p1 $0xFFFFF800;
	s13 =	sshra.s32 @!p1 s0, $0x2  }
0x111: {  	s14 =	simm.s32 @!p1 $0x80;
	s15 =	simm.s32 @!p1 $0x5F00;
	s13 =	sadd.s32 @!p1 $0x400, s13  }
0x112: {  	[tilespmem:s15], [sflag:$0x3] =	stream.indirect.gather @!p1 [hbm4b:s1+s14], $0x10, s13, s14, $0xb8;
	[tilespmem:$0xAF00] =	vst v63  }
0x113: {  	s14 =	sadd.s32 $0x9, s24  }
0x114: {  	p1 =	sge.u32 s14, s5  }
0x115: {  	s13 =	simm.s32 @!p1 $0xA  }
0x116: {  	_ =	swait.ge @!p1 [sflag:s13], $0x800  }
0x117: {  	[sflag:s13] =	ssyncset.done @!p1 $0x0  }
0x118: {  	[sflag:s13] =	ssyncadd.s32 @!p1 $0xFFFFF800;
	s13 =	sshra.s32 @!p1 s0, $0x2  }
0x119: {  	s14 =	simm.s32 @!p1 $0x80;
	s15 =	simm.s32 @!p1 $0x6700;
	s13 =	sadd.s32 @!p1 $0x480, s13  }
0x11a: {  	[tilespmem:s15], [sflag:$0x4] =	stream.indirect.gather @!p1 [hbm4b:s1+s14], $0x10, s13, s14, $0xb8;
	[tilespmem:$0xAF00] =	vst v63  }
0x11b: {  	s15 =	sadd.s32 $0xA, s24  }
0x11c: {  	p1 =	sge.u32 s15, s5  }
0x11d: {  	s13 =	simm.s32 @!p1 $0xB  }
0x11e: {  	_ =	swait.ge @!p1 [sflag:s13], $0x800  }
0x11f: {  	[sflag:s13] =	ssyncset.done @!p1 $0x0  }
0x120: {  	s24 =	sadd.s32 $0xB, s24;
	[sflag:s13] =	ssyncadd.s32 @!p1 $0xFFFFF800;
	s13 =	sshra.s32 @!p1 s0, $0x2  }
0x121: {  	s14 =	simm.s32 @!p1 $0x80;
	s15 =	simm.s32 @!p1 $0x6F00;
	s13 =	sadd.s32 @!p1 $0x500, s13  }
0x122: {  	[tilespmem:s15], [sflag:$0x5] =	stream.indirect.gather @!p1 [hbm4b:s1+s14], $0x10, s13, s14, $0xb8;
	[tilespmem:$0xAF00] =	vst v63  }
0x123: {  	p1 =	sge.u32 s24, s5  }
0x124: {  	s13 =	simm.s32 @!p1 $0xC  }
0x125: {  	_ =	swait.ge @!p1 [sflag:s13], $0x800  }
0x126: {  	[sflag:s13] =	ssyncset.done @!p1 $0x0  }
0x127: {  	s15 =	simm.s32 @!p1 $0x80;
	[sflag:s13] =	ssyncadd.s32 @!p1 $0xFFFFF800;
	s13 =	sshra.s32 @!p1 s0, $0x2  }
0x128: {  	s24 =	simm.s32 @!p1 $0x7700;
	s14 =	rddreg [dreg:$0x4];
	s13 =	sadd.s32 @!p1 $0x580, s13  }
0x129: {  	[tilespmem:s24], [sflag:$0x6] =	stream.indirect.gather @!p1 [hbm4b:s1+s15], $0x10, s13, s15, $0xb8;
	[tilespmem:$0xAF00] =	vst v63  }
0x12a: {  	p1 =	sne.s32 s14, s11  }
.Ltmp0:
0x12b: {  	_ = 	snop;
	(pc) =	sbr.rel @p1 .LBB2_2-.Ltmp0, $2  }
0x12c: {  	_ =	sdelay $0x2  }
0x12d: {  	s0 =	sadd.s32 $0xC00, s0;
	s24 =	smov.u32 s11  }
0x12e: {  	_ =	swait.ge [sflag:s25], $0x800  }
0x12f: {  	[sflag:s25] =	ssyncset.done $0x0  }
0x130: {  	[sflag:s25] =	ssyncadd.s32 $0xFFFFF800  }
0x131: {  	_ =	swait.ge [sflag:s26], $0x800  }
0x132: {  	[sflag:s26] =	ssyncset.done $0x0  }
0x133: {  	[sflag:s26] =	ssyncadd.s32 $0xFFFFF800  }
0x134: {  	_ =	swait.ge [sflag:s28], $0x800  }
0x135: {  	[sflag:s28] =	ssyncset.done $0x0  }
0x136: {  	[sflag:s28] =	ssyncadd.s32 $0xFFFFF800  }
0x137: {  	_ =	swait.ge [sflag:s29], $0x800  }
0x138: {  	[sflag:s29] =	ssyncset.done $0x0  }
0x139: {  	[sflag:s29] =	ssyncadd.s32 $0xFFFFF800  }
0x13a: {  	_ =	swait.ge [sflag:s30], $0x800  }
0x13b: {  	[sflag:s30] =	ssyncset.done $0x0  }
0x13c: {  	[sflag:s30] =	ssyncadd.s32 $0xFFFFF800  }
0x13d: {  	_ =	swait.ge [sflag:s31], $0x800  }
0x13e: {  	[sflag:s31] =	ssyncset.done $0x0  }
0x13f: {  	[sflag:s31] =	ssyncadd.s32 $0xFFFFF800  }
0x140: {  	[bflag:$0x0] =	sbarrier.arrive $0xFFFF  }
0x141: {  	[tilespmem:s21], [sflag:$0xD] =	stream.linear.gather [spmem:s6], $0x800, $0x38;
	[tilespmem:$0xAF00] =	vst v63  }
0x142: {  	_ =	swait.ge [sflag:s22], $0x800  }
0x143: {  	[sflag:s22] =	ssyncset.done $0x0  }
0x144: {  	s0 =	rddreg [dreg:$0x8];
	[sflag:s22] =	ssyncadd.s32 $0xFFFFF800  }
0x145: {  	[hbm4b:s0+s4] =	stream.linear.scatter [tilespmem:s21], [sflag:$0xD], $0x800, $0x38;
	[tilespmem:$0xAF00] =	vst v63  }
0x146: {  	_ =	swait.ge [sflag:s22], $0x800  }
0x147: {  	[sflag:s22] =	ssyncset.done $0x0  }
0x148: {  	[sflag:s22] =	ssyncadd.s32 $0xFFFFF800  }
0x149: {  	[tilespmem:s21], [sflag:$0xD] =	stream.linear.gather [spmem:s7], $0x800, $0x38;
	[tilespmem:$0xAF00] =	vst v63  }
0x14a: {  	_ =	swait.ge [sflag:s22], $0x800  }
0x14b: {  	[sflag:s22] =	ssyncset.done $0x0  }
0x14c: {  	[sflag:s22] =	ssyncadd.s32 $0xFFFFF800  }
0x14d: {  	[hbm4b:s16+s4] =	stream.linear.scatter [tilespmem:s21], [sflag:$0xD], $0x800, $0x38;
	[tilespmem:$0xAF00] =	vst v63  }
0x14e: {  	_ =	swait.ge [sflag:s22], $0x800  }
0x14f: {  	[sflag:s22] =	ssyncset.done $0x0  }
0x150: {  	[sflag:s22] =	ssyncadd.s32 $0xFFFFF800  }
0x151: {  	[tilespmem:s21], [sflag:$0xD] =	stream.linear.gather [spmem:s8], $0x800, $0x38;
	[tilespmem:$0xAF00] =	vst v63  }
0x152: {  	_ =	swait.ge [sflag:s22], $0x800  }
0x153: {  	[sflag:s22] =	ssyncset.done $0x0  }
0x154: {  	[sflag:s22] =	ssyncadd.s32 $0xFFFFF800  }
0x155: {  	[hbm4b:s17+s4] =	stream.linear.scatter [tilespmem:s21], [sflag:$0xD], $0x800, $0x38;
	[tilespmem:$0xAF00] =	vst v63  }
0x156: {  	_ =	swait.ge [sflag:s22], $0x800  }
0x157: {  	[sflag:s22] =	ssyncset.done $0x0  }
0x158: {  	[sflag:s22] =	ssyncadd.s32 $0xFFFFF800  }
0x159: {  	[tilespmem:s21], [sflag:$0xD] =	stream.linear.gather [spmem:s9], $0x800, $0x38;
	[tilespmem:$0xAF00] =	vst v63  }
0x15a: {  	_ =	swait.ge [sflag:s22], $0x800  }
0x15b: {  	[sflag:s22] =	ssyncset.done $0x0  }
0x15c: {  	[sflag:s22] =	ssyncadd.s32 $0xFFFFF800  }
0x15d: {  	[hbm4b:s18+s4] =	stream.linear.scatter [tilespmem:s21], [sflag:$0xD], $0x800, $0x38;
	[tilespmem:$0xAF00] =	vst v63  }
0x15e: {  	_ =	swait.ge [sflag:s22], $0x800  }
0x15f: {  	[sflag:s22] =	ssyncset.done $0x0  }
0x160: {  	[sflag:s22] =	ssyncadd.s32 $0xFFFFF800  }
0x161: {  	[tilespmem:s21], [sflag:$0xD] =	stream.linear.gather [spmem:s10], $0x800, $0x38;
	[tilespmem:$0xAF00] =	vst v63  }
0x162: {  	s2 =	sadd.s32 $0x1, s2;
	_ =	swait.ge [sflag:s22], $0x800  }
0x163: {  	p1 =	sne.s32 s2, s20;
	[sflag:s22] =	ssyncset.done $0x0  }
.Ltmp1:
0x164: {  	[sflag:s22] =	ssyncadd.s32 $0xFFFFF800;
	(pc) =	sbr.rel @p1 .LBB2_1-.Ltmp1, $4  }
0x165: {  	[hbm4b:s19+s4] =	stream.linear.scatter [tilespmem:s21], [sflag:$0xD], $0x800, $0x38;
	[tilespmem:$0xAF00] =	vst v63  }
0x166: {  	_ =	swait.ge [sflag:s22], $0x800  }
0x167: {  	[sflag:s22] =	ssyncset.done $0x0  }
0x168: {  	[sflag:s22] =	ssyncadd.s32 $0xFFFFF800  }
0x169: {  	_ =	sfence.sel $0x180000  }
0x16a: {  	[bflag:$0x0] =	sbarrier.arrive $0xFFFF  }
0x16b: {  	_ =	strace $0x9000004A  }
0x16c: {  	s0 =	stileid.u32;
	[bflag:$0x2] =	sbarrier.arrive $0xFFFF  }
0x16d: {  	p0 =	sne.s32 s0, $0x0;
	s0 =	rddreg [dreg:$0x3]  }
0x16e: {  	s0 =	sadd.s32 @!p0 $0x100000, s0  }
0x16f: {  	[sflag:s0] =	ssyncadd.tile.s32 @!p0 $0x1;
	_ =	shalt  }
.Lfunc_end2:
_tile_overlayer_lowered:
.L_overlay_start_2:
0x170: {  	(tag) =	ssettag $0x2  }
0x171: {  	s0 =	rddreg [dreg:$0x0];
	s2 =	stileid.u32  }
0x172: {  	s1 =	rddreg [dreg:$0x1];
	p0 =	sne.s32 s2, $0x0  }
0x173: {  	s3 =	rddreg [dreg:$0x2];
	[bflag:$0x3] =	sbarrier.arrive $0xFFFF;
	s2 =	simm.s32 @!p0 $0x1C0D  }
0x174: {  	[timem:s3], [sflag:s2] =	dma.local @!p0 [hbm:s0], s1  }
0x175: {  	s0 =	simm.s32 @!p0 $0xD  }
0x176: {  	_ =	swait.ge @!p0 [sflag:s0], s1  }
0x177: {  	s1 =	ssub.s32 @!p0 $0x0, s1;
	[sflag:s0] =	ssyncset.done @!p0 $0x0  }
0x178: {  	[sflag:s0] =	ssyncadd.s32 @!p0 s1  }
0x179: {  	[bflag:$0x3] =	sbarrier.arrive $0xFFFF  }
0x17a: {  	_ =	shalt  }

// kernel: kernel.7.cloned.1.call-start
scs
__scs_entry_jumppad:
0x0: {  	(pc) =	sbr.rel $0x88, $3  }
0x1: {  	(tag) =	ssettag $0x0;
	lr =	simm.s32 $0x1  }
0x2: {  	[smem:$0x3F9D] =	sst lr;
	_ =	strace $0xD0000000  }
0x3: {  	_ = 	snop  }
0x4: {  	_ = 	snop  }
0x5: {  	_ = 	snop  }
0x6: {  	_ = 	snop  }
0x7: {  	_ = 	snop  }
__scs_overlays_trampoline_lowered:
0x8: {  	[smem:$0x3FAC] =	sst s0  }
0x9: {  	[smem:$0x3FAD] =	sst s1  }
0xa: {  	[smem:$0x3FAE] =	sst s2  }
0xb: {  	[smem:$0x3FAF] =	sst s3  }
0xc: {  	[smem:$0x3FB0] =	sst s4  }
0xd: {  	[smem:$0x3FB1] =	sst s5  }
0xe: {  	[smem:$0x3FB2] =	sst s6  }
0xf: {  	[smem:$0x3FB3] =	sst s7  }
0x10: {  	[smem:$0x3FB4] =	sst s8  }
0x11: {  	[smem:$0x3FB5] =	sst s9;
	s0 =	simm.s32 @!p0 $0x0  }
0x12: {  	s1 =	sld [smem:$0x3F9B];
	s0 =	simm.s32 @p0 $0x1  }
0x13: {  	[smem:$0x3FB6] =	sst s0;
	s0 =	simm.s32 @!p1 $0x0  }
0x14: {  	s2 =	sld [smem:$0x3F9A];
	s0 =	simm.s32 @p1 $0x1  }
0x15: {  	[smem:$0x3FB7] =	sst s0;
	s0 =	simm.s32 @!p2 $0x0  }
0x16: {  	s3 =	sld [smem:$0x3FDB];
	s0 =	simm.s32 @p2 $0x1  }
0x17: {  	s4 =	simm.s32 $0x1BF5;
	[smem:$0x3FB9] =	sst s0  }
0x18: {  	s0 =	sld [smem:$0x3F9C];
	_ =	swait.ge [sflag:s4], $0x0  }
0x19: {  	s7 =	sld [smem:$0x3F9D]  }
0x1a: {  	s8 =	sadd.s32 $0xFFFFE003, lr  }
0x1b: {  	s9 =	sadd.s32 $0xFFFFFEF7, lr;
	s5 =	simm.s32 $0xFFFFFFFF;
	p2 =	slt.u32 s8, $0xFFFFF086  }
0x1c: {  	p1 =	slt.u32 s9, $0xF7A;
	s5 =	simm.s32 @!p2 $0x0  }
0x1d: {  	s5 =	simm.s32 @p1 $0x1;
	p0 =	seq.s32 s7, s2  }
0x1e: {  	s7 =	smul.u32 @!p0 $0xF7A, s2;
	p2 =	seq.s32 @!p0 s5, $0x0  }
0x1f: {  	s9 =	smul.u32 $0xF7A, s1;
	s8 =	simm.s32 @!p0 $0x1BF5;
	p2 =	por !p2, p0  }
0x20: {  	[sflag:s8] =	ssyncset.s32 @!p0 $0xFFFFF086;
	s6 =	sadd.s32 @!p0 s3, s7;
	s7 =	simm.s32 @!p0 $0x108  }
0x21: {  	s3 =	sadd.s32 s3, s9;
	s6 =	sadd.s32 @!p0 $0x88, s6;
	s7 =	simm.s32 @p2 $0x1082  }
0x22: {  	[simem:s7], [sflag:s8] =	dma.local @!p0 [hbm:s6], $0xF7A  }
0x23: {  	s9 =	sor.u32 $0xD0000000, s2;
	s6 =	simm.s32 $0x108;
	_ =	swait.ge @!p0 [sflag:s8], $0x0  }
0x24: {  	s3 =	sadd.s32 $0x88, s3;
	s6 =	simm.s32 @!p1 $0x1082;
	[sflag:s4] =	ssyncset.s32 $0xFFFFF086  }
0x25: {  	[simem:s6], [sflag:s4] =	dma.local [hbm:s3], $0xF7A  }
0x26: {  	[smem:$0x3F9D] =	sst s1;
	(tag) =	ssettag s2;
	_ =	strace s9  }
0x27: {  	s1 =	sld [smem:$0x3FAD]  }
0x28: {  	s2 =	sld [smem:$0x3FAE]  }
0x29: {  	s4 =	sld [smem:$0x3FB0]  }
0x2a: {  	p0 =	seq.s32 s5, $0x0;
	s5 =	sld [smem:$0x3FB1]  }
0x2b: {  	s6 =	sld [smem:$0x3FB2]  }
0x2c: {  	s7 =	sld [smem:$0x3FB3]  }
0x2d: {  	s3 =	simm.s32 $0x108;
	s8 =	sld [smem:$0x3FB4]  }
0x2e: {  	s3 =	simm.s32 @!p0 $0x1082;
	s9 =	sld [smem:$0x3FB5]  }
0x2f: {  	lr =	sadd.s32 s0, s3;
	s0 =	sld [smem:$0x3FAC]  }
0x30: {  	s3 =	sld [smem:$0x3FAF]  }
0x31: {  	[smem:$0x3FB8] =	sst s10  }
0x32: {  	s10 =	sld [smem:$0x3FB6];
	_ =	sdelay $0x3  }
0x33: {  	p0 =	seq.s32 s10, $0x1;
	s10 =	sld [smem:$0x3FB8];
	_ =	sdelay $0x3  }
0x34: {  	[smem:$0x3FB8] =	sst s10  }
0x35: {  	s10 =	sld [smem:$0x3FB7];
	_ =	sdelay $0x3  }
0x36: {  	p1 =	seq.s32 s10, $0x1;
	s10 =	sld [smem:$0x3FB8];
	_ =	sdelay $0x3  }
0x37: {  	[smem:$0x3FB8] =	sst s10  }
0x38: {  	s10 =	sld [smem:$0x3FB9]  }
0x39: {  	_ = 	snop;
	(pc) =	sbr.ind lr, $3  }
0x3a: {  	_ = 	snop  }
0x3b: {  	_ = 	snop  }
0x3c: {  	p2 =	seq.s32 s10, $0x1;
	s10 =	sld [smem:$0x3FB8]  }
0x3d: {  	_ =	shalt  }
0x3e: {  	_ =	shalt  }
0x3f: {  	_ =	shalt  }
0x40: {  	_ =	shalt  }
0x41: {  	_ =	shalt  }
0x42: {  	_ =	shalt  }
0x43: {  	_ =	shalt  }
0x44: {  	_ =	shalt  }
0x45: {  	_ =	shalt  }
0x46: {  	_ =	shalt  }
0x47: {  	_ =	shalt  }
0x48: {  	_ =	shalt  }
0x49: {  	_ =	shalt  }
0x4a: {  	_ =	shalt  }
0x4b: {  	_ =	shalt  }
0x4c: {  	_ =	shalt  }
0x4d: {  	_ =	shalt  }
0x4e: {  	_ =	shalt  }
0x4f: {  	_ =	shalt  }
0x50: {  	_ =	shalt  }
0x51: {  	_ =	shalt  }
0x52: {  	_ =	shalt  }
0x53: {  	_ =	shalt  }
0x54: {  	_ =	shalt  }
0x55: {  	_ =	shalt  }
0x56: {  	_ =	shalt  }
0x57: {  	_ =	shalt  }
0x58: {  	_ =	shalt  }
0x59: {  	_ =	shalt  }
0x5a: {  	_ =	shalt  }
0x5b: {  	_ =	shalt  }
0x5c: {  	_ =	shalt  }
0x5d: {  	_ =	shalt  }
0x5e: {  	_ =	shalt  }
0x5f: {  	_ =	shalt  }
0x60: {  	_ =	shalt  }
0x61: {  	_ =	shalt  }
0x62: {  	_ =	shalt  }
0x63: {  	_ =	shalt  }
0x64: {  	_ =	shalt  }
0x65: {  	_ =	shalt  }
0x66: {  	_ =	shalt  }
0x67: {  	_ =	shalt  }
0x68: {  	_ =	shalt  }
0x69: {  	_ =	shalt  }
0x6a: {  	_ =	shalt  }
0x6b: {  	_ =	shalt  }
0x6c: {  	_ =	shalt  }
0x6d: {  	_ =	shalt  }
0x6e: {  	_ =	shalt  }
0x6f: {  	_ =	shalt  }
0x70: {  	_ =	shalt  }
0x71: {  	_ =	shalt  }
0x72: {  	_ =	shalt  }
0x73: {  	_ =	shalt  }
0x74: {  	_ =	shalt  }
0x75: {  	_ =	shalt  }
0x76: {  	_ =	shalt  }
0x77: {  	_ =	shalt  }
0x78: {  	_ =	shalt  }
0x79: {  	_ =	shalt  }
0x7a: {  	_ =	shalt  }
0x7b: {  	_ =	shalt  }
0x7c: {  	_ =	shalt  }
0x7d: {  	_ =	shalt  }
0x7e: {  	_ =	shalt  }
0x7f: {  	_ =	shalt  }
0x80: {  	_ =	shalt  }
0x81: {  	_ =	shalt  }
0x82: {  	_ =	shalt  }
0x83: {  	_ =	shalt  }
0x84: {  	_ =	shalt  }
0x85: {  	_ =	shalt  }
0x86: {  	_ =	shalt  }
0x87: {  	_ =	shalt  }
.Lfunc_end0:
.L_simem_size_0:
called_computation_lowered:
.L_overlay_start_0:
0x88: {  	s2 =	sld [smem:$0x3FD9]  }
0x89: {  	s3 =	sld [smem:$0x3FFE];
	_ =	sdelay $0x1  }
0x8a: {  	s1 =	srdreg.scid  }
0x8b: {  	s0 =	sand.u32 $0x1, s1  }
0x8c: {  	s17 =	sshll.u32 s0, $0xA;
	s2 =	sadd.s32 s3, s2  }
0x8d: {  	s2 =	sadd.s32 s2, s17  }
0x8e: {  	[smem:$0x3FC4] =	sst s2  }
0x8f: {  	_ = 	snop  }
0x90: {  	s2 =	sld [smem:$0x3FD0];
	(tm) =	ssettm $0x1  }
0x91: {  	s18 =	sld [smem:$0x3FFB];
	_ =	sdelay $0x3  }
0x92: {  	_ =	strace s18  }
0x93: {  	s3 =	sld [smem:$0x3FFC];
	_ =	sdelay $0x3  }
0x94: {  	_ =	strace s3  }
0x95: {  	s3 =	sld [smem:$0x3FFD];
	_ =	sdelay $0x3  }
0x96: {  	_ =	strace s3  }
0x97: {  	_ =	strace $0x8FFFFFFF  }
0x98: {  	s19 =	sld [smem:$0x3FDB];
	_ =	sdelay $0x1  }
0x99: {  	s4 =	simm.s32 $_scs_section_size  }
0x9a: {  	s5 =	simm.s32 $_size__tile_overlayer_lowered;
	s6 =	simm.s32 $_tile_overlayer_lowered  }
0x9b: {  	s22 =	simm.s32 $0x1BFF;
	s21 =	sshll.u32 s6, $0x1;
	s3 =	sadd.s32 s4, s19  }
0x9c: {  	s7 =	simm.s32 $0x0;
	s20 =	sshll.u32 s5, $0x1;
	s5 =	sadd.s32 s21, s3  }
0x9d: {  	[timem:s7], [sflag:s22] =	dma.local [hbm:s5], s20  }
0x9e: {  	_ =	swait.ge [sflag:s22], s20  }
0x9f: {  	s4 =	ssub.s32 $0x0, s20;
	[sflag:s22] =	ssyncset.done $0x0  }
0xa0: {  	[sflag:s22] =	ssyncadd.s32 s4;
	_ =	sdelay $0x1  }
0xa1: {  	s23 =	simm.s32 $0x1B8B  }
0xa2: {  	_ =	swait.ge [sflag:s23], $0x1  }
0xa3: {  	[sflag:s23] =	ssyncset.done $0x0  }
0xa4: {  	s25 =	simm.s32 $0x1B8E;
	s24 =	sld [smem:$0x3FFE];
	[sflag:s23] =	ssyncadd.s32 $0xFFFFFFFF  }
0xa5: {  	s26 =	simm.s32 $execute0_lowered;
	[smem:$0x3FD2] =	sst s25  }
0xa6: {  	s5 =	sshll.u32 s26, $0x1;
	_ =	strace $0x80000046;
	[dreg:$0x1] =	wrdreg $0xFFFFFFFF  }
0xa7: {  	s28 =	simm.s32 $_size_execute0_lowered;
	s3 =	sadd.s32 s3, s5;
	[dreg:$0x0] =	wrdreg $0x0  }
0xa8: {  	s5 =	sshll.u32 s28, $0x1;
	[dreg:$0x2] =	wrdreg s3  }
0xa9: {  	[dreg:$0x3] =	wrdreg s5  }
0xaa: {  	[dreg:$0x4] =	wrdreg $0xC0  }
0xab: {  	_ =	task [dreg:s7], $0x5FFFF  }
0xac: {  	[dreg:$0x1] =	wrdreg $0xFFFFFFFF  }
0xad: {  	[dreg:$0x0] =	wrdreg $0x60  }
0xae: {  	[dreg:$0x2] =	wrdreg s24  }
0xaf: {  	[dreg:$0x3] =	wrdreg s2  }
0xb0: {  	[dreg:$0x4] =	wrdreg $0x2A800  }
0xb1: {  	[dreg:$0x5] =	wrdreg $0x9  }
0xb2: {  	_ =	task.clear_ibuf [dreg:s7], $0x6FFFF;
	_ =	strace $0x90000046  }
0xb3: {  	s29 =	simm.s32 $0x9;
	_ =	strace $0x80000048  }
0xb4: {  	_ =	swait.ge [sflag:s29], $0x1  }
0xb5: {  	[sflag:s29] =	ssyncadd.s32 $0xFFFFFFFF  }
0xb6: {  	_ =	strace $0x90000048  }
0xb7: {  	_ =	sfence  }
0xb8: {  	s30 =	sld [smem:$0x0];
	_ =	sdelay $0x2  }
0xb9: {  	s31 =	sshll.u32 s1, $0xD;
	s1 =	sshrl.u32 s1, $0x2  }
0xba: {  	s3 =	sand.u32 $0x4000, s31;
	s1 =	sadd.s32 s1, s30  }
0xbb: {  	s0 =	sor.u32 s3, s0;
	s1 =	sshll.u32 s1, $0x11  }
0xbc: {  	s0 =	sor.u32 s1, s0  }
0xbd: {  	s0 =	sadd.s32 $0x8F2B, s0  }
0xbe: {  	[sflag:s0] =	ssyncadd.remote.s32 $0x1  }
0xbf: {  	_ =	sfence.sel $0xFFFF  }
0xc0: {  	[dreg:$0x0] =	wrdreg $0xFFFFFFFF;
	(pc) =	sbr.abs _section_cstart, $3  }
0xc1: {  	[dreg:$0x1] =	wrdreg $0xFFFFFFFF  }
0xc2: {  	_ =	task.clear_ibuf [dreg:s7], $0x2FFFF;
	_ =	strace $0x9FFFFFFF  }
0xc3: {  	(tm) =	ssettm $0x7FFFFFFF  }
tec
execute0_lowered:
.L_overlay_start_1:
0x0: {  	(tag) =	ssettag $0x1  }
0x1: {  	s4 =	rddreg [dreg:$0x0]  }
0x2: {  	s0 =	srdreg.scid;
	s8 =	rddreg [dreg:$0x1]  }
0x3: {  	s2 =	rddreg [dreg:$0x2];
	s3 =	simm.s32 $0x0;
	s13 =	simm.s32 $0x2780  }
0x4: {  	s14 =	simm.s32 $0x1;
	s5 =	sand.u32 $0x1, s0;
	s0 =	stileid.u32  }
0x5: {  	s15 =	simm.s32 $0x0;
	[smem:$0x7FF] =	sst s3;
	s9 =	smul.u32 $0x280, s0  }
0x6: {  	s1 =	sshll.u32 s5, $0x4;
	s29 =	ssub.s32 $0x2, s5;
	s31 =	smul.u32 $0x2800, s5  }
0x7: {  	s10 =	sor.u32 s0, s1;
	s1 =	rddreg [dreg:$0x3];
	_ =	strace $0x80000047  }
0x8: {  	s30 =	sshrl.u32 s29, $0x1;
	s6 =	smul.u32 $0x4E, s10;
	s7 =	smin.u32 s10, $0x4  }
0x9: {  	s12 =	ssub.s32 s29, s30;
	s5 =	sadd.s32 s9, s2;
	s9 =	sadd.s32 s9, s31  }
0xa: {  	p0 =	slt.u32 s10, $0x4;
	s9 =	sshrl.u32 s9, $0x3;
	s6 =	sadd.s32 s7, s6  }
0xb: {  	s8 =	sadd.s32 s8, s9;
	s9 =	smax.u32 s12, $0x1;
	s6 =	sshll.u32 s6, $0x4  }
0xc: {  	s12 =	simm.s32 $0x80;
	s11 =	sadd.s32 s6, s4;
	s4 =	simm.s32 $0x4F  }
0xd: {  	s4 =	simm.s32 @!p0 $0x4E;
	s6 =	sadd.s32 $0xB640, s11;
	s7 =	sadd.s32 $0xBB20, s11  }
0xe: {  	v0 =	vimm.f32 $1.000000000e+00;
	v1 =	vimm.f32 $0.0e+00;
	p0 =	sgt.u32 s10, $0x3;
	s10 =	simm.s32 $0x2800;
	s11 =	simm.s32 $0x2  }
.LBB2_1:
0xf: {  	[tilespmem:$0x2780] =	vst v0  }
0x10: {  	[tilespmem:$0x2790] =	vst v0  }
0x11: {  	[tilespmem:$0x27A0] =	vst v0  }
0x12: {  	[tilespmem:$0x27B0] =	vst v0  }
0x13: {  	[tilespmem:$0x27C0] =	vst v0  }
0x14: {  	[tilespmem:$0x27D0] =	vst v0  }
0x15: {  	[tilespmem:$0x27E0] =	vst v0  }
0x16: {  	[tilespmem:$0x27F0] =	vst v0  }
0x17: {  	[tilespmem:$0x2800] =	vst v1  }
0x18: {  	[tilespmem:$0x2810] =	vst v1  }
0x19: {  	[tilespmem:$0x2820] =	vst v1  }
0x1a: {  	[tilespmem:$0x2830] =	vst v1  }
0x1b: {  	[tilespmem:$0x2840] =	vst v1  }
0x1c: {  	[tilespmem:$0x2850] =	vst v1  }
0x1d: {  	[tilespmem:$0x2860] =	vst v1  }
0x1e: {  	[tilespmem:$0x2870] =	vst v1  }
0x1f: {  	[tilespmem:$0x2880] =	vst v1  }
0x20: {  	[tilespmem:$0x2890] =	vst v1  }
0x21: {  	[tilespmem:$0x28A0] =	vst v1  }
0x22: {  	[tilespmem:$0x28B0] =	vst v1  }
0x23: {  	[tilespmem:$0x28C0] =	vst v1  }
0x24: {  	[tilespmem:$0x28D0] =	vst v1  }
0x25: {  	[tilespmem:$0x28E0] =	vst v1  }
0x26: {  	[tilespmem:$0x28F0] =	vst v1  }
0x27: {  	[tilespmem:$0x2900] =	vst v1  }
0x28: {  	[tilespmem:$0x2910] =	vst v1  }
0x29: {  	[tilespmem:$0x2920] =	vst v1  }
0x2a: {  	[tilespmem:$0x2930] =	vst v1  }
0x2b: {  	[tilespmem:$0x2940] =	vst v1  }
0x2c: {  	[tilespmem:$0x2950] =	vst v1  }
0x2d: {  	[tilespmem:$0x2960] =	vst v1  }
0x2e: {  	[tilespmem:$0x2970] =	vst v1  }
0x2f: {  	[tilespmem:$0x2980] =	vst v1  }
0x30: {  	[tilespmem:$0x2990] =	vst v1  }
0x31: {  	[tilespmem:$0x29A0] =	vst v1  }
0x32: {  	[tilespmem:$0x29B0] =	vst v1  }
0x33: {  	[tilespmem:$0x29C0] =	vst v1  }
0x34: {  	[tilespmem:$0x29D0] =	vst v1  }
0x35: {  	[tilespmem:$0x29E0] =	vst v1  }
0x36: {  	[tilespmem:$0x29F0] =	vst v1  }
0x37: {  	[tilespmem:$0x2A00] =	vst v1  }
0x38: {  	[tilespmem:$0x2A10] =	vst v1  }
0x39: {  	[tilespmem:$0x2A20] =	vst v1  }
0x3a: {  	[tilespmem:$0x2A30] =	vst v1  }
0x3b: {  	[tilespmem:$0x2A40] =	vst v1  }
0x3c: {  	[tilespmem:$0x2A50] =	vst v1  }
0x3d: {  	[tilespmem:$0x2A60] =	vst v1  }
0x3e: {  	[tilespmem:$0x2A70] =	vst v1  }
0x3f: {  	[spmem:s5] =	stream.linear.scatter [tilespmem:s10], [sflag:$0x2], $0x280, $0x38;
	[tilespmem:$0x2D00] =	vst v63  }
0x40: {  	_ =	swait.ge [sflag:s11], $0x280  }
0x41: {  	[sflag:s11] =	ssyncset.done $0x0  }
0x42: {  	[sflag:s11] =	ssyncadd.s32 $0xFFFFFD80  }
0x43: {  	[bflag:$0x0] =	sbarrier.arrive $0xFFFF  }
0x44: {  	[tilespmem:s3], [sflag:$0x2] =	stream.linear.gather [hbm4b:s6+s3], $0x2700, $0x38;
	[tilespmem:$0x2D00] =	vst v63  }
0x45: {  	_ =	swait.ge [sflag:s11], $0x2700  }
0x46: {  	[sflag:s11] =	ssyncset.done $0x0  }
0x47: {  	s16 =	simm.s32 @!p0 $0x0;
	s17 =	simm.s32 @!p0 $0x2700;
	[sflag:s11] =	ssyncadd.s32 $0xFFFFD900  }
0x48: {  	[tilespmem:s17], [sflag:$0x2] =	stream.linear.gather @!p0 [hbm4b:s7+s16], $0x80, $0x38;
	[tilespmem:$0x2D00] =	vst v63  }
0x49: {  	s16 =	simm.s32 @!p0 $0x2  }
0x4a: {  	p2 =	sne.s32 s4, $0x1;
	_ =	swait.ge @!p0 [sflag:s16], $0x80  }
.Ltmp0:
0x4b: {  	p1 =	por $0x1, $0x1;
	[sflag:s16] =	ssyncset.done @!p0 $0x0;
	(pc) =	sbr.rel @!p2 .LBB2_3-.Ltmp0, $4  }
0x4c: {  	s17 =	simm.s32 @!p1 $0x1;
	[sflag:s16] =	ssyncadd.s32 @!p0 $0xFFFFFF80  }
0x4d: {  	_ =	swait.ge @!p1 [sflag:s17], $0x80  }
0x4e: {  	s18 =	simm.s32 $0x0;
	[sflag:s17] =	ssyncset.done @!p1 $0x0  }
0x4f: {  	s16 =	simm.s32 $0x1;
	[sflag:s17] =	ssyncadd.s32 @!p1 $0xFFFFFF80;
	s17 =	simm.s32 $0x80  }
.LBB2_2:
0x50: {  	[spmem:s2] =	stream.indirect.scatter.add.f32 [tilespmem:s13], [sflag:$0x1], $0x1, s18, s12, $0xb8;
	[tilespmem:$0x2D00] =	vst v63  }
0x51: {  	p1 =	slt.u32 s16, $0x8;
	s16 =	sadd.s32 $0x1, s16  }
0x52: {  	p2 =	sne.s32 s4, s16  }
.Ltmp1:
0x53: {  	(pc) =	sbr.rel @p2 .LBB2_2-.Ltmp1, $4  }
0x54: {  	s18 =	smov.u32 s17;
	s19 =	simm.s32 @!p1 $0x1  }
0x55: {  	_ =	swait.ge @!p1 [sflag:s19], $0x80  }
0x56: {  	[sflag:s19] =	ssyncset.done @!p1 $0x0  }
0x57: {  	s17 =	sadd.s32 $0x80, s17;
	[sflag:s19] =	ssyncadd.s32 @!p1 $0xFFFFFF80  }
.LBB2_3:
0x58: {  	[spmem:s2] =	stream.indirect.scatter.add.f32 [tilespmem:s13], [sflag:$0x1], $0x1, s18, s12, $0xb8;
	[tilespmem:$0x2D00] =	vst v63  }
0x59: {  	_ =	swait.ge [sflag:s14], $0x80  }
0x5a: {  	[sflag:s14] =	ssyncset.done $0x0  }
0x5b: {  	[sflag:s14] =	ssyncadd.s32 $0xFFFFFF80  }
0x5c: {  	_ =	swait.ge [sflag:s14], $0x80  }
0x5d: {  	[sflag:s14] =	ssyncset.done $0x0  }
0x5e: {  	[sflag:s14] =	ssyncadd.s32 $0xFFFFFF80  }
0x5f: {  	_ =	swait.ge [sflag:s14], $0x80  }
0x60: {  	[sflag:s14] =	ssyncset.done $0x0  }
0x61: {  	[sflag:s14] =	ssyncadd.s32 $0xFFFFFF80  }
0x62: {  	_ =	swait.ge [sflag:s14], $0x80  }
0x63: {  	[sflag:s14] =	ssyncset.done $0x0  }
0x64: {  	[sflag:s14] =	ssyncadd.s32 $0xFFFFFF80  }
0x65: {  	_ =	swait.ge [sflag:s14], $0x80  }
0x66: {  	[sflag:s14] =	ssyncset.done $0x0  }
0x67: {  	[sflag:s14] =	ssyncadd.s32 $0xFFFFFF80  }
0x68: {  	_ =	swait.ge [sflag:s14], $0x80  }
0x69: {  	[sflag:s14] =	ssyncset.done $0x0  }
0x6a: {  	[sflag:s14] =	ssyncadd.s32 $0xFFFFFF80  }
0x6b: {  	_ =	swait.ge [sflag:s14], $0x80  }
0x6c: {  	[sflag:s14] =	ssyncset.done $0x0  }
0x6d: {  	[sflag:s14] =	ssyncadd.s32 $0xFFFFFF80  }
0x6e: {  	_ =	swait.ge [sflag:s14], $0x80  }
0x6f: {  	[sflag:s14] =	ssyncset.done $0x0  }
0x70: {  	[sflag:s14] =	ssyncadd.s32 $0xFFFFFF80  }
0x71: {  	[bflag:$0x0] =	sbarrier.arrive $0xFFFF  }
0x72: {  	[tilespmem:s10], [sflag:$0x2] =	stream.linear.gather [spmem:s5], $0x280, $0x38;
	[tilespmem:$0x2D00] =	vst v63  }
0x73: {  	s15 =	sadd.s32 $0x1, s15;
	_ =	swait.ge [sflag:s11], $0x280  }
0x74: {  	p1 =	sne.s32 s15, s9;
	[sflag:s11] =	ssyncset.done $0x0  }
.Ltmp2:
0x75: {  	[sflag:s11] =	ssyncadd.s32 $0xFFFFFD80;
	(pc) =	sbr.rel @p1 .LBB2_1-.Ltmp2, $4  }
0x76: {  	[hbm4b:s8+s3] =	stream.linear.scatter [tilespmem:s10], [sflag:$0x2], $0x280, $0x38;
	[tilespmem:$0x2D00] =	vst v63  }
0x77: {  	_ =	swait.ge [sflag:s11], $0x280  }
0x78: {  	[sflag:s11] =	ssyncset.done $0x0  }
0x79: {  	[sflag:s11] =	ssyncadd.s32 $0xFFFFFD80  }
0x7a: {  	_ =	sfence.sel $0x180000  }
0x7b: {  	[bflag:$0x0] =	sbarrier.arrive $0xFFFF  }
0x7c: {  	p0 =	sne.s32 s0, $0x0;
	_ =	strace $0x90000047  }
0x7d: {  	s0 =	sadd.s32 @!p0 $0x100000, s1;
	[bflag:$0x2] =	sbarrier.arrive $0xFFFF  }
0x7e: {  	[sflag:s0] =	ssyncadd.tile.s32 @!p0 $0x1;
	_ =	shalt  }
.Lfunc_end2:
_tile_overlayer_lowered:
.L_overlay_start_2:
0x7f: {  	(tag) =	ssettag $0x2  }
0x80: {  	s0 =	rddreg [dreg:$0x0];
	s2 =	stileid.u32  }
0x81: {  	s1 =	rddreg [dreg:$0x1];
	p0 =	sne.s32 s2, $0x0  }
0x82: {  	s3 =	rddreg [dreg:$0x2];
	[bflag:$0x3] =	sbarrier.arrive $0xFFFF;
	s2 =	simm.s32 @!p0 $0x1C02  }
0x83: {  	[timem:s3], [sflag:s2] =	dma.local @!p0 [hbm:s0], s1  }
0x84: {  	s0 =	simm.s32 @!p0 $0x2  }
0x85: {  	_ =	swait.ge @!p0 [sflag:s0], s1  }
0x86: {  	s1 =	ssub.s32 @!p0 $0x0, s1;
	[sflag:s0] =	ssyncset.done @!p0 $0x0  }
0x87: {  	[sflag:s0] =	ssyncadd.s32 @!p0 s1  }
0x88: {  	[bflag:$0x3] =	sbarrier.arrive $0xFFFF  }
0x89: {  	_ =	shalt  }

</sc_bundles>
